<compile_context>
chip_gen: v7x
topology: tpu7x:2x2x1
jax: 0.10.2.dev20260603
libtpu: 0.0.44.dev20260713+nightly
codegen_flags: <defaults>
</compile_context>

<pallas_src>
import jax
import jax.numpy as jnp
from jax import lax
from jax.experimental import pallas as pl
from jax.experimental.pallas import tpu as pltpu
from jax.experimental.pallas import tpu_sc as plsc

N = 10000
E = 320000
D = 128
NG = 64
EPS = 1e-5

_SC_CORES = 2
_SC_TILES = 16
_NW = _SC_CORES * _SC_TILES
_EC = 125
_ECH = 80
_QC = 96
_NQC = (E // _NW) // _QC
_QR = (E // _NW) - _NQC * _QC
_U = 4
_NQG = _NQC // _U
_RCH = 80
_NECH = N // _RCH


def _mesh():
    return plsc.VectorSubcoreMesh(core_axis_name="c", subcore_axis_name="s",
                                  num_cores=_SC_CORES, num_subcores=_SC_TILES)



def _embed_deg_body(nf_hbm, tab_hbm, src3_hbm, dst3_hbm,
                    h0_hbm, dego_hbm, degi_hbm,
                    sAll, dAll, ones_v, zv, idx_e, row_e,
                    dego_sh, degi_sh, semD, semE):
    c = lax.axis_index("c")
    s = lax.axis_index("s")
    w = c * _SC_TILES + s

    for k in range(8):
        ones_v[pl.ds(16 * k, 16)] = jnp.ones((16,), jnp.float32)
    for k in range(40):
        zv[pl.ds(16 * k, 16)] = jnp.zeros((16,), jnp.float32)

    @pl.when(s < _SC_TILES - 1)
    def _():
        pltpu.sync_copy(zv.at[pl.ds(0, 624)], dego_sh.at[pl.ds(s * 624, 624)])
        pltpu.sync_copy(zv.at[pl.ds(0, 624)], degi_sh.at[pl.ds(s * 624, 624)])

    @pl.when(s == _SC_TILES - 1)
    def _():
        pltpu.sync_copy(zv, dego_sh.at[pl.ds((_SC_TILES - 1) * 624, 640)])
        pltpu.sync_copy(zv, degi_sh.at[pl.ds((_SC_TILES - 1) * 624, 640)])

    pltpu.sync_copy(src3_hbm.at[pl.ds(w * _ECH, _ECH)], sAll)
    pltpu.sync_copy(dst3_hbm.at[pl.ds(w * _ECH, _ECH)], dAll)

    for t in range(4):
        ch = w + _NW * t

        @pl.when(ch < _NECH)
        def _():
            pltpu.sync_copy(nf_hbm.at[pl.ds(ch * _RCH, _RCH)], idx_e[t])
            pltpu.async_copy(tab_hbm.at[idx_e[t]], row_e[t], semE[t])

    plsc.subcore_barrier()

    def deg_body(g, carry):
        ones = ones_v.at[pl.ds(0, _EC)]
        for p in range(8):
            ch = g * 8 + p
            pltpu.async_copy(ones, dego_sh.at[sAll.at[ch]], semD[0], add=True)
            pltpu.async_copy(ones, degi_sh.at[dAll.at[ch]], semD[1], add=True)
        for p in range(8):
            ch = g * 8 + p
            pltpu.make_async_copy(ones, dego_sh.at[sAll.at[ch]], semD[0]).wait()
            pltpu.make_async_copy(ones, degi_sh.at[dAll.at[ch]], semD[1]).wait()
        return carry

    lax.fori_loop(0, _ECH // 8, deg_body, 0)

    for t in range(4):
        ch = w + _NW * t

        @pl.when(ch < _NECH)
        def _():
            pltpu.make_async_copy(tab_hbm.at[idx_e[t]], row_e[t], semE[t]).wait()
            pltpu.sync_copy(row_e[t], h0_hbm.at[pl.ds(ch * _RCH, _RCH)])

    plsc.subcore_barrier()

    @pl.when(s == 0)
    def _():
        pltpu.sync_copy(dego_sh, dego_hbm.at[c])
        pltpu.sync_copy(degi_sh, degi_hbm.at[c])


def _sc_embed_deg(nf, table, src3, dst3):
    f = pl.kernel(
        _embed_deg_body,
        out_type=(jax.ShapeDtypeStruct((N, D), jnp.float32),
                  jax.ShapeDtypeStruct((_SC_CORES, N), jnp.float32),
                  jax.ShapeDtypeStruct((_SC_CORES, N), jnp.float32)),
        mesh=_mesh(),
        scratch_types=[
            pltpu.VMEM((_ECH, _EC), jnp.int32),
            pltpu.VMEM((_ECH, _EC), jnp.int32),
            pltpu.VMEM((128,), jnp.float32),
            pltpu.VMEM((640,), jnp.float32),
            [pltpu.VMEM((_RCH,), jnp.int32) for _ in range(4)],
            [pltpu.VMEM((_RCH, D), jnp.float32) for _ in range(4)],
            pltpu.VMEM_SHARED((N,), jnp.float32),
            pltpu.VMEM_SHARED((N,), jnp.float32),
            [pltpu.SemaphoreType.DMA for _ in range(2)],
            [pltpu.SemaphoreType.DMA for _ in range(4)],
        ],
    )
    return f(nf, table, src3, dst3)



def _agg_body(hs_hbm, src_hbm, dst_hbm, out_hbm,
              sI, dI, sR, dR, gbuf, agg_sh, semG, semS):
    c = lax.axis_index("c")
    s = lax.axis_index("s")
    w = c * _SC_TILES + s
    ebase = w * (E // _NW)

    def zrow(i, carry):
        for k in range(8):
            gbuf[0][i, pl.ds(16 * k, 16)] = jnp.zeros((16,), jnp.float32)
        return carry

    lax.fori_loop(0, _QC, zrow, 0)
    for q in range(6):
        pltpu.sync_copy(gbuf[0], agg_sh.at[pl.ds(s * 624 + q * _QC, _QC)])
    pltpu.sync_copy(gbuf[0].at[pl.ds(0, 48)],
                    agg_sh.at[pl.ds(s * 624 + 576, 48)])

    @pl.when(s == _SC_TILES - 1)
    def _():
        pltpu.sync_copy(gbuf[0].at[pl.ds(0, 16)],
                        agg_sh.at[pl.ds(_SC_TILES * 624, 16)])

    plsc.subcore_barrier()

    def load_idx(ch, si, di):
        off = ebase + ch * _QC
        pltpu.sync_copy(src_hbm.at[pl.ds(off, _QC)], si)
        pltpu.sync_copy(dst_hbm.at[pl.ds(off, _QC)], di)

    for p in range(_U):
        load_idx(p, sI[p], dI[p])
        pltpu.async_copy(hs_hbm.at[sI[p]], gbuf[p], semG[p])

    def body(i, carry):
        for p in range(_U):
            pltpu.make_async_copy(hs_hbm.at[sI[p]], gbuf[p], semG[p]).wait()
            pltpu.async_copy(gbuf[p], agg_sh.at[dI[p]], semS[p], add=True)
        for p in range(_U):
            pltpu.make_async_copy(gbuf[p], agg_sh.at[dI[p]], semS[p]).wait()

            @pl.when(i < _NQG - 1)
            def _():
                load_idx((i + 1) * _U + p, sI[p], dI[p])
                pltpu.async_copy(hs_hbm.at[sI[p]], gbuf[p], semG[p])
        return carry

    lax.fori_loop(0, _NQG, body, 0)

    roff = ebase + _NQC * _QC
    pltpu.sync_copy(src_hbm.at[pl.ds(roff, _QR)], sR)
    pltpu.sync_copy(dst_hbm.at[pl.ds(roff, _QR)], dR)
    pltpu.async_copy(hs_hbm.at[sR], gbuf[0].at[pl.ds(0, _QR)], semG[0]).wait()
    pltpu.sync_copy(gbuf[0].at[pl.ds(0, _QR)], agg_sh.at[dR], add=True)

    plsc.subcore_barrier()

    @pl.when(s < _SC_TILES - 1)
    def _():
        pltpu.sync_copy(agg_sh.at[pl.ds(s * 624, 624)],
                        out_hbm.at[c, pl.ds(s * 624, 624)])

    @pl.when(s == _SC_TILES - 1)
    def _():
        pltpu.sync_copy(agg_sh.at[pl.ds((_SC_TILES - 1) * 624, 640)],
                        out_hbm.at[c, pl.ds((_SC_TILES - 1) * 624, 640)])


def _sc_aggregate(hs, src, dst):
    f = pl.kernel(
        _agg_body,
        out_type=jax.ShapeDtypeStruct((_SC_CORES, N, D), jnp.float32),
        mesh=_mesh(),
        scratch_types=[
            [pltpu.VMEM((_QC,), jnp.int32) for _ in range(_U)],
            [pltpu.VMEM((_QC,), jnp.int32) for _ in range(_U)],
            pltpu.VMEM((_QR,), jnp.int32),
            pltpu.VMEM((_QR,), jnp.int32),
            [pltpu.VMEM((_QC, D), jnp.float32) for _ in range(_U)],
            pltpu.VMEM_SHARED((N, D), jnp.float32),
            [pltpu.SemaphoreType.DMA for _ in range(_U)],
            [pltpu.SemaphoreType.DMA for _ in range(_U)],
        ],
    )
    return f(hs, src, dst)



def _prep_body(h0_ref, degT_ref, hs_ref, dd_ref):
    degT = degT_ref[...]
    deg_o = jnp.maximum(degT[:, 0:1] + degT[:, 1:2], 1.0)
    deg_i = jnp.maximum(degT[:, 2:3] + degT[:, 3:4], 1.0)
    dout = lax.rsqrt(deg_o)
    din = lax.rsqrt(deg_i)
    hs_ref[...] = h0_ref[...] * dout
    dd_ref[...] = jnp.concatenate([din, dout], axis=1)


def _bn_relu(y, g, be):
    m = jnp.mean(y, axis=0, keepdims=True)
    v = jnp.mean((y - m) ** 2, axis=0, keepdims=True)
    y = (y - m) * lax.rsqrt(v + EPS) * g + be
    return jnp.maximum(y, 0.0)


def _layer_body(agg_ref, dd_ref, W_ref, b_ref, g_ref, be_ref, hs_ref):
    x = agg_ref[0] + agg_ref[1]
    dd = dd_ref[...]
    y = dd[:, 0:1] * jnp.dot(x, W_ref[...], preferred_element_type=jnp.float32) \
        + b_ref[...]
    y = _bn_relu(y, g_ref[...], be_ref[...])
    hs_ref[...] = y * dd[:, 1:2]


def _final_body(agg_ref, dd_ref, gid_ref, W_ref, b_ref, g_ref, be_ref,
                fc1W_ref, fc1b_ref, fc2W_ref, fc2b_ref, out_ref):
    x = agg_ref[0] + agg_ref[1]
    dd = dd_ref[...]
    y = dd[:, 0:1] * jnp.dot(x, W_ref[...], preferred_element_type=jnp.float32) \
        + b_ref[...]
    y = _bn_relu(y, g_ref[...], be_ref[...])
    gid = gid_ref[...]
    seg = lax.broadcasted_iota(jnp.int32, (NG, N), 0)
    maskT = (seg == gid).astype(jnp.float32)
    counts = jnp.sum(maskT, axis=1, keepdims=True)
    hg = jnp.dot(maskT, y, preferred_element_type=jnp.float32)
    hg = hg / jnp.maximum(counts, 1.0)
    z = jnp.maximum(
        jnp.dot(hg, fc1W_ref[...], preferred_element_type=jnp.float32)
        + fc1b_ref[...], 0.0)
    out_ref[...] = jnp.dot(z, fc2W_ref[...],
                           preferred_element_type=jnp.float32) + fc2b_ref[...]



def kernel(node_feat, edge_index, graph_ids, embed_table, W1, b1, g1, be1,
           W2, b2, g2, be2, W3, b3, g3, be3, fc1W, fc1b, fc2W, fc2b):
    nf = node_feat[:, 0]
    src = edge_index[0]
    dst = edge_index[1]
    src3 = src.reshape(E // _EC, _EC)
    dst3 = dst.reshape(E // _EC, _EC)

    h0, dego, degi = _sc_embed_deg(nf, embed_table, src3, dst3)
    degT = jnp.stack([dego[0], dego[1], degi[0], degi[1]], axis=1)

    hs, dd = pl.pallas_call(
        _prep_body,
        out_shape=(jax.ShapeDtypeStruct((N, D), jnp.float32),
                   jax.ShapeDtypeStruct((N, 2), jnp.float32)),
    )(h0, degT)

    for (W, b, g, be) in ((W1, b1, g1, be1), (W2, b2, g2, be2)):
        agg = _sc_aggregate(hs, src, dst)
        hs = pl.pallas_call(
            _layer_body,
            out_shape=jax.ShapeDtypeStruct((N, D), jnp.float32),
        )(agg, dd, W, b.reshape(1, D), g.reshape(1, D), be.reshape(1, D))

    agg = _sc_aggregate(hs, src, dst)
    out = pl.pallas_call(
        _final_body,
        out_shape=jax.ShapeDtypeStruct((NG, fc2W.shape[1]), jnp.float32),
    )(agg, dd, graph_ids.reshape(1, N), W3, b3.reshape(1, D),
      g3.reshape(1, D), be3.reshape(1, D),
      fc1W, fc1b.reshape(1, -1), fc2W, fc2b.reshape(1, -1))
    return out

# --- scband reference (transcript-rebuilt; emitter-appended) ---
"""Pipeline reference for scband-gcnclassifier-65154653880488 (READ-ONLY COPY).

The authoritative reference and input builder live on the scoring server;
editing this copy changes nothing except your own understanding.
"""

import jax, jax.numpy as jnp
import numpy as np

N = 10000
E = 320000
VOCAB = 100000
D = 128
B = 64
NC = 2
EPS = 1e-5


def _gcn_conv(h, src, dst, W, b):
    n = h.shape[0]
    ones = jnp.ones((src.shape[0],), dtype=h.dtype)
    deg_out = jnp.clip(jnp.zeros((n,), dtype=h.dtype).at[src].add(ones), 1.0, None)
    deg_in = jnp.clip(jnp.zeros((n,), dtype=h.dtype).at[dst].add(ones), 1.0, None)
    h = h * (deg_out ** -0.5)[:, None]
    msg = h[src]
    agg = jnp.zeros_like(h).at[dst].add(msg)
    agg = agg * (deg_in ** -0.5)[:, None]
    return agg @ W + b


def _bn(x, gamma, beta):
    m = jnp.mean(x, axis=0)
    v = jnp.var(x, axis=0)
    return (x - m) / jnp.sqrt(v + EPS) * gamma + beta


def setup_inputs(seed: int = 0):
    key = jax.random.key(seed)
    ks = jax.random.split(key, 16)
    node_feat = jax.random.randint(ks[0], (N, 1), 0, VOCAB, dtype=jnp.int32)
    edge_index = jax.random.randint(ks[1], (2, E), 0, N, dtype=jnp.int32)
    graph_ids = jnp.sort(jax.random.randint(ks[2], (N,), 0, B, dtype=jnp.int32))
    embed_table = jax.random.normal(ks[3], (VOCAB, D), dtype=jnp.float32)
    s = 1.0 / np.sqrt(D)
    W1 = jax.random.uniform(ks[4], (D, D), minval=-s, maxval=s, dtype=jnp.float32)
    b1 = jnp.zeros((D,), dtype=jnp.float32)
    W2 = jax.random.uniform(ks[5], (D, D), minval=-s, maxval=s, dtype=jnp.float32)
    b2 = jnp.zeros((D,), dtype=jnp.float32)
    W3 = jax.random.uniform(ks[6], (D, D), minval=-s, maxval=s, dtype=jnp.float32)
    b3 = jnp.zeros((D,), dtype=jnp.float32)
    g1 = jnp.ones((D,), dtype=jnp.float32); be1 = jnp.zeros((D,), dtype=jnp.float32)
    g2 = jnp.ones((D,), dtype=jnp.float32); be2 = jnp.zeros((D,), dtype=jnp.float32)
    g3 = jnp.ones((D,), dtype=jnp.float32); be3 = jnp.zeros((D,), dtype=jnp.float32)
    fc1W = jax.random.uniform(ks[7], (D, D // 2), minval=-s, maxval=s, dtype=jnp.float32)
    fc1b = jnp.zeros((D // 2,), dtype=jnp.float32)
    s2 = 1.0 / np.sqrt(D // 2)
    fc2W = jax.random.uniform(ks[8], (D // 2, NC), minval=-s2, maxval=s2, dtype=jnp.float32)
    fc2b = jnp.zeros((NC,), dtype=jnp.float32)
    return {"node_feat": node_feat, "edge_index": edge_index, "graph_ids": graph_ids,
            "embed_table": embed_table,
            "W1": W1, "b1": b1, "g1": g1, "be1": be1,
            "W2": W2, "b2": b2, "g2": g2, "be2": be2,
            "W3": W3, "b3": b3, "g3": g3, "be3": be3,
            "fc1W": fc1W, "fc1b": fc1b, "fc2W": fc2W, "fc2b": fc2b}


def reference(node_feat, edge_index, graph_ids, embed_table,
              W1, b1, g1, be1, W2, b2, g2, be2, W3, b3, g3, be3,
              fc1W, fc1b, fc2W, fc2b):
    src = edge_index[0]
    dst = edge_index[1]
    h = jnp.take(embed_table, node_feat[:, 0], axis=0)
    h = jax.nn.relu(_bn(_gcn_conv(h, src, dst, W1, b1), g1, be1))
    h = jax.nn.relu(_bn(_gcn_conv(h, src, dst, W2, b2), g2, be2))
    h = jax.nn.relu(_bn(_gcn_conv(h, src, dst, W3, b3), g3, be3))
    counts = jax.ops.segment_sum(jnp.ones((N,), dtype=h.dtype), graph_ids, num_segments=B)
    hg = jax.ops.segment_sum(h, graph_ids, num_segments=B)
    hg = hg / jnp.clip(counts, 1.0, None)[:, None]
    hg = jax.nn.relu(hg @ fc1W + fc1b)  # dropout is identity in eval mode
    return hg @ fc2W + fc2b

if __name__ == "__main__":
    import jax
    _d = setup_inputs()
    print(jax.jit(kernel)(*tuple(_d.values())))

</pallas_src>

<mosaic_0001>
#map = affine_map<(d0, d1) -> (0, 0)>
#map1 = affine_map<(d0, d1) -> (0)>
#map2 = affine_map<(d0, d1) -> (0, 0, 0)>
module attributes {stable_mosaic.version = 14 : i64} {
  func.func @_agg_body(%arg0: i32, %arg1: i32, %arg2: memref<10000x128xf32, #tpu.memory_space<hbm>>, %arg3: memref<320000xi32, #tpu.memory_space<hbm>>, %arg4: memref<320000xi32, #tpu.memory_space<hbm>>, %arg5: memref<2x10000x128xf32, #tpu.memory_space<hbm>>, %arg6: memref<96xi32, #tpu.memory_space<vmem>>, %arg7: memref<96xi32, #tpu.memory_space<vmem>>, %arg8: memref<96xi32, #tpu.memory_space<vmem>>, %arg9: memref<96xi32, #tpu.memory_space<vmem>>, %arg10: memref<96xi32, #tpu.memory_space<vmem>>, %arg11: memref<96xi32, #tpu.memory_space<vmem>>, %arg12: memref<96xi32, #tpu.memory_space<vmem>>, %arg13: memref<96xi32, #tpu.memory_space<vmem>>, %arg14: memref<16xi32, #tpu.memory_space<vmem>>, %arg15: memref<16xi32, #tpu.memory_space<vmem>>, %arg16: memref<96x128xf32, #tpu.memory_space<vmem>>, %arg17: memref<96x128xf32, #tpu.memory_space<vmem>>, %arg18: memref<96x128xf32, #tpu.memory_space<vmem>>, %arg19: memref<96x128xf32, #tpu.memory_space<vmem>>, %arg20: memref<10000x128xf32, #tpu.memory_space<vmem_shared>>, %arg21: memref<!tpu.dma_semaphore, #tpu.memory_space<semaphore_mem>>, %arg22: memref<!tpu.dma_semaphore, #tpu.memory_space<semaphore_mem>>, %arg23: memref<!tpu.dma_semaphore, #tpu.memory_space<semaphore_mem>>, %arg24: memref<!tpu.dma_semaphore, #tpu.memory_space<semaphore_mem>>, %arg25: memref<!tpu.dma_semaphore, #tpu.memory_space<semaphore_mem>>, %arg26: memref<!tpu.dma_semaphore, #tpu.memory_space<semaphore_mem>>, %arg27: memref<!tpu.dma_semaphore, #tpu.memory_space<semaphore_mem>>, %arg28: memref<!tpu.dma_semaphore, #tpu.memory_space<semaphore_mem>>) attributes {dimension_semantics = [#tpu.dimension_semantics<core_parallel>, #tpu.dimension_semantics<subcore_parallel>], iteration_bounds = array<i64: 2, 16>, scalar_prefetch = 0 : i64, scratch_operands = 23 : i64, tpu.core_type = #tpu.core_type<sc_vector_subcore>, window_params = [{transform_indices = #map}, {transform_indices = #map1}, {transform_indices = #map1}, {transform_indices = #map2}]} {
    %mul3A = arith.constant 16 : i32
    %mul3A_0 = arith.muli %arg0, %mul3A : i32
    %add3A = arith.addi %mul3A_0, %arg1 : i32
    %mul3A_1 = arith.constant 10000 : i32
    %mul3A_2 = arith.muli %add3A, %mul3A_1 : i32
    %scan3A = arith.constant 0 : i32
    %scan3A_3 = arith.constant 0 : i32
    %scan3A_4 = arith.constant 96 : i32
    %scan3A_5 = arith.addi %scan3A_3, %scan3A_4 : i32
    %scan3A_6 = arith.constant 1 : i32
    scf.for %scan3A_86 = %scan3A_3 to %scan3A_5 step %scan3A_6  : i32 {
      %broadcast_in_dim3A = arith.constant 0.000000e+00 : f32
      %broadcast_in_dim3A_87 = vector.broadcast %broadcast_in_dim3A : f32 to vector<16xf32>
      %swap3A = arith.index_cast %scan3A_86 : i32 to index
      %swap3A_88 = arith.constant 0 : index
      %swap3A_89 = tpu.vector_load %arg16[%swap3A, %swap3A_88] {strides = array<i32>} : memref<96x128xf32, #tpu.memory_space<vmem>>, vector<1x16xf32>,
      %swap3A_90 = vector.shape_cast %swap3A_89 : vector<1x16xf32> to vector<16xf32>
      %swap3A_91 = vector.shape_cast %broadcast_in_dim3A_87 : vector<16xf32> to vector<1x16xf32>
      tpu.vector_store %arg16[%swap3A, %swap3A_88], %swap3A_91 {strides = array<i32>} : memref<96x128xf32, #tpu.memory_space<vmem>>, vector<1x16xf32>,
      %broadcast_in_dim3A_92 = arith.constant 0.000000e+00 : f32
      %broadcast_in_dim3A_93 = vector.broadcast %broadcast_in_dim3A_92 : f32 to vector<16xf32>
      %swap3A_94 = arith.index_cast %scan3A_86 : i32 to index
      %swap3A_95 = arith.constant 16 : index
      %swap3A_96 = tpu.vector_load %arg16[%swap3A_94, %swap3A_95] {strides = array<i32>} : memref<96x128xf32, #tpu.memory_space<vmem>>, vector<1x16xf32>,
      %swap3A_97 = vector.shape_cast %swap3A_96 : vector<1x16xf32> to vector<16xf32>
      %swap3A_98 = vector.shape_cast %broadcast_in_dim3A_93 : vector<16xf32> to vector<1x16xf32>
      tpu.vector_store %arg16[%swap3A_94, %swap3A_95], %swap3A_98 {strides = array<i32>} : memref<96x128xf32, #tpu.memory_space<vmem>>, vector<1x16xf32>,
      %broadcast_in_dim3A_99 = arith.constant 0.000000e+00 : f32
      %broadcast_in_dim3A_100 = vector.broadcast %broadcast_in_dim3A_99 : f32 to vector<16xf32>
      %swap3A_101 = arith.index_cast %scan3A_86 : i32 to index
      %swap3A_102 = arith.constant 32 : index
      %swap3A_103 = tpu.vector_load %arg16[%swap3A_101, %swap3A_102] {strides = array<i32>} : memref<96x128xf32, #tpu.memory_space<vmem>>, vector<1x16xf32>,
      %swap3A_104 = vector.shape_cast %swap3A_103 : vector<1x16xf32> to vector<16xf32>
      %swap3A_105 = vector.shape_cast %broadcast_in_dim3A_100 : vector<16xf32> to vector<1x16xf32>
      tpu.vector_store %arg16[%swap3A_101, %swap3A_102], %swap3A_105 {strides = array<i32>} : memref<96x128xf32, #tpu.memory_space<vmem>>, vector<1x16xf32>,
      %broadcast_in_dim3A_106 = arith.constant 0.000000e+00 : f32
      %broadcast_in_dim3A_107 = vector.broadcast %broadcast_in_dim3A_106 : f32 to vector<16xf32>
      %swap3A_108 = arith.index_cast %scan3A_86 : i32 to index
      %swap3A_109 = arith.constant 48 : index
      %swap3A_110 = tpu.vector_load %arg16[%swap3A_108, %swap3A_109] {strides = array<i32>} : memref<96x128xf32, #tpu.memory_space<vmem>>, vector<1x16xf32>,
      %swap3A_111 = vector.shape_cast %swap3A_110 : vector<1x16xf32> to vector<16xf32>
      %swap3A_112 = vector.shape_cast %broadcast_in_dim3A_107 : vector<16xf32> to vector<1x16xf32>
      tpu.vector_store %arg16[%swap3A_108, %swap3A_109], %swap3A_112 {strides = array<i32>} : memref<96x128xf32, #tpu.memory_space<vmem>>, vector<1x16xf32>,
      %broadcast_in_dim3A_113 = arith.constant 0.000000e+00 : f32
      %broadcast_in_dim3A_114 = vector.broadcast %broadcast_in_dim3A_113 : f32 to vector<16xf32>
      %swap3A_115 = arith.index_cast %scan3A_86 : i32 to index
      %swap3A_116 = arith.constant 64 : index
      %swap3A_117 = tpu.vector_load %arg16[%swap3A_115, %swap3A_116] {strides = array<i32>} : memref<96x128xf32, #tpu.memory_space<vmem>>, vector<1x16xf32>,
      %swap3A_118 = vector.shape_cast %swap3A_117 : vector<1x16xf32> to vector<16xf32>
      %swap3A_119 = vector.shape_cast %broadcast_in_dim3A_114 : vector<16xf32> to vector<1x16xf32>
      tpu.vector_store %arg16[%swap3A_115, %swap3A_116], %swap3A_119 {strides = array<i32>} : memref<96x128xf32, #tpu.memory_space<vmem>>, vector<1x16xf32>,
      %broadcast_in_dim3A_120 = arith.constant 0.000000e+00 : f32
      %broadcast_in_dim3A_121 = vector.broadcast %broadcast_in_dim3A_120 : f32 to vector<16xf32>
      %swap3A_122 = arith.index_cast %scan3A_86 : i32 to index
      %swap3A_123 = arith.constant 80 : index
      %swap3A_124 = tpu.vector_load %arg16[%swap3A_122, %swap3A_123] {strides = array<i32>} : memref<96x128xf32, #tpu.memory_space<vmem>>, vector<1x16xf32>,
      %swap3A_125 = vector.shape_cast %swap3A_124 : vector<1x16xf32> to vector<16xf32>
      %swap3A_126 = vector.shape_cast %broadcast_in_dim3A_121 : vector<16xf32> to vector<1x16xf32>
      tpu.vector_store %arg16[%swap3A_122, %swap3A_123], %swap3A_126 {strides = array<i32>} : memref<96x128xf32, #tpu.memory_space<vmem>>, vector<1x16xf32>,
      %broadcast_in_dim3A_127 = arith.constant 0.000000e+00 : f32
      %broadcast_in_dim3A_128 = vector.broadcast %broadcast_in_dim3A_127 : f32 to vector<16xf32>
      %swap3A_129 = arith.index_cast %scan3A_86 : i32 to index
      %swap3A_130 = arith.constant 96 : index
      %swap3A_131 = tpu.vector_load %arg16[%swap3A_129, %swap3A_130] {strides = array<i32>} : memref<96x128xf32, #tpu.memory_space<vmem>>, vector<1x16xf32>,
      %swap3A_132 = vector.shape_cast %swap3A_131 : vector<1x16xf32> to vector<16xf32>
      %swap3A_133 = vector.shape_cast %broadcast_in_dim3A_128 : vector<16xf32> to vector<1x16xf32>
      tpu.vector_store %arg16[%swap3A_129, %swap3A_130], %swap3A_133 {strides = array<i32>} : memref<96x128xf32, #tpu.memory_space<vmem>>, vector<1x16xf32>,
      %broadcast_in_dim3A_134 = arith.constant 0.000000e+00 : f32
      %broadcast_in_dim3A_135 = vector.broadcast %broadcast_in_dim3A_134 : f32 to vector<16xf32>
      %swap3A_136 = arith.index_cast %scan3A_86 : i32 to index
      %swap3A_137 = arith.constant 112 : index
      %swap3A_138 = tpu.vector_load %arg16[%swap3A_136, %swap3A_137] {strides = array<i32>} : memref<96x128xf32, #tpu.memory_space<vmem>>, vector<1x16xf32>,
      %swap3A_139 = vector.shape_cast %swap3A_138 : vector<1x16xf32> to vector<16xf32>
      %swap3A_140 = vector.shape_cast %broadcast_in_dim3A_135 : vector<16xf32> to vector<1x16xf32>
      tpu.vector_store %arg16[%swap3A_136, %swap3A_137], %swap3A_140 {strides = array<i32>} : memref<96x128xf32, #tpu.memory_space<vmem>>, vector<1x16xf32>,
    }
    %scan3A_7 = arith.constant 96 : i32
    %mul3A_8 = arith.constant 624 : i32
    %mul3A_9 = arith.muli %arg1, %mul3A_8 : i32
    %add3A_10 = arith.constant 0 : i32
    %add3A_11 = arith.addi %mul3A_9, %add3A_10 : i32
    "tpu.region"() ({
      %run_scoped3A = tpu.sem_alloc : memref<!tpu.dma_semaphore, #tpu.memory_space<semaphore_mem>>
      %dma_start3A_86 = arith.constant 0 : i32
      %dma_start3A_87 = tpu.memref_slice %arg20[%add3A_11, %dma_start3A_86] : memref<10000x128xf32, #tpu.memory_space<vmem_shared>> -> memref<96x128xf32, #tpu.memory_space<vmem_shared>>
      %dma_start3A_88 = arith.constant 0 : i32
      %dma_start3A_89 = tpu.memref_slice %arg20[%add3A_11, %dma_start3A_88] : memref<10000x128xf32, #tpu.memory_space<vmem_shared>> -> memref<96x128xf32, #tpu.memory_space<vmem_shared>>
      tpu.enqueue_dma source(%arg16 : memref<96x128xf32, #tpu.memory_space<vmem>>) target(%dma_start3A_89 : memref<96x128xf32, #tpu.memory_space<vmem_shared>>) target_semaphore(%run_scoped3A : memref<!tpu.dma_semaphore, #tpu.memory_space<semaphore_mem>>)
      %dma_wait3A_90 = arith.constant 0 : i32
      %dma_wait3A_91 = tpu.memref_slice %arg20[%add3A_11, %dma_wait3A_90] : memref<10000x128xf32, #tpu.memory_space<vmem_shared>> -> memref<96x128xf32, #tpu.memory_space<vmem_shared>>
      %dma_wait3A_92 = arith.constant 0 : i32
      %dma_wait3A_93 = tpu.memref_slice %arg20[%add3A_11, %dma_wait3A_92] : memref<10000x128xf32, #tpu.memory_space<vmem_shared>> -> memref<96x128xf32, #tpu.memory_space<vmem_shared>>
      tpu.wait_dma2 semaphore(%run_scoped3A : memref<!tpu.dma_semaphore, #tpu.memory_space<semaphore_mem>>) src(%arg16 : memref<96x128xf32, #tpu.memory_space<vmem>>) dst(%dma_wait3A_93 : memref<96x128xf32, #tpu.memory_space<vmem_shared>>)
      tpu.yield
    }) : () -> ()
    %mul3A_12 = arith.constant 624 : i32
    %mul3A_13 = arith.muli %arg1, %mul3A_12 : i32
    %add3A_14 = arith.constant 96 : i32
    %add3A_15 = arith.addi %mul3A_13, %add3A_14 : i32
    "tpu.region"() ({
      %run_scoped3A = tpu.sem_alloc : memref<!tpu.dma_semaphore, #tpu.memory_space<semaphore_mem>>
      %dma_start3A_86 = arith.constant 0 : i32
      %dma_start3A_87 = tpu.memref_slice %arg20[%add3A_15, %dma_start3A_86] : memref<10000x128xf32, #tpu.memory_space<vmem_shared>> -> memref<96x128xf32, #tpu.memory_space<vmem_shared>>
      %dma_start3A_88 = arith.constant 0 : i32
      %dma_start3A_89 = tpu.memref_slice %arg20[%add3A_15, %dma_start3A_88] : memref<10000x128xf32, #tpu.memory_space<vmem_shared>> -> memref<96x128xf32, #tpu.memory_space<vmem_shared>>
      tpu.enqueue_dma source(%arg16 : memref<96x128xf32, #tpu.memory_space<vmem>>) target(%dma_start3A_89 : memref<96x128xf32, #tpu.memory_space<vmem_shared>>) target_semaphore(%run_scoped3A : memref<!tpu.dma_semaphore, #tpu.memory_space<semaphore_mem>>)
      %dma_wait3A_90 = arith.constant 0 : i32
      %dma_wait3A_91 = tpu.memref_slice %arg20[%add3A_15, %dma_wait3A_90] : memref<10000x128xf32, #tpu.memory_space<vmem_shared>> -> memref<96x128xf32, #tpu.memory_space<vmem_shared>>
      %dma_wait3A_92 = arith.constant 0 : i32
      %dma_wait3A_93 = tpu.memref_slice %arg20[%add3A_15, %dma_wait3A_92] : memref<10000x128xf32, #tpu.memory_space<vmem_shared>> -> memref<96x128xf32, #tpu.memory_space<vmem_shared>>
      tpu.wait_dma2 semaphore(%run_scoped3A : memref<!tpu.dma_semaphore, #tpu.memory_space<semaphore_mem>>) src(%arg16 : memref<96x128xf32, #tpu.memory_space<vmem>>) dst(%dma_wait3A_93 : memref<96x128xf32, #tpu.memory_space<vmem_shared>>)
      tpu.yield
    }) : () -> ()
    %mul3A_16 = arith.constant 624 : i32
    %mul3A_17 = arith.muli %arg1, %mul3A_16 : i32
    %add3A_18 = arith.constant 192 : i32
    %add3A_19 = arith.addi %mul3A_17, %add3A_18 : i32
    "tpu.region"() ({
      %run_scoped3A = tpu.sem_alloc : memref<!tpu.dma_semaphore, #tpu.memory_space<semaphore_mem>>
      %dma_start3A_86 = arith.constant 0 : i32
      %dma_start3A_87 = tpu.memref_slice %arg20[%add3A_19, %dma_start3A_86] : memref<10000x128xf32, #tpu.memory_space<vmem_shared>> -> memref<96x128xf32, #tpu.memory_space<vmem_shared>>
      %dma_start3A_88 = arith.constant 0 : i32
      %dma_start3A_89 = tpu.memref_slice %arg20[%add3A_19, %dma_start3A_88] : memref<10000x128xf32, #tpu.memory_space<vmem_shared>> -> memref<96x128xf32, #tpu.memory_space<vmem_shared>>
      tpu.enqueue_dma source(%arg16 : memref<96x128xf32, #tpu.memory_space<vmem>>) target(%dma_start3A_89 : memref<96x128xf32, #tpu.memory_space<vmem_shared>>) target_semaphore(%run_scoped3A : memref<!tpu.dma_semaphore, #tpu.memory_space<semaphore_mem>>)
      %dma_wait3A_90 = arith.constant 0 : i32
      %dma_wait3A_91 = tpu.memref_slice %arg20[%add3A_19, %dma_wait3A_90] : memref<10000x128xf32, #tpu.memory_space<vmem_shared>> -> memref<96x128xf32, #tpu.memory_space<vmem_shared>>
      %dma_wait3A_92 = arith.constant 0 : i32
      %dma_wait3A_93 = tpu.memref_slice %arg20[%add3A_19, %dma_wait3A_92] : memref<10000x128xf32, #tpu.memory_space<vmem_shared>> -> memref<96x128xf32, #tpu.memory_space<vmem_shared>>
      tpu.wait_dma2 semaphore(%run_scoped3A : memref<!tpu.dma_semaphore, #tpu.memory_space<semaphore_mem>>) src(%arg16 : memref<96x128xf32, #tpu.memory_space<vmem>>) dst(%dma_wait3A_93 : memref<96x128xf32, #tpu.memory_space<vmem_shared>>)
      tpu.yield
    }) : () -> ()
    %mul3A_20 = arith.constant 624 : i32
    %mul3A_21 = arith.muli %arg1, %mul3A_20 : i32
    %add3A_22 = arith.constant 288 : i32
    %add3A_23 = arith.addi %mul3A_21, %add3A_22 : i32
    "tpu.region"() ({
      %run_scoped3A = tpu.sem_alloc : memref<!tpu.dma_semaphore, #tpu.memory_space<semaphore_mem>>
      %dma_start3A_86 = arith.constant 0 : i32
      %dma_start3A_87 = tpu.memref_slice %arg20[%add3A_23, %dma_start3A_86] : memref<10000x128xf32, #tpu.memory_space<vmem_shared>> -> memref<96x128xf32, #tpu.memory_space<vmem_shared>>
      %dma_start3A_88 = arith.constant 0 : i32
      %dma_start3A_89 = tpu.memref_slice %arg20[%add3A_23, %dma_start3A_88] : memref<10000x128xf32, #tpu.memory_space<vmem_shared>> -> memref<96x128xf32, #tpu.memory_space<vmem_shared>>
      tpu.enqueue_dma source(%arg16 : memref<96x128xf32, #tpu.memory_space<vmem>>) target(%dma_start3A_89 : memref<96x128xf32, #tpu.memory_space<vmem_shared>>) target_semaphore(%run_scoped3A : memref<!tpu.dma_semaphore, #tpu.memory_space<semaphore_mem>>)
      %dma_wait3A_90 = arith.constant 0 : i32
      %dma_wait3A_91 = tpu.memref_slice %arg20[%add3A_23, %dma_wait3A_90] : memref<10000x128xf32, #tpu.memory_space<vmem_shared>> -> memref<96x128xf32, #tpu.memory_space<vmem_shared>>
      %dma_wait3A_92 = arith.constant 0 : i32
      %dma_wait3A_93 = tpu.memref_slice %arg20[%add3A_23, %dma_wait3A_92] : memref<10000x128xf32, #tpu.memory_space<vmem_shared>> -> memref<96x128xf32, #tpu.memory_space<vmem_shared>>
      tpu.wait_dma2 semaphore(%run_scoped3A : memref<!tpu.dma_semaphore, #tpu.memory_space<semaphore_mem>>) src(%arg16 : memref<96x128xf32, #tpu.memory_space<vmem>>) dst(%dma_wait3A_93 : memref<96x128xf32, #tpu.memory_space<vmem_shared>>)
      tpu.yield
    }) : () -> ()
    %mul3A_24 = arith.constant 624 : i32
    %mul3A_25 = arith.muli %arg1, %mul3A_24 : i32
    %add3A_26 = arith.constant 384 : i32
    %add3A_27 = arith.addi %mul3A_25, %add3A_26 : i32
    "tpu.region"() ({
      %run_scoped3A = tpu.sem_alloc : memref<!tpu.dma_semaphore, #tpu.memory_space<semaphore_mem>>
      %dma_start3A_86 = arith.constant 0 : i32
      %dma_start3A_87 = tpu.memref_slice %arg20[%add3A_27, %dma_start3A_86] : memref<10000x128xf32, #tpu.memory_space<vmem_shared>> -> memref<96x128xf32, #tpu.memory_space<vmem_shared>>
      %dma_start3A_88 = arith.constant 0 : i32
      %dma_start3A_89 = tpu.memref_slice %arg20[%add3A_27, %dma_start3A_88] : memref<10000x128xf32, #tpu.memory_space<vmem_shared>> -> memref<96x128xf32, #tpu.memory_space<vmem_shared>>
      tpu.enqueue_dma source(%arg16 : memref<96x128xf32, #tpu.memory_space<vmem>>) target(%dma_start3A_89 : memref<96x128xf32, #tpu.memory_space<vmem_shared>>) target_semaphore(%run_scoped3A : memref<!tpu.dma_semaphore, #tpu.memory_space<semaphore_mem>>)
      %dma_wait3A_90 = arith.constant 0 : i32
      %dma_wait3A_91 = tpu.memref_slice %arg20[%add3A_27, %dma_wait3A_90] : memref<10000x128xf32, #tpu.memory_space<vmem_shared>> -> memref<96x128xf32, #tpu.memory_space<vmem_shared>>
      %dma_wait3A_92 = arith.constant 0 : i32
      %dma_wait3A_93 = tpu.memref_slice %arg20[%add3A_27, %dma_wait3A_92] : memref<10000x128xf32, #tpu.memory_space<vmem_shared>> -> memref<96x128xf32, #tpu.memory_space<vmem_shared>>
      tpu.wait_dma2 semaphore(%run_scoped3A : memref<!tpu.dma_semaphore, #tpu.memory_space<semaphore_mem>>) src(%arg16 : memref<96x128xf32, #tpu.memory_space<vmem>>) dst(%dma_wait3A_93 : memref<96x128xf32, #tpu.memory_space<vmem_shared>>)
      tpu.yield
    }) : () -> ()
    %mul3A_28 = arith.constant 624 : i32
    %mul3A_29 = arith.muli %arg1, %mul3A_28 : i32
    %add3A_30 = arith.constant 480 : i32
    %add3A_31 = arith.addi %mul3A_29, %add3A_30 : i32
    "tpu.region"() ({
      %run_scoped3A = tpu.sem_alloc : memref<!tpu.dma_semaphore, #tpu.memory_space<semaphore_mem>>
      %dma_start3A_86 = arith.constant 0 : i32
      %dma_start3A_87 = tpu.memref_slice %arg20[%add3A_31, %dma_start3A_86] : memref<10000x128xf32, #tpu.memory_space<vmem_shared>> -> memref<96x128xf32, #tpu.memory_space<vmem_shared>>
      %dma_start3A_88 = arith.constant 0 : i32
      %dma_start3A_89 = tpu.memref_slice %arg20[%add3A_31, %dma_start3A_88] : memref<10000x128xf32, #tpu.memory_space<vmem_shared>> -> memref<96x128xf32, #tpu.memory_space<vmem_shared>>
      tpu.enqueue_dma source(%arg16 : memref<96x128xf32, #tpu.memory_space<vmem>>) target(%dma_start3A_89 : memref<96x128xf32, #tpu.memory_space<vmem_shared>>) target_semaphore(%run_scoped3A : memref<!tpu.dma_semaphore, #tpu.memory_space<semaphore_mem>>)
      %dma_wait3A_90 = arith.constant 0 : i32
      %dma_wait3A_91 = tpu.memref_slice %arg20[%add3A_31, %dma_wait3A_90] : memref<10000x128xf32, #tpu.memory_space<vmem_shared>> -> memref<96x128xf32, #tpu.memory_space<vmem_shared>>
      %dma_wait3A_92 = arith.constant 0 : i32
      %dma_wait3A_93 = tpu.memref_slice %arg20[%add3A_31, %dma_wait3A_92] : memref<10000x128xf32, #tpu.memory_space<vmem_shared>> -> memref<96x128xf32, #tpu.memory_space<vmem_shared>>
      tpu.wait_dma2 semaphore(%run_scoped3A : memref<!tpu.dma_semaphore, #tpu.memory_space<semaphore_mem>>) src(%arg16 : memref<96x128xf32, #tpu.memory_space<vmem>>) dst(%dma_wait3A_93 : memref<96x128xf32, #tpu.memory_space<vmem_shared>>)
      tpu.yield
    }) : () -> ()
    %mul3A_32 = arith.constant 624 : i32
    %mul3A_33 = arith.muli %arg1, %mul3A_32 : i32
    %add3A_34 = arith.constant 576 : i32
    %add3A_35 = arith.addi %mul3A_33, %add3A_34 : i32
    "tpu.region"() ({
      %run_scoped3A = tpu.sem_alloc : memref<!tpu.dma_semaphore, #tpu.memory_space<semaphore_mem>>
      %dma_start3A_86 = arith.constant 0 : i32
      %dma_start3A_87 = arith.constant 0 : i32
      %dma_start3A_88 = tpu.memref_slice %arg16[%dma_start3A_86, %dma_start3A_87] : memref<96x128xf32, #tpu.memory_space<vmem>> -> memref<48x128xf32, #tpu.memory_space<vmem>>
      %dma_start3A_89 = arith.constant 0 : i32
      %dma_start3A_90 = tpu.memref_slice %arg20[%add3A_35, %dma_start3A_89] : memref<10000x128xf32, #tpu.memory_space<vmem_shared>> -> memref<48x128xf32, #tpu.memory_space<vmem_shared>>
      %dma_start3A_91 = arith.constant 0 : i32
      %dma_start3A_92 = tpu.memref_slice %arg20[%add3A_35, %dma_start3A_91] : memref<10000x128xf32, #tpu.memory_space<vmem_shared>> -> memref<48x128xf32, #tpu.memory_space<vmem_shared>>
      %dma_start3A_93 = arith.constant 0 : i32
      %dma_start3A_94 = arith.constant 0 : i32
      %dma_start3A_95 = tpu.memref_slice %arg16[%dma_start3A_93, %dma_start3A_94] : memref<96x128xf32, #tpu.memory_space<vmem>> -> memref<48x128xf32, #tpu.memory_space<vmem>>
      tpu.enqueue_dma source(%dma_start3A_95 : memref<48x128xf32, #tpu.memory_space<vmem>>) target(%dma_start3A_92 : memref<48x128xf32, #tpu.memory_space<vmem_shared>>) target_semaphore(%run_scoped3A : memref<!tpu.dma_semaphore, #tpu.memory_space<semaphore_mem>>)
      %dma_wait3A_96 = arith.constant 0 : i32
      %dma_wait3A_97 = arith.constant 0 : i32
      %dma_wait3A_98 = tpu.memref_slice %arg16[%dma_wait3A_96, %dma_wait3A_97] : memref<96x128xf32, #tpu.memory_space<vmem>> -> memref<48x128xf32, #tpu.memory_space<vmem>>
      %dma_wait3A_99 = arith.constant 0 : i32
      %dma_wait3A_100 = tpu.memref_slice %arg20[%add3A_35, %dma_wait3A_99] : memref<10000x128xf32, #tpu.memory_space<vmem_shared>> -> memref<48x128xf32, #tpu.memory_space<vmem_shared>>
      %dma_wait3A_101 = arith.constant 0 : i32
      %dma_wait3A_102 = tpu.memref_slice %arg20[%add3A_35, %dma_wait3A_101] : memref<10000x128xf32, #tpu.memory_space<vmem_shared>> -> memref<48x128xf32, #tpu.memory_space<vmem_shared>>
      %dma_wait3A_103 = arith.constant 0 : i32
      %dma_wait3A_104 = arith.constant 0 : i32
      %dma_wait3A_105 = tpu.memref_slice %arg16[%dma_wait3A_103, %dma_wait3A_104] : memref<96x128xf32, #tpu.memory_space<vmem>> -> memref<48x128xf32, #tpu.memory_space<vmem>>
      tpu.wait_dma2 semaphore(%run_scoped3A : memref<!tpu.dma_semaphore, #tpu.memory_space<semaphore_mem>>) src(%dma_wait3A_105 : memref<48x128xf32, #tpu.memory_space<vmem>>) dst(%dma_wait3A_102 : memref<48x128xf32, #tpu.memory_space<vmem_shared>>)
      tpu.yield
    }) : () -> ()
    %eq3A = arith.constant 15 : i32
    %eq3A_36 = arith.cmpi eq, %arg1, %eq3A : i32
    %convert_element_type3A = arith.extui %eq3A_36 : i1 to i32
    %cond3A = arith.constant 0 : i32
    %cond3A_37 = arith.cmpi ne, %convert_element_type3A, %cond3A : i32
    scf.if %cond3A_37 {
      "tpu.region"() ({
        %run_scoped3A = tpu.sem_alloc : memref<!tpu.dma_semaphore, #tpu.memory_space<semaphore_mem>>
        %dma_start3A_86 = arith.constant 0 : i32
        %dma_start3A_87 = arith.constant 0 : i32
        %dma_start3A_88 = tpu.memref_slice %arg16[%dma_start3A_86, %dma_start3A_87] : memref<96x128xf32, #tpu.memory_space<vmem>> -> memref<16x128xf32, #tpu.memory_space<vmem>>
        %dma_start3A_89 = arith.constant 9984 : i32
        %dma_start3A_90 = arith.constant 0 : i32
        %dma_start3A_91 = tpu.memref_slice %arg20[%dma_start3A_89, %dma_start3A_90] : memref<10000x128xf32, #tpu.memory_space<vmem_shared>> -> memref<16x128xf32, #tpu.memory_space<vmem_shared>>
        %dma_start3A_92 = arith.constant 9984 : i32
        %dma_start3A_93 = arith.constant 0 : i32
        %dma_start3A_94 = tpu.memref_slice %arg20[%dma_start3A_92, %dma_start3A_93] : memref<10000x128xf32, #tpu.memory_space<vmem_shared>> -> memref<16x128xf32, #tpu.memory_space<vmem_shared>>
        %dma_start3A_95 = arith.constant 0 : i32
        %dma_start3A_96 = arith.constant 0 : i32
        %dma_start3A_97 = tpu.memref_slice %arg16[%dma_start3A_95, %dma_start3A_96] : memref<96x128xf32, #tpu.memory_space<vmem>> -> memref<16x128xf32, #tpu.memory_space<vmem>>
        tpu.enqueue_dma source(%dma_start3A_97 : memref<16x128xf32, #tpu.memory_space<vmem>>) target(%dma_start3A_94 : memref<16x128xf32, #tpu.memory_space<vmem_shared>>) target_semaphore(%run_scoped3A : memref<!tpu.dma_semaphore, #tpu.memory_space<semaphore_mem>>)
        %dma_wait3A_98 = arith.constant 0 : i32
        %dma_wait3A_99 = arith.constant 0 : i32
        %dma_wait3A_100 = tpu.memref_slice %arg16[%dma_wait3A_98, %dma_wait3A_99] : memref<96x128xf32, #tpu.memory_space<vmem>> -> memref<16x128xf32, #tpu.memory_space<vmem>>
        %dma_wait3A_101 = arith.constant 9984 : i32
        %dma_wait3A_102 = arith.constant 0 : i32
        %dma_wait3A_103 = tpu.memref_slice %arg20[%dma_wait3A_101, %dma_wait3A_102] : memref<10000x128xf32, #tpu.memory_space<vmem_shared>> -> memref<16x128xf32, #tpu.memory_space<vmem_shared>>
        %dma_wait3A_104 = arith.constant 9984 : i32
        %dma_wait3A_105 = arith.constant 0 : i32
        %dma_wait3A_106 = tpu.memref_slice %arg20[%dma_wait3A_104, %dma_wait3A_105] : memref<10000x128xf32, #tpu.memory_space<vmem_shared>> -> memref<16x128xf32, #tpu.memory_space<vmem_shared>>
        %dma_wait3A_107 = arith.constant 0 : i32
        %dma_wait3A_108 = arith.constant 0 : i32
        %dma_wait3A_109 = tpu.memref_slice %arg16[%dma_wait3A_107, %dma_wait3A_108] : memref<96x128xf32, #tpu.memory_space<vmem>> -> memref<16x128xf32, #tpu.memory_space<vmem>>
        tpu.wait_dma2 semaphore(%run_scoped3A : memref<!tpu.dma_semaphore, #tpu.memory_space<semaphore_mem>>) src(%dma_wait3A_109 : memref<16x128xf32, #tpu.memory_space<vmem>>) dst(%dma_wait3A_106 : memref<16x128xf32, #tpu.memory_space<vmem_shared>>)
        tpu.yield
      }) : () -> ()
    } else {
    }
    %barrier3A = arith.constant 0 : index
    tpu.barrier barrier_id(%barrier3A)
    %add3A_38 = arith.constant 0 : i32
    %add3A_39 = arith.addi %mul3A_2, %add3A_38 : i32
    "tpu.region"() ({
      %run_scoped3A = tpu.sem_alloc : memref<!tpu.dma_semaphore, #tpu.memory_space<semaphore_mem>>
      %dma_start3A_86 = tpu.memref_slice %arg3[%add3A_39] : memref<320000xi32, #tpu.memory_space<hbm>> -> memref<96xi32, #tpu.memory_space<hbm>>
      %dma_start3A_87 = tpu.memref_slice %arg3[%add3A_39] : memref<320000xi32, #tpu.memory_space<hbm>> -> memref<96xi32, #tpu.memory_space<hbm>>
      tpu.enqueue_dma source(%dma_start3A_87 : memref<96xi32, #tpu.memory_space<hbm>>) target(%arg6 : memref<96xi32, #tpu.memory_space<vmem>>) target_semaphore(%run_scoped3A : memref<!tpu.dma_semaphore, #tpu.memory_space<semaphore_mem>>)
      %dma_wait3A_88 = tpu.memref_slice %arg3[%add3A_39] : memref<320000xi32, #tpu.memory_space<hbm>> -> memref<96xi32, #tpu.memory_space<hbm>>
      %dma_wait3A_89 = tpu.memref_slice %arg3[%add3A_39] : memref<320000xi32, #tpu.memory_space<hbm>> -> memref<96xi32, #tpu.memory_space<hbm>>
      tpu.wait_dma2 semaphore(%run_scoped3A : memref<!tpu.dma_semaphore, #tpu.memory_space<semaphore_mem>>) src(%dma_wait3A_89 : memref<96xi32, #tpu.memory_space<hbm>>) dst(%arg6 : memref<96xi32, #tpu.memory_space<vmem>>)
      tpu.yield
    }) : () -> ()
    "tpu.region"() ({
      %run_scoped3A = tpu.sem_alloc : memref<!tpu.dma_semaphore, #tpu.memory_space<semaphore_mem>>
      %dma_start3A_86 = tpu.memref_slice %arg4[%add3A_39] : memref<320000xi32, #tpu.memory_space<hbm>> -> memref<96xi32, #tpu.memory_space<hbm>>
      %dma_start3A_87 = tpu.memref_slice %arg4[%add3A_39] : memref<320000xi32, #tpu.memory_space<hbm>> -> memref<96xi32, #tpu.memory_space<hbm>>
      tpu.enqueue_dma source(%dma_start3A_87 : memref<96xi32, #tpu.memory_space<hbm>>) target(%arg10 : memref<96xi32, #tpu.memory_space<vmem>>) target_semaphore(%run_scoped3A : memref<!tpu.dma_semaphore, #tpu.memory_space<semaphore_mem>>)
      %dma_wait3A_88 = tpu.memref_slice %arg4[%add3A_39] : memref<320000xi32, #tpu.memory_space<hbm>> -> memref<96xi32, #tpu.memory_space<hbm>>
      %dma_wait3A_89 = tpu.memref_slice %arg4[%add3A_39] : memref<320000xi32, #tpu.memory_space<hbm>> -> memref<96xi32, #tpu.memory_space<hbm>>
      tpu.wait_dma2 semaphore(%run_scoped3A : memref<!tpu.dma_semaphore, #tpu.memory_space<semaphore_mem>>) src(%dma_wait3A_89 : memref<96xi32, #tpu.memory_space<hbm>>) dst(%arg10 : memref<96xi32, #tpu.memory_space<vmem>>)
      tpu.yield
    }) : () -> ()
    %dma_start3A = arith.constant 0 : i32
    %dma_start3A_40 = arith.constant 0 : i32
    %dma_start3A_41 = tpu.memref_slice %arg2[%dma_start3A, %dma_start3A_40] : memref<10000x128xf32, #tpu.memory_space<hbm>> -> memref<10000x128xf32, #tpu.memory_space<hbm>>
    tpu.enqueue_indirect_dma source(%dma_start3A_41 : memref<10000x128xf32, #tpu.memory_space<hbm>>) target(%arg16 : memref<96x128xf32, #tpu.memory_space<vmem>>) offsets(%arg6 : memref<96xi32, #tpu.memory_space<vmem>>) semaphore(%arg21 : memref<!tpu.dma_semaphore, #tpu.memory_space<semaphore_mem>>)
    %add3A_42 = arith.constant 96 : i32
    %add3A_43 = arith.addi %mul3A_2, %add3A_42 : i32
    "tpu.region"() ({
      %run_scoped3A = tpu.sem_alloc : memref<!tpu.dma_semaphore, #tpu.memory_space<semaphore_mem>>
      %dma_start3A_86 = tpu.memref_slice %arg3[%add3A_43] : memref<320000xi32, #tpu.memory_space<hbm>> -> memref<96xi32, #tpu.memory_space<hbm>>
      %dma_start3A_87 = tpu.memref_slice %arg3[%add3A_43] : memref<320000xi32, #tpu.memory_space<hbm>> -> memref<96xi32, #tpu.memory_space<hbm>>
      tpu.enqueue_dma source(%dma_start3A_87 : memref<96xi32, #tpu.memory_space<hbm>>) target(%arg7 : memref<96xi32, #tpu.memory_space<vmem>>) target_semaphore(%run_scoped3A : memref<!tpu.dma_semaphore, #tpu.memory_space<semaphore_mem>>)
      %dma_wait3A_88 = tpu.memref_slice %arg3[%add3A_43] : memref<320000xi32, #tpu.memory_space<hbm>> -> memref<96xi32, #tpu.memory_space<hbm>>
      %dma_wait3A_89 = tpu.memref_slice %arg3[%add3A_43] : memref<320000xi32, #tpu.memory_space<hbm>> -> memref<96xi32, #tpu.memory_space<hbm>>
      tpu.wait_dma2 semaphore(%run_scoped3A : memref<!tpu.dma_semaphore, #tpu.memory_space<semaphore_mem>>) src(%dma_wait3A_89 : memref<96xi32, #tpu.memory_space<hbm>>) dst(%arg7 : memref<96xi32, #tpu.memory_space<vmem>>)
      tpu.yield
    }) : () -> ()
    "tpu.region"() ({
      %run_scoped3A = tpu.sem_alloc : memref<!tpu.dma_semaphore, #tpu.memory_space<semaphore_mem>>
      %dma_start3A_86 = tpu.memref_slice %arg4[%add3A_43] : memref<320000xi32, #tpu.memory_space<hbm>> -> memref<96xi32, #tpu.memory_space<hbm>>
      %dma_start3A_87 = tpu.memref_slice %arg4[%add3A_43] : memref<320000xi32, #tpu.memory_space<hbm>> -> memref<96xi32, #tpu.memory_space<hbm>>
      tpu.enqueue_dma source(%dma_start3A_87 : memref<96xi32, #tpu.memory_space<hbm>>) target(%arg11 : memref<96xi32, #tpu.memory_space<vmem>>) target_semaphore(%run_scoped3A : memref<!tpu.dma_semaphore, #tpu.memory_space<semaphore_mem>>)
      %dma_wait3A_88 = tpu.memref_slice %arg4[%add3A_43] : memref<320000xi32, #tpu.memory_space<hbm>> -> memref<96xi32, #tpu.memory_space<hbm>>
      %dma_wait3A_89 = tpu.memref_slice %arg4[%add3A_43] : memref<320000xi32, #tpu.memory_space<hbm>> -> memref<96xi32, #tpu.memory_space<hbm>>
      tpu.wait_dma2 semaphore(%run_scoped3A : memref<!tpu.dma_semaphore, #tpu.memory_space<semaphore_mem>>) src(%dma_wait3A_89 : memref<96xi32, #tpu.memory_space<hbm>>) dst(%arg11 : memref<96xi32, #tpu.memory_space<vmem>>)
      tpu.yield
    }) : () -> ()
    %dma_start3A_44 = arith.constant 0 : i32
    %dma_start3A_45 = arith.constant 0 : i32
    %dma_start3A_46 = tpu.memref_slice %arg2[%dma_start3A_44, %dma_start3A_45] : memref<10000x128xf32, #tpu.memory_space<hbm>> -> memref<10000x128xf32, #tpu.memory_space<hbm>>
    tpu.enqueue_indirect_dma source(%dma_start3A_46 : memref<10000x128xf32, #tpu.memory_space<hbm>>) target(%arg17 : memref<96x128xf32, #tpu.memory_space<vmem>>) offsets(%arg7 : memref<96xi32, #tpu.memory_space<vmem>>) semaphore(%arg22 : memref<!tpu.dma_semaphore, #tpu.memory_space<semaphore_mem>>)
    %add3A_47 = arith.constant 192 : i32
    %add3A_48 = arith.addi %mul3A_2, %add3A_47 : i32
    "tpu.region"() ({
      %run_scoped3A = tpu.sem_alloc : memref<!tpu.dma_semaphore, #tpu.memory_space<semaphore_mem>>
      %dma_start3A_86 = tpu.memref_slice %arg3[%add3A_48] : memref<320000xi32, #tpu.memory_space<hbm>> -> memref<96xi32, #tpu.memory_space<hbm>>
      %dma_start3A_87 = tpu.memref_slice %arg3[%add3A_48] : memref<320000xi32, #tpu.memory_space<hbm>> -> memref<96xi32, #tpu.memory_space<hbm>>
      tpu.enqueue_dma source(%dma_start3A_87 : memref<96xi32, #tpu.memory_space<hbm>>) target(%arg8 : memref<96xi32, #tpu.memory_space<vmem>>) target_semaphore(%run_scoped3A : memref<!tpu.dma_semaphore, #tpu.memory_space<semaphore_mem>>)
      %dma_wait3A_88 = tpu.memref_slice %arg3[%add3A_48] : memref<320000xi32, #tpu.memory_space<hbm>> -> memref<96xi32, #tpu.memory_space<hbm>>
      %dma_wait3A_89 = tpu.memref_slice %arg3[%add3A_48] : memref<320000xi32, #tpu.memory_space<hbm>> -> memref<96xi32, #tpu.memory_space<hbm>>
      tpu.wait_dma2 semaphore(%run_scoped3A : memref<!tpu.dma_semaphore, #tpu.memory_space<semaphore_mem>>) src(%dma_wait3A_89 : memref<96xi32, #tpu.memory_space<hbm>>) dst(%arg8 : memref<96xi32, #tpu.memory_space<vmem>>)
      tpu.yield
    }) : () -> ()
    "tpu.region"() ({
      %run_scoped3A = tpu.sem_alloc : memref<!tpu.dma_semaphore, #tpu.memory_space<semaphore_mem>>
      %dma_start3A_86 = tpu.memref_slice %arg4[%add3A_48] : memref<320000xi32, #tpu.memory_space<hbm>> -> memref<96xi32, #tpu.memory_space<hbm>>
      %dma_start3A_87 = tpu.memref_slice %arg4[%add3A_48] : memref<320000xi32, #tpu.memory_space<hbm>> -> memref<96xi32, #tpu.memory_space<hbm>>
      tpu.enqueue_dma source(%dma_start3A_87 : memref<96xi32, #tpu.memory_space<hbm>>) target(%arg12 : memref<96xi32, #tpu.memory_space<vmem>>) target_semaphore(%run_scoped3A : memref<!tpu.dma_semaphore, #tpu.memory_space<semaphore_mem>>)
      %dma_wait3A_88 = tpu.memref_slice %arg4[%add3A_48] : memref<320000xi32, #tpu.memory_space<hbm>> -> memref<96xi32, #tpu.memory_space<hbm>>
      %dma_wait3A_89 = tpu.memref_slice %arg4[%add3A_48] : memref<320000xi32, #tpu.memory_space<hbm>> -> memref<96xi32, #tpu.memory_space<hbm>>
      tpu.wait_dma2 semaphore(%run_scoped3A : memref<!tpu.dma_semaphore, #tpu.memory_space<semaphore_mem>>) src(%dma_wait3A_89 : memref<96xi32, #tpu.memory_space<hbm>>) dst(%arg12 : memref<96xi32, #tpu.memory_space<vmem>>)
      tpu.yield
    }) : () -> ()
    %dma_start3A_49 = arith.constant 0 : i32
    %dma_start3A_50 = arith.constant 0 : i32
    %dma_start3A_51 = tpu.memref_slice %arg2[%dma_start3A_49, %dma_start3A_50] : memref<10000x128xf32, #tpu.memory_space<hbm>> -> memref<10000x128xf32, #tpu.memory_space<hbm>>
    tpu.enqueue_indirect_dma source(%dma_start3A_51 : memref<10000x128xf32, #tpu.memory_space<hbm>>) target(%arg18 : memref<96x128xf32, #tpu.memory_space<vmem>>) offsets(%arg8 : memref<96xi32, #tpu.memory_space<vmem>>) semaphore(%arg23 : memref<!tpu.dma_semaphore, #tpu.memory_space<semaphore_mem>>)
    %add3A_52 = arith.constant 288 : i32
    %add3A_53 = arith.addi %mul3A_2, %add3A_52 : i32
    "tpu.region"() ({
      %run_scoped3A = tpu.sem_alloc : memref<!tpu.dma_semaphore, #tpu.memory_space<semaphore_mem>>
      %dma_start3A_86 = tpu.memref_slice %arg3[%add3A_53] : memref<320000xi32, #tpu.memory_space<hbm>> -> memref<96xi32, #tpu.memory_space<hbm>>
      %dma_start3A_87 = tpu.memref_slice %arg3[%add3A_53] : memref<320000xi32, #tpu.memory_space<hbm>> -> memref<96xi32, #tpu.memory_space<hbm>>
      tpu.enqueue_dma source(%dma_start3A_87 : memref<96xi32, #tpu.memory_space<hbm>>) target(%arg9 : memref<96xi32, #tpu.memory_space<vmem>>) target_semaphore(%run_scoped3A : memref<!tpu.dma_semaphore, #tpu.memory_space<semaphore_mem>>)
      %dma_wait3A_88 = tpu.memref_slice %arg3[%add3A_53] : memref<320000xi32, #tpu.memory_space<hbm>> -> memref<96xi32, #tpu.memory_space<hbm>>
      %dma_wait3A_89 = tpu.memref_slice %arg3[%add3A_53] : memref<320000xi32, #tpu.memory_space<hbm>> -> memref<96xi32, #tpu.memory_space<hbm>>
      tpu.wait_dma2 semaphore(%run_scoped3A : memref<!tpu.dma_semaphore, #tpu.memory_space<semaphore_mem>>) src(%dma_wait3A_89 : memref<96xi32, #tpu.memory_space<hbm>>) dst(%arg9 : memref<96xi32, #tpu.memory_space<vmem>>)
      tpu.yield
    }) : () -> ()
    "tpu.region"() ({
      %run_scoped3A = tpu.sem_alloc : memref<!tpu.dma_semaphore, #tpu.memory_space<semaphore_mem>>
      %dma_start3A_86 = tpu.memref_slice %arg4[%add3A_53] : memref<320000xi32, #tpu.memory_space<hbm>> -> memref<96xi32, #tpu.memory_space<hbm>>
      %dma_start3A_87 = tpu.memref_slice %arg4[%add3A_53] : memref<320000xi32, #tpu.memory_space<hbm>> -> memref<96xi32, #tpu.memory_space<hbm>>
      tpu.enqueue_dma source(%dma_start3A_87 : memref<96xi32, #tpu.memory_space<hbm>>) target(%arg13 : memref<96xi32, #tpu.memory_space<vmem>>) target_semaphore(%run_scoped3A : memref<!tpu.dma_semaphore, #tpu.memory_space<semaphore_mem>>)
      %dma_wait3A_88 = tpu.memref_slice %arg4[%add3A_53] : memref<320000xi32, #tpu.memory_space<hbm>> -> memref<96xi32, #tpu.memory_space<hbm>>
      %dma_wait3A_89 = tpu.memref_slice %arg4[%add3A_53] : memref<320000xi32, #tpu.memory_space<hbm>> -> memref<96xi32, #tpu.memory_space<hbm>>
      tpu.wait_dma2 semaphore(%run_scoped3A : memref<!tpu.dma_semaphore, #tpu.memory_space<semaphore_mem>>) src(%dma_wait3A_89 : memref<96xi32, #tpu.memory_space<hbm>>) dst(%arg13 : memref<96xi32, #tpu.memory_space<vmem>>)
      tpu.yield
    }) : () -> ()
    %dma_start3A_54 = arith.constant 0 : i32
    %dma_start3A_55 = arith.constant 0 : i32
    %dma_start3A_56 = tpu.memref_slice %arg2[%dma_start3A_54, %dma_start3A_55] : memref<10000x128xf32, #tpu.memory_space<hbm>> -> memref<10000x128xf32, #tpu.memory_space<hbm>>
    tpu.enqueue_indirect_dma source(%dma_start3A_56 : memref<10000x128xf32, #tpu.memory_space<hbm>>) target(%arg19 : memref<96x128xf32, #tpu.memory_space<vmem>>) offsets(%arg9 : memref<96xi32, #tpu.memory_space<vmem>>) semaphore(%arg24 : memref<!tpu.dma_semaphore, #tpu.memory_space<semaphore_mem>>)
    %scan3A_57 = arith.constant 0 : i32
    %scan3A_58 = arith.constant 0 : i32
    %scan3A_59 = arith.constant 26 : i32
    %scan3A_60 = arith.addi %scan3A_58, %scan3A_59 : i32
    %scan3A_61 = arith.constant 1 : i32
    scf.for %scan3A_86 = %scan3A_58 to %scan3A_60 step %scan3A_61  : i32 {
      %dma_wait3A_87 = arith.constant 0 : i32
      %dma_wait3A_88 = arith.constant 0 : i32
      %dma_wait3A_89 = tpu.memref_slice %arg2[%dma_wait3A_87, %dma_wait3A_88] : memref<10000x128xf32, #tpu.memory_space<hbm>> -> memref<10000x128xf32, #tpu.memory_space<hbm>>
      tpu.wait_indirect_dma semaphore(%arg21 : memref<!tpu.dma_semaphore, #tpu.memory_space<semaphore_mem>>) src(%dma_wait3A_89 : memref<10000x128xf32, #tpu.memory_space<hbm>>) dst(%arg16 : memref<96x128xf32, #tpu.memory_space<vmem>>)
      %dma_start3A_90 = arith.constant 0 : i32
      %dma_start3A_91 = arith.constant 0 : i32
      %dma_start3A_92 = tpu.memref_slice %arg20[%dma_start3A_90, %dma_start3A_91] : memref<10000x128xf32, #tpu.memory_space<vmem_shared>> -> memref<10000x128xf32, #tpu.memory_space<vmem_shared>>
      tpu.enqueue_indirect_dma source(%arg16 : memref<96x128xf32, #tpu.memory_space<vmem>>) target(%dma_start3A_92 : memref<10000x128xf32, #tpu.memory_space<vmem_shared>>) offsets(%arg10 : memref<96xi32, #tpu.memory_space<vmem>>) semaphore(%arg25 : memref<!tpu.dma_semaphore, #tpu.memory_space<semaphore_mem>>) {add = true}
      %dma_wait3A_93 = arith.constant 0 : i32
      %dma_wait3A_94 = arith.constant 0 : i32
      %dma_wait3A_95 = tpu.memref_slice %arg2[%dma_wait3A_93, %dma_wait3A_94] : memref<10000x128xf32, #tpu.memory_space<hbm>> -> memref<10000x128xf32, #tpu.memory_space<hbm>>
      tpu.wait_indirect_dma semaphore(%arg22 : memref<!tpu.dma_semaphore, #tpu.memory_space<semaphore_mem>>) src(%dma_wait3A_95 : memref<10000x128xf32, #tpu.memory_space<hbm>>) dst(%arg17 : memref<96x128xf32, #tpu.memory_space<vmem>>)
      %dma_start3A_96 = arith.constant 0 : i32
      %dma_start3A_97 = arith.constant 0 : i32
      %dma_start3A_98 = tpu.memref_slice %arg20[%dma_start3A_96, %dma_start3A_97] : memref<10000x128xf32, #tpu.memory_space<vmem_shared>> -> memref<10000x128xf32, #tpu.memory_space<vmem_shared>>
      tpu.enqueue_indirect_dma source(%arg17 : memref<96x128xf32, #tpu.memory_space<vmem>>) target(%dma_start3A_98 : memref<10000x128xf32, #tpu.memory_space<vmem_shared>>) offsets(%arg11 : memref<96xi32, #tpu.memory_space<vmem>>) semaphore(%arg26 : memref<!tpu.dma_semaphore, #tpu.memory_space<semaphore_mem>>) {add = true}
      %dma_wait3A_99 = arith.constant 0 : i32
      %dma_wait3A_100 = arith.constant 0 : i32
      %dma_wait3A_101 = tpu.memref_slice %arg2[%dma_wait3A_99, %dma_wait3A_100] : memref<10000x128xf32, #tpu.memory_space<hbm>> -> memref<10000x128xf32, #tpu.memory_space<hbm>>
      tpu.wait_indirect_dma semaphore(%arg23 : memref<!tpu.dma_semaphore, #tpu.memory_space<semaphore_mem>>) src(%dma_wait3A_101 : memref<10000x128xf32, #tpu.memory_space<hbm>>) dst(%arg18 : memref<96x128xf32, #tpu.memory_space<vmem>>)
      %dma_start3A_102 = arith.constant 0 : i32
      %dma_start3A_103 = arith.constant 0 : i32
      %dma_start3A_104 = tpu.memref_slice %arg20[%dma_start3A_102, %dma_start3A_103] : memref<10000x128xf32, #tpu.memory_space<vmem_shared>> -> memref<10000x128xf32, #tpu.memory_space<vmem_shared>>
      tpu.enqueue_indirect_dma source(%arg18 : memref<96x128xf32, #tpu.memory_space<vmem>>) target(%dma_start3A_104 : memref<10000x128xf32, #tpu.memory_space<vmem_shared>>) offsets(%arg12 : memref<96xi32, #tpu.memory_space<vmem>>) semaphore(%arg27 : memref<!tpu.dma_semaphore, #tpu.memory_space<semaphore_mem>>) {add = true}
      %dma_wait3A_105 = arith.constant 0 : i32
      %dma_wait3A_106 = arith.constant 0 : i32
      %dma_wait3A_107 = tpu.memref_slice %arg2[%dma_wait3A_105, %dma_wait3A_106] : memref<10000x128xf32, #tpu.memory_space<hbm>> -> memref<10000x128xf32, #tpu.memory_space<hbm>>
      tpu.wait_indirect_dma semaphore(%arg24 : memref<!tpu.dma_semaphore, #tpu.memory_space<semaphore_mem>>) src(%dma_wait3A_107 : memref<10000x128xf32, #tpu.memory_space<hbm>>) dst(%arg19 : memref<96x128xf32, #tpu.memory_space<vmem>>)
      %dma_start3A_108 = arith.constant 0 : i32
      %dma_start3A_109 = arith.constant 0 : i32
      %dma_start3A_110 = tpu.memref_slice %arg20[%dma_start3A_108, %dma_start3A_109] : memref<10000x128xf32, #tpu.memory_space<vmem_shared>> -> memref<10000x128xf32, #tpu.memory_space<vmem_shared>>
      tpu.enqueue_indirect_dma source(%arg19 : memref<96x128xf32, #tpu.memory_space<vmem>>) target(%dma_start3A_110 : memref<10000x128xf32, #tpu.memory_space<vmem_shared>>) offsets(%arg13 : memref<96xi32, #tpu.memory_space<vmem>>) semaphore(%arg28 : memref<!tpu.dma_semaphore, #tpu.memory_space<semaphore_mem>>) {add = true}
      %dma_wait3A_111 = arith.constant 0 : i32
      %dma_wait3A_112 = arith.constant 0 : i32
      %dma_wait3A_113 = tpu.memref_slice %arg20[%dma_wait3A_111, %dma_wait3A_112] : memref<10000x128xf32, #tpu.memory_space<vmem_shared>> -> memref<10000x128xf32, #tpu.memory_space<vmem_shared>>
      tpu.wait_indirect_dma semaphore(%arg25 : memref<!tpu.dma_semaphore, #tpu.memory_space<semaphore_mem>>) src(%arg16 : memref<96x128xf32, #tpu.memory_space<vmem>>) dst(%dma_wait3A_113 : memref<10000x128xf32, #tpu.memory_space<vmem_shared>>)
      %lt3A_114 = arith.constant 25 : i32
      %lt3A_115 = arith.cmpi slt, %scan3A_86, %lt3A_114 : i32
      %convert_element_type3A_116 = arith.extui %lt3A_115 : i1 to i32
      %cond3A_117 = arith.constant 0 : i32
      %cond3A_118 = arith.cmpi ne, %convert_element_type3A_116, %cond3A_117 : i32
      scf.if %cond3A_118 {
        %add3A_143 = arith.constant 1 : i32
        %add3A_144 = arith.addi %scan3A_86, %add3A_143 : i32
        %mul3A_145 = arith.constant 4 : i32
        %mul3A_146 = arith.muli %add3A_144, %mul3A_145 : i32
        %add3A_147 = arith.constant 0 : i32
        %add3A_148 = arith.addi %mul3A_146, %add3A_147 : i32
        %mul3A_149 = arith.constant 96 : i32
        %mul3A_150 = arith.muli %add3A_148, %mul3A_149 : i32
        %add3A_151 = arith.addi %mul3A_2, %mul3A_150 : i32
        "tpu.region"() ({
          %run_scoped3A = tpu.sem_alloc : memref<!tpu.dma_semaphore, #tpu.memory_space<semaphore_mem>>
          %dma_start3A_155 = tpu.memref_slice %arg3[%add3A_151] : memref<320000xi32, #tpu.memory_space<hbm>> -> memref<96xi32, #tpu.memory_space<hbm>>
          %dma_start3A_156 = tpu.memref_slice %arg3[%add3A_151] : memref<320000xi32, #tpu.memory_space<hbm>> -> memref<96xi32, #tpu.memory_space<hbm>>
          tpu.enqueue_dma source(%dma_start3A_156 : memref<96xi32, #tpu.memory_space<hbm>>) target(%arg6 : memref<96xi32, #tpu.memory_space<vmem>>) target_semaphore(%run_scoped3A : memref<!tpu.dma_semaphore, #tpu.memory_space<semaphore_mem>>)
          %dma_wait3A_157 = tpu.memref_slice %arg3[%add3A_151] : memref<320000xi32, #tpu.memory_space<hbm>> -> memref<96xi32, #tpu.memory_space<hbm>>
          %dma_wait3A_158 = tpu.memref_slice %arg3[%add3A_151] : memref<320000xi32, #tpu.memory_space<hbm>> -> memref<96xi32, #tpu.memory_space<hbm>>
          tpu.wait_dma2 semaphore(%run_scoped3A : memref<!tpu.dma_semaphore, #tpu.memory_space<semaphore_mem>>) src(%dma_wait3A_158 : memref<96xi32, #tpu.memory_space<hbm>>) dst(%arg6 : memref<96xi32, #tpu.memory_space<vmem>>)
          tpu.yield
        }) : () -> ()
        "tpu.region"() ({
          %run_scoped3A = tpu.sem_alloc : memref<!tpu.dma_semaphore, #tpu.memory_space<semaphore_mem>>
          %dma_start3A_155 = tpu.memref_slice %arg4[%add3A_151] : memref<320000xi32, #tpu.memory_space<hbm>> -> memref<96xi32, #tpu.memory_space<hbm>>
          %dma_start3A_156 = tpu.memref_slice %arg4[%add3A_151] : memref<320000xi32, #tpu.memory_space<hbm>> -> memref<96xi32, #tpu.memory_space<hbm>>
          tpu.enqueue_dma source(%dma_start3A_156 : memref<96xi32, #tpu.memory_space<hbm>>) target(%arg10 : memref<96xi32, #tpu.memory_space<vmem>>) target_semaphore(%run_scoped3A : memref<!tpu.dma_semaphore, #tpu.memory_space<semaphore_mem>>)
          %dma_wait3A_157 = tpu.memref_slice %arg4[%add3A_151] : memref<320000xi32, #tpu.memory_space<hbm>> -> memref<96xi32, #tpu.memory_space<hbm>>
          %dma_wait3A_158 = tpu.memref_slice %arg4[%add3A_151] : memref<320000xi32, #tpu.memory_space<hbm>> -> memref<96xi32, #tpu.memory_space<hbm>>
          tpu.wait_dma2 semaphore(%run_scoped3A : memref<!tpu.dma_semaphore, #tpu.memory_space<semaphore_mem>>) src(%dma_wait3A_158 : memref<96xi32, #tpu.memory_space<hbm>>) dst(%arg10 : memref<96xi32, #tpu.memory_space<vmem>>)
          tpu.yield
        }) : () -> ()
        %dma_start3A_152 = arith.constant 0 : i32
        %dma_start3A_153 = arith.constant 0 : i32
        %dma_start3A_154 = tpu.memref_slice %arg2[%dma_start3A_152, %dma_start3A_153] : memref<10000x128xf32, #tpu.memory_space<hbm>> -> memref<10000x128xf32, #tpu.memory_space<hbm>>
        tpu.enqueue_indirect_dma source(%dma_start3A_154 : memref<10000x128xf32, #tpu.memory_space<hbm>>) target(%arg16 : memref<96x128xf32, #tpu.memory_space<vmem>>) offsets(%arg6 : memref<96xi32, #tpu.memory_space<vmem>>) semaphore(%arg21 : memref<!tpu.dma_semaphore, #tpu.memory_space<semaphore_mem>>)
      } else {
      }
      %dma_wait3A_119 = arith.constant 0 : i32
      %dma_wait3A_120 = arith.constant 0 : i32
      %dma_wait3A_121 = tpu.memref_slice %arg20[%dma_wait3A_119, %dma_wait3A_120] : memref<10000x128xf32, #tpu.memory_space<vmem_shared>> -> memref<10000x128xf32, #tpu.memory_space<vmem_shared>>
      tpu.wait_indirect_dma semaphore(%arg26 : memref<!tpu.dma_semaphore, #tpu.memory_space<semaphore_mem>>) src(%arg17 : memref<96x128xf32, #tpu.memory_space<vmem>>) dst(%dma_wait3A_121 : memref<10000x128xf32, #tpu.memory_space<vmem_shared>>)
      %lt3A_122 = arith.constant 25 : i32
      %lt3A_123 = arith.cmpi slt, %scan3A_86, %lt3A_122 : i32
      %convert_element_type3A_124 = arith.extui %lt3A_123 : i1 to i32
      %cond3A_125 = arith.constant 0 : i32
      %cond3A_126 = arith.cmpi ne, %convert_element_type3A_124, %cond3A_125 : i32
      scf.if %cond3A_126 {
        %add3A_143 = arith.constant 1 : i32
        %add3A_144 = arith.addi %scan3A_86, %add3A_143 : i32
        %mul3A_145 = arith.constant 4 : i32
        %mul3A_146 = arith.muli %add3A_144, %mul3A_145 : i32
        %add3A_147 = arith.constant 1 : i32
        %add3A_148 = arith.addi %mul3A_146, %add3A_147 : i32
        %mul3A_149 = arith.constant 96 : i32
        %mul3A_150 = arith.muli %add3A_148, %mul3A_149 : i32
        %add3A_151 = arith.addi %mul3A_2, %mul3A_150 : i32
        "tpu.region"() ({
          %run_scoped3A = tpu.sem_alloc : memref<!tpu.dma_semaphore, #tpu.memory_space<semaphore_mem>>
          %dma_start3A_155 = tpu.memref_slice %arg3[%add3A_151] : memref<320000xi32, #tpu.memory_space<hbm>> -> memref<96xi32, #tpu.memory_space<hbm>>
          %dma_start3A_156 = tpu.memref_slice %arg3[%add3A_151] : memref<320000xi32, #tpu.memory_space<hbm>> -> memref<96xi32, #tpu.memory_space<hbm>>
          tpu.enqueue_dma source(%dma_start3A_156 : memref<96xi32, #tpu.memory_space<hbm>>) target(%arg7 : memref<96xi32, #tpu.memory_space<vmem>>) target_semaphore(%run_scoped3A : memref<!tpu.dma_semaphore, #tpu.memory_space<semaphore_mem>>)
          %dma_wait3A_157 = tpu.memref_slice %arg3[%add3A_151] : memref<320000xi32, #tpu.memory_space<hbm>> -> memref<96xi32, #tpu.memory_space<hbm>>
          %dma_wait3A_158 = tpu.memref_slice %arg3[%add3A_151] : memref<320000xi32, #tpu.memory_space<hbm>> -> memref<96xi32, #tpu.memory_space<hbm>>
          tpu.wait_dma2 semaphore(%run_scoped3A : memref<!tpu.dma_semaphore, #tpu.memory_space<semaphore_mem>>) src(%dma_wait3A_158 : memref<96xi32, #tpu.memory_space<hbm>>) dst(%arg7 : memref<96xi32, #tpu.memory_space<vmem>>)
          tpu.yield
        }) : () -> ()
        "tpu.region"() ({
          %run_scoped3A = tpu.sem_alloc : memref<!tpu.dma_semaphore, #tpu.memory_space<semaphore_mem>>
          %dma_start3A_155 = tpu.memref_slice %arg4[%add3A_151] : memref<320000xi32, #tpu.memory_space<hbm>> -> memref<96xi32, #tpu.memory_space<hbm>>
          %dma_start3A_156 = tpu.memref_slice %arg4[%add3A_151] : memref<320000xi32, #tpu.memory_space<hbm>> -> memref<96xi32, #tpu.memory_space<hbm>>
          tpu.enqueue_dma source(%dma_start3A_156 : memref<96xi32, #tpu.memory_space<hbm>>) target(%arg11 : memref<96xi32, #tpu.memory_space<vmem>>) target_semaphore(%run_scoped3A : memref<!tpu.dma_semaphore, #tpu.memory_space<semaphore_mem>>)
          %dma_wait3A_157 = tpu.memref_slice %arg4[%add3A_151] : memref<320000xi32, #tpu.memory_space<hbm>> -> memref<96xi32, #tpu.memory_space<hbm>>
          %dma_wait3A_158 = tpu.memref_slice %arg4[%add3A_151] : memref<320000xi32, #tpu.memory_space<hbm>> -> memref<96xi32, #tpu.memory_space<hbm>>
          tpu.wait_dma2 semaphore(%run_scoped3A : memref<!tpu.dma_semaphore, #tpu.memory_space<semaphore_mem>>) src(%dma_wait3A_158 : memref<96xi32, #tpu.memory_space<hbm>>) dst(%arg11 : memref<96xi32, #tpu.memory_space<vmem>>)
          tpu.yield
        }) : () -> ()
        %dma_start3A_152 = arith.constant 0 : i32
        %dma_start3A_153 = arith.constant 0 : i32
        %dma_start3A_154 = tpu.memref_slice %arg2[%dma_start3A_152, %dma_start3A_153] : memref<10000x128xf32, #tpu.memory_space<hbm>> -> memref<10000x128xf32, #tpu.memory_space<hbm>>
        tpu.enqueue_indirect_dma source(%dma_start3A_154 : memref<10000x128xf32, #tpu.memory_space<hbm>>) target(%arg17 : memref<96x128xf32, #tpu.memory_space<vmem>>) offsets(%arg7 : memref<96xi32, #tpu.memory_space<vmem>>) semaphore(%arg22 : memref<!tpu.dma_semaphore, #tpu.memory_space<semaphore_mem>>)
      } else {
      }
      %dma_wait3A_127 = arith.constant 0 : i32
      %dma_wait3A_128 = arith.constant 0 : i32
      %dma_wait3A_129 = tpu.memref_slice %arg20[%dma_wait3A_127, %dma_wait3A_128] : memref<10000x128xf32, #tpu.memory_space<vmem_shared>> -> memref<10000x128xf32, #tpu.memory_space<vmem_shared>>
      tpu.wait_indirect_dma semaphore(%arg27 : memref<!tpu.dma_semaphore, #tpu.memory_space<semaphore_mem>>) src(%arg18 : memref<96x128xf32, #tpu.memory_space<vmem>>) dst(%dma_wait3A_129 : memref<10000x128xf32, #tpu.memory_space<vmem_shared>>)
      %lt3A_130 = arith.constant 25 : i32
      %lt3A_131 = arith.cmpi slt, %scan3A_86, %lt3A_130 : i32
      %convert_element_type3A_132 = arith.extui %lt3A_131 : i1 to i32
      %cond3A_133 = arith.constant 0 : i32
      %cond3A_134 = arith.cmpi ne, %convert_element_type3A_132, %cond3A_133 : i32
      scf.if %cond3A_134 {
        %add3A_143 = arith.constant 1 : i32
        %add3A_144 = arith.addi %scan3A_86, %add3A_143 : i32
        %mul3A_145 = arith.constant 4 : i32
        %mul3A_146 = arith.muli %add3A_144, %mul3A_145 : i32
        %add3A_147 = arith.constant 2 : i32
        %add3A_148 = arith.addi %mul3A_146, %add3A_147 : i32
        %mul3A_149 = arith.constant 96 : i32
        %mul3A_150 = arith.muli %add3A_148, %mul3A_149 : i32
        %add3A_151 = arith.addi %mul3A_2, %mul3A_150 : i32
        "tpu.region"() ({
          %run_scoped3A = tpu.sem_alloc : memref<!tpu.dma_semaphore, #tpu.memory_space<semaphore_mem>>
          %dma_start3A_155 = tpu.memref_slice %arg3[%add3A_151] : memref<320000xi32, #tpu.memory_space<hbm>> -> memref<96xi32, #tpu.memory_space<hbm>>
          %dma_start3A_156 = tpu.memref_slice %arg3[%add3A_151] : memref<320000xi32, #tpu.memory_space<hbm>> -> memref<96xi32, #tpu.memory_space<hbm>>
          tpu.enqueue_dma source(%dma_start3A_156 : memref<96xi32, #tpu.memory_space<hbm>>) target(%arg8 : memref<96xi32, #tpu.memory_space<vmem>>) target_semaphore(%run_scoped3A : memref<!tpu.dma_semaphore, #tpu.memory_space<semaphore_mem>>)
          %dma_wait3A_157 = tpu.memref_slice %arg3[%add3A_151] : memref<320000xi32, #tpu.memory_space<hbm>> -> memref<96xi32, #tpu.memory_space<hbm>>
          %dma_wait3A_158 = tpu.memref_slice %arg3[%add3A_151] : memref<320000xi32, #tpu.memory_space<hbm>> -> memref<96xi32, #tpu.memory_space<hbm>>
          tpu.wait_dma2 semaphore(%run_scoped3A : memref<!tpu.dma_semaphore, #tpu.memory_space<semaphore_mem>>) src(%dma_wait3A_158 : memref<96xi32, #tpu.memory_space<hbm>>) dst(%arg8 : memref<96xi32, #tpu.memory_space<vmem>>)
          tpu.yield
        }) : () -> ()
        "tpu.region"() ({
          %run_scoped3A = tpu.sem_alloc : memref<!tpu.dma_semaphore, #tpu.memory_space<semaphore_mem>>
          %dma_start3A_155 = tpu.memref_slice %arg4[%add3A_151] : memref<320000xi32, #tpu.memory_space<hbm>> -> memref<96xi32, #tpu.memory_space<hbm>>
          %dma_start3A_156 = tpu.memref_slice %arg4[%add3A_151] : memref<320000xi32, #tpu.memory_space<hbm>> -> memref<96xi32, #tpu.memory_space<hbm>>
          tpu.enqueue_dma source(%dma_start3A_156 : memref<96xi32, #tpu.memory_space<hbm>>) target(%arg12 : memref<96xi32, #tpu.memory_space<vmem>>) target_semaphore(%run_scoped3A : memref<!tpu.dma_semaphore, #tpu.memory_space<semaphore_mem>>)
          %dma_wait3A_157 = tpu.memref_slice %arg4[%add3A_151] : memref<320000xi32, #tpu.memory_space<hbm>> -> memref<96xi32, #tpu.memory_space<hbm>>
          %dma_wait3A_158 = tpu.memref_slice %arg4[%add3A_151] : memref<320000xi32, #tpu.memory_space<hbm>> -> memref<96xi32, #tpu.memory_space<hbm>>
          tpu.wait_dma2 semaphore(%run_scoped3A : memref<!tpu.dma_semaphore, #tpu.memory_space<semaphore_mem>>) src(%dma_wait3A_158 : memref<96xi32, #tpu.memory_space<hbm>>) dst(%arg12 : memref<96xi32, #tpu.memory_space<vmem>>)
          tpu.yield
        }) : () -> ()
        %dma_start3A_152 = arith.constant 0 : i32
        %dma_start3A_153 = arith.constant 0 : i32
        %dma_start3A_154 = tpu.memref_slice %arg2[%dma_start3A_152, %dma_start3A_153] : memref<10000x128xf32, #tpu.memory_space<hbm>> -> memref<10000x128xf32, #tpu.memory_space<hbm>>
        tpu.enqueue_indirect_dma source(%dma_start3A_154 : memref<10000x128xf32, #tpu.memory_space<hbm>>) target(%arg18 : memref<96x128xf32, #tpu.memory_space<vmem>>) offsets(%arg8 : memref<96xi32, #tpu.memory_space<vmem>>) semaphore(%arg23 : memref<!tpu.dma_semaphore, #tpu.memory_space<semaphore_mem>>)
      } else {
      }
      %dma_wait3A_135 = arith.constant 0 : i32
      %dma_wait3A_136 = arith.constant 0 : i32
      %dma_wait3A_137 = tpu.memref_slice %arg20[%dma_wait3A_135, %dma_wait3A_136] : memref<10000x128xf32, #tpu.memory_space<vmem_shared>> -> memref<10000x128xf32, #tpu.memory_space<vmem_shared>>
      tpu.wait_indirect_dma semaphore(%arg28 : memref<!tpu.dma_semaphore, #tpu.memory_space<semaphore_mem>>) src(%arg19 : memref<96x128xf32, #tpu.memory_space<vmem>>) dst(%dma_wait3A_137 : memref<10000x128xf32, #tpu.memory_space<vmem_shared>>)
      %lt3A_138 = arith.constant 25 : i32
      %lt3A_139 = arith.cmpi slt, %scan3A_86, %lt3A_138 : i32
      %convert_element_type3A_140 = arith.extui %lt3A_139 : i1 to i32
      %cond3A_141 = arith.constant 0 : i32
      %cond3A_142 = arith.cmpi ne, %convert_element_type3A_140, %cond3A_141 : i32
      scf.if %cond3A_142 {
        %add3A_143 = arith.constant 1 : i32
        %add3A_144 = arith.addi %scan3A_86, %add3A_143 : i32
        %mul3A_145 = arith.constant 4 : i32
        %mul3A_146 = arith.muli %add3A_144, %mul3A_145 : i32
        %add3A_147 = arith.constant 3 : i32
        %add3A_148 = arith.addi %mul3A_146, %add3A_147 : i32
        %mul3A_149 = arith.constant 96 : i32
        %mul3A_150 = arith.muli %add3A_148, %mul3A_149 : i32
        %add3A_151 = arith.addi %mul3A_2, %mul3A_150 : i32
        "tpu.region"() ({
          %run_scoped3A = tpu.sem_alloc : memref<!tpu.dma_semaphore, #tpu.memory_space<semaphore_mem>>
          %dma_start3A_155 = tpu.memref_slice %arg3[%add3A_151] : memref<320000xi32, #tpu.memory_space<hbm>> -> memref<96xi32, #tpu.memory_space<hbm>>
          %dma_start3A_156 = tpu.memref_slice %arg3[%add3A_151] : memref<320000xi32, #tpu.memory_space<hbm>> -> memref<96xi32, #tpu.memory_space<hbm>>
          tpu.enqueue_dma source(%dma_start3A_156 : memref<96xi32, #tpu.memory_space<hbm>>) target(%arg9 : memref<96xi32, #tpu.memory_space<vmem>>) target_semaphore(%run_scoped3A : memref<!tpu.dma_semaphore, #tpu.memory_space<semaphore_mem>>)
          %dma_wait3A_157 = tpu.memref_slice %arg3[%add3A_151] : memref<320000xi32, #tpu.memory_space<hbm>> -> memref<96xi32, #tpu.memory_space<hbm>>
          %dma_wait3A_158 = tpu.memref_slice %arg3[%add3A_151] : memref<320000xi32, #tpu.memory_space<hbm>> -> memref<96xi32, #tpu.memory_space<hbm>>
          tpu.wait_dma2 semaphore(%run_scoped3A : memref<!tpu.dma_semaphore, #tpu.memory_space<semaphore_mem>>) src(%dma_wait3A_158 : memref<96xi32, #tpu.memory_space<hbm>>) dst(%arg9 : memref<96xi32, #tpu.memory_space<vmem>>)
          tpu.yield
        }) : () -> ()
        "tpu.region"() ({
          %run_scoped3A = tpu.sem_alloc : memref<!tpu.dma_semaphore, #tpu.memory_space<semaphore_mem>>
          %dma_start3A_155 = tpu.memref_slice %arg4[%add3A_151] : memref<320000xi32, #tpu.memory_space<hbm>> -> memref<96xi32, #tpu.memory_space<hbm>>
          %dma_start3A_156 = tpu.memref_slice %arg4[%add3A_151] : memref<320000xi32, #tpu.memory_space<hbm>> -> memref<96xi32, #tpu.memory_space<hbm>>
          tpu.enqueue_dma source(%dma_start3A_156 : memref<96xi32, #tpu.memory_space<hbm>>) target(%arg13 : memref<96xi32, #tpu.memory_space<vmem>>) target_semaphore(%run_scoped3A : memref<!tpu.dma_semaphore, #tpu.memory_space<semaphore_mem>>)
          %dma_wait3A_157 = tpu.memref_slice %arg4[%add3A_151] : memref<320000xi32, #tpu.memory_space<hbm>> -> memref<96xi32, #tpu.memory_space<hbm>>
          %dma_wait3A_158 = tpu.memref_slice %arg4[%add3A_151] : memref<320000xi32, #tpu.memory_space<hbm>> -> memref<96xi32, #tpu.memory_space<hbm>>
          tpu.wait_dma2 semaphore(%run_scoped3A : memref<!tpu.dma_semaphore, #tpu.memory_space<semaphore_mem>>) src(%dma_wait3A_158 : memref<96xi32, #tpu.memory_space<hbm>>) dst(%arg13 : memref<96xi32, #tpu.memory_space<vmem>>)
          tpu.yield
        }) : () -> ()
        %dma_start3A_152 = arith.constant 0 : i32
        %dma_start3A_153 = arith.constant 0 : i32
        %dma_start3A_154 = tpu.memref_slice %arg2[%dma_start3A_152, %dma_start3A_153] : memref<10000x128xf32, #tpu.memory_space<hbm>> -> memref<10000x128xf32, #tpu.memory_space<hbm>>
        tpu.enqueue_indirect_dma source(%dma_start3A_154 : memref<10000x128xf32, #tpu.memory_space<hbm>>) target(%arg19 : memref<96x128xf32, #tpu.memory_space<vmem>>) offsets(%arg9 : memref<96xi32, #tpu.memory_space<vmem>>) semaphore(%arg24 : memref<!tpu.dma_semaphore, #tpu.memory_space<semaphore_mem>>)
      } else {
      }
    }
    %scan3A_62 = arith.constant 26 : i32
    %add3A_63 = arith.constant 9984 : i32
    %add3A_64 = arith.addi %mul3A_2, %add3A_63 : i32
    "tpu.region"() ({
      %run_scoped3A = tpu.sem_alloc : memref<!tpu.dma_semaphore, #tpu.memory_space<semaphore_mem>>
      %dma_start3A_86 = tpu.memref_slice %arg3[%add3A_64] : memref<320000xi32, #tpu.memory_space<hbm>> -> memref<16xi32, #tpu.memory_space<hbm>>
      %dma_start3A_87 = tpu.memref_slice %arg3[%add3A_64] : memref<320000xi32, #tpu.memory_space<hbm>> -> memref<16xi32, #tpu.memory_space<hbm>>
      tpu.enqueue_dma source(%dma_start3A_87 : memref<16xi32, #tpu.memory_space<hbm>>) target(%arg14 : memref<16xi32, #tpu.memory_space<vmem>>) target_semaphore(%run_scoped3A : memref<!tpu.dma_semaphore, #tpu.memory_space<semaphore_mem>>)
      %dma_wait3A_88 = tpu.memref_slice %arg3[%add3A_64] : memref<320000xi32, #tpu.memory_space<hbm>> -> memref<16xi32, #tpu.memory_space<hbm>>
      %dma_wait3A_89 = tpu.memref_slice %arg3[%add3A_64] : memref<320000xi32, #tpu.memory_space<hbm>> -> memref<16xi32, #tpu.memory_space<hbm>>
      tpu.wait_dma2 semaphore(%run_scoped3A : memref<!tpu.dma_semaphore, #tpu.memory_space<semaphore_mem>>) src(%dma_wait3A_89 : memref<16xi32, #tpu.memory_space<hbm>>) dst(%arg14 : memref<16xi32, #tpu.memory_space<vmem>>)
      tpu.yield
    }) : () -> ()
    "tpu.region"() ({
      %run_scoped3A = tpu.sem_alloc : memref<!tpu.dma_semaphore, #tpu.memory_space<semaphore_mem>>
      %dma_start3A_86 = tpu.memref_slice %arg4[%add3A_64] : memref<320000xi32, #tpu.memory_space<hbm>> -> memref<16xi32, #tpu.memory_space<hbm>>
      %dma_start3A_87 = tpu.memref_slice %arg4[%add3A_64] : memref<320000xi32, #tpu.memory_space<hbm>> -> memref<16xi32, #tpu.memory_space<hbm>>
      tpu.enqueue_dma source(%dma_start3A_87 : memref<16xi32, #tpu.memory_space<hbm>>) target(%arg15 : memref<16xi32, #tpu.memory_space<vmem>>) target_semaphore(%run_scoped3A : memref<!tpu.dma_semaphore, #tpu.memory_space<semaphore_mem>>)
      %dma_wait3A_88 = tpu.memref_slice %arg4[%add3A_64] : memref<320000xi32, #tpu.memory_space<hbm>> -> memref<16xi32, #tpu.memory_space<hbm>>
      %dma_wait3A_89 = tpu.memref_slice %arg4[%add3A_64] : memref<320000xi32, #tpu.memory_space<hbm>> -> memref<16xi32, #tpu.memory_space<hbm>>
      tpu.wait_dma2 semaphore(%run_scoped3A : memref<!tpu.dma_semaphore, #tpu.memory_space<semaphore_mem>>) src(%dma_wait3A_89 : memref<16xi32, #tpu.memory_space<hbm>>) dst(%arg15 : memref<16xi32, #tpu.memory_space<vmem>>)
      tpu.yield
    }) : () -> ()
    %dma_start3A_65 = arith.constant 0 : i32
    %dma_start3A_66 = arith.constant 0 : i32
    %dma_start3A_67 = tpu.memref_slice %arg16[%dma_start3A_65, %dma_start3A_66] : memref<96x128xf32, #tpu.memory_space<vmem>> -> memref<16x128xf32, #tpu.memory_space<vmem>>
    %dma_start3A_68 = arith.constant 0 : i32
    %dma_start3A_69 = arith.constant 0 : i32
    %dma_start3A_70 = tpu.memref_slice %arg2[%dma_start3A_68, %dma_start3A_69] : memref<10000x128xf32, #tpu.memory_space<hbm>> -> memref<10000x128xf32, #tpu.memory_space<hbm>>
    tpu.enqueue_indirect_dma source(%dma_start3A_70 : memref<10000x128xf32, #tpu.memory_space<hbm>>) target(%dma_start3A_67 : memref<16x128xf32, #tpu.memory_space<vmem>>) offsets(%arg14 : memref<16xi32, #tpu.memory_space<vmem>>) semaphore(%arg21 : memref<!tpu.dma_semaphore, #tpu.memory_space<semaphore_mem>>)
    %dma_wait3A = arith.constant 0 : i32
    %dma_wait3A_71 = arith.constant 0 : i32
    %dma_wait3A_72 = tpu.memref_slice %arg16[%dma_wait3A, %dma_wait3A_71] : memref<96x128xf32, #tpu.memory_space<vmem>> -> memref<16x128xf32, #tpu.memory_space<vmem>>
    %dma_wait3A_73 = arith.constant 0 : i32
    %dma_wait3A_74 = arith.constant 0 : i32
    %dma_wait3A_75 = tpu.memref_slice %arg2[%dma_wait3A_73, %dma_wait3A_74] : memref<10000x128xf32, #tpu.memory_space<hbm>> -> memref<10000x128xf32, #tpu.memory_space<hbm>>
    tpu.wait_indirect_dma semaphore(%arg21 : memref<!tpu.dma_semaphore, #tpu.memory_space<semaphore_mem>>) src(%dma_wait3A_75 : memref<10000x128xf32, #tpu.memory_space<hbm>>) dst(%dma_wait3A_72 : memref<16x128xf32, #tpu.memory_space<vmem>>)
    "tpu.region"() ({
      %run_scoped3A = tpu.sem_alloc : memref<!tpu.dma_semaphore, #tpu.memory_space<semaphore_mem>>
      %dma_start3A_86 = arith.constant 0 : i32
      %dma_start3A_87 = arith.constant 0 : i32
      %dma_start3A_88 = tpu.memref_slice %arg16[%dma_start3A_86, %dma_start3A_87] : memref<96x128xf32, #tpu.memory_space<vmem>> -> memref<16x128xf32, #tpu.memory_space<vmem>>
      %dma_start3A_89 = arith.constant 0 : i32
      %dma_start3A_90 = arith.constant 0 : i32
      %dma_start3A_91 = tpu.memref_slice %arg20[%dma_start3A_89, %dma_start3A_90] : memref<10000x128xf32, #tpu.memory_space<vmem_shared>> -> memref<10000x128xf32, #tpu.memory_space<vmem_shared>>
      tpu.enqueue_indirect_dma source(%dma_start3A_88 : memref<16x128xf32, #tpu.memory_space<vmem>>) target(%dma_start3A_91 : memref<10000x128xf32, #tpu.memory_space<vmem_shared>>) offsets(%arg15 : memref<16xi32, #tpu.memory_space<vmem>>) semaphore(%run_scoped3A : memref<!tpu.dma_semaphore, #tpu.memory_space<semaphore_mem>>) {add = true}
      %dma_wait3A_92 = arith.constant 0 : i32
      %dma_wait3A_93 = arith.constant 0 : i32
      %dma_wait3A_94 = tpu.memref_slice %arg16[%dma_wait3A_92, %dma_wait3A_93] : memref<96x128xf32, #tpu.memory_space<vmem>> -> memref<16x128xf32, #tpu.memory_space<vmem>>
      %dma_wait3A_95 = arith.constant 0 : i32
      %dma_wait3A_96 = arith.constant 0 : i32
      %dma_wait3A_97 = tpu.memref_slice %arg20[%dma_wait3A_95, %dma_wait3A_96] : memref<10000x128xf32, #tpu.memory_space<vmem_shared>> -> memref<10000x128xf32, #tpu.memory_space<vmem_shared>>
      tpu.wait_indirect_dma semaphore(%run_scoped3A : memref<!tpu.dma_semaphore, #tpu.memory_space<semaphore_mem>>) src(%dma_wait3A_94 : memref<16x128xf32, #tpu.memory_space<vmem>>) dst(%dma_wait3A_97 : memref<10000x128xf32, #tpu.memory_space<vmem_shared>>)
      tpu.yield
    }) : () -> ()
    %barrier3A_76 = arith.constant 0 : index
    tpu.barrier barrier_id(%barrier3A_76)
    %lt3A = arith.constant 15 : i32
    %lt3A_77 = arith.cmpi slt, %arg1, %lt3A : i32
    %convert_element_type3A_78 = arith.extui %lt3A_77 : i1 to i32
    %cond3A_79 = arith.constant 0 : i32
    %cond3A_80 = arith.cmpi ne, %convert_element_type3A_78, %cond3A_79 : i32
    scf.if %cond3A_80 {
      %mul3A_86 = arith.constant 624 : i32
      %mul3A_87 = arith.muli %arg1, %mul3A_86 : i32
      %mul3A_88 = arith.constant 624 : i32
      %mul3A_89 = arith.muli %arg1, %mul3A_88 : i32
      "tpu.region"() ({
        %run_scoped3A = tpu.sem_alloc : memref<!tpu.dma_semaphore, #tpu.memory_space<semaphore_mem>>
        %dma_start3A_90 = arith.constant 0 : i32
        %dma_start3A_91 = tpu.memref_slice %arg5[%arg0, %mul3A_89, %dma_start3A_90] : memref<2x10000x128xf32, #tpu.memory_space<hbm>> -> memref<1x624x128xf32, #tpu.memory_space<hbm>>
        %dma_start3A_92 = tpu.memref_squeeze %dma_start3A_91 : memref<1x624x128xf32, #tpu.memory_space<hbm>> -> memref<624x128xf32, #tpu.memory_space<hbm>>
        %dma_start3A_93 = arith.constant 0 : i32
        %dma_start3A_94 = tpu.memref_slice %arg20[%mul3A_87, %dma_start3A_93] : memref<10000x128xf32, #tpu.memory_space<vmem_shared>> -> memref<624x128xf32, #tpu.memory_space<vmem_shared>>
        tpu.enqueue_dma source(%dma_start3A_94 : memref<624x128xf32, #tpu.memory_space<vmem_shared>>) target(%dma_start3A_92 : memref<624x128xf32, #tpu.memory_space<hbm>>) target_semaphore(%run_scoped3A : memref<!tpu.dma_semaphore, #tpu.memory_space<semaphore_mem>>)
        %dma_wait3A_95 = arith.constant 0 : i32
        %dma_wait3A_96 = tpu.memref_slice %arg5[%arg0, %mul3A_89, %dma_wait3A_95] : memref<2x10000x128xf32, #tpu.memory_space<hbm>> -> memref<1x624x128xf32, #tpu.memory_space<hbm>>
        %dma_wait3A_97 = tpu.memref_squeeze %dma_wait3A_96 : memref<1x624x128xf32, #tpu.memory_space<hbm>> -> memref<624x128xf32, #tpu.memory_space<hbm>>
        %dma_wait3A_98 = arith.constant 0 : i32
        %dma_wait3A_99 = tpu.memref_slice %arg20[%mul3A_87, %dma_wait3A_98] : memref<10000x128xf32, #tpu.memory_space<vmem_shared>> -> memref<624x128xf32, #tpu.memory_space<vmem_shared>>
        tpu.wait_dma2 semaphore(%run_scoped3A : memref<!tpu.dma_semaphore, #tpu.memory_space<semaphore_mem>>) src(%dma_wait3A_99 : memref<624x128xf32, #tpu.memory_space<vmem_shared>>) dst(%dma_wait3A_97 : memref<624x128xf32, #tpu.memory_space<hbm>>)
        tpu.yield
      }) : () -> ()
    } else {
    }
    %eq3A_81 = arith.constant 15 : i32
    %eq3A_82 = arith.cmpi eq, %arg1, %eq3A_81 : i32
    %convert_element_type3A_83 = arith.extui %eq3A_82 : i1 to i32
    %cond3A_84 = arith.constant 0 : i32
    %cond3A_85 = arith.cmpi ne, %convert_element_type3A_83, %cond3A_84 : i32
    scf.if %cond3A_85 {
      "tpu.region"() ({
        %run_scoped3A = tpu.sem_alloc : memref<!tpu.dma_semaphore, #tpu.memory_space<semaphore_mem>>
        %dma_start3A_86 = arith.constant 9360 : i32
        %dma_start3A_87 = arith.constant 0 : i32
        %dma_start3A_88 = tpu.memref_slice %arg5[%arg0, %dma_start3A_86, %dma_start3A_87] : memref<2x10000x128xf32, #tpu.memory_space<hbm>> -> memref<1x640x128xf32, #tpu.memory_space<hbm>>
        %dma_start3A_89 = tpu.memref_squeeze %dma_start3A_88 : memref<1x640x128xf32, #tpu.memory_space<hbm>> -> memref<640x128xf32, #tpu.memory_space<hbm>>
        %dma_start3A_90 = arith.constant 9360 : i32
        %dma_start3A_91 = arith.constant 0 : i32
        %dma_start3A_92 = tpu.memref_slice %arg20[%dma_start3A_90, %dma_start3A_91] : memref<10000x128xf32, #tpu.memory_space<vmem_shared>> -> memref<640x128xf32, #tpu.memory_space<vmem_shared>>
        tpu.enqueue_dma source(%dma_start3A_92 : memref<640x128xf32, #tpu.memory_space<vmem_shared>>) target(%dma_start3A_89 : memref<640x128xf32, #tpu.memory_space<hbm>>) target_semaphore(%run_scoped3A : memref<!tpu.dma_semaphore, #tpu.memory_space<semaphore_mem>>)
        %dma_wait3A_93 = arith.constant 9360 : i32
        %dma_wait3A_94 = arith.constant 0 : i32
        %dma_wait3A_95 = tpu.memref_slice %arg5[%arg0, %dma_wait3A_93, %dma_wait3A_94] : memref<2x10000x128xf32, #tpu.memory_space<hbm>> -> memref<1x640x128xf32, #tpu.memory_space<hbm>>
        %dma_wait3A_96 = tpu.memref_squeeze %dma_wait3A_95 : memref<1x640x128xf32, #tpu.memory_space<hbm>> -> memref<640x128xf32, #tpu.memory_space<hbm>>
        %dma_wait3A_97 = arith.constant 9360 : i32
        %dma_wait3A_98 = arith.constant 0 : i32
        %dma_wait3A_99 = tpu.memref_slice %arg20[%dma_wait3A_97, %dma_wait3A_98] : memref<10000x128xf32, #tpu.memory_space<vmem_shared>> -> memref<640x128xf32, #tpu.memory_space<vmem_shared>>
        tpu.wait_dma2 semaphore(%run_scoped3A : memref<!tpu.dma_semaphore, #tpu.memory_space<semaphore_mem>>) src(%dma_wait3A_99 : memref<640x128xf32, #tpu.memory_space<vmem_shared>>) dst(%dma_wait3A_96 : memref<640x128xf32, #tpu.memory_space<hbm>>)
        tpu.yield
      }) : () -> ()
    } else {
    }
    return
  }
}

#map = affine_map<(d0, d1) -> (0, 0)>
#map1 = affine_map<(d0, d1) -> (0)>
#map2 = affine_map<(d0, d1) -> (0, 0, 0)>
module attributes {stable_mosaic.version = 14 : i64} {
  func.func @_agg_body(%arg0: i32, %arg1: i32, %arg2: memref<10000x128xf32, #tpu.memory_space<hbm>>, %arg3: memref<320000xi32, #tpu.memory_space<hbm>>, %arg4: memref<320000xi32, #tpu.memory_space<hbm>>, %arg5: memref<2x10000x128xf32, #tpu.memory_space<hbm>>, %arg6: memref<96xi32, #tpu.memory_space<vmem>>, %arg7: memref<96xi32, #tpu.memory_space<vmem>>, %arg8: memref<96xi32, #tpu.memory_space<vmem>>, %arg9: memref<96xi32, #tpu.memory_space<vmem>>, %arg10: memref<96xi32, #tpu.memory_space<vmem>>, %arg11: memref<96xi32, #tpu.memory_space<vmem>>, %arg12: memref<96xi32, #tpu.memory_space<vmem>>, %arg13: memref<96xi32, #tpu.memory_space<vmem>>, %arg14: memref<16xi32, #tpu.memory_space<vmem>>, %arg15: memref<16xi32, #tpu.memory_space<vmem>>, %arg16: memref<96x128xf32, #tpu.memory_space<vmem>>, %arg17: memref<96x128xf32, #tpu.memory_space<vmem>>, %arg18: memref<96x128xf32, #tpu.memory_space<vmem>>, %arg19: memref<96x128xf32, #tpu.memory_space<vmem>>, %arg20: memref<10000x128xf32, #tpu.memory_space<vmem_shared>>, %arg21: memref<!tpu.dma_semaphore, #tpu.memory_space<semaphore_mem>>, %arg22: memref<!tpu.dma_semaphore, #tpu.memory_space<semaphore_mem>>, %arg23: memref<!tpu.dma_semaphore, #tpu.memory_space<semaphore_mem>>, %arg24: memref<!tpu.dma_semaphore, #tpu.memory_space<semaphore_mem>>, %arg25: memref<!tpu.dma_semaphore, #tpu.memory_space<semaphore_mem>>, %arg26: memref<!tpu.dma_semaphore, #tpu.memory_space<semaphore_mem>>, %arg27: memref<!tpu.dma_semaphore, #tpu.memory_space<semaphore_mem>>, %arg28: memref<!tpu.dma_semaphore, #tpu.memory_space<semaphore_mem>>) attributes {dimension_semantics = [#tpu.dimension_semantics<core_parallel>, #tpu.dimension_semantics<subcore_parallel>], iteration_bounds = array<i64: 2, 16>, scalar_prefetch = 0 : i64, scratch_operands = 23 : i64, tpu.core_type = #tpu.core_type<sc_vector_subcore>, window_params = [{transform_indices = #map}, {transform_indices = #map1}, {transform_indices = #map1}, {transform_indices = #map2}]} {
    %mul3A = arith.constant 16 : i32
    %mul3A_0 = arith.muli %arg0, %mul3A : i32
    %add3A = arith.addi %mul3A_0, %arg1 : i32
    %mul3A_1 = arith.constant 10000 : i32
    %mul3A_2 = arith.muli %add3A, %mul3A_1 : i32
    %scan3A = arith.constant 0 : i32
    %scan3A_3 = arith.constant 0 : i32
    %scan3A_4 = arith.constant 96 : i32
    %scan3A_5 = arith.addi %scan3A_3, %scan3A_4 : i32
    %scan3A_6 = arith.constant 1 : i32
    scf.for %scan3A_86 = %scan3A_3 to %scan3A_5 step %scan3A_6  : i32 {
      %broadcast_in_dim3A = arith.constant 0.000000e+00 : f32
      %broadcast_in_dim3A_87 = vector.broadcast %broadcast_in_dim3A : f32 to vector<16xf32>
      %swap3A = arith.index_cast %scan3A_86 : i32 to index
      %swap3A_88 = arith.constant 0 : index
      %swap3A_89 = tpu.vector_load %arg16[%swap3A, %swap3A_88] {strides = array<i32>} : memref<96x128xf32, #tpu.memory_space<vmem>>, vector<1x16xf32>,
      %swap3A_90 = vector.shape_cast %swap3A_89 : vector<1x16xf32> to vector<16xf32>
      %swap3A_91 = vector.shape_cast %broadcast_in_dim3A_87 : vector<16xf32> to vector<1x16xf32>
      tpu.vector_store %arg16[%swap3A, %swap3A_88], %swap3A_91 {strides = array<i32>} : memref<96x128xf32, #tpu.memory_space<vmem>>, vector<1x16xf32>,
      %broadcast_in_dim3A_92 = arith.constant 0.000000e+00 : f32
      %broadcast_in_dim3A_93 = vector.broadcast %broadcast_in_dim3A_92 : f32 to vector<16xf32>
      %swap3A_94 = arith.index_cast %scan3A_86 : i32 to index
      %swap3A_95 = arith.constant 16 : index
      %swap3A_96 = tpu.vector_load %arg16[%swap3A_94, %swap3A_95] {strides = array<i32>} : memref<96x128xf32, #tpu.memory_space<vmem>>, vector<1x16xf32>,
      %swap3A_97 = vector.shape_cast %swap3A_96 : vector<1x16xf32> to vector<16xf32>
      %swap3A_98 = vector.shape_cast %broadcast_in_dim3A_93 : vector<16xf32> to vector<1x16xf32>
      tpu.vector_store %arg16[%swap3A_94, %swap3A_95], %swap3A_98 {strides = array<i32>} : memref<96x128xf32, #tpu.memory_space<vmem>>, vector<1x16xf32>,
      %broadcast_in_dim3A_99 = arith.constant 0.000000e+00 : f32
      %broadcast_in_dim3A_100 = vector.broadcast %broadcast_in_dim3A_99 : f32 to vector<16xf32>
      %swap3A_101 = arith.index_cast %scan3A_86 : i32 to index
      %swap3A_102 = arith.constant 32 : index
      %swap3A_103 = tpu.vector_load %arg16[%swap3A_101, %swap3A_102] {strides = array<i32>} : memref<96x128xf32, #tpu.memory_space<vmem>>, vector<1x16xf32>,
      %swap3A_104 = vector.shape_cast %swap3A_103 : vector<1x16xf32> to vector<16xf32>
      %swap3A_105 = vector.shape_cast %broadcast_in_dim3A_100 : vector<16xf32> to vector<1x16xf32>
      tpu.vector_store %arg16[%swap3A_101, %swap3A_102], %swap3A_105 {strides = array<i32>} : memref<96x128xf32, #tpu.memory_space<vmem>>, vector<1x16xf32>,
      %broadcast_in_dim3A_106 = arith.constant 0.000000e+00 : f32
      %broadcast_in_dim3A_107 = vector.broadcast %broadcast_in_dim3A_106 : f32 to vector<16xf32>
      %swap3A_108 = arith.index_cast %scan3A_86 : i32 to index
      %swap3A_109 = arith.constant 48 : index
      %swap3A_110 = tpu.vector_load %arg16[%swap3A_108, %swap3A_109] {strides = array<i32>} : memref<96x128xf32, #tpu.memory_space<vmem>>, vector<1x16xf32>,
      %swap3A_111 = vector.shape_cast %swap3A_110 : vector<1x16xf32> to vector<16xf32>
      %swap3A_112 = vector.shape_cast %broadcast_in_dim3A_107 : vector<16xf32> to vector<1x16xf32>
      tpu.vector_store %arg16[%swap3A_108, %swap3A_109], %swap3A_112 {strides = array<i32>} : memref<96x128xf32, #tpu.memory_space<vmem>>, vector<1x16xf32>,
      %broadcast_in_dim3A_113 = arith.constant 0.000000e+00 : f32
      %broadcast_in_dim3A_114 = vector.broadcast %broadcast_in_dim3A_113 : f32 to vector<16xf32>
      %swap3A_115 = arith.index_cast %scan3A_86 : i32 to index
      %swap3A_116 = arith.constant 64 : index
      %swap3A_117 = tpu.vector_load %arg16[%swap3A_115, %swap3A_116] {strides = array<i32>} : memref<96x128xf32, #tpu.memory_space<vmem>>, vector<1x16xf32>,
      %swap3A_118 = vector.shape_cast %swap3A_117 : vector<1x16xf32> to vector<16xf32>
      %swap3A_119 = vector.shape_cast %broadcast_in_dim3A_114 : vector<16xf32> to vector<1x16xf32>
      tpu.vector_store %arg16[%swap3A_115, %swap3A_116], %swap3A_119 {strides = array<i32>} : memref<96x128xf32, #tpu.memory_space<vmem>>, vector<1x16xf32>,
      %broadcast_in_dim3A_120 = arith.constant 0.000000e+00 : f32
      %broadcast_in_dim3A_121 = vector.broadcast %broadcast_in_dim3A_120 : f32 to vector<16xf32>
      %swap3A_122 = arith.index_cast %scan3A_86 : i32 to index
      %swap3A_123 = arith.constant 80 : index
      %swap3A_124 = tpu.vector_load %arg16[%swap3A_122, %swap3A_123] {strides = array<i32>} : memref<96x128xf32, #tpu.memory_space<vmem>>, vector<1x16xf32>,
      %swap3A_125 = vector.shape_cast %swap3A_124 : vector<1x16xf32> to vector<16xf32>
      %swap3A_126 = vector.shape_cast %broadcast_in_dim3A_121 : vector<16xf32> to vector<1x16xf32>
      tpu.vector_store %arg16[%swap3A_122, %swap3A_123], %swap3A_126 {strides = array<i32>} : memref<96x128xf32, #tpu.memory_space<vmem>>, vector<1x16xf32>,
      %broadcast_in_dim3A_127 = arith.constant 0.000000e+00 : f32
      %broadcast_in_dim3A_128 = vector.broadcast %broadcast_in_dim3A_127 : f32 to vector<16xf32>
      %swap3A_129 = arith.index_cast %scan3A_86 : i32 to index
      %swap3A_130 = arith.constant 96 : index
      %swap3A_131 = tpu.vector_load %arg16[%swap3A_129, %swap3A_130] {strides = array<i32>} : memref<96x128xf32, #tpu.memory_space<vmem>>, vector<1x16xf32>,
      %swap3A_132 = vector.shape_cast %swap3A_131 : vector<1x16xf32> to vector<16xf32>
      %swap3A_133 = vector.shape_cast %broadcast_in_dim3A_128 : vector<16xf32> to vector<1x16xf32>
      tpu.vector_store %arg16[%swap3A_129, %swap3A_130], %swap3A_133 {strides = array<i32>} : memref<96x128xf32, #tpu.memory_space<vmem>>, vector<1x16xf32>,
      %broadcast_in_dim3A_134 = arith.constant 0.000000e+00 : f32
      %broadcast_in_dim3A_135 = vector.broadcast %broadcast_in_dim3A_134 : f32 to vector<16xf32>
      %swap3A_136 = arith.index_cast %scan3A_86 : i32 to index
      %swap3A_137 = arith.constant 112 : index
      %swap3A_138 = tpu.vector_load %arg16[%swap3A_136, %swap3A_137] {strides = array<i32>} : memref<96x128xf32, #tpu.memory_space<vmem>>, vector<1x16xf32>,
      %swap3A_139 = vector.shape_cast %swap3A_138 : vector<1x16xf32> to vector<16xf32>
      %swap3A_140 = vector.shape_cast %broadcast_in_dim3A_135 : vector<16xf32> to vector<1x16xf32>
      tpu.vector_store %arg16[%swap3A_136, %swap3A_137], %swap3A_140 {strides = array<i32>} : memref<96x128xf32, #tpu.memory_space<vmem>>, vector<1x16xf32>,
    }
    %scan3A_7 = arith.constant 96 : i32
    %mul3A_8 = arith.constant 624 : i32
    %mul3A_9 = arith.muli %arg1, %mul3A_8 : i32
    %add3A_10 = arith.constant 0 : i32
    %add3A_11 = arith.addi %mul3A_9, %add3A_10 : i32
    "tpu.region"() ({
      %run_scoped3A = tpu.sem_alloc : memref<!tpu.dma_semaphore, #tpu.memory_space<semaphore_mem>>
      %dma_start3A_86 = arith.constant 0 : i32
      %dma_start3A_87 = tpu.memref_slice %arg20[%add3A_11, %dma_start3A_86] : memref<10000x128xf32, #tpu.memory_space<vmem_shared>> -> memref<96x128xf32, #tpu.memory_space<vmem_shared>>
      %dma_start3A_88 = arith.constant 0 : i32
      %dma_start3A_89 = tpu.memref_slice %arg20[%add3A_11, %dma_start3A_88] : memref<10000x128xf32, #tpu.memory_space<vmem_shared>> -> memref<96x128xf32, #tpu.memory_space<vmem_shared>>
      tpu.enqueue_dma source(%arg16 : memref<96x128xf32, #tpu.memory_space<vmem>>) target(%dma_start3A_89 : memref<96x128xf32, #tpu.memory_space<vmem_shared>>) target_semaphore(%run_scoped3A : memref<!tpu.dma_semaphore, #tpu.memory_space<semaphore_mem>>)
      %dma_wait3A_90 = arith.constant 0 : i32
      %dma_wait3A_91 = tpu.memref_slice %arg20[%add3A_11, %dma_wait3A_90] : memref<10000x128xf32, #tpu.memory_space<vmem_shared>> -> memref<96x128xf32, #tpu.memory_space<vmem_shared>>
      %dma_wait3A_92 = arith.constant 0 : i32
      %dma_wait3A_93 = tpu.memref_slice %arg20[%add3A_11, %dma_wait3A_92] : memref<10000x128xf32, #tpu.memory_space<vmem_shared>> -> memref<96x128xf32, #tpu.memory_space<vmem_shared>>
      tpu.wait_dma2 semaphore(%run_scoped3A : memref<!tpu.dma_semaphore, #tpu.memory_space<semaphore_mem>>) src(%arg16 : memref<96x128xf32, #tpu.memory_space<vmem>>) dst(%dma_wait3A_93 : memref<96x128xf32, #tpu.memory_space<vmem_shared>>)
      tpu.yield
    }) : () -> ()
    %mul3A_12 = arith.constant 624 : i32
    %mul3A_13 = arith.muli %arg1, %mul3A_12 : i32
    %add3A_14 = arith.constant 96 : i32
    %add3A_15 = arith.addi %mul3A_13, %add3A_14 : i32
    "tpu.region"() ({
      %run_scoped3A = tpu.sem_alloc : memref<!tpu.dma_semaphore, #tpu.memory_space<semaphore_mem>>
      %dma_start3A_86 = arith.constant 0 : i32
      %dma_start3A_87 = tpu.memref_slice %arg20[%add3A_15, %dma_start3A_86] : memref<10000x128xf32, #tpu.memory_space<vmem_shared>> -> memref<96x128xf32, #tpu.memory_space<vmem_shared>>
      %dma_start3A_88 = arith.constant 0 : i32
      %dma_start3A_89 = tpu.memref_slice %arg20[%add3A_15, %dma_start3A_88] : memref<10000x128xf32, #tpu.memory_space<vmem_shared>> -> memref<96x128xf32, #tpu.memory_space<vmem_shared>>
      tpu.enqueue_dma source(%arg16 : memref<96x128xf32, #tpu.memory_space<vmem>>) target(%dma_start3A_89 : memref<96x128xf32, #tpu.memory_space<vmem_shared>>) target_semaphore(%run_scoped3A : memref<!tpu.dma_semaphore, #tpu.memory_space<semaphore_mem>>)
      %dma_wait3A_90 = arith.constant 0 : i32
      %dma_wait3A_91 = tpu.memref_slice %arg20[%add3A_15, %dma_wait3A_90] : memref<10000x128xf32, #tpu.memory_space<vmem_shared>> -> memref<96x128xf32, #tpu.memory_space<vmem_shared>>
      %dma_wait3A_92 = arith.constant 0 : i32
      %dma_wait3A_93 = tpu.memref_slice %arg20[%add3A_15, %dma_wait3A_92] : memref<10000x128xf32, #tpu.memory_space<vmem_shared>> -> memref<96x128xf32, #tpu.memory_space<vmem_shared>>
      tpu.wait_dma2 semaphore(%run_scoped3A : memref<!tpu.dma_semaphore, #tpu.memory_space<semaphore_mem>>) src(%arg16 : memref<96x128xf32, #tpu.memory_space<vmem>>) dst(%dma_wait3A_93 : memref<96x128xf32, #tpu.memory_space<vmem_shared>>)
      tpu.yield
    }) : () -> ()
    %mul3A_16 = arith.constant 624 : i32
    %mul3A_17 = arith.muli %arg1, %mul3A_16 : i32
    %add3A_18 = arith.constant 192 : i32
    %add3A_19 = arith.addi %mul3A_17, %add3A_18 : i32
    "tpu.region"() ({
      %run_scoped3A = tpu.sem_alloc : memref<!tpu.dma_semaphore, #tpu.memory_space<semaphore_mem>>
      %dma_start3A_86 = arith.constant 0 : i32
      %dma_start3A_87 = tpu.memref_slice %arg20[%add3A_19, %dma_start3A_86] : memref<10000x128xf32, #tpu.memory_space<vmem_shared>> -> memref<96x128xf32, #tpu.memory_space<vmem_shared>>
      %dma_start3A_88 = arith.constant 0 : i32
      %dma_start3A_89 = tpu.memref_slice %arg20[%add3A_19, %dma_start3A_88] : memref<10000x128xf32, #tpu.memory_space<vmem_shared>> -> memref<96x128xf32, #tpu.memory_space<vmem_shared>>
      tpu.enqueue_dma source(%arg16 : memref<96x128xf32, #tpu.memory_space<vmem>>) target(%dma_start3A_89 : memref<96x128xf32, #tpu.memory_space<vmem_shared>>) target_semaphore(%run_scoped3A : memref<!tpu.dma_semaphore, #tpu.memory_space<semaphore_mem>>)
      %dma_wait3A_90 = arith.constant 0 : i32
      %dma_wait3A_91 = tpu.memref_slice %arg20[%add3A_19, %dma_wait3A_90] : memref<10000x128xf32, #tpu.memory_space<vmem_shared>> -> memref<96x128xf32, #tpu.memory_space<vmem_shared>>
      %dma_wait3A_92 = arith.constant 0 : i32
      %dma_wait3A_93 = tpu.memref_slice %arg20[%add3A_19, %dma_wait3A_92] : memref<10000x128xf32, #tpu.memory_space<vmem_shared>> -> memref<96x128xf32, #tpu.memory_space<vmem_shared>>
      tpu.wait_dma2 semaphore(%run_scoped3A : memref<!tpu.dma_semaphore, #tpu.memory_space<semaphore_mem>>) src(%arg16 : memref<96x128xf32, #tpu.memory_space<vmem>>) dst(%dma_wait3A_93 : memref<96x128xf32, #tpu.memory_space<vmem_shared>>)
      tpu.yield
    }) : () -> ()
    %mul3A_20 = arith.constant 624 : i32
    %mul3A_21 = arith.muli %arg1, %mul3A_20 : i32
    %add3A_22 = arith.constant 288 : i32
    %add3A_23 = arith.addi %mul3A_21, %add3A_22 : i32
    "tpu.region"() ({
      %run_scoped3A = tpu.sem_alloc : memref<!tpu.dma_semaphore, #tpu.memory_space<semaphore_mem>>
      %dma_start3A_86 = arith.constant 0 : i32
      %dma_start3A_87 = tpu.memref_slice %arg20[%add3A_23, %dma_start3A_86] : memref<10000x128xf32, #tpu.memory_space<vmem_shared>> -> memref<96x128xf32, #tpu.memory_space<vmem_shared>>
      %dma_start3A_88 = arith.constant 0 : i32
      %dma_start3A_89 = tpu.memref_slice %arg20[%add3A_23, %dma_start3A_88] : memref<10000x128xf32, #tpu.memory_space<vmem_shared>> -> memref<96x128xf32, #tpu.memory_space<vmem_shared>>
      tpu.enqueue_dma source(%arg16 : memref<96x128xf32, #tpu.memory_space<vmem>>) target(%dma_start3A_89 : memref<96x128xf32, #tpu.memory_space<vmem_shared>>) target_semaphore(%run_scoped3A : memref<!tpu.dma_semaphore, #tpu.memory_space<semaphore_mem>>)
      %dma_wait3A_90 = arith.constant 0 : i32
      %dma_wait3A_91 = tpu.memref_slice %arg20[%add3A_23, %dma_wait3A_90] : memref<10000x128xf32, #tpu.memory_space<vmem_shared>> -> memref<96x128xf32, #tpu.memory_space<vmem_shared>>
      %dma_wait3A_92 = arith.constant 0 : i32
      %dma_wait3A_93 = tpu.memref_slice %arg20[%add3A_23, %dma_wait3A_92] : memref<10000x128xf32, #tpu.memory_space<vmem_shared>> -> memref<96x128xf32, #tpu.memory_space<vmem_shared>>
      tpu.wait_dma2 semaphore(%run_scoped3A : memref<!tpu.dma_semaphore, #tpu.memory_space<semaphore_mem>>) src(%arg16 : memref<96x128xf32, #tpu.memory_space<vmem>>) dst(%dma_wait3A_93 : memref<96x128xf32, #tpu.memory_space<vmem_shared>>)
      tpu.yield
    }) : () -> ()
    %mul3A_24 = arith.constant 624 : i32
    %mul3A_25 = arith.muli %arg1, %mul3A_24 : i32
    %add3A_26 = arith.constant 384 : i32
    %add3A_27 = arith.addi %mul3A_25, %add3A_26 : i32
    "tpu.region"() ({
      %run_scoped3A = tpu.sem_alloc : memref<!tpu.dma_semaphore, #tpu.memory_space<semaphore_mem>>
      %dma_start3A_86 = arith.constant 0 : i32
      %dma_start3A_87 = tpu.memref_slice %arg20[%add3A_27, %dma_start3A_86] : memref<10000x128xf32, #tpu.memory_space<vmem_shared>> -> memref<96x128xf32, #tpu.memory_space<vmem_shared>>
      %dma_start3A_88 = arith.constant 0 : i32
      %dma_start3A_89 = tpu.memref_slice %arg20[%add3A_27, %dma_start3A_88] : memref<10000x128xf32, #tpu.memory_space<vmem_shared>> -> memref<96x128xf32, #tpu.memory_space<vmem_shared>>
      tpu.enqueue_dma source(%arg16 : memref<96x128xf32, #tpu.memory_space<vmem>>) target(%dma_start3A_89 : memref<96x128xf32, #tpu.memory_space<vmem_shared>>) target_semaphore(%run_scoped3A : memref<!tpu.dma_semaphore, #tpu.memory_space<semaphore_mem>>)
      %dma_wait3A_90 = arith.constant 0 : i32
      %dma_wait3A_91 = tpu.memref_slice %arg20[%add3A_27, %dma_wait3A_90] : memref<10000x128xf32, #tpu.memory_space<vmem_shared>> -> memref<96x128xf32, #tpu.memory_space<vmem_shared>>
      %dma_wait3A_92 = arith.constant 0 : i32
      %dma_wait3A_93 = tpu.memref_slice %arg20[%add3A_27, %dma_wait3A_92] : memref<10000x128xf32, #tpu.memory_space<vmem_shared>> -> memref<96x128xf32, #tpu.memory_space<vmem_shared>>
      tpu.wait_dma2 semaphore(%run_scoped3A : memref<!tpu.dma_semaphore, #tpu.memory_space<semaphore_mem>>) src(%arg16 : memref<96x128xf32, #tpu.memory_space<vmem>>) dst(%dma_wait3A_93 : memref<96x128xf32, #tpu.memory_space<vmem_shared>>)
      tpu.yield
    }) : () -> ()
    %mul3A_28 = arith.constant 624 : i32
    %mul3A_29 = arith.muli %arg1, %mul3A_28 : i32
    %add3A_30 = arith.constant 480 : i32
    %add3A_31 = arith.addi %mul3A_29, %add3A_30 : i32
    "tpu.region"() ({
      %run_scoped3A = tpu.sem_alloc : memref<!tpu.dma_semaphore, #tpu.memory_space<semaphore_mem>>
      %dma_start3A_86 = arith.constant 0 : i32
      %dma_start3A_87 = tpu.memref_slice %arg20[%add3A_31, %dma_start3A_86] : memref<10000x128xf32, #tpu.memory_space<vmem_shared>> -> memref<96x128xf32, #tpu.memory_space<vmem_shared>>
      %dma_start3A_88 = arith.constant 0 : i32
      %dma_start3A_89 = tpu.memref_slice %arg20[%add3A_31, %dma_start3A_88] : memref<10000x128xf32, #tpu.memory_space<vmem_shared>> -> memref<96x128xf32, #tpu.memory_space<vmem_shared>>
      tpu.enqueue_dma source(%arg16 : memref<96x128xf32, #tpu.memory_space<vmem>>) target(%dma_start3A_89 : memref<96x128xf32, #tpu.memory_space<vmem_shared>>) target_semaphore(%run_scoped3A : memref<!tpu.dma_semaphore, #tpu.memory_space<semaphore_mem>>)
      %dma_wait3A_90 = arith.constant 0 : i32
      %dma_wait3A_91 = tpu.memref_slice %arg20[%add3A_31, %dma_wait3A_90] : memref<10000x128xf32, #tpu.memory_space<vmem_shared>> -> memref<96x128xf32, #tpu.memory_space<vmem_shared>>
      %dma_wait3A_92 = arith.constant 0 : i32
      %dma_wait3A_93 = tpu.memref_slice %arg20[%add3A_31, %dma_wait3A_92] : memref<10000x128xf32, #tpu.memory_space<vmem_shared>> -> memref<96x128xf32, #tpu.memory_space<vmem_shared>>
      tpu.wait_dma2 semaphore(%run_scoped3A : memref<!tpu.dma_semaphore, #tpu.memory_space<semaphore_mem>>) src(%arg16 : memref<96x128xf32, #tpu.memory_space<vmem>>) dst(%dma_wait3A_93 : memref<96x128xf32, #tpu.memory_space<vmem_shared>>)
      tpu.yield
    }) : () -> ()
    %mul3A_32 = arith.constant 624 : i32
    %mul3A_33 = arith.muli %arg1, %mul3A_32 : i32
    %add3A_34 = arith.constant 576 : i32
    %add3A_35 = arith.addi %mul3A_33, %add3A_34 : i32
    "tpu.region"() ({
      %run_scoped3A = tpu.sem_alloc : memref<!tpu.dma_semaphore, #tpu.memory_space<semaphore_mem>>
      %dma_start3A_86 = arith.constant 0 : i32
      %dma_start3A_87 = arith.constant 0 : i32
      %dma_start3A_88 = tpu.memref_slice %arg16[%dma_start3A_86, %dma_start3A_87] : memref<96x128xf32, #tpu.memory_space<vmem>> -> memref<48x128xf32, #tpu.memory_space<vmem>>
      %dma_start3A_89 = arith.constant 0 : i32
      %dma_start3A_90 = tpu.memref_slice %arg20[%add3A_35, %dma_start3A_89] : memref<10000x128xf32, #tpu.memory_space<vmem_shared>> -> memref<48x128xf32, #tpu.memory_space<vmem_shared>>
      %dma_start3A_91 = arith.constant 0 : i32
      %dma_start3A_92 = tpu.memref_slice %arg20[%add3A_35, %dma_start3A_91] : memref<10000x128xf32, #tpu.memory_space<vmem_shared>> -> memref<48x128xf32, #tpu.memory_space<vmem_shared>>
      %dma_start3A_93 = arith.constant 0 : i32
      %dma_start3A_94 = arith.constant 0 : i32
      %dma_start3A_95 = tpu.memref_slice %arg16[%dma_start3A_93, %dma_start3A_94] : memref<96x128xf32, #tpu.memory_space<vmem>> -> memref<48x128xf32, #tpu.memory_space<vmem>>
      tpu.enqueue_dma source(%dma_start3A_95 : memref<48x128xf32, #tpu.memory_space<vmem>>) target(%dma_start3A_92 : memref<48x128xf32, #tpu.memory_space<vmem_shared>>) target_semaphore(%run_scoped3A : memref<!tpu.dma_semaphore, #tpu.memory_space<semaphore_mem>>)
      %dma_wait3A_96 = arith.constant 0 : i32
      %dma_wait3A_97 = arith.constant 0 : i32
      %dma_wait3A_98 = tpu.memref_slice %arg16[%dma_wait3A_96, %dma_wait3A_97] : memref<96x128xf32, #tpu.memory_space<vmem>> -> memref<48x128xf32, #tpu.memory_space<vmem>>
      %dma_wait3A_99 = arith.constant 0 : i32
      %dma_wait3A_100 = tpu.memref_slice %arg20[%add3A_35, %dma_wait3A_99] : memref<10000x128xf32, #tpu.memory_space<vmem_shared>> -> memref<48x128xf32, #tpu.memory_space<vmem_shared>>
      %dma_wait3A_101 = arith.constant 0 : i32
      %dma_wait3A_102 = tpu.memref_slice %arg20[%add3A_35, %dma_wait3A_101] : memref<10000x128xf32, #tpu.memory_space<vmem_shared>> -> memref<48x128xf32, #tpu.memory_space<vmem_shared>>
      %dma_wait3A_103 = arith.constant 0 : i32
      %dma_wait3A_104 = arith.constant 0 : i32
      %dma_wait3A_105 = tpu.memref_slice %arg16[%dma_wait3A_103, %dma_wait3A_104] : memref<96x128xf32, #tpu.memory_space<vmem>> -> memref<48x128xf32, #tpu.memory_space<vmem>>
      tpu.wait_dma2 semaphore(%run_scoped3A : memref<!tpu.dma_semaphore, #tpu.memory_space<semaphore_mem>>) src(%dma_wait3A_105 : memref<48x128xf32, #tpu.memory_space<vmem>>) dst(%dma_wait3A_102 : memref<48x128xf32, #tpu.memory_space<vmem_shared>>)
      tpu.yield
    }) : () -> ()
    %eq3A = arith.constant 15 : i32
    %eq3A_36 = arith.cmpi eq, %arg1, %eq3A : i32
    %convert_element_type3A = arith.extui %eq3A_36 : i1 to i32
    %cond3A = arith.constant 0 : i32
    %cond3A_37 = arith.cmpi ne, %convert_element_type3A, %cond3A : i32
    scf.if %cond3A_37 {
      "tpu.region"() ({
        %run_scoped3A = tpu.sem_alloc : memref<!tpu.dma_semaphore, #tpu.memory_space<semaphore_mem>>
        %dma_start3A_86 = arith.constant 0 : i32
        %dma_start3A_87 = arith.constant 0 : i32
        %dma_start3A_88 = tpu.memref_slice %arg16[%dma_start3A_86, %dma_start3A_87] : memref<96x128xf32, #tpu.memory_space<vmem>> -> memref<16x128xf32, #tpu.memory_space<vmem>>
        %dma_start3A_89 = arith.constant 9984 : i32
        %dma_start3A_90 = arith.constant 0 : i32
        %dma_start3A_91 = tpu.memref_slice %arg20[%dma_start3A_89, %dma_start3A_90] : memref<10000x128xf32, #tpu.memory_space<vmem_shared>> -> memref<16x128xf32, #tpu.memory_space<vmem_shared>>
        %dma_start3A_92 = arith.constant 9984 : i32
        %dma_start3A_93 = arith.constant 0 : i32
        %dma_start3A_94 = tpu.memref_slice %arg20[%dma_start3A_92, %dma_start3A_93] : memref<10000x128xf32, #tpu.memory_space<vmem_shared>> -> memref<16x128xf32, #tpu.memory_space<vmem_shared>>
        %dma_start3A_95 = arith.constant 0 : i32
        %dma_start3A_96 = arith.constant 0 : i32
        %dma_start3A_97 = tpu.memref_slice %arg16[%dma_start3A_95, %dma_start3A_96] : memref<96x128xf32, #tpu.memory_space<vmem>> -> memref<16x128xf32, #tpu.memory_space<vmem>>
        tpu.enqueue_dma source(%dma_start3A_97 : memref<16x128xf32, #tpu.memory_space<vmem>>) target(%dma_start3A_94 : memref<16x128xf32, #tpu.memory_space<vmem_shared>>) target_semaphore(%run_scoped3A : memref<!tpu.dma_semaphore, #tpu.memory_space<semaphore_mem>>)
        %dma_wait3A_98 = arith.constant 0 : i32
        %dma_wait3A_99 = arith.constant 0 : i32
        %dma_wait3A_100 = tpu.memref_slice %arg16[%dma_wait3A_98, %dma_wait3A_99] : memref<96x128xf32, #tpu.memory_space<vmem>> -> memref<16x128xf32, #tpu.memory_space<vmem>>
        %dma_wait3A_101 = arith.constant 9984 : i32
        %dma_wait3A_102 = arith.constant 0 : i32
        %dma_wait3A_103 = tpu.memref_slice %arg20[%dma_wait3A_101, %dma_wait3A_102] : memref<10000x128xf32, #tpu.memory_space<vmem_shared>> -> memref<16x128xf32, #tpu.memory_space<vmem_shared>>
        %dma_wait3A_104 = arith.constant 9984 : i32
        %dma_wait3A_105 = arith.constant 0 : i32
        %dma_wait3A_106 = tpu.memref_slice %arg20[%dma_wait3A_104, %dma_wait3A_105] : memref<10000x128xf32, #tpu.memory_space<vmem_shared>> -> memref<16x128xf32, #tpu.memory_space<vmem_shared>>
        %dma_wait3A_107 = arith.constant 0 : i32
        %dma_wait3A_108 = arith.constant 0 : i32
        %dma_wait3A_109 = tpu.memref_slice %arg16[%dma_wait3A_107, %dma_wait3A_108] : memref<96x128xf32, #tpu.memory_space<vmem>> -> memref<16x128xf32, #tpu.memory_space<vmem>>
        tpu.wait_dma2 semaphore(%run_scoped3A : memref<!tpu.dma_semaphore, #tpu.memory_space<semaphore_mem>>) src(%dma_wait3A_109 : memref<16x128xf32, #tpu.memory_space<vmem>>) dst(%dma_wait3A_106 : memref<16x128xf32, #tpu.memory_space<vmem_shared>>)
        tpu.yield
      }) : () -> ()
    } else {
    }
    %barrier3A = arith.constant 0 : index
    tpu.barrier barrier_id(%barrier3A)
    %add3A_38 = arith.constant 0 : i32
    %add3A_39 = arith.addi %mul3A_2, %add3A_38 : i32
    "tpu.region"() ({
      %run_scoped3A = tpu.sem_alloc : memref<!tpu.dma_semaphore, #tpu.memory_space<semaphore_mem>>
      %dma_start3A_86 = tpu.memref_slice %arg3[%add3A_39] : memref<320000xi32, #tpu.memory_space<hbm>> -> memref<96xi32, #tpu.memory_space<hbm>>
      %dma_start3A_87 = tpu.memref_slice %arg3[%add3A_39] : memref<320000xi32, #tpu.memory_space<hbm>> -> memref<96xi32, #tpu.memory_space<hbm>>
      tpu.enqueue_dma source(%dma_start3A_87 : memref<96xi32, #tpu.memory_space<hbm>>) target(%arg6 : memref<96xi32, #tpu.memory_space<vmem>>) target_semaphore(%run_scoped3A : memref<!tpu.dma_semaphore, #tpu.memory_space<semaphore_mem>>)
      %dma_wait3A_88 = tpu.memref_slice %arg3[%add3A_39] : memref<320000xi32, #tpu.memory_space<hbm>> -> memref<96xi32, #tpu.memory_space<hbm>>
      %dma_wait3A_89 = tpu.memref_slice %arg3[%add3A_39] : memref<320000xi32, #tpu.memory_space<hbm>> -> memref<96xi32, #tpu.memory_space<hbm>>
      tpu.wait_dma2 semaphore(%run_scoped3A : memref<!tpu.dma_semaphore, #tpu.memory_space<semaphore_mem>>) src(%dma_wait3A_89 : memref<96xi32, #tpu.memory_space<hbm>>) dst(%arg6 : memref<96xi32, #tpu.memory_space<vmem>>)
      tpu.yield
    }) : () -> ()
    "tpu.region"() ({
      %run_scoped3A = tpu.sem_alloc : memref<!tpu.dma_semaphore, #tpu.memory_space<semaphore_mem>>
      %dma_start3A_86 = tpu.memref_slice %arg4[%add3A_39] : memref<320000xi32, #tpu.memory_space<hbm>> -> memref<96xi32, #tpu.memory_space<hbm>>
      %dma_start3A_87 = tpu.memref_slice %arg4[%add3A_39] : memref<320000xi32, #tpu.memory_space<hbm>> -> memref<96xi32, #tpu.memory_space<hbm>>
      tpu.enqueue_dma source(%dma_start3A_87 : memref<96xi32, #tpu.memory_space<hbm>>) target(%arg10 : memref<96xi32, #tpu.memory_space<vmem>>) target_semaphore(%run_scoped3A : memref<!tpu.dma_semaphore, #tpu.memory_space<semaphore_mem>>)
      %dma_wait3A_88 = tpu.memref_slice %arg4[%add3A_39] : memref<320000xi32, #tpu.memory_space<hbm>> -> memref<96xi32, #tpu.memory_space<hbm>>
      %dma_wait3A_89 = tpu.memref_slice %arg4[%add3A_39] : memref<320000xi32, #tpu.memory_space<hbm>> -> memref<96xi32, #tpu.memory_space<hbm>>
      tpu.wait_dma2 semaphore(%run_scoped3A : memref<!tpu.dma_semaphore, #tpu.memory_space<semaphore_mem>>) src(%dma_wait3A_89 : memref<96xi32, #tpu.memory_space<hbm>>) dst(%arg10 : memref<96xi32, #tpu.memory_space<vmem>>)
      tpu.yield
    }) : () -> ()
    %dma_start3A = arith.constant 0 : i32
    %dma_start3A_40 = arith.constant 0 : i32
    %dma_start3A_41 = tpu.memref_slice %arg2[%dma_start3A, %dma_start3A_40] : memref<10000x128xf32, #tpu.memory_space<hbm>> -> memref<10000x128xf32, #tpu.memory_space<hbm>>
    tpu.enqueue_indirect_dma source(%dma_start3A_41 : memref<10000x128xf32, #tpu.memory_space<hbm>>) target(%arg16 : memref<96x128xf32, #tpu.memory_space<vmem>>) offsets(%arg6 : memref<96xi32, #tpu.memory_space<vmem>>) semaphore(%arg21 : memref<!tpu.dma_semaphore, #tpu.memory_space<semaphore_mem>>)
    %add3A_42 = arith.constant 96 : i32
    %add3A_43 = arith.addi %mul3A_2, %add3A_42 : i32
    "tpu.region"() ({
      %run_scoped3A = tpu.sem_alloc : memref<!tpu.dma_semaphore, #tpu.memory_space<semaphore_mem>>
      %dma_start3A_86 = tpu.memref_slice %arg3[%add3A_43] : memref<320000xi32, #tpu.memory_space<hbm>> -> memref<96xi32, #tpu.memory_space<hbm>>
      %dma_start3A_87 = tpu.memref_slice %arg3[%add3A_43] : memref<320000xi32, #tpu.memory_space<hbm>> -> memref<96xi32, #tpu.memory_space<hbm>>
      tpu.enqueue_dma source(%dma_start3A_87 : memref<96xi32, #tpu.memory_space<hbm>>) target(%arg7 : memref<96xi32, #tpu.memory_space<vmem>>) target_semaphore(%run_scoped3A : memref<!tpu.dma_semaphore, #tpu.memory_space<semaphore_mem>>)
      %dma_wait3A_88 = tpu.memref_slice %arg3[%add3A_43] : memref<320000xi32, #tpu.memory_space<hbm>> -> memref<96xi32, #tpu.memory_space<hbm>>
      %dma_wait3A_89 = tpu.memref_slice %arg3[%add3A_43] : memref<320000xi32, #tpu.memory_space<hbm>> -> memref<96xi32, #tpu.memory_space<hbm>>
      tpu.wait_dma2 semaphore(%run_scoped3A : memref<!tpu.dma_semaphore, #tpu.memory_space<semaphore_mem>>) src(%dma_wait3A_89 : memref<96xi32, #tpu.memory_space<hbm>>) dst(%arg7 : memref<96xi32, #tpu.memory_space<vmem>>)
      tpu.yield
    }) : () -> ()
    "tpu.region"() ({
      %run_scoped3A = tpu.sem_alloc : memref<!tpu.dma_semaphore, #tpu.memory_space<semaphore_mem>>
      %dma_start3A_86 = tpu.memref_slice %arg4[%add3A_43] : memref<320000xi32, #tpu.memory_space<hbm>> -> memref<96xi32, #tpu.memory_space<hbm>>
      %dma_start3A_87 = tpu.memref_slice %arg4[%add3A_43] : memref<320000xi32, #tpu.memory_space<hbm>> -> memref<96xi32, #tpu.memory_space<hbm>>
      tpu.enqueue_dma source(%dma_start3A_87 : memref<96xi32, #tpu.memory_space<hbm>>) target(%arg11 : memref<96xi32, #tpu.memory_space<vmem>>) target_semaphore(%run_scoped3A : memref<!tpu.dma_semaphore, #tpu.memory_space<semaphore_mem>>)
      %dma_wait3A_88 = tpu.memref_slice %arg4[%add3A_43] : memref<320000xi32, #tpu.memory_space<hbm>> -> memref<96xi32, #tpu.memory_space<hbm>>
      %dma_wait3A_89 = tpu.memref_slice %arg4[%add3A_43] : memref<320000xi32, #tpu.memory_space<hbm>> -> memref<96xi32, #tpu.memory_space<hbm>>
      tpu.wait_dma2 semaphore(%run_scoped3A : memref<!tpu.dma_semaphore, #tpu.memory_space<semaphore_mem>>) src(%dma_wait3A_89 : memref<96xi32, #tpu.memory_space<hbm>>) dst(%arg11 : memref<96xi32, #tpu.memory_space<vmem>>)
      tpu.yield
    }) : () -> ()
    %dma_start3A_44 = arith.constant 0 : i32
    %dma_start3A_45 = arith.constant 0 : i32
    %dma_start3A_46 = tpu.memref_slice %arg2[%dma_start3A_44, %dma_start3A_45] : memref<10000x128xf32, #tpu.memory_space<hbm>> -> memref<10000x128xf32, #tpu.memory_space<hbm>>
    tpu.enqueue_indirect_dma source(%dma_start3A_46 : memref<10000x128xf32, #tpu.memory_space<hbm>>) target(%arg17 : memref<96x128xf32, #tpu.memory_space<vmem>>) offsets(%arg7 : memref<96xi32, #tpu.memory_space<vmem>>) semaphore(%arg22 : memref<!tpu.dma_semaphore, #tpu.memory_space<semaphore_mem>>)
    %add3A_47 = arith.constant 192 : i32
    %add3A_48 = arith.addi %mul3A_2, %add3A_47 : i32
    "tpu.region"() ({
      %run_scoped3A = tpu.sem_alloc : memref<!tpu.dma_semaphore, #tpu.memory_space<semaphore_mem>>
      %dma_start3A_86 = tpu.memref_slice %arg3[%add3A_48] : memref<320000xi32, #tpu.memory_space<hbm>> -> memref<96xi32, #tpu.memory_space<hbm>>
      %dma_start3A_87 = tpu.memref_slice %arg3[%add3A_48] : memref<320000xi32, #tpu.memory_space<hbm>> -> memref<96xi32, #tpu.memory_space<hbm>>
      tpu.enqueue_dma source(%dma_start3A_87 : memref<96xi32, #tpu.memory_space<hbm>>) target(%arg8 : memref<96xi32, #tpu.memory_space<vmem>>) target_semaphore(%run_scoped3A : memref<!tpu.dma_semaphore, #tpu.memory_space<semaphore_mem>>)
      %dma_wait3A_88 = tpu.memref_slice %arg3[%add3A_48] : memref<320000xi32, #tpu.memory_space<hbm>> -> memref<96xi32, #tpu.memory_space<hbm>>
      %dma_wait3A_89 = tpu.memref_slice %arg3[%add3A_48] : memref<320000xi32, #tpu.memory_space<hbm>> -> memref<96xi32, #tpu.memory_space<hbm>>
      tpu.wait_dma2 semaphore(%run_scoped3A : memref<!tpu.dma_semaphore, #tpu.memory_space<semaphore_mem>>) src(%dma_wait3A_89 : memref<96xi32, #tpu.memory_space<hbm>>) dst(%arg8 : memref<96xi32, #tpu.memory_space<vmem>>)
      tpu.yield
    }) : () -> ()
    "tpu.region"() ({
      %run_scoped3A = tpu.sem_alloc : memref<!tpu.dma_semaphore, #tpu.memory_space<semaphore_mem>>
      %dma_start3A_86 = tpu.memref_slice %arg4[%add3A_48] : memref<320000xi32, #tpu.memory_space<hbm>> -> memref<96xi32, #tpu.memory_space<hbm>>
      %dma_start3A_87 = tpu.memref_slice %arg4[%add3A_48] : memref<320000xi32, #tpu.memory_space<hbm>> -> memref<96xi32, #tpu.memory_space<hbm>>
      tpu.enqueue_dma source(%dma_start3A_87 : memref<96xi32, #tpu.memory_space<hbm>>) target(%arg12 : memref<96xi32, #tpu.memory_space<vmem>>) target_semaphore(%run_scoped3A : memref<!tpu.dma_semaphore, #tpu.memory_space<semaphore_mem>>)
      %dma_wait3A_88 = tpu.memref_slice %arg4[%add3A_48] : memref<320000xi32, #tpu.memory_space<hbm>> -> memref<96xi32, #tpu.memory_space<hbm>>
      %dma_wait3A_89 = tpu.memref_slice %arg4[%add3A_48] : memref<320000xi32, #tpu.memory_space<hbm>> -> memref<96xi32, #tpu.memory_space<hbm>>
      tpu.wait_dma2 semaphore(%run_scoped3A : memref<!tpu.dma_semaphore, #tpu.memory_space<semaphore_mem>>) src(%dma_wait3A_89 : memref<96xi32, #tpu.memory_space<hbm>>) dst(%arg12 : memref<96xi32, #tpu.memory_space<vmem>>)
      tpu.yield
    }) : () -> ()
    %dma_start3A_49 = arith.constant 0 : i32
    %dma_start3A_50 = arith.constant 0 : i32
    %dma_start3A_51 = tpu.memref_slice %arg2[%dma_start3A_49, %dma_start3A_50] : memref<10000x128xf32, #tpu.memory_space<hbm>> -> memref<10000x128xf32, #tpu.memory_space<hbm>>
    tpu.enqueue_indirect_dma source(%dma_start3A_51 : memref<10000x128xf32, #tpu.memory_space<hbm>>) target(%arg18 : memref<96x128xf32, #tpu.memory_space<vmem>>) offsets(%arg8 : memref<96xi32, #tpu.memory_space<vmem>>) semaphore(%arg23 : memref<!tpu.dma_semaphore, #tpu.memory_space<semaphore_mem>>)
    %add3A_52 = arith.constant 288 : i32
    %add3A_53 = arith.addi %mul3A_2, %add3A_52 : i32
    "tpu.region"() ({
      %run_scoped3A = tpu.sem_alloc : memref<!tpu.dma_semaphore, #tpu.memory_space<semaphore_mem>>
      %dma_start3A_86 = tpu.memref_slice %arg3[%add3A_53] : memref<320000xi32, #tpu.memory_space<hbm>> -> memref<96xi32, #tpu.memory_space<hbm>>
      %dma_start3A_87 = tpu.memref_slice %arg3[%add3A_53] : memref<320000xi32, #tpu.memory_space<hbm>> -> memref<96xi32, #tpu.memory_space<hbm>>
      tpu.enqueue_dma source(%dma_start3A_87 : memref<96xi32, #tpu.memory_space<hbm>>) target(%arg9 : memref<96xi32, #tpu.memory_space<vmem>>) target_semaphore(%run_scoped3A : memref<!tpu.dma_semaphore, #tpu.memory_space<semaphore_mem>>)
      %dma_wait3A_88 = tpu.memref_slice %arg3[%add3A_53] : memref<320000xi32, #tpu.memory_space<hbm>> -> memref<96xi32, #tpu.memory_space<hbm>>
      %dma_wait3A_89 = tpu.memref_slice %arg3[%add3A_53] : memref<320000xi32, #tpu.memory_space<hbm>> -> memref<96xi32, #tpu.memory_space<hbm>>
      tpu.wait_dma2 semaphore(%run_scoped3A : memref<!tpu.dma_semaphore, #tpu.memory_space<semaphore_mem>>) src(%dma_wait3A_89 : memref<96xi32, #tpu.memory_space<hbm>>) dst(%arg9 : memref<96xi32, #tpu.memory_space<vmem>>)
      tpu.yield
    }) : () -> ()
    "tpu.region"() ({
      %run_scoped3A = tpu.sem_alloc : memref<!tpu.dma_semaphore, #tpu.memory_space<semaphore_mem>>
      %dma_start3A_86 = tpu.memref_slice %arg4[%add3A_53] : memref<320000xi32, #tpu.memory_space<hbm>> -> memref<96xi32, #tpu.memory_space<hbm>>
      %dma_start3A_87 = tpu.memref_slice %arg4[%add3A_53] : memref<320000xi32, #tpu.memory_space<hbm>> -> memref<96xi32, #tpu.memory_space<hbm>>
      tpu.enqueue_dma source(%dma_start3A_87 : memref<96xi32, #tpu.memory_space<hbm>>) target(%arg13 : memref<96xi32, #tpu.memory_space<vmem>>) target_semaphore(%run_scoped3A : memref<!tpu.dma_semaphore, #tpu.memory_space<semaphore_mem>>)
      %dma_wait3A_88 = tpu.memref_slice %arg4[%add3A_53] : memref<320000xi32, #tpu.memory_space<hbm>> -> memref<96xi32, #tpu.memory_space<hbm>>
      %dma_wait3A_89 = tpu.memref_slice %arg4[%add3A_53] : memref<320000xi32, #tpu.memory_space<hbm>> -> memref<96xi32, #tpu.memory_space<hbm>>
      tpu.wait_dma2 semaphore(%run_scoped3A : memref<!tpu.dma_semaphore, #tpu.memory_space<semaphore_mem>>) src(%dma_wait3A_89 : memref<96xi32, #tpu.memory_space<hbm>>) dst(%arg13 : memref<96xi32, #tpu.memory_space<vmem>>)
      tpu.yield
    }) : () -> ()
    %dma_start3A_54 = arith.constant 0 : i32
    %dma_start3A_55 = arith.constant 0 : i32
    %dma_start3A_56 = tpu.memref_slice %arg2[%dma_start3A_54, %dma_start3A_55] : memref<10000x128xf32, #tpu.memory_space<hbm>> -> memref<10000x128xf32, #tpu.memory_space<hbm>>
    tpu.enqueue_indirect_dma source(%dma_start3A_56 : memref<10000x128xf32, #tpu.memory_space<hbm>>) target(%arg19 : memref<96x128xf32, #tpu.memory_space<vmem>>) offsets(%arg9 : memref<96xi32, #tpu.memory_space<vmem>>) semaphore(%arg24 : memref<!tpu.dma_semaphore, #tpu.memory_space<semaphore_mem>>)
    %scan3A_57 = arith.constant 0 : i32
    %scan3A_58 = arith.constant 0 : i32
    %scan3A_59 = arith.constant 26 : i32
    %scan3A_60 = arith.addi %scan3A_58, %scan3A_59 : i32
    %scan3A_61 = arith.constant 1 : i32
    scf.for %scan3A_86 = %scan3A_58 to %scan3A_60 step %scan3A_61  : i32 {
      %dma_wait3A_87 = arith.constant 0 : i32
      %dma_wait3A_88 = arith.constant 0 : i32
      %dma_wait3A_89 = tpu.memref_slice %arg2[%dma_wait3A_87, %dma_wait3A_88] : memref<10000x128xf32, #tpu.memory_space<hbm>> -> memref<10000x128xf32, #tpu.memory_space<hbm>>
      tpu.wait_indirect_dma semaphore(%arg21 : memref<!tpu.dma_semaphore, #tpu.memory_space<semaphore_mem>>) src(%dma_wait3A_89 : memref<10000x128xf32, #tpu.memory_space<hbm>>) dst(%arg16 : memref<96x128xf32, #tpu.memory_space<vmem>>)
      %dma_start3A_90 = arith.constant 0 : i32
      %dma_start3A_91 = arith.constant 0 : i32
      %dma_start3A_92 = tpu.memref_slice %arg20[%dma_start3A_90, %dma_start3A_91] : memref<10000x128xf32, #tpu.memory_space<vmem_shared>> -> memref<10000x128xf32, #tpu.memory_space<vmem_shared>>
      tpu.enqueue_indirect_dma source(%arg16 : memref<96x128xf32, #tpu.memory_space<vmem>>) target(%dma_start3A_92 : memref<10000x128xf32, #tpu.memory_space<vmem_shared>>) offsets(%arg10 : memref<96xi32, #tpu.memory_space<vmem>>) semaphore(%arg25 : memref<!tpu.dma_semaphore, #tpu.memory_space<semaphore_mem>>) {add = true}
      %dma_wait3A_93 = arith.constant 0 : i32
      %dma_wait3A_94 = arith.constant 0 : i32
      %dma_wait3A_95 = tpu.memref_slice %arg2[%dma_wait3A_93, %dma_wait3A_94] : memref<10000x128xf32, #tpu.memory_space<hbm>> -> memref<10000x128xf32, #tpu.memory_space<hbm>>
      tpu.wait_indirect_dma semaphore(%arg22 : memref<!tpu.dma_semaphore, #tpu.memory_space<semaphore_mem>>) src(%dma_wait3A_95 : memref<10000x128xf32, #tpu.memory_space<hbm>>) dst(%arg17 : memref<96x128xf32, #tpu.memory_space<vmem>>)
      %dma_start3A_96 = arith.constant 0 : i32
      %dma_start3A_97 = arith.constant 0 : i32
      %dma_start3A_98 = tpu.memref_slice %arg20[%dma_start3A_96, %dma_start3A_97] : memref<10000x128xf32, #tpu.memory_space<vmem_shared>> -> memref<10000x128xf32, #tpu.memory_space<vmem_shared>>
      tpu.enqueue_indirect_dma source(%arg17 : memref<96x128xf32, #tpu.memory_space<vmem>>) target(%dma_start3A_98 : memref<10000x128xf32, #tpu.memory_space<vmem_shared>>) offsets(%arg11 : memref<96xi32, #tpu.memory_space<vmem>>) semaphore(%arg26 : memref<!tpu.dma_semaphore, #tpu.memory_space<semaphore_mem>>) {add = true}
      %dma_wait3A_99 = arith.constant 0 : i32
      %dma_wait3A_100 = arith.constant 0 : i32
      %dma_wait3A_101 = tpu.memref_slice %arg2[%dma_wait3A_99, %dma_wait3A_100] : memref<10000x128xf32, #tpu.memory_space<hbm>> -> memref<10000x128xf32, #tpu.memory_space<hbm>>
      tpu.wait_indirect_dma semaphore(%arg23 : memref<!tpu.dma_semaphore, #tpu.memory_space<semaphore_mem>>) src(%dma_wait3A_101 : memref<10000x128xf32, #tpu.memory_space<hbm>>) dst(%arg18 : memref<96x128xf32, #tpu.memory_space<vmem>>)
      %dma_start3A_102 = arith.constant 0 : i32
      %dma_start3A_103 = arith.constant 0 : i32
      %dma_start3A_104 = tpu.memref_slice %arg20[%dma_start3A_102, %dma_start3A_103] : memref<10000x128xf32, #tpu.memory_space<vmem_shared>> -> memref<10000x128xf32, #tpu.memory_space<vmem_shared>>
      tpu.enqueue_indirect_dma source(%arg18 : memref<96x128xf32, #tpu.memory_space<vmem>>) target(%dma_start3A_104 : memref<10000x128xf32, #tpu.memory_space<vmem_shared>>) offsets(%arg12 : memref<96xi32, #tpu.memory_space<vmem>>) semaphore(%arg27 : memref<!tpu.dma_semaphore, #tpu.memory_space<semaphore_mem>>) {add = true}
      %dma_wait3A_105 = arith.constant 0 : i32
      %dma_wait3A_106 = arith.constant 0 : i32
      %dma_wait3A_107 = tpu.memref_slice %arg2[%dma_wait3A_105, %dma_wait3A_106] : memref<10000x128xf32, #tpu.memory_space<hbm>> -> memref<10000x128xf32, #tpu.memory_space<hbm>>
      tpu.wait_indirect_dma semaphore(%arg24 : memref<!tpu.dma_semaphore, #tpu.memory_space<semaphore_mem>>) src(%dma_wait3A_107 : memref<10000x128xf32, #tpu.memory_space<hbm>>) dst(%arg19 : memref<96x128xf32, #tpu.memory_space<vmem>>)
      %dma_start3A_108 = arith.constant 0 : i32
      %dma_start3A_109 = arith.constant 0 : i32
      %dma_start3A_110 = tpu.memref_slice %arg20[%dma_start3A_108, %dma_start3A_109] : memref<10000x128xf32, #tpu.memory_space<vmem_shared>> -> memref<10000x128xf32, #tpu.memory_space<vmem_shared>>
      tpu.enqueue_indirect_dma source(%arg19 : memref<96x128xf32, #tpu.memory_space<vmem>>) target(%dma_start3A_110 : memref<10000x128xf32, #tpu.memory_space<vmem_shared>>) offsets(%arg13 : memref<96xi32, #tpu.memory_space<vmem>>) semaphore(%arg28 : memref<!tpu.dma_semaphore, #tpu.memory_space<semaphore_mem>>) {add = true}
      %dma_wait3A_111 = arith.constant 0 : i32
      %dma_wait3A_112 = arith.constant 0 : i32
      %dma_wait3A_113 = tpu.memref_slice %arg20[%dma_wait3A_111, %dma_wait3A_112] : memref<10000x128xf32, #tpu.memory_space<vmem_shared>> -> memref<10000x128xf32, #tpu.memory_space<vmem_shared>>
      tpu.wait_indirect_dma semaphore(%arg25 : memref<!tpu.dma_semaphore, #tpu.memory_space<semaphore_mem>>) src(%arg16 : memref<96x128xf32, #tpu.memory_space<vmem>>) dst(%dma_wait3A_113 : memref<10000x128xf32, #tpu.memory_space<vmem_shared>>)
      %lt3A_114 = arith.constant 25 : i32
      %lt3A_115 = arith.cmpi slt, %scan3A_86, %lt3A_114 : i32
      %convert_element_type3A_116 = arith.extui %lt3A_115 : i1 to i32
      %cond3A_117 = arith.constant 0 : i32
      %cond3A_118 = arith.cmpi ne, %convert_element_type3A_116, %cond3A_117 : i32
      scf.if %cond3A_118 {
        %add3A_143 = arith.constant 1 : i32
        %add3A_144 = arith.addi %scan3A_86, %add3A_143 : i32
        %mul3A_145 = arith.constant 4 : i32
        %mul3A_146 = arith.muli %add3A_144, %mul3A_145 : i32
        %add3A_147 = arith.constant 0 : i32
        %add3A_148 = arith.addi %mul3A_146, %add3A_147 : i32
        %mul3A_149 = arith.constant 96 : i32
        %mul3A_150 = arith.muli %add3A_148, %mul3A_149 : i32
        %add3A_151 = arith.addi %mul3A_2, %mul3A_150 : i32
        "tpu.region"() ({
          %run_scoped3A = tpu.sem_alloc : memref<!tpu.dma_semaphore, #tpu.memory_space<semaphore_mem>>
          %dma_start3A_155 = tpu.memref_slice %arg3[%add3A_151] : memref<320000xi32, #tpu.memory_space<hbm>> -> memref<96xi32, #tpu.memory_space<hbm>>
          %dma_start3A_156 = tpu.memref_slice %arg3[%add3A_151] : memref<320000xi32, #tpu.memory_space<hbm>> -> memref<96xi32, #tpu.memory_space<hbm>>
          tpu.enqueue_dma source(%dma_start3A_156 : memref<96xi32, #tpu.memory_space<hbm>>) target(%arg6 : memref<96xi32, #tpu.memory_space<vmem>>) target_semaphore(%run_scoped3A : memref<!tpu.dma_semaphore, #tpu.memory_space<semaphore_mem>>)
          %dma_wait3A_157 = tpu.memref_slice %arg3[%add3A_151] : memref<320000xi32, #tpu.memory_space<hbm>> -> memref<96xi32, #tpu.memory_space<hbm>>
          %dma_wait3A_158 = tpu.memref_slice %arg3[%add3A_151] : memref<320000xi32, #tpu.memory_space<hbm>> -> memref<96xi32, #tpu.memory_space<hbm>>
          tpu.wait_dma2 semaphore(%run_scoped3A : memref<!tpu.dma_semaphore, #tpu.memory_space<semaphore_mem>>) src(%dma_wait3A_158 : memref<96xi32, #tpu.memory_space<hbm>>) dst(%arg6 : memref<96xi32, #tpu.memory_space<vmem>>)
          tpu.yield
        }) : () -> ()
        "tpu.region"() ({
          %run_scoped3A = tpu.sem_alloc : memref<!tpu.dma_semaphore, #tpu.memory_space<semaphore_mem>>
          %dma_start3A_155 = tpu.memref_slice %arg4[%add3A_151] : memref<320000xi32, #tpu.memory_space<hbm>> -> memref<96xi32, #tpu.memory_space<hbm>>
          %dma_start3A_156 = tpu.memref_slice %arg4[%add3A_151] : memref<320000xi32, #tpu.memory_space<hbm>> -> memref<96xi32, #tpu.memory_space<hbm>>
          tpu.enqueue_dma source(%dma_start3A_156 : memref<96xi32, #tpu.memory_space<hbm>>) target(%arg10 : memref<96xi32, #tpu.memory_space<vmem>>) target_semaphore(%run_scoped3A : memref<!tpu.dma_semaphore, #tpu.memory_space<semaphore_mem>>)
          %dma_wait3A_157 = tpu.memref_slice %arg4[%add3A_151] : memref<320000xi32, #tpu.memory_space<hbm>> -> memref<96xi32, #tpu.memory_space<hbm>>
          %dma_wait3A_158 = tpu.memref_slice %arg4[%add3A_151] : memref<320000xi32, #tpu.memory_space<hbm>> -> memref<96xi32, #tpu.memory_space<hbm>>
          tpu.wait_dma2 semaphore(%run_scoped3A : memref<!tpu.dma_semaphore, #tpu.memory_space<semaphore_mem>>) src(%dma_wait3A_158 : memref<96xi32, #tpu.memory_space<hbm>>) dst(%arg10 : memref<96xi32, #tpu.memory_space<vmem>>)
          tpu.yield
        }) : () -> ()
        %dma_start3A_152 = arith.constant 0 : i32
        %dma_start3A_153 = arith.constant 0 : i32
        %dma_start3A_154 = tpu.memref_slice %arg2[%dma_start3A_152, %dma_start3A_153] : memref<10000x128xf32, #tpu.memory_space<hbm>> -> memref<10000x128xf32, #tpu.memory_space<hbm>>
        tpu.enqueue_indirect_dma source(%dma_start3A_154 : memref<10000x128xf32, #tpu.memory_space<hbm>>) target(%arg16 : memref<96x128xf32, #tpu.memory_space<vmem>>) offsets(%arg6 : memref<96xi32, #tpu.memory_space<vmem>>) semaphore(%arg21 : memref<!tpu.dma_semaphore, #tpu.memory_space<semaphore_mem>>)
      } else {
      }
      %dma_wait3A_119 = arith.constant 0 : i32
      %dma_wait3A_120 = arith.constant 0 : i32
      %dma_wait3A_121 = tpu.memref_slice %arg20[%dma_wait3A_119, %dma_wait3A_120] : memref<10000x128xf32, #tpu.memory_space<vmem_shared>> -> memref<10000x128xf32, #tpu.memory_space<vmem_shared>>
      tpu.wait_indirect_dma semaphore(%arg26 : memref<!tpu.dma_semaphore, #tpu.memory_space<semaphore_mem>>) src(%arg17 : memref<96x128xf32, #tpu.memory_space<vmem>>) dst(%dma_wait3A_121 : memref<10000x128xf32, #tpu.memory_space<vmem_shared>>)
      %lt3A_122 = arith.constant 25 : i32
      %lt3A_123 = arith.cmpi slt, %scan3A_86, %lt3A_122 : i32
      %convert_element_type3A_124 = arith.extui %lt3A_123 : i1 to i32
      %cond3A_125 = arith.constant 0 : i32
      %cond3A_126 = arith.cmpi ne, %convert_element_type3A_124, %cond3A_125 : i32
      scf.if %cond3A_126 {
        %add3A_143 = arith.constant 1 : i32
        %add3A_144 = arith.addi %scan3A_86, %add3A_143 : i32
        %mul3A_145 = arith.constant 4 : i32
        %mul3A_146 = arith.muli %add3A_144, %mul3A_145 : i32
        %add3A_147 = arith.constant 1 : i32
        %add3A_148 = arith.addi %mul3A_146, %add3A_147 : i32
        %mul3A_149 = arith.constant 96 : i32
        %mul3A_150 = arith.muli %add3A_148, %mul3A_149 : i32
        %add3A_151 = arith.addi %mul3A_2, %mul3A_150 : i32
        "tpu.region"() ({
          %run_scoped3A = tpu.sem_alloc : memref<!tpu.dma_semaphore, #tpu.memory_space<semaphore_mem>>
          %dma_start3A_155 = tpu.memref_slice %arg3[%add3A_151] : memref<320000xi32, #tpu.memory_space<hbm>> -> memref<96xi32, #tpu.memory_space<hbm>>
          %dma_start3A_156 = tpu.memref_slice %arg3[%add3A_151] : memref<320000xi32, #tpu.memory_space<hbm>> -> memref<96xi32, #tpu.memory_space<hbm>>
          tpu.enqueue_dma source(%dma_start3A_156 : memref<96xi32, #tpu.memory_space<hbm>>) target(%arg7 : memref<96xi32, #tpu.memory_space<vmem>>) target_semaphore(%run_scoped3A : memref<!tpu.dma_semaphore, #tpu.memory_space<semaphore_mem>>)
          %dma_wait3A_157 = tpu.memref_slice %arg3[%add3A_151] : memref<320000xi32, #tpu.memory_space<hbm>> -> memref<96xi32, #tpu.memory_space<hbm>>
          %dma_wait3A_158 = tpu.memref_slice %arg3[%add3A_151] : memref<320000xi32, #tpu.memory_space<hbm>> -> memref<96xi32, #tpu.memory_space<hbm>>
          tpu.wait_dma2 semaphore(%run_scoped3A : memref<!tpu.dma_semaphore, #tpu.memory_space<semaphore_mem>>) src(%dma_wait3A_158 : memref<96xi32, #tpu.memory_space<hbm>>) dst(%arg7 : memref<96xi32, #tpu.memory_space<vmem>>)
          tpu.yield
        }) : () -> ()
        "tpu.region"() ({
          %run_scoped3A = tpu.sem_alloc : memref<!tpu.dma_semaphore, #tpu.memory_space<semaphore_mem>>
          %dma_start3A_155 = tpu.memref_slice %arg4[%add3A_151] : memref<320000xi32, #tpu.memory_space<hbm>> -> memref<96xi32, #tpu.memory_space<hbm>>
          %dma_start3A_156 = tpu.memref_slice %arg4[%add3A_151] : memref<320000xi32, #tpu.memory_space<hbm>> -> memref<96xi32, #tpu.memory_space<hbm>>
          tpu.enqueue_dma source(%dma_start3A_156 : memref<96xi32, #tpu.memory_space<hbm>>) target(%arg11 : memref<96xi32, #tpu.memory_space<vmem>>) target_semaphore(%run_scoped3A : memref<!tpu.dma_semaphore, #tpu.memory_space<semaphore_mem>>)
          %dma_wait3A_157 = tpu.memref_slice %arg4[%add3A_151] : memref<320000xi32, #tpu.memory_space<hbm>> -> memref<96xi32, #tpu.memory_space<hbm>>
          %dma_wait3A_158 = tpu.memref_slice %arg4[%add3A_151] : memref<320000xi32, #tpu.memory_space<hbm>> -> memref<96xi32, #tpu.memory_space<hbm>>
          tpu.wait_dma2 semaphore(%run_scoped3A : memref<!tpu.dma_semaphore, #tpu.memory_space<semaphore_mem>>) src(%dma_wait3A_158 : memref<96xi32, #tpu.memory_space<hbm>>) dst(%arg11 : memref<96xi32, #tpu.memory_space<vmem>>)
          tpu.yield
        }) : () -> ()
        %dma_start3A_152 = arith.constant 0 : i32
        %dma_start3A_153 = arith.constant 0 : i32
        %dma_start3A_154 = tpu.memref_slice %arg2[%dma_start3A_152, %dma_start3A_153] : memref<10000x128xf32, #tpu.memory_space<hbm>> -> memref<10000x128xf32, #tpu.memory_space<hbm>>
        tpu.enqueue_indirect_dma source(%dma_start3A_154 : memref<10000x128xf32, #tpu.memory_space<hbm>>) target(%arg17 : memref<96x128xf32, #tpu.memory_space<vmem>>) offsets(%arg7 : memref<96xi32, #tpu.memory_space<vmem>>) semaphore(%arg22 : memref<!tpu.dma_semaphore, #tpu.memory_space<semaphore_mem>>)
      } else {
      }
      %dma_wait3A_127 = arith.constant 0 : i32
      %dma_wait3A_128 = arith.constant 0 : i32
      %dma_wait3A_129 = tpu.memref_slice %arg20[%dma_wait3A_127, %dma_wait3A_128] : memref<10000x128xf32, #tpu.memory_space<vmem_shared>> -> memref<10000x128xf32, #tpu.memory_space<vmem_shared>>
      tpu.wait_indirect_dma semaphore(%arg27 : memref<!tpu.dma_semaphore, #tpu.memory_space<semaphore_mem>>) src(%arg18 : memref<96x128xf32, #tpu.memory_space<vmem>>) dst(%dma_wait3A_129 : memref<10000x128xf32, #tpu.memory_space<vmem_shared>>)
      %lt3A_130 = arith.constant 25 : i32
      %lt3A_131 = arith.cmpi slt, %scan3A_86, %lt3A_130 : i32
      %convert_element_type3A_132 = arith.extui %lt3A_131 : i1 to i32
      %cond3A_133 = arith.constant 0 : i32
      %cond3A_134 = arith.cmpi ne, %convert_element_type3A_132, %cond3A_133 : i32
      scf.if %cond3A_134 {
        %add3A_143 = arith.constant 1 : i32
        %add3A_144 = arith.addi %scan3A_86, %add3A_143 : i32
        %mul3A_145 = arith.constant 4 : i32
        %mul3A_146 = arith.muli %add3A_144, %mul3A_145 : i32
        %add3A_147 = arith.constant 2 : i32
        %add3A_148 = arith.addi %mul3A_146, %add3A_147 : i32
        %mul3A_149 = arith.constant 96 : i32
        %mul3A_150 = arith.muli %add3A_148, %mul3A_149 : i32
        %add3A_151 = arith.addi %mul3A_2, %mul3A_150 : i32
        "tpu.region"() ({
          %run_scoped3A = tpu.sem_alloc : memref<!tpu.dma_semaphore, #tpu.memory_space<semaphore_mem>>
          %dma_start3A_155 = tpu.memref_slice %arg3[%add3A_151] : memref<320000xi32, #tpu.memory_space<hbm>> -> memref<96xi32, #tpu.memory_space<hbm>>
          %dma_start3A_156 = tpu.memref_slice %arg3[%add3A_151] : memref<320000xi32, #tpu.memory_space<hbm>> -> memref<96xi32, #tpu.memory_space<hbm>>
          tpu.enqueue_dma source(%dma_start3A_156 : memref<96xi32, #tpu.memory_space<hbm>>) target(%arg8 : memref<96xi32, #tpu.memory_space<vmem>>) target_semaphore(%run_scoped3A : memref<!tpu.dma_semaphore, #tpu.memory_space<semaphore_mem>>)
          %dma_wait3A_157 = tpu.memref_slice %arg3[%add3A_151] : memref<320000xi32, #tpu.memory_space<hbm>> -> memref<96xi32, #tpu.memory_space<hbm>>
          %dma_wait3A_158 = tpu.memref_slice %arg3[%add3A_151] : memref<320000xi32, #tpu.memory_space<hbm>> -> memref<96xi32, #tpu.memory_space<hbm>>
          tpu.wait_dma2 semaphore(%run_scoped3A : memref<!tpu.dma_semaphore, #tpu.memory_space<semaphore_mem>>) src(%dma_wait3A_158 : memref<96xi32, #tpu.memory_space<hbm>>) dst(%arg8 : memref<96xi32, #tpu.memory_space<vmem>>)
          tpu.yield
        }) : () -> ()
        "tpu.region"() ({
          %run_scoped3A = tpu.sem_alloc : memref<!tpu.dma_semaphore, #tpu.memory_space<semaphore_mem>>
          %dma_start3A_155 = tpu.memref_slice %arg4[%add3A_151] : memref<320000xi32, #tpu.memory_space<hbm>> -> memref<96xi32, #tpu.memory_space<hbm>>
          %dma_start3A_156 = tpu.memref_slice %arg4[%add3A_151] : memref<320000xi32, #tpu.memory_space<hbm>> -> memref<96xi32, #tpu.memory_space<hbm>>
          tpu.enqueue_dma source(%dma_start3A_156 : memref<96xi32, #tpu.memory_space<hbm>>) target(%arg12 : memref<96xi32, #tpu.memory_space<vmem>>) target_semaphore(%run_scoped3A : memref<!tpu.dma_semaphore, #tpu.memory_space<semaphore_mem>>)
          %dma_wait3A_157 = tpu.memref_slice %arg4[%add3A_151] : memref<320000xi32, #tpu.memory_space<hbm>> -> memref<96xi32, #tpu.memory_space<hbm>>
          %dma_wait3A_158 = tpu.memref_slice %arg4[%add3A_151] : memref<320000xi32, #tpu.memory_space<hbm>> -> memref<96xi32, #tpu.memory_space<hbm>>
          tpu.wait_dma2 semaphore(%run_scoped3A : memref<!tpu.dma_semaphore, #tpu.memory_space<semaphore_mem>>) src(%dma_wait3A_158 : memref<96xi32, #tpu.memory_space<hbm>>) dst(%arg12 : memref<96xi32, #tpu.memory_space<vmem>>)
          tpu.yield
        }) : () -> ()
        %dma_start3A_152 = arith.constant 0 : i32
        %dma_start3A_153 = arith.constant 0 : i32
        %dma_start3A_154 = tpu.memref_slice %arg2[%dma_start3A_152, %dma_start3A_153] : memref<10000x128xf32, #tpu.memory_space<hbm>> -> memref<10000x128xf32, #tpu.memory_space<hbm>>
        tpu.enqueue_indirect_dma source(%dma_start3A_154 : memref<10000x128xf32, #tpu.memory_space<hbm>>) target(%arg18 : memref<96x128xf32, #tpu.memory_space<vmem>>) offsets(%arg8 : memref<96xi32, #tpu.memory_space<vmem>>) semaphore(%arg23 : memref<!tpu.dma_semaphore, #tpu.memory_space<semaphore_mem>>)
      } else {
      }
      %dma_wait3A_135 = arith.constant 0 : i32
      %dma_wait3A_136 = arith.constant 0 : i32
      %dma_wait3A_137 = tpu.memref_slice %arg20[%dma_wait3A_135, %dma_wait3A_136] : memref<10000x128xf32, #tpu.memory_space<vmem_shared>> -> memref<10000x128xf32, #tpu.memory_space<vmem_shared>>
      tpu.wait_indirect_dma semaphore(%arg28 : memref<!tpu.dma_semaphore, #tpu.memory_space<semaphore_mem>>) src(%arg19 : memref<96x128xf32, #tpu.memory_space<vmem>>) dst(%dma_wait3A_137 : memref<10000x128xf32, #tpu.memory_space<vmem_shared>>)
      %lt3A_138 = arith.constant 25 : i32
      %lt3A_139 = arith.cmpi slt, %scan3A_86, %lt3A_138 : i32
      %convert_element_type3A_140 = arith.extui %lt3A_139 : i1 to i32
      %cond3A_141 = arith.constant 0 : i32
      %cond3A_142 = arith.cmpi ne, %convert_element_type3A_140, %cond3A_141 : i32
      scf.if %cond3A_142 {
        %add3A_143 = arith.constant 1 : i32
        %add3A_144 = arith.addi %scan3A_86, %add3A_143 : i32
        %mul3A_145 = arith.constant 4 : i32
        %mul3A_146 = arith.muli %add3A_144, %mul3A_145 : i32
        %add3A_147 = arith.constant 3 : i32
        %add3A_148 = arith.addi %mul3A_146, %add3A_147 : i32
        %mul3A_149 = arith.constant 96 : i32
        %mul3A_150 = arith.muli %add3A_148, %mul3A_149 : i32
        %add3A_151 = arith.addi %mul3A_2, %mul3A_150 : i32
        "tpu.region"() ({
          %run_scoped3A = tpu.sem_alloc : memref<!tpu.dma_semaphore, #tpu.memory_space<semaphore_mem>>
          %dma_start3A_155 = tpu.memref_slice %arg3[%add3A_151] : memref<320000xi32, #tpu.memory_space<hbm>> -> memref<96xi32, #tpu.memory_space<hbm>>
          %dma_start3A_156 = tpu.memref_slice %arg3[%add3A_151] : memref<320000xi32, #tpu.memory_space<hbm>> -> memref<96xi32, #tpu.memory_space<hbm>>
          tpu.enqueue_dma source(%dma_start3A_156 : memref<96xi32, #tpu.memory_space<hbm>>) target(%arg9 : memref<96xi32, #tpu.memory_space<vmem>>) target_semaphore(%run_scoped3A : memref<!tpu.dma_semaphore, #tpu.memory_space<semaphore_mem>>)
          %dma_wait3A_157 = tpu.memref_slice %arg3[%add3A_151] : memref<320000xi32, #tpu.memory_space<hbm>> -> memref<96xi32, #tpu.memory_space<hbm>>
          %dma_wait3A_158 = tpu.memref_slice %arg3[%add3A_151] : memref<320000xi32, #tpu.memory_space<hbm>> -> memref<96xi32, #tpu.memory_space<hbm>>
          tpu.wait_dma2 semaphore(%run_scoped3A : memref<!tpu.dma_semaphore, #tpu.memory_space<semaphore_mem>>) src(%dma_wait3A_158 : memref<96xi32, #tpu.memory_space<hbm>>) dst(%arg9 : memref<96xi32, #tpu.memory_space<vmem>>)
          tpu.yield
        }) : () -> ()
        "tpu.region"() ({
          %run_scoped3A = tpu.sem_alloc : memref<!tpu.dma_semaphore, #tpu.memory_space<semaphore_mem>>
          %dma_start3A_155 = tpu.memref_slice %arg4[%add3A_151] : memref<320000xi32, #tpu.memory_space<hbm>> -> memref<96xi32, #tpu.memory_space<hbm>>
          %dma_start3A_156 = tpu.memref_slice %arg4[%add3A_151] : memref<320000xi32, #tpu.memory_space<hbm>> -> memref<96xi32, #tpu.memory_space<hbm>>
          tpu.enqueue_dma source(%dma_start3A_156 : memref<96xi32, #tpu.memory_space<hbm>>) target(%arg13 : memref<96xi32, #tpu.memory_space<vmem>>) target_semaphore(%run_scoped3A : memref<!tpu.dma_semaphore, #tpu.memory_space<semaphore_mem>>)
          %dma_wait3A_157 = tpu.memref_slice %arg4[%add3A_151] : memref<320000xi32, #tpu.memory_space<hbm>> -> memref<96xi32, #tpu.memory_space<hbm>>
          %dma_wait3A_158 = tpu.memref_slice %arg4[%add3A_151] : memref<320000xi32, #tpu.memory_space<hbm>> -> memref<96xi32, #tpu.memory_space<hbm>>
          tpu.wait_dma2 semaphore(%run_scoped3A : memref<!tpu.dma_semaphore, #tpu.memory_space<semaphore_mem>>) src(%dma_wait3A_158 : memref<96xi32, #tpu.memory_space<hbm>>) dst(%arg13 : memref<96xi32, #tpu.memory_space<vmem>>)
          tpu.yield
        }) : () -> ()
        %dma_start3A_152 = arith.constant 0 : i32
        %dma_start3A_153 = arith.constant 0 : i32
        %dma_start3A_154 = tpu.memref_slice %arg2[%dma_start3A_152, %dma_start3A_153] : memref<10000x128xf32, #tpu.memory_space<hbm>> -> memref<10000x128xf32, #tpu.memory_space<hbm>>
        tpu.enqueue_indirect_dma source(%dma_start3A_154 : memref<10000x128xf32, #tpu.memory_space<hbm>>) target(%arg19 : memref<96x128xf32, #tpu.memory_space<vmem>>) offsets(%arg9 : memref<96xi32, #tpu.memory_space<vmem>>) semaphore(%arg24 : memref<!tpu.dma_semaphore, #tpu.memory_space<semaphore_mem>>)
      } else {
      }
    }
    %scan3A_62 = arith.constant 26 : i32
    %add3A_63 = arith.constant 9984 : i32
    %add3A_64 = arith.addi %mul3A_2, %add3A_63 : i32
    "tpu.region"() ({
      %run_scoped3A = tpu.sem_alloc : memref<!tpu.dma_semaphore, #tpu.memory_space<semaphore_mem>>
      %dma_start3A_86 = tpu.memref_slice %arg3[%add3A_64] : memref<320000xi32, #tpu.memory_space<hbm>> -> memref<16xi32, #tpu.memory_space<hbm>>
      %dma_start3A_87 = tpu.memref_slice %arg3[%add3A_64] : memref<320000xi32, #tpu.memory_space<hbm>> -> memref<16xi32, #tpu.memory_space<hbm>>
      tpu.enqueue_dma source(%dma_start3A_87 : memref<16xi32, #tpu.memory_space<hbm>>) target(%arg14 : memref<16xi32, #tpu.memory_space<vmem>>) target_semaphore(%run_scoped3A : memref<!tpu.dma_semaphore, #tpu.memory_space<semaphore_mem>>)
      %dma_wait3A_88 = tpu.memref_slice %arg3[%add3A_64] : memref<320000xi32, #tpu.memory_space<hbm>> -> memref<16xi32, #tpu.memory_space<hbm>>
      %dma_wait3A_89 = tpu.memref_slice %arg3[%add3A_64] : memref<320000xi32, #tpu.memory_space<hbm>> -> memref<16xi32, #tpu.memory_space<hbm>>
      tpu.wait_dma2 semaphore(%run_scoped3A : memref<!tpu.dma_semaphore, #tpu.memory_space<semaphore_mem>>) src(%dma_wait3A_89 : memref<16xi32, #tpu.memory_space<hbm>>) dst(%arg14 : memref<16xi32, #tpu.memory_space<vmem>>)
      tpu.yield
    }) : () -> ()
    "tpu.region"() ({
      %run_scoped3A = tpu.sem_alloc : memref<!tpu.dma_semaphore, #tpu.memory_space<semaphore_mem>>
      %dma_start3A_86 = tpu.memref_slice %arg4[%add3A_64] : memref<320000xi32, #tpu.memory_space<hbm>> -> memref<16xi32, #tpu.memory_space<hbm>>
      %dma_start3A_87 = tpu.memref_slice %arg4[%add3A_64] : memref<320000xi32, #tpu.memory_space<hbm>> -> memref<16xi32, #tpu.memory_space<hbm>>
      tpu.enqueue_dma source(%dma_start3A_87 : memref<16xi32, #tpu.memory_space<hbm>>) target(%arg15 : memref<16xi32, #tpu.memory_space<vmem>>) target_semaphore(%run_scoped3A : memref<!tpu.dma_semaphore, #tpu.memory_space<semaphore_mem>>)
      %dma_wait3A_88 = tpu.memref_slice %arg4[%add3A_64] : memref<320000xi32, #tpu.memory_space<hbm>> -> memref<16xi32, #tpu.memory_space<hbm>>
      %dma_wait3A_89 = tpu.memref_slice %arg4[%add3A_64] : memref<320000xi32, #tpu.memory_space<hbm>> -> memref<16xi32, #tpu.memory_space<hbm>>
      tpu.wait_dma2 semaphore(%run_scoped3A : memref<!tpu.dma_semaphore, #tpu.memory_space<semaphore_mem>>) src(%dma_wait3A_89 : memref<16xi32, #tpu.memory_space<hbm>>) dst(%arg15 : memref<16xi32, #tpu.memory_space<vmem>>)
      tpu.yield
    }) : () -> ()
    %dma_start3A_65 = arith.constant 0 : i32
    %dma_start3A_66 = arith.constant 0 : i32
    %dma_start3A_67 = tpu.memref_slice %arg16[%dma_start3A_65, %dma_start3A_66] : memref<96x128xf32, #tpu.memory_space<vmem>> -> memref<16x128xf32, #tpu.memory_space<vmem>>
    %dma_start3A_68 = arith.constant 0 : i32
    %dma_start3A_69 = arith.constant 0 : i32
    %dma_start3A_70 = tpu.memref_slice %arg2[%dma_start3A_68, %dma_start3A_69] : memref<10000x128xf32, #tpu.memory_space<hbm>> -> memref<10000x128xf32, #tpu.memory_space<hbm>>
    tpu.enqueue_indirect_dma source(%dma_start3A_70 : memref<10000x128xf32, #tpu.memory_space<hbm>>) target(%dma_start3A_67 : memref<16x128xf32, #tpu.memory_space<vmem>>) offsets(%arg14 : memref<16xi32, #tpu.memory_space<vmem>>) semaphore(%arg21 : memref<!tpu.dma_semaphore, #tpu.memory_space<semaphore_mem>>)
    %dma_wait3A = arith.constant 0 : i32
    %dma_wait3A_71 = arith.constant 0 : i32
    %dma_wait3A_72 = tpu.memref_slice %arg16[%dma_wait3A, %dma_wait3A_71] : memref<96x128xf32, #tpu.memory_space<vmem>> -> memref<16x128xf32, #tpu.memory_space<vmem>>
    %dma_wait3A_73 = arith.constant 0 : i32
    %dma_wait3A_74 = arith.constant 0 : i32
    %dma_wait3A_75 = tpu.memref_slice %arg2[%dma_wait3A_73, %dma_wait3A_74] : memref<10000x128xf32, #tpu.memory_space<hbm>> -> memref<10000x128xf32, #tpu.memory_space<hbm>>
    tpu.wait_indirect_dma semaphore(%arg21 : memref<!tpu.dma_semaphore, #tpu.memory_space<semaphore_mem>>) src(%dma_wait3A_75 : memref<10000x128xf32, #tpu.memory_space<hbm>>) dst(%dma_wait3A_72 : memref<16x128xf32, #tpu.memory_space<vmem>>)
    "tpu.region"() ({
      %run_scoped3A = tpu.sem_alloc : memref<!tpu.dma_semaphore, #tpu.memory_space<semaphore_mem>>
      %dma_start3A_86 = arith.constant 0 : i32
      %dma_start3A_87 = arith.constant 0 : i32
      %dma_start3A_88 = tpu.memref_slice %arg16[%dma_start3A_86, %dma_start3A_87] : memref<96x128xf32, #tpu.memory_space<vmem>> -> memref<16x128xf32, #tpu.memory_space<vmem>>
      %dma_start3A_89 = arith.constant 0 : i32
      %dma_start3A_90 = arith.constant 0 : i32
      %dma_start3A_91 = tpu.memref_slice %arg20[%dma_start3A_89, %dma_start3A_90] : memref<10000x128xf32, #tpu.memory_space<vmem_shared>> -> memref<10000x128xf32, #tpu.memory_space<vmem_shared>>
      tpu.enqueue_indirect_dma source(%dma_start3A_88 : memref<16x128xf32, #tpu.memory_space<vmem>>) target(%dma_start3A_91 : memref<10000x128xf32, #tpu.memory_space<vmem_shared>>) offsets(%arg15 : memref<16xi32, #tpu.memory_space<vmem>>) semaphore(%run_scoped3A : memref<!tpu.dma_semaphore, #tpu.memory_space<semaphore_mem>>) {add = true}
      %dma_wait3A_92 = arith.constant 0 : i32
      %dma_wait3A_93 = arith.constant 0 : i32
      %dma_wait3A_94 = tpu.memref_slice %arg16[%dma_wait3A_92, %dma_wait3A_93] : memref<96x128xf32, #tpu.memory_space<vmem>> -> memref<16x128xf32, #tpu.memory_space<vmem>>
      %dma_wait3A_95 = arith.constant 0 : i32
      %dma_wait3A_96 = arith.constant 0 : i32
      %dma_wait3A_97 = tpu.memref_slice %arg20[%dma_wait3A_95, %dma_wait3A_96] : memref<10000x128xf32, #tpu.memory_space<vmem_shared>> -> memref<10000x128xf32, #tpu.memory_space<vmem_shared>>
      tpu.wait_indirect_dma semaphore(%run_scoped3A : memref<!tpu.dma_semaphore, #tpu.memory_space<semaphore_mem>>) src(%dma_wait3A_94 : memref<16x128xf32, #tpu.memory_space<vmem>>) dst(%dma_wait3A_97 : memref<10000x128xf32, #tpu.memory_space<vmem_shared>>)
      tpu.yield
    }) : () -> ()
    %barrier3A_76 = arith.constant 0 : index
    tpu.barrier barrier_id(%barrier3A_76)
    %lt3A = arith.constant 15 : i32
    %lt3A_77 = arith.cmpi slt, %arg1, %lt3A : i32
    %convert_element_type3A_78 = arith.extui %lt3A_77 : i1 to i32
    %cond3A_79 = arith.constant 0 : i32
    %cond3A_80 = arith.cmpi ne, %convert_element_type3A_78, %cond3A_79 : i32
    scf.if %cond3A_80 {
      %mul3A_86 = arith.constant 624 : i32
      %mul3A_87 = arith.muli %arg1, %mul3A_86 : i32
      %mul3A_88 = arith.constant 624 : i32
      %mul3A_89 = arith.muli %arg1, %mul3A_88 : i32
      "tpu.region"() ({
        %run_scoped3A = tpu.sem_alloc : memref<!tpu.dma_semaphore, #tpu.memory_space<semaphore_mem>>
        %dma_start3A_90 = arith.constant 0 : i32
        %dma_start3A_91 = tpu.memref_slice %arg5[%arg0, %mul3A_89, %dma_start3A_90] : memref<2x10000x128xf32, #tpu.memory_space<hbm>> -> memref<1x624x128xf32, #tpu.memory_space<hbm>>
        %dma_start3A_92 = tpu.memref_squeeze %dma_start3A_91 : memref<1x624x128xf32, #tpu.memory_space<hbm>> -> memref<624x128xf32, #tpu.memory_space<hbm>>
        %dma_start3A_93 = arith.constant 0 : i32
        %dma_start3A_94 = tpu.memref_slice %arg20[%mul3A_87, %dma_start3A_93] : memref<10000x128xf32, #tpu.memory_space<vmem_shared>> -> memref<624x128xf32, #tpu.memory_space<vmem_shared>>
        tpu.enqueue_dma source(%dma_start3A_94 : memref<624x128xf32, #tpu.memory_space<vmem_shared>>) target(%dma_start3A_92 : memref<624x128xf32, #tpu.memory_space<hbm>>) target_semaphore(%run_scoped3A : memref<!tpu.dma_semaphore, #tpu.memory_space<semaphore_mem>>)
        %dma_wait3A_95 = arith.constant 0 : i32
        %dma_wait3A_96 = tpu.memref_slice %arg5[%arg0, %mul3A_89, %dma_wait3A_95] : memref<2x10000x128xf32, #tpu.memory_space<hbm>> -> memref<1x624x128xf32, #tpu.memory_space<hbm>>
        %dma_wait3A_97 = tpu.memref_squeeze %dma_wait3A_96 : memref<1x624x128xf32, #tpu.memory_space<hbm>> -> memref<624x128xf32, #tpu.memory_space<hbm>>
        %dma_wait3A_98 = arith.constant 0 : i32
        %dma_wait3A_99 = tpu.memref_slice %arg20[%mul3A_87, %dma_wait3A_98] : memref<10000x128xf32, #tpu.memory_space<vmem_shared>> -> memref<624x128xf32, #tpu.memory_space<vmem_shared>>
        tpu.wait_dma2 semaphore(%run_scoped3A : memref<!tpu.dma_semaphore, #tpu.memory_space<semaphore_mem>>) src(%dma_wait3A_99 : memref<624x128xf32, #tpu.memory_space<vmem_shared>>) dst(%dma_wait3A_97 : memref<624x128xf32, #tpu.memory_space<hbm>>)
        tpu.yield
      }) : () -> ()
    } else {
    }
    %eq3A_81 = arith.constant 15 : i32
    %eq3A_82 = arith.cmpi eq, %arg1, %eq3A_81 : i32
    %convert_element_type3A_83 = arith.extui %eq3A_82 : i1 to i32
    %cond3A_84 = arith.constant 0 : i32
    %cond3A_85 = arith.cmpi ne, %convert_element_type3A_83, %cond3A_84 : i32
    scf.if %cond3A_85 {
      "tpu.region"() ({
        %run_scoped3A = tpu.sem_alloc : memref<!tpu.dma_semaphore, #tpu.memory_space<semaphore_mem>>
        %dma_start3A_86 = arith.constant 9360 : i32
        %dma_start3A_87 = arith.constant 0 : i32
        %dma_start3A_88 = tpu.memref_slice %arg5[%arg0, %dma_start3A_86, %dma_start3A_87] : memref<2x10000x128xf32, #tpu.memory_space<hbm>> -> memref<1x640x128xf32, #tpu.memory_space<hbm>>
        %dma_start3A_89 = tpu.memref_squeeze %dma_start3A_88 : memref<1x640x128xf32, #tpu.memory_space<hbm>> -> memref<640x128xf32, #tpu.memory_space<hbm>>
        %dma_start3A_90 = arith.constant 9360 : i32
        %dma_start3A_91 = arith.constant 0 : i32
        %dma_start3A_92 = tpu.memref_slice %arg20[%dma_start3A_90, %dma_start3A_91] : memref<10000x128xf32, #tpu.memory_space<vmem_shared>> -> memref<640x128xf32, #tpu.memory_space<vmem_shared>>
        tpu.enqueue_dma source(%dma_start3A_92 : memref<640x128xf32, #tpu.memory_space<vmem_shared>>) target(%dma_start3A_89 : memref<640x128xf32, #tpu.memory_space<hbm>>) target_semaphore(%run_scoped3A : memref<!tpu.dma_semaphore, #tpu.memory_space<semaphore_mem>>)
        %dma_wait3A_93 = arith.constant 9360 : i32
        %dma_wait3A_94 = arith.constant 0 : i32
        %dma_wait3A_95 = tpu.memref_slice %arg5[%arg0, %dma_wait3A_93, %dma_wait3A_94] : memref<2x10000x128xf32, #tpu.memory_space<hbm>> -> memref<1x640x128xf32, #tpu.memory_space<hbm>>
        %dma_wait3A_96 = tpu.memref_squeeze %dma_wait3A_95 : memref<1x640x128xf32, #tpu.memory_space<hbm>> -> memref<640x128xf32, #tpu.memory_space<hbm>>
        %dma_wait3A_97 = arith.constant 9360 : i32
        %dma_wait3A_98 = arith.constant 0 : i32
        %dma_wait3A_99 = tpu.memref_slice %arg20[%dma_wait3A_97, %dma_wait3A_98] : memref<10000x128xf32, #tpu.memory_space<vmem_shared>> -> memref<640x128xf32, #tpu.memory_space<vmem_shared>>
        tpu.wait_dma2 semaphore(%run_scoped3A : memref<!tpu.dma_semaphore, #tpu.memory_space<semaphore_mem>>) src(%dma_wait3A_99 : memref<640x128xf32, #tpu.memory_space<vmem_shared>>) dst(%dma_wait3A_96 : memref<640x128xf32, #tpu.memory_space<hbm>>)
        tpu.yield
      }) : () -> ()
    } else {
    }
    return
  }
}

#map = affine_map<(d0, d1) -> (0)>
#map1 = affine_map<(d0, d1) -> (0, 0)>
module attributes {stable_mosaic.version = 14 : i64} {
  func.func @_embed_deg_body(%arg0: i32, %arg1: i32, %arg2: memref<10000xi32, #tpu.memory_space<hbm>>, %arg3: memref<100000x128xf32, #tpu.memory_space<hbm>>, %arg4: memref<2560x125xi32, #tpu.memory_space<hbm>>, %arg5: memref<2560x125xi32, #tpu.memory_space<hbm>>, %arg6: memref<10000x128xf32, #tpu.memory_space<hbm>>, %arg7: memref<2x10000xf32, #tpu.memory_space<hbm>>, %arg8: memref<2x10000xf32, #tpu.memory_space<hbm>>, %arg9: memref<80x125xi32, #tpu.memory_space<vmem>>, %arg10: memref<80x125xi32, #tpu.memory_space<vmem>>, %arg11: memref<128xf32, #tpu.memory_space<vmem>>, %arg12: memref<640xf32, #tpu.memory_space<vmem>>, %arg13: memref<80xi32, #tpu.memory_space<vmem>>, %arg14: memref<80xi32, #tpu.memory_space<vmem>>, %arg15: memref<80xi32, #tpu.memory_space<vmem>>, %arg16: memref<80xi32, #tpu.memory_space<vmem>>, %arg17: memref<80x128xf32, #tpu.memory_space<vmem>>, %arg18: memref<80x128xf32, #tpu.memory_space<vmem>>, %arg19: memref<80x128xf32, #tpu.memory_space<vmem>>, %arg20: memref<80x128xf32, #tpu.memory_space<vmem>>, %arg21: memref<10000xf32, #tpu.memory_space<vmem_shared>>, %arg22: memref<10000xf32, #tpu.memory_space<vmem_shared>>, %arg23: memref<!tpu.dma_semaphore, #tpu.memory_space<semaphore_mem>>, %arg24: memref<!tpu.dma_semaphore, #tpu.memory_space<semaphore_mem>>, %arg25: memref<!tpu.dma_semaphore, #tpu.memory_space<semaphore_mem>>, %arg26: memref<!tpu.dma_semaphore, #tpu.memory_space<semaphore_mem>>, %arg27: memref<!tpu.dma_semaphore, #tpu.memory_space<semaphore_mem>>, %arg28: memref<!tpu.dma_semaphore, #tpu.memory_space<semaphore_mem>>) attributes {dimension_semantics = [#tpu.dimension_semantics<core_parallel>, #tpu.dimension_semantics<subcore_parallel>], iteration_bounds = array<i64: 2, 16>, scalar_prefetch = 0 : i64, scratch_operands = 20 : i64, tpu.core_type = #tpu.core_type<sc_vector_subcore>, window_params = [{transform_indices = #map}, {transform_indices = #map1}, {transform_indices = #map1}, {transform_indices = #map1}, {transform_indices = #map1}, {transform_indices = #map1}, {transform_indices = #map1}]} {
    %mul3A = arith.constant 16 : i32
    %mul3A_0 = arith.muli %arg0, %mul3A : i32
    %add3A = arith.addi %mul3A_0, %arg1 : i32
    %broadcast_in_dim3A = arith.constant 1.000000e+00 : f32
    %broadcast_in_dim3A_1 = vector.broadcast %broadcast_in_dim3A : f32 to vector<16xf32>
    %swap3A = arith.constant 0 : index
    %swap3A_2 = tpu.vector_load %arg11[%swap3A] {strides = array<i32>} : memref<128xf32, #tpu.memory_space<vmem>>, vector<16xf32>,
    %swap3A_3 = vector.shape_cast %swap3A_2 : vector<16xf32> to vector<16xf32>
    %swap3A_4 = vector.shape_cast %broadcast_in_dim3A_1 : vector<16xf32> to vector<16xf32>
    tpu.vector_store %arg11[%swap3A], %swap3A_4 {strides = array<i32>} : memref<128xf32, #tpu.memory_space<vmem>>, vector<16xf32>,
    %broadcast_in_dim3A_5 = arith.constant 1.000000e+00 : f32
    %broadcast_in_dim3A_6 = vector.broadcast %broadcast_in_dim3A_5 : f32 to vector<16xf32>
    %swap3A_7 = arith.constant 16 : index
    %swap3A_8 = tpu.vector_load %arg11[%swap3A_7] {strides = array<i32>} : memref<128xf32, #tpu.memory_space<vmem>>, vector<16xf32>,
    %swap3A_9 = vector.shape_cast %swap3A_8 : vector<16xf32> to vector<16xf32>
    %swap3A_10 = vector.shape_cast %broadcast_in_dim3A_6 : vector<16xf32> to vector<16xf32>
    tpu.vector_store %arg11[%swap3A_7], %swap3A_10 {strides = array<i32>} : memref<128xf32, #tpu.memory_space<vmem>>, vector<16xf32>,
    %broadcast_in_dim3A_11 = arith.constant 1.000000e+00 : f32
    %broadcast_in_dim3A_12 = vector.broadcast %broadcast_in_dim3A_11 : f32 to vector<16xf32>
    %swap3A_13 = arith.constant 32 : index
    %swap3A_14 = tpu.vector_load %arg11[%swap3A_13] {strides = array<i32>} : memref<128xf32, #tpu.memory_space<vmem>>, vector<16xf32>,
    %swap3A_15 = vector.shape_cast %swap3A_14 : vector<16xf32> to vector<16xf32>
    %swap3A_16 = vector.shape_cast %broadcast_in_dim3A_12 : vector<16xf32> to vector<16xf32>
    tpu.vector_store %arg11[%swap3A_13], %swap3A_16 {strides = array<i32>} : memref<128xf32, #tpu.memory_space<vmem>>, vector<16xf32>,
    %broadcast_in_dim3A_17 = arith.constant 1.000000e+00 : f32
    %broadcast_in_dim3A_18 = vector.broadcast %broadcast_in_dim3A_17 : f32 to vector<16xf32>
    %swap3A_19 = arith.constant 48 : index
    %swap3A_20 = tpu.vector_load %arg11[%swap3A_19] {strides = array<i32>} : memref<128xf32, #tpu.memory_space<vmem>>, vector<16xf32>,
    %swap3A_21 = vector.shape_cast %swap3A_20 : vector<16xf32> to vector<16xf32>
    %swap3A_22 = vector.shape_cast %broadcast_in_dim3A_18 : vector<16xf32> to vector<16xf32>
    tpu.vector_store %arg11[%swap3A_19], %swap3A_22 {strides = array<i32>} : memref<128xf32, #tpu.memory_space<vmem>>, vector<16xf32>,
    %broadcast_in_dim3A_23 = arith.constant 1.000000e+00 : f32
    %broadcast_in_dim3A_24 = vector.broadcast %broadcast_in_dim3A_23 : f32 to vector<16xf32>
    %swap3A_25 = arith.constant 64 : index
    %swap3A_26 = tpu.vector_load %arg11[%swap3A_25] {strides = array<i32>} : memref<128xf32, #tpu.memory_space<vmem>>, vector<16xf32>,
    %swap3A_27 = vector.shape_cast %swap3A_26 : vector<16xf32> to vector<16xf32>
    %swap3A_28 = vector.shape_cast %broadcast_in_dim3A_24 : vector<16xf32> to vector<16xf32>
    tpu.vector_store %arg11[%swap3A_25], %swap3A_28 {strides = array<i32>} : memref<128xf32, #tpu.memory_space<vmem>>, vector<16xf32>,
    %broadcast_in_dim3A_29 = arith.constant 1.000000e+00 : f32
    %broadcast_in_dim3A_30 = vector.broadcast %broadcast_in_dim3A_29 : f32 to vector<16xf32>
    %swap3A_31 = arith.constant 80 : index
    %swap3A_32 = tpu.vector_load %arg11[%swap3A_31] {strides = array<i32>} : memref<128xf32, #tpu.memory_space<vmem>>, vector<16xf32>,
    %swap3A_33 = vector.shape_cast %swap3A_32 : vector<16xf32> to vector<16xf32>
    %swap3A_34 = vector.shape_cast %broadcast_in_dim3A_30 : vector<16xf32> to vector<16xf32>
    tpu.vector_store %arg11[%swap3A_31], %swap3A_34 {strides = array<i32>} : memref<128xf32, #tpu.memory_space<vmem>>, vector<16xf32>,
    %broadcast_in_dim3A_35 = arith.constant 1.000000e+00 : f32
    %broadcast_in_dim3A_36 = vector.broadcast %broadcast_in_dim3A_35 : f32 to vector<16xf32>
    %swap3A_37 = arith.constant 96 : index
    %swap3A_38 = tpu.vector_load %arg11[%swap3A_37] {strides = array<i32>} : memref<128xf32, #tpu.memory_space<vmem>>, vector<16xf32>,
    %swap3A_39 = vector.shape_cast %swap3A_38 : vector<16xf32> to vector<16xf32>
    %swap3A_40 = vector.shape_cast %broadcast_in_dim3A_36 : vector<16xf32> to vector<16xf32>
    tpu.vector_store %arg11[%swap3A_37], %swap3A_40 {strides = array<i32>} : memref<128xf32, #tpu.memory_space<vmem>>, vector<16xf32>,
    %broadcast_in_dim3A_41 = arith.constant 1.000000e+00 : f32
    %broadcast_in_dim3A_42 = vector.broadcast %broadcast_in_dim3A_41 : f32 to vector<16xf32>
    %swap3A_43 = arith.constant 112 : index
    %swap3A_44 = tpu.vector_load %arg11[%swap3A_43] {strides = array<i32>} : memref<128xf32, #tpu.memory_space<vmem>>, vector<16xf32>,
    %swap3A_45 = vector.shape_cast %swap3A_44 : vector<16xf32> to vector<16xf32>
    %swap3A_46 = vector.shape_cast %broadcast_in_dim3A_42 : vector<16xf32> to vector<16xf32>
    tpu.vector_store %arg11[%swap3A_43], %swap3A_46 {strides = array<i32>} : memref<128xf32, #tpu.memory_space<vmem>>, vector<16xf32>,
    %broadcast_in_dim3A_47 = arith.constant 0.000000e+00 : f32
    %broadcast_in_dim3A_48 = vector.broadcast %broadcast_in_dim3A_47 : f32 to vector<16xf32>
    %swap3A_49 = arith.constant 0 : index
    %swap3A_50 = tpu.vector_load %arg12[%swap3A_49] {strides = array<i32>} : memref<640xf32, #tpu.memory_space<vmem>>, vector<16xf32>,
    %swap3A_51 = vector.shape_cast %swap3A_50 : vector<16xf32> to vector<16xf32>
    %swap3A_52 = vector.shape_cast %broadcast_in_dim3A_48 : vector<16xf32> to vector<16xf32>
    tpu.vector_store %arg12[%swap3A_49], %swap3A_52 {strides = array<i32>} : memref<640xf32, #tpu.memory_space<vmem>>, vector<16xf32>,
    %broadcast_in_dim3A_53 = arith.constant 0.000000e+00 : f32
    %broadcast_in_dim3A_54 = vector.broadcast %broadcast_in_dim3A_53 : f32 to vector<16xf32>
    %swap3A_55 = arith.constant 16 : index
    %swap3A_56 = tpu.vector_load %arg12[%swap3A_55] {strides = array<i32>} : memref<640xf32, #tpu.memory_space<vmem>>, vector<16xf32>,
    %swap3A_57 = vector.shape_cast %swap3A_56 : vector<16xf32> to vector<16xf32>
    %swap3A_58 = vector.shape_cast %broadcast_in_dim3A_54 : vector<16xf32> to vector<16xf32>
    tpu.vector_store %arg12[%swap3A_55], %swap3A_58 {strides = array<i32>} : memref<640xf32, #tpu.memory_space<vmem>>, vector<16xf32>,
    %broadcast_in_dim3A_59 = arith.constant 0.000000e+00 : f32
    %broadcast_in_dim3A_60 = vector.broadcast %broadcast_in_dim3A_59 : f32 to vector<16xf32>
    %swap3A_61 = arith.constant 32 : index
    %swap3A_62 = tpu.vector_load %arg12[%swap3A_61] {strides = array<i32>} : memref<640xf32, #tpu.memory_space<vmem>>, vector<16xf32>,
    %swap3A_63 = vector.shape_cast %swap3A_62 : vector<16xf32> to vector<16xf32>
    %swap3A_64 = vector.shape_cast %broadcast_in_dim3A_60 : vector<16xf32> to vector<16xf32>
    tpu.vector_store %arg12[%swap3A_61], %swap3A_64 {strides = array<i32>} : memref<640xf32, #tpu.memory_space<vmem>>, vector<16xf32>,
    %broadcast_in_dim3A_65 = arith.constant 0.000000e+00 : f32
    %broadcast_in_dim3A_66 = vector.broadcast %broadcast_in_dim3A_65 : f32 to vector<16xf32>
    %swap3A_67 = arith.constant 48 : index
    %swap3A_68 = tpu.vector_load %arg12[%swap3A_67] {strides = array<i32>} : memref<640xf32, #tpu.memory_space<vmem>>, vector<16xf32>,
    %swap3A_69 = vector.shape_cast %swap3A_68 : vector<16xf32> to vector<16xf32>
    %swap3A_70 = vector.shape_cast %broadcast_in_dim3A_66 : vector<16xf32> to vector<16xf32>
    tpu.vector_store %arg12[%swap3A_67], %swap3A_70 {strides = array<i32>} : memref<640xf32, #tpu.memory_space<vmem>>, vector<16xf32>,
    %broadcast_in_dim3A_71 = arith.constant 0.000000e+00 : f32
    %broadcast_in_dim3A_72 = vector.broadcast %broadcast_in_dim3A_71 : f32 to vector<16xf32>
    %swap3A_73 = arith.constant 64 : index
    %swap3A_74 = tpu.vector_load %arg12[%swap3A_73] {strides = array<i32>} : memref<640xf32, #tpu.memory_space<vmem>>, vector<16xf32>,
    %swap3A_75 = vector.shape_cast %swap3A_74 : vector<16xf32> to vector<16xf32>
    %swap3A_76 = vector.shape_cast %broadcast_in_dim3A_72 : vector<16xf32> to vector<16xf32>
    tpu.vector_store %arg12[%swap3A_73], %swap3A_76 {strides = array<i32>} : memref<640xf32, #tpu.memory_space<vmem>>, vector<16xf32>,
    %broadcast_in_dim3A_77 = arith.constant 0.000000e+00 : f32
    %broadcast_in_dim3A_78 = vector.broadcast %broadcast_in_dim3A_77 : f32 to vector<16xf32>
    %swap3A_79 = arith.constant 80 : index
    %swap3A_80 = tpu.vector_load %arg12[%swap3A_79] {strides = array<i32>} : memref<640xf32, #tpu.memory_space<vmem>>, vector<16xf32>,
    %swap3A_81 = vector.shape_cast %swap3A_80 : vector<16xf32> to vector<16xf32>
    %swap3A_82 = vector.shape_cast %broadcast_in_dim3A_78 : vector<16xf32> to vector<16xf32>
    tpu.vector_store %arg12[%swap3A_79], %swap3A_82 {strides = array<i32>} : memref<640xf32, #tpu.memory_space<vmem>>, vector<16xf32>,
    %broadcast_in_dim3A_83 = arith.constant 0.000000e+00 : f32
    %broadcast_in_dim3A_84 = vector.broadcast %broadcast_in_dim3A_83 : f32 to vector<16xf32>
    %swap3A_85 = arith.constant 96 : index
    %swap3A_86 = tpu.vector_load %arg12[%swap3A_85] {strides = array<i32>} : memref<640xf32, #tpu.memory_space<vmem>>, vector<16xf32>,
    %swap3A_87 = vector.shape_cast %swap3A_86 : vector<16xf32> to vector<16xf32>
    %swap3A_88 = vector.shape_cast %broadcast_in_dim3A_84 : vector<16xf32> to vector<16xf32>
    tpu.vector_store %arg12[%swap3A_85], %swap3A_88 {strides = array<i32>} : memref<640xf32, #tpu.memory_space<vmem>>, vector<16xf32>,
    %broadcast_in_dim3A_89 = arith.constant 0.000000e+00 : f32
    %broadcast_in_dim3A_90 = vector.broadcast %broadcast_in_dim3A_89 : f32 to vector<16xf32>
    %swap3A_91 = arith.constant 112 : index
    %swap3A_92 = tpu.vector_load %arg12[%swap3A_91] {strides = array<i32>} : memref<640xf32, #tpu.memory_space<vmem>>, vector<16xf32>,
    %swap3A_93 = vector.shape_cast %swap3A_92 : vector<16xf32> to vector<16xf32>
    %swap3A_94 = vector.shape_cast %broadcast_in_dim3A_90 : vector<16xf32> to vector<16xf32>
    tpu.vector_store %arg12[%swap3A_91], %swap3A_94 {strides = array<i32>} : memref<640xf32, #tpu.memory_space<vmem>>, vector<16xf32>,
    %broadcast_in_dim3A_95 = arith.constant 0.000000e+00 : f32
    %broadcast_in_dim3A_96 = vector.broadcast %broadcast_in_dim3A_95 : f32 to vector<16xf32>
    %swap3A_97 = arith.constant 128 : index
    %swap3A_98 = tpu.vector_load %arg12[%swap3A_97] {strides = array<i32>} : memref<640xf32, #tpu.memory_space<vmem>>, vector<16xf32>,
    %swap3A_99 = vector.shape_cast %swap3A_98 : vector<16xf32> to vector<16xf32>
    %swap3A_100 = vector.shape_cast %broadcast_in_dim3A_96 : vector<16xf32> to vector<16xf32>
    tpu.vector_store %arg12[%swap3A_97], %swap3A_100 {strides = array<i32>} : memref<640xf32, #tpu.memory_space<vmem>>, vector<16xf32>,
    %broadcast_in_dim3A_101 = arith.constant 0.000000e+00 : f32
    %broadcast_in_dim3A_102 = vector.broadcast %broadcast_in_dim3A_101 : f32 to vector<16xf32>
    %swap3A_103 = arith.constant 144 : index
    %swap3A_104 = tpu.vector_load %arg12[%swap3A_103] {strides = array<i32>} : memref<640xf32, #tpu.memory_space<vmem>>, vector<16xf32>,
    %swap3A_105 = vector.shape_cast %swap3A_104 : vector<16xf32> to vector<16xf32>
    %swap3A_106 = vector.shape_cast %broadcast_in_dim3A_102 : vector<16xf32> to vector<16xf32>
    tpu.vector_store %arg12[%swap3A_103], %swap3A_106 {strides = array<i32>} : memref<640xf32, #tpu.memory_space<vmem>>, vector<16xf32>,
    %broadcast_in_dim3A_107 = arith.constant 0.000000e+00 : f32
    %broadcast_in_dim3A_108 = vector.broadcast %broadcast_in_dim3A_107 : f32 to vector<16xf32>
    %swap3A_109 = arith.constant 160 : index
    %swap3A_110 = tpu.vector_load %arg12[%swap3A_109] {strides = array<i32>} : memref<640xf32, #tpu.memory_space<vmem>>, vector<16xf32>,
    %swap3A_111 = vector.shape_cast %swap3A_110 : vector<16xf32> to vector<16xf32>
    %swap3A_112 = vector.shape_cast %broadcast_in_dim3A_108 : vector<16xf32> to vector<16xf32>
    tpu.vector_store %arg12[%swap3A_109], %swap3A_112 {strides = array<i32>} : memref<640xf32, #tpu.memory_space<vmem>>, vector<16xf32>,
    %broadcast_in_dim3A_113 = arith.constant 0.000000e+00 : f32
    %broadcast_in_dim3A_114 = vector.broadcast %broadcast_in_dim3A_113 : f32 to vector<16xf32>
    %swap3A_115 = arith.constant 176 : index
    %swap3A_116 = tpu.vector_load %arg12[%swap3A_115] {strides = array<i32>} : memref<640xf32, #tpu.memory_space<vmem>>, vector<16xf32>,
    %swap3A_117 = vector.shape_cast %swap3A_116 : vector<16xf32> to vector<16xf32>
    %swap3A_118 = vector.shape_cast %broadcast_in_dim3A_114 : vector<16xf32> to vector<16xf32>
    tpu.vector_store %arg12[%swap3A_115], %swap3A_118 {strides = array<i32>} : memref<640xf32, #tpu.memory_space<vmem>>, vector<16xf32>,
    %broadcast_in_dim3A_119 = arith.constant 0.000000e+00 : f32
    %broadcast_in_dim3A_120 = vector.broadcast %broadcast_in_dim3A_119 : f32 to vector<16xf32>
    %swap3A_121 = arith.constant 192 : index
    %swap3A_122 = tpu.vector_load %arg12[%swap3A_121] {strides = array<i32>} : memref<640xf32, #tpu.memory_space<vmem>>, vector<16xf32>,
    %swap3A_123 = vector.shape_cast %swap3A_122 : vector<16xf32> to vector<16xf32>
    %swap3A_124 = vector.shape_cast %broadcast_in_dim3A_120 : vector<16xf32> to vector<16xf32>
    tpu.vector_store %arg12[%swap3A_121], %swap3A_124 {strides = array<i32>} : memref<640xf32, #tpu.memory_space<vmem>>, vector<16xf32>,
    %broadcast_in_dim3A_125 = arith.constant 0.000000e+00 : f32
    %broadcast_in_dim3A_126 = vector.broadcast %broadcast_in_dim3A_125 : f32 to vector<16xf32>
    %swap3A_127 = arith.constant 208 : index
    %swap3A_128 = tpu.vector_load %arg12[%swap3A_127] {strides = array<i32>} : memref<640xf32, #tpu.memory_space<vmem>>, vector<16xf32>,
    %swap3A_129 = vector.shape_cast %swap3A_128 : vector<16xf32> to vector<16xf32>
    %swap3A_130 = vector.shape_cast %broadcast_in_dim3A_126 : vector<16xf32> to vector<16xf32>
    tpu.vector_store %arg12[%swap3A_127], %swap3A_130 {strides = array<i32>} : memref<640xf32, #tpu.memory_space<vmem>>, vector<16xf32>,
    %broadcast_in_dim3A_131 = arith.constant 0.000000e+00 : f32
    %broadcast_in_dim3A_132 = vector.broadcast %broadcast_in_dim3A_131 : f32 to vector<16xf32>
    %swap3A_133 = arith.constant 224 : index
    %swap3A_134 = tpu.vector_load %arg12[%swap3A_133] {strides = array<i32>} : memref<640xf32, #tpu.memory_space<vmem>>, vector<16xf32>,
    %swap3A_135 = vector.shape_cast %swap3A_134 : vector<16xf32> to vector<16xf32>
    %swap3A_136 = vector.shape_cast %broadcast_in_dim3A_132 : vector<16xf32> to vector<16xf32>
    tpu.vector_store %arg12[%swap3A_133], %swap3A_136 {strides = array<i32>} : memref<640xf32, #tpu.memory_space<vmem>>, vector<16xf32>,
    %broadcast_in_dim3A_137 = arith.constant 0.000000e+00 : f32
    %broadcast_in_dim3A_138 = vector.broadcast %broadcast_in_dim3A_137 : f32 to vector<16xf32>
    %swap3A_139 = arith.constant 240 : index
    %swap3A_140 = tpu.vector_load %arg12[%swap3A_139] {strides = array<i32>} : memref<640xf32, #tpu.memory_space<vmem>>, vector<16xf32>,
    %swap3A_141 = vector.shape_cast %swap3A_140 : vector<16xf32> to vector<16xf32>
    %swap3A_142 = vector.shape_cast %broadcast_in_dim3A_138 : vector<16xf32> to vector<16xf32>
    tpu.vector_store %arg12[%swap3A_139], %swap3A_142 {strides = array<i32>} : memref<640xf32, #tpu.memory_space<vmem>>, vector<16xf32>,
    %broadcast_in_dim3A_143 = arith.constant 0.000000e+00 : f32
    %broadcast_in_dim3A_144 = vector.broadcast %broadcast_in_dim3A_143 : f32 to vector<16xf32>
    %swap3A_145 = arith.constant 256 : index
    %swap3A_146 = tpu.vector_load %arg12[%swap3A_145] {strides = array<i32>} : memref<640xf32, #tpu.memory_space<vmem>>, vector<16xf32>,
    %swap3A_147 = vector.shape_cast %swap3A_146 : vector<16xf32> to vector<16xf32>
    %swap3A_148 = vector.shape_cast %broadcast_in_dim3A_144 : vector<16xf32> to vector<16xf32>
    tpu.vector_store %arg12[%swap3A_145], %swap3A_148 {strides = array<i32>} : memref<640xf32, #tpu.memory_space<vmem>>, vector<16xf32>,
    %broadcast_in_dim3A_149 = arith.constant 0.000000e+00 : f32
    %broadcast_in_dim3A_150 = vector.broadcast %broadcast_in_dim3A_149 : f32 to vector<16xf32>
    %swap3A_151 = arith.constant 272 : index
    %swap3A_152 = tpu.vector_load %arg12[%swap3A_151] {strides = array<i32>} : memref<640xf32, #tpu.memory_space<vmem>>, vector<16xf32>,
    %swap3A_153 = vector.shape_cast %swap3A_152 : vector<16xf32> to vector<16xf32>
    %swap3A_154 = vector.shape_cast %broadcast_in_dim3A_150 : vector<16xf32> to vector<16xf32>
    tpu.vector_store %arg12[%swap3A_151], %swap3A_154 {strides = array<i32>} : memref<640xf32, #tpu.memory_space<vmem>>, vector<16xf32>,
    %broadcast_in_dim3A_155 = arith.constant 0.000000e+00 : f32
    %broadcast_in_dim3A_156 = vector.broadcast %broadcast_in_dim3A_155 : f32 to vector<16xf32>
    %swap3A_157 = arith.constant 288 : index
    %swap3A_158 = tpu.vector_load %arg12[%swap3A_157] {strides = array<i32>} : memref<640xf32, #tpu.memory_space<vmem>>, vector<16xf32>,
    %swap3A_159 = vector.shape_cast %swap3A_158 : vector<16xf32> to vector<16xf32>
    %swap3A_160 = vector.shape_cast %broadcast_in_dim3A_156 : vector<16xf32> to vector<16xf32>
    tpu.vector_store %arg12[%swap3A_157], %swap3A_160 {strides = array<i32>} : memref<640xf32, #tpu.memory_space<vmem>>, vector<16xf32>,
    %broadcast_in_dim3A_161 = arith.constant 0.000000e+00 : f32
    %broadcast_in_dim3A_162 = vector.broadcast %broadcast_in_dim3A_161 : f32 to vector<16xf32>
    %swap3A_163 = arith.constant 304 : index
    %swap3A_164 = tpu.vector_load %arg12[%swap3A_163] {strides = array<i32>} : memref<640xf32, #tpu.memory_space<vmem>>, vector<16xf32>,
    %swap3A_165 = vector.shape_cast %swap3A_164 : vector<16xf32> to vector<16xf32>
    %swap3A_166 = vector.shape_cast %broadcast_in_dim3A_162 : vector<16xf32> to vector<16xf32>
    tpu.vector_store %arg12[%swap3A_163], %swap3A_166 {strides = array<i32>} : memref<640xf32, #tpu.memory_space<vmem>>, vector<16xf32>,
    %broadcast_in_dim3A_167 = arith.constant 0.000000e+00 : f32
    %broadcast_in_dim3A_168 = vector.broadcast %broadcast_in_dim3A_167 : f32 to vector<16xf32>
    %swap3A_169 = arith.constant 320 : index
    %swap3A_170 = tpu.vector_load %arg12[%swap3A_169] {strides = array<i32>} : memref<640xf32, #tpu.memory_space<vmem>>, vector<16xf32>,
    %swap3A_171 = vector.shape_cast %swap3A_170 : vector<16xf32> to vector<16xf32>
    %swap3A_172 = vector.shape_cast %broadcast_in_dim3A_168 : vector<16xf32> to vector<16xf32>
    tpu.vector_store %arg12[%swap3A_169], %swap3A_172 {strides = array<i32>} : memref<640xf32, #tpu.memory_space<vmem>>, vector<16xf32>,
    %broadcast_in_dim3A_173 = arith.constant 0.000000e+00 : f32
    %broadcast_in_dim3A_174 = vector.broadcast %broadcast_in_dim3A_173 : f32 to vector<16xf32>
    %swap3A_175 = arith.constant 336 : index
    %swap3A_176 = tpu.vector_load %arg12[%swap3A_175] {strides = array<i32>} : memref<640xf32, #tpu.memory_space<vmem>>, vector<16xf32>,
    %swap3A_177 = vector.shape_cast %swap3A_176 : vector<16xf32> to vector<16xf32>
    %swap3A_178 = vector.shape_cast %broadcast_in_dim3A_174 : vector<16xf32> to vector<16xf32>
    tpu.vector_store %arg12[%swap3A_175], %swap3A_178 {strides = array<i32>} : memref<640xf32, #tpu.memory_space<vmem>>, vector<16xf32>,
    %broadcast_in_dim3A_179 = arith.constant 0.000000e+00 : f32
    %broadcast_in_dim3A_180 = vector.broadcast %broadcast_in_dim3A_179 : f32 to vector<16xf32>
    %swap3A_181 = arith.constant 352 : index
    %swap3A_182 = tpu.vector_load %arg12[%swap3A_181] {strides = array<i32>} : memref<640xf32, #tpu.memory_space<vmem>>, vector<16xf32>,
    %swap3A_183 = vector.shape_cast %swap3A_182 : vector<16xf32> to vector<16xf32>
    %swap3A_184 = vector.shape_cast %broadcast_in_dim3A_180 : vector<16xf32> to vector<16xf32>
    tpu.vector_store %arg12[%swap3A_181], %swap3A_184 {strides = array<i32>} : memref<640xf32, #tpu.memory_space<vmem>>, vector<16xf32>,
    %broadcast_in_dim3A_185 = arith.constant 0.000000e+00 : f32
    %broadcast_in_dim3A_186 = vector.broadcast %broadcast_in_dim3A_185 : f32 to vector<16xf32>
    %swap3A_187 = arith.constant 368 : index
    %swap3A_188 = tpu.vector_load %arg12[%swap3A_187] {strides = array<i32>} : memref<640xf32, #tpu.memory_space<vmem>>, vector<16xf32>,
    %swap3A_189 = vector.shape_cast %swap3A_188 : vector<16xf32> to vector<16xf32>
    %swap3A_190 = vector.shape_cast %broadcast_in_dim3A_186 : vector<16xf32> to vector<16xf32>
    tpu.vector_store %arg12[%swap3A_187], %swap3A_190 {strides = array<i32>} : memref<640xf32, #tpu.memory_space<vmem>>, vector<16xf32>,
    %broadcast_in_dim3A_191 = arith.constant 0.000000e+00 : f32
    %broadcast_in_dim3A_192 = vector.broadcast %broadcast_in_dim3A_191 : f32 to vector<16xf32>
    %swap3A_193 = arith.constant 384 : index
    %swap3A_194 = tpu.vector_load %arg12[%swap3A_193] {strides = array<i32>} : memref<640xf32, #tpu.memory_space<vmem>>, vector<16xf32>,
    %swap3A_195 = vector.shape_cast %swap3A_194 : vector<16xf32> to vector<16xf32>
    %swap3A_196 = vector.shape_cast %broadcast_in_dim3A_192 : vector<16xf32> to vector<16xf32>
    tpu.vector_store %arg12[%swap3A_193], %swap3A_196 {strides = array<i32>} : memref<640xf32, #tpu.memory_space<vmem>>, vector<16xf32>,
    %broadcast_in_dim3A_197 = arith.constant 0.000000e+00 : f32
    %broadcast_in_dim3A_198 = vector.broadcast %broadcast_in_dim3A_197 : f32 to vector<16xf32>
    %swap3A_199 = arith.constant 400 : index
    %swap3A_200 = tpu.vector_load %arg12[%swap3A_199] {strides = array<i32>} : memref<640xf32, #tpu.memory_space<vmem>>, vector<16xf32>,
    %swap3A_201 = vector.shape_cast %swap3A_200 : vector<16xf32> to vector<16xf32>
    %swap3A_202 = vector.shape_cast %broadcast_in_dim3A_198 : vector<16xf32> to vector<16xf32>
    tpu.vector_store %arg12[%swap3A_199], %swap3A_202 {strides = array<i32>} : memref<640xf32, #tpu.memory_space<vmem>>, vector<16xf32>,
    %broadcast_in_dim3A_203 = arith.constant 0.000000e+00 : f32
    %broadcast_in_dim3A_204 = vector.broadcast %broadcast_in_dim3A_203 : f32 to vector<16xf32>
    %swap3A_205 = arith.constant 416 : index
    %swap3A_206 = tpu.vector_load %arg12[%swap3A_205] {strides = array<i32>} : memref<640xf32, #tpu.memory_space<vmem>>, vector<16xf32>,
    %swap3A_207 = vector.shape_cast %swap3A_206 : vector<16xf32> to vector<16xf32>
    %swap3A_208 = vector.shape_cast %broadcast_in_dim3A_204 : vector<16xf32> to vector<16xf32>
    tpu.vector_store %arg12[%swap3A_205], %swap3A_208 {strides = array<i32>} : memref<640xf32, #tpu.memory_space<vmem>>, vector<16xf32>,
    %broadcast_in_dim3A_209 = arith.constant 0.000000e+00 : f32
    %broadcast_in_dim3A_210 = vector.broadcast %broadcast_in_dim3A_209 : f32 to vector<16xf32>
    %swap3A_211 = arith.constant 432 : index
    %swap3A_212 = tpu.vector_load %arg12[%swap3A_211] {strides = array<i32>} : memref<640xf32, #tpu.memory_space<vmem>>, vector<16xf32>,
    %swap3A_213 = vector.shape_cast %swap3A_212 : vector<16xf32> to vector<16xf32>
    %swap3A_214 = vector.shape_cast %broadcast_in_dim3A_210 : vector<16xf32> to vector<16xf32>
    tpu.vector_store %arg12[%swap3A_211], %swap3A_214 {strides = array<i32>} : memref<640xf32, #tpu.memory_space<vmem>>, vector<16xf32>,
    %broadcast_in_dim3A_215 = arith.constant 0.000000e+00 : f32
    %broadcast_in_dim3A_216 = vector.broadcast %broadcast_in_dim3A_215 : f32 to vector<16xf32>
    %swap3A_217 = arith.constant 448 : index
    %swap3A_218 = tpu.vector_load %arg12[%swap3A_217] {strides = array<i32>} : memref<640xf32, #tpu.memory_space<vmem>>, vector<16xf32>,
    %swap3A_219 = vector.shape_cast %swap3A_218 : vector<16xf32> to vector<16xf32>
    %swap3A_220 = vector.shape_cast %broadcast_in_dim3A_216 : vector<16xf32> to vector<16xf32>
    tpu.vector_store %arg12[%swap3A_217], %swap3A_220 {strides = array<i32>} : memref<640xf32, #tpu.memory_space<vmem>>, vector<16xf32>,
    %broadcast_in_dim3A_221 = arith.constant 0.000000e+00 : f32
    %broadcast_in_dim3A_222 = vector.broadcast %broadcast_in_dim3A_221 : f32 to vector<16xf32>
    %swap3A_223 = arith.constant 464 : index
    %swap3A_224 = tpu.vector_load %arg12[%swap3A_223] {strides = array<i32>} : memref<640xf32, #tpu.memory_space<vmem>>, vector<16xf32>,
    %swap3A_225 = vector.shape_cast %swap3A_224 : vector<16xf32> to vector<16xf32>
    %swap3A_226 = vector.shape_cast %broadcast_in_dim3A_222 : vector<16xf32> to vector<16xf32>
    tpu.vector_store %arg12[%swap3A_223], %swap3A_226 {strides = array<i32>} : memref<640xf32, #tpu.memory_space<vmem>>, vector<16xf32>,
    %broadcast_in_dim3A_227 = arith.constant 0.000000e+00 : f32
    %broadcast_in_dim3A_228 = vector.broadcast %broadcast_in_dim3A_227 : f32 to vector<16xf32>
    %swap3A_229 = arith.constant 480 : index
    %swap3A_230 = tpu.vector_load %arg12[%swap3A_229] {strides = array<i32>} : memref<640xf32, #tpu.memory_space<vmem>>, vector<16xf32>,
    %swap3A_231 = vector.shape_cast %swap3A_230 : vector<16xf32> to vector<16xf32>
    %swap3A_232 = vector.shape_cast %broadcast_in_dim3A_228 : vector<16xf32> to vector<16xf32>
    tpu.vector_store %arg12[%swap3A_229], %swap3A_232 {strides = array<i32>} : memref<640xf32, #tpu.memory_space<vmem>>, vector<16xf32>,
    %broadcast_in_dim3A_233 = arith.constant 0.000000e+00 : f32
    %broadcast_in_dim3A_234 = vector.broadcast %broadcast_in_dim3A_233 : f32 to vector<16xf32>
    %swap3A_235 = arith.constant 496 : index
    %swap3A_236 = tpu.vector_load %arg12[%swap3A_235] {strides = array<i32>} : memref<640xf32, #tpu.memory_space<vmem>>, vector<16xf32>,
    %swap3A_237 = vector.shape_cast %swap3A_236 : vector<16xf32> to vector<16xf32>
    %swap3A_238 = vector.shape_cast %broadcast_in_dim3A_234 : vector<16xf32> to vector<16xf32>
    tpu.vector_store %arg12[%swap3A_235], %swap3A_238 {strides = array<i32>} : memref<640xf32, #tpu.memory_space<vmem>>, vector<16xf32>,
    %broadcast_in_dim3A_239 = arith.constant 0.000000e+00 : f32
    %broadcast_in_dim3A_240 = vector.broadcast %broadcast_in_dim3A_239 : f32 to vector<16xf32>
    %swap3A_241 = arith.constant 512 : index
    %swap3A_242 = tpu.vector_load %arg12[%swap3A_241] {strides = array<i32>} : memref<640xf32, #tpu.memory_space<vmem>>, vector<16xf32>,
    %swap3A_243 = vector.shape_cast %swap3A_242 : vector<16xf32> to vector<16xf32>
    %swap3A_244 = vector.shape_cast %broadcast_in_dim3A_240 : vector<16xf32> to vector<16xf32>
    tpu.vector_store %arg12[%swap3A_241], %swap3A_244 {strides = array<i32>} : memref<640xf32, #tpu.memory_space<vmem>>, vector<16xf32>,
    %broadcast_in_dim3A_245 = arith.constant 0.000000e+00 : f32
    %broadcast_in_dim3A_246 = vector.broadcast %broadcast_in_dim3A_245 : f32 to vector<16xf32>
    %swap3A_247 = arith.constant 528 : index
    %swap3A_248 = tpu.vector_load %arg12[%swap3A_247] {strides = array<i32>} : memref<640xf32, #tpu.memory_space<vmem>>, vector<16xf32>,
    %swap3A_249 = vector.shape_cast %swap3A_248 : vector<16xf32> to vector<16xf32>
    %swap3A_250 = vector.shape_cast %broadcast_in_dim3A_246 : vector<16xf32> to vector<16xf32>
    tpu.vector_store %arg12[%swap3A_247], %swap3A_250 {strides = array<i32>} : memref<640xf32, #tpu.memory_space<vmem>>, vector<16xf32>,
    %broadcast_in_dim3A_251 = arith.constant 0.000000e+00 : f32
    %broadcast_in_dim3A_252 = vector.broadcast %broadcast_in_dim3A_251 : f32 to vector<16xf32>
    %swap3A_253 = arith.constant 544 : index
    %swap3A_254 = tpu.vector_load %arg12[%swap3A_253] {strides = array<i32>} : memref<640xf32, #tpu.memory_space<vmem>>, vector<16xf32>,
    %swap3A_255 = vector.shape_cast %swap3A_254 : vector<16xf32> to vector<16xf32>
    %swap3A_256 = vector.shape_cast %broadcast_in_dim3A_252 : vector<16xf32> to vector<16xf32>
    tpu.vector_store %arg12[%swap3A_253], %swap3A_256 {strides = array<i32>} : memref<640xf32, #tpu.memory_space<vmem>>, vector<16xf32>,
    %broadcast_in_dim3A_257 = arith.constant 0.000000e+00 : f32
    %broadcast_in_dim3A_258 = vector.broadcast %broadcast_in_dim3A_257 : f32 to vector<16xf32>
    %swap3A_259 = arith.constant 560 : index
    %swap3A_260 = tpu.vector_load %arg12[%swap3A_259] {strides = array<i32>} : memref<640xf32, #tpu.memory_space<vmem>>, vector<16xf32>,
    %swap3A_261 = vector.shape_cast %swap3A_260 : vector<16xf32> to vector<16xf32>
    %swap3A_262 = vector.shape_cast %broadcast_in_dim3A_258 : vector<16xf32> to vector<16xf32>
    tpu.vector_store %arg12[%swap3A_259], %swap3A_262 {strides = array<i32>} : memref<640xf32, #tpu.memory_space<vmem>>, vector<16xf32>,
    %broadcast_in_dim3A_263 = arith.constant 0.000000e+00 : f32
    %broadcast_in_dim3A_264 = vector.broadcast %broadcast_in_dim3A_263 : f32 to vector<16xf32>
    %swap3A_265 = arith.constant 576 : index
    %swap3A_266 = tpu.vector_load %arg12[%swap3A_265] {strides = array<i32>} : memref<640xf32, #tpu.memory_space<vmem>>, vector<16xf32>,
    %swap3A_267 = vector.shape_cast %swap3A_266 : vector<16xf32> to vector<16xf32>
    %swap3A_268 = vector.shape_cast %broadcast_in_dim3A_264 : vector<16xf32> to vector<16xf32>
    tpu.vector_store %arg12[%swap3A_265], %swap3A_268 {strides = array<i32>} : memref<640xf32, #tpu.memory_space<vmem>>, vector<16xf32>,
    %broadcast_in_dim3A_269 = arith.constant 0.000000e+00 : f32
    %broadcast_in_dim3A_270 = vector.broadcast %broadcast_in_dim3A_269 : f32 to vector<16xf32>
    %swap3A_271 = arith.constant 592 : index
    %swap3A_272 = tpu.vector_load %arg12[%swap3A_271] {strides = array<i32>} : memref<640xf32, #tpu.memory_space<vmem>>, vector<16xf32>,
    %swap3A_273 = vector.shape_cast %swap3A_272 : vector<16xf32> to vector<16xf32>
    %swap3A_274 = vector.shape_cast %broadcast_in_dim3A_270 : vector<16xf32> to vector<16xf32>
    tpu.vector_store %arg12[%swap3A_271], %swap3A_274 {strides = array<i32>} : memref<640xf32, #tpu.memory_space<vmem>>, vector<16xf32>,
    %broadcast_in_dim3A_275 = arith.constant 0.000000e+00 : f32
    %broadcast_in_dim3A_276 = vector.broadcast %broadcast_in_dim3A_275 : f32 to vector<16xf32>
    %swap3A_277 = arith.constant 608 : index
    %swap3A_278 = tpu.vector_load %arg12[%swap3A_277] {strides = array<i32>} : memref<640xf32, #tpu.memory_space<vmem>>, vector<16xf32>,
    %swap3A_279 = vector.shape_cast %swap3A_278 : vector<16xf32> to vector<16xf32>
    %swap3A_280 = vector.shape_cast %broadcast_in_dim3A_276 : vector<16xf32> to vector<16xf32>
    tpu.vector_store %arg12[%swap3A_277], %swap3A_280 {strides = array<i32>} : memref<640xf32, #tpu.memory_space<vmem>>, vector<16xf32>,
    %broadcast_in_dim3A_281 = arith.constant 0.000000e+00 : f32
    %broadcast_in_dim3A_282 = vector.broadcast %broadcast_in_dim3A_281 : f32 to vector<16xf32>
    %swap3A_283 = arith.constant 624 : index
    %swap3A_284 = tpu.vector_load %arg12[%swap3A_283] {strides = array<i32>} : memref<640xf32, #tpu.memory_space<vmem>>, vector<16xf32>,
    %swap3A_285 = vector.shape_cast %swap3A_284 : vector<16xf32> to vector<16xf32>
    %swap3A_286 = vector.shape_cast %broadcast_in_dim3A_282 : vector<16xf32> to vector<16xf32>
    tpu.vector_store %arg12[%swap3A_283], %swap3A_286 {strides = array<i32>} : memref<640xf32, #tpu.memory_space<vmem>>, vector<16xf32>,
    %lt3A = arith.constant 15 : i32
    %lt3A_287 = arith.cmpi slt, %arg1, %lt3A : i32
    %convert_element_type3A = arith.extui %lt3A_287 : i1 to i32
    %cond3A = arith.constant 0 : i32
    %cond3A_288 = arith.cmpi ne, %convert_element_type3A, %cond3A : i32
    scf.if %cond3A_288 {
      %mul3A_364 = arith.constant 624 : i32
      %mul3A_365 = arith.muli %arg1, %mul3A_364 : i32
      "tpu.region"() ({
        %run_scoped3A = tpu.sem_alloc : memref<!tpu.dma_semaphore, #tpu.memory_space<semaphore_mem>>
        %dma_start3A = arith.constant 0 : i32
        %dma_start3A_368 = tpu.memref_slice %arg12[%dma_start3A] : memref<640xf32, #tpu.memory_space<vmem>> -> memref<624xf32, #tpu.memory_space<vmem>>
        %dma_start3A_369 = tpu.memref_slice %arg21[%mul3A_365] : memref<10000xf32, #tpu.memory_space<vmem_shared>> -> memref<624xf32, #tpu.memory_space<vmem_shared>>
        %dma_start3A_370 = tpu.memref_slice %arg21[%mul3A_365] : memref<10000xf32, #tpu.memory_space<vmem_shared>> -> memref<624xf32, #tpu.memory_space<vmem_shared>>
        %dma_start3A_371 = arith.constant 0 : i32
        %dma_start3A_372 = tpu.memref_slice %arg12[%dma_start3A_371] : memref<640xf32, #tpu.memory_space<vmem>> -> memref<624xf32, #tpu.memory_space<vmem>>
        tpu.enqueue_dma source(%dma_start3A_372 : memref<624xf32, #tpu.memory_space<vmem>>) target(%dma_start3A_370 : memref<624xf32, #tpu.memory_space<vmem_shared>>) target_semaphore(%run_scoped3A : memref<!tpu.dma_semaphore, #tpu.memory_space<semaphore_mem>>)
        %dma_wait3A = arith.constant 0 : i32
        %dma_wait3A_373 = tpu.memref_slice %arg12[%dma_wait3A] : memref<640xf32, #tpu.memory_space<vmem>> -> memref<624xf32, #tpu.memory_space<vmem>>
        %dma_wait3A_374 = tpu.memref_slice %arg21[%mul3A_365] : memref<10000xf32, #tpu.memory_space<vmem_shared>> -> memref<624xf32, #tpu.memory_space<vmem_shared>>
        %dma_wait3A_375 = tpu.memref_slice %arg21[%mul3A_365] : memref<10000xf32, #tpu.memory_space<vmem_shared>> -> memref<624xf32, #tpu.memory_space<vmem_shared>>
        %dma_wait3A_376 = arith.constant 0 : i32
        %dma_wait3A_377 = tpu.memref_slice %arg12[%dma_wait3A_376] : memref<640xf32, #tpu.memory_space<vmem>> -> memref<624xf32, #tpu.memory_space<vmem>>
        tpu.wait_dma2 semaphore(%run_scoped3A : memref<!tpu.dma_semaphore, #tpu.memory_space<semaphore_mem>>) src(%dma_wait3A_377 : memref<624xf32, #tpu.memory_space<vmem>>) dst(%dma_wait3A_375 : memref<624xf32, #tpu.memory_space<vmem_shared>>)
        tpu.yield
      }) : () -> ()
      %mul3A_366 = arith.constant 624 : i32
      %mul3A_367 = arith.muli %arg1, %mul3A_366 : i32
      "tpu.region"() ({
        %run_scoped3A = tpu.sem_alloc : memref<!tpu.dma_semaphore, #tpu.memory_space<semaphore_mem>>
        %dma_start3A = arith.constant 0 : i32
        %dma_start3A_368 = tpu.memref_slice %arg12[%dma_start3A] : memref<640xf32, #tpu.memory_space<vmem>> -> memref<624xf32, #tpu.memory_space<vmem>>
        %dma_start3A_369 = tpu.memref_slice %arg22[%mul3A_367] : memref<10000xf32, #tpu.memory_space<vmem_shared>> -> memref<624xf32, #tpu.memory_space<vmem_shared>>
        %dma_start3A_370 = tpu.memref_slice %arg22[%mul3A_367] : memref<10000xf32, #tpu.memory_space<vmem_shared>> -> memref<624xf32, #tpu.memory_space<vmem_shared>>
        %dma_start3A_371 = arith.constant 0 : i32
        %dma_start3A_372 = tpu.memref_slice %arg12[%dma_start3A_371] : memref<640xf32, #tpu.memory_space<vmem>> -> memref<624xf32, #tpu.memory_space<vmem>>
        tpu.enqueue_dma source(%dma_start3A_372 : memref<624xf32, #tpu.memory_space<vmem>>) target(%dma_start3A_370 : memref<624xf32, #tpu.memory_space<vmem_shared>>) target_semaphore(%run_scoped3A : memref<!tpu.dma_semaphore, #tpu.memory_space<semaphore_mem>>)
        %dma_wait3A = arith.constant 0 : i32
        %dma_wait3A_373 = tpu.memref_slice %arg12[%dma_wait3A] : memref<640xf32, #tpu.memory_space<vmem>> -> memref<624xf32, #tpu.memory_space<vmem>>
        %dma_wait3A_374 = tpu.memref_slice %arg22[%mul3A_367] : memref<10000xf32, #tpu.memory_space<vmem_shared>> -> memref<624xf32, #tpu.memory_space<vmem_shared>>
        %dma_wait3A_375 = tpu.memref_slice %arg22[%mul3A_367] : memref<10000xf32, #tpu.memory_space<vmem_shared>> -> memref<624xf32, #tpu.memory_space<vmem_shared>>
        %dma_wait3A_376 = arith.constant 0 : i32
        %dma_wait3A_377 = tpu.memref_slice %arg12[%dma_wait3A_376] : memref<640xf32, #tpu.memory_space<vmem>> -> memref<624xf32, #tpu.memory_space<vmem>>
        tpu.wait_dma2 semaphore(%run_scoped3A : memref<!tpu.dma_semaphore, #tpu.memory_space<semaphore_mem>>) src(%dma_wait3A_377 : memref<624xf32, #tpu.memory_space<vmem>>) dst(%dma_wait3A_375 : memref<624xf32, #tpu.memory_space<vmem_shared>>)
        tpu.yield
      }) : () -> ()
    } else {
    }
    %eq3A = arith.constant 15 : i32
    %eq3A_289 = arith.cmpi eq, %arg1, %eq3A : i32
    %convert_element_type3A_290 = arith.extui %eq3A_289 : i1 to i32
    %cond3A_291 = arith.constant 0 : i32
    %cond3A_292 = arith.cmpi ne, %convert_element_type3A_290, %cond3A_291 : i32
    scf.if %cond3A_292 {
      "tpu.region"() ({
        %run_scoped3A = tpu.sem_alloc : memref<!tpu.dma_semaphore, #tpu.memory_space<semaphore_mem>>
        %dma_start3A = arith.constant 9360 : i32
        %dma_start3A_364 = tpu.memref_slice %arg21[%dma_start3A] : memref<10000xf32, #tpu.memory_space<vmem_shared>> -> memref<640xf32, #tpu.memory_space<vmem_shared>>
        %dma_start3A_365 = arith.constant 9360 : i32
        %dma_start3A_366 = tpu.memref_slice %arg21[%dma_start3A_365] : memref<10000xf32, #tpu.memory_space<vmem_shared>> -> memref<640xf32, #tpu.memory_space<vmem_shared>>
        tpu.enqueue_dma source(%arg12 : memref<640xf32, #tpu.memory_space<vmem>>) target(%dma_start3A_366 : memref<640xf32, #tpu.memory_space<vmem_shared>>) target_semaphore(%run_scoped3A : memref<!tpu.dma_semaphore, #tpu.memory_space<semaphore_mem>>)
        %dma_wait3A = arith.constant 9360 : i32
        %dma_wait3A_367 = tpu.memref_slice %arg21[%dma_wait3A] : memref<10000xf32, #tpu.memory_space<vmem_shared>> -> memref<640xf32, #tpu.memory_space<vmem_shared>>
        %dma_wait3A_368 = arith.constant 9360 : i32
        %dma_wait3A_369 = tpu.memref_slice %arg21[%dma_wait3A_368] : memref<10000xf32, #tpu.memory_space<vmem_shared>> -> memref<640xf32, #tpu.memory_space<vmem_shared>>
        tpu.wait_dma2 semaphore(%run_scoped3A : memref<!tpu.dma_semaphore, #tpu.memory_space<semaphore_mem>>) src(%arg12 : memref<640xf32, #tpu.memory_space<vmem>>) dst(%dma_wait3A_369 : memref<640xf32, #tpu.memory_space<vmem_shared>>)
        tpu.yield
      }) : () -> ()
      "tpu.region"() ({
        %run_scoped3A = tpu.sem_alloc : memref<!tpu.dma_semaphore, #tpu.memory_space<semaphore_mem>>
        %dma_start3A = arith.constant 9360 : i32
        %dma_start3A_364 = tpu.memref_slice %arg22[%dma_start3A] : memref<10000xf32, #tpu.memory_space<vmem_shared>> -> memref<640xf32, #tpu.memory_space<vmem_shared>>
        %dma_start3A_365 = arith.constant 9360 : i32
        %dma_start3A_366 = tpu.memref_slice %arg22[%dma_start3A_365] : memref<10000xf32, #tpu.memory_space<vmem_shared>> -> memref<640xf32, #tpu.memory_space<vmem_shared>>
        tpu.enqueue_dma source(%arg12 : memref<640xf32, #tpu.memory_space<vmem>>) target(%dma_start3A_366 : memref<640xf32, #tpu.memory_space<vmem_shared>>) target_semaphore(%run_scoped3A : memref<!tpu.dma_semaphore, #tpu.memory_space<semaphore_mem>>)
        %dma_wait3A = arith.constant 9360 : i32
        %dma_wait3A_367 = tpu.memref_slice %arg22[%dma_wait3A] : memref<10000xf32, #tpu.memory_space<vmem_shared>> -> memref<640xf32, #tpu.memory_space<vmem_shared>>
        %dma_wait3A_368 = arith.constant 9360 : i32
        %dma_wait3A_369 = tpu.memref_slice %arg22[%dma_wait3A_368] : memref<10000xf32, #tpu.memory_space<vmem_shared>> -> memref<640xf32, #tpu.memory_space<vmem_shared>>
        tpu.wait_dma2 semaphore(%run_scoped3A : memref<!tpu.dma_semaphore, #tpu.memory_space<semaphore_mem>>) src(%arg12 : memref<640xf32, #tpu.memory_space<vmem>>) dst(%dma_wait3A_369 : memref<640xf32, #tpu.memory_space<vmem_shared>>)
        tpu.yield
      }) : () -> ()
    } else {
    }
    %mul3A_293 = arith.constant 80 : i32
    %mul3A_294 = arith.muli %add3A, %mul3A_293 : i32
    "tpu.region"() ({
      %run_scoped3A = tpu.sem_alloc : memref<!tpu.dma_semaphore, #tpu.memory_space<semaphore_mem>>
      %dma_start3A = arith.constant 0 : i32
      %dma_start3A_364 = tpu.memref_slice %arg4[%mul3A_294, %dma_start3A] : memref<2560x125xi32, #tpu.memory_space<hbm>> -> memref<80x125xi32, #tpu.memory_space<hbm>>
      %dma_start3A_365 = arith.constant 0 : i32
      %dma_start3A_366 = tpu.memref_slice %arg4[%mul3A_294, %dma_start3A_365] : memref<2560x125xi32, #tpu.memory_space<hbm>> -> memref<80x125xi32, #tpu.memory_space<hbm>>
      tpu.enqueue_dma source(%dma_start3A_366 : memref<80x125xi32, #tpu.memory_space<hbm>>) target(%arg9 : memref<80x125xi32, #tpu.memory_space<vmem>>) target_semaphore(%run_scoped3A : memref<!tpu.dma_semaphore, #tpu.memory_space<semaphore_mem>>)
      %dma_wait3A = arith.constant 0 : i32
      %dma_wait3A_367 = tpu.memref_slice %arg4[%mul3A_294, %dma_wait3A] : memref<2560x125xi32, #tpu.memory_space<hbm>> -> memref<80x125xi32, #tpu.memory_space<hbm>>
      %dma_wait3A_368 = arith.constant 0 : i32
      %dma_wait3A_369 = tpu.memref_slice %arg4[%mul3A_294, %dma_wait3A_368] : memref<2560x125xi32, #tpu.memory_space<hbm>> -> memref<80x125xi32, #tpu.memory_space<hbm>>
      tpu.wait_dma2 semaphore(%run_scoped3A : memref<!tpu.dma_semaphore, #tpu.memory_space<semaphore_mem>>) src(%dma_wait3A_369 : memref<80x125xi32, #tpu.memory_space<hbm>>) dst(%arg9 : memref<80x125xi32, #tpu.memory_space<vmem>>)
      tpu.yield
    }) : () -> ()
    %mul3A_295 = arith.constant 80 : i32
    %mul3A_296 = arith.muli %add3A, %mul3A_295 : i32
    "tpu.region"() ({
      %run_scoped3A = tpu.sem_alloc : memref<!tpu.dma_semaphore, #tpu.memory_space<semaphore_mem>>
      %dma_start3A = arith.constant 0 : i32
      %dma_start3A_364 = tpu.memref_slice %arg5[%mul3A_296, %dma_start3A] : memref<2560x125xi32, #tpu.memory_space<hbm>> -> memref<80x125xi32, #tpu.memory_space<hbm>>
      %dma_start3A_365 = arith.constant 0 : i32
      %dma_start3A_366 = tpu.memref_slice %arg5[%mul3A_296, %dma_start3A_365] : memref<2560x125xi32, #tpu.memory_space<hbm>> -> memref<80x125xi32, #tpu.memory_space<hbm>>
      tpu.enqueue_dma source(%dma_start3A_366 : memref<80x125xi32, #tpu.memory_space<hbm>>) target(%arg10 : memref<80x125xi32, #tpu.memory_space<vmem>>) target_semaphore(%run_scoped3A : memref<!tpu.dma_semaphore, #tpu.memory_space<semaphore_mem>>)
      %dma_wait3A = arith.constant 0 : i32
      %dma_wait3A_367 = tpu.memref_slice %arg5[%mul3A_296, %dma_wait3A] : memref<2560x125xi32, #tpu.memory_space<hbm>> -> memref<80x125xi32, #tpu.memory_space<hbm>>
      %dma_wait3A_368 = arith.constant 0 : i32
      %dma_wait3A_369 = tpu.memref_slice %arg5[%mul3A_296, %dma_wait3A_368] : memref<2560x125xi32, #tpu.memory_space<hbm>> -> memref<80x125xi32, #tpu.memory_space<hbm>>
      tpu.wait_dma2 semaphore(%run_scoped3A : memref<!tpu.dma_semaphore, #tpu.memory_space<semaphore_mem>>) src(%dma_wait3A_369 : memref<80x125xi32, #tpu.memory_space<hbm>>) dst(%arg10 : memref<80x125xi32, #tpu.memory_space<vmem>>)
      tpu.yield
    }) : () -> ()
    %add3A_297 = arith.constant 0 : i32
    %add3A_298 = arith.addi %add3A, %add3A_297 : i32
    %lt3A_299 = arith.constant 125 : i32
    %lt3A_300 = arith.cmpi slt, %add3A_298, %lt3A_299 : i32
    %convert_element_type3A_301 = arith.extui %lt3A_300 : i1 to i32
    %cond3A_302 = arith.constant 0 : i32
    %cond3A_303 = arith.cmpi ne, %convert_element_type3A_301, %cond3A_302 : i32
    scf.if %cond3A_303 {
      %mul3A_364 = arith.constant 80 : i32
      %mul3A_365 = arith.muli %add3A_298, %mul3A_364 : i32
      "tpu.region"() ({
        %run_scoped3A = tpu.sem_alloc : memref<!tpu.dma_semaphore, #tpu.memory_space<semaphore_mem>>
        %dma_start3A_368 = tpu.memref_slice %arg2[%mul3A_365] : memref<10000xi32, #tpu.memory_space<hbm>> -> memref<80xi32, #tpu.memory_space<hbm>>
        %dma_start3A_369 = tpu.memref_slice %arg2[%mul3A_365] : memref<10000xi32, #tpu.memory_space<hbm>> -> memref<80xi32, #tpu.memory_space<hbm>>
        tpu.enqueue_dma source(%dma_start3A_369 : memref<80xi32, #tpu.memory_space<hbm>>) target(%arg13 : memref<80xi32, #tpu.memory_space<vmem>>) target_semaphore(%run_scoped3A : memref<!tpu.dma_semaphore, #tpu.memory_space<semaphore_mem>>)
        %dma_wait3A = tpu.memref_slice %arg2[%mul3A_365] : memref<10000xi32, #tpu.memory_space<hbm>> -> memref<80xi32, #tpu.memory_space<hbm>>
        %dma_wait3A_370 = tpu.memref_slice %arg2[%mul3A_365] : memref<10000xi32, #tpu.memory_space<hbm>> -> memref<80xi32, #tpu.memory_space<hbm>>
        tpu.wait_dma2 semaphore(%run_scoped3A : memref<!tpu.dma_semaphore, #tpu.memory_space<semaphore_mem>>) src(%dma_wait3A_370 : memref<80xi32, #tpu.memory_space<hbm>>) dst(%arg13 : memref<80xi32, #tpu.memory_space<vmem>>)
        tpu.yield
      }) : () -> ()
      %dma_start3A = arith.constant 0 : i32
      %dma_start3A_366 = arith.constant 0 : i32
      %dma_start3A_367 = tpu.memref_slice %arg3[%dma_start3A, %dma_start3A_366] : memref<100000x128xf32, #tpu.memory_space<hbm>> -> memref<100000x128xf32, #tpu.memory_space<hbm>>
      tpu.enqueue_indirect_dma source(%dma_start3A_367 : memref<100000x128xf32, #tpu.memory_space<hbm>>) target(%arg17 : memref<80x128xf32, #tpu.memory_space<vmem>>) offsets(%arg13 : memref<80xi32, #tpu.memory_space<vmem>>) semaphore(%arg25 : memref<!tpu.dma_semaphore, #tpu.memory_space<semaphore_mem>>)
    } else {
    }
    %add3A_304 = arith.constant 32 : i32
    %add3A_305 = arith.addi %add3A, %add3A_304 : i32
    %lt3A_306 = arith.constant 125 : i32
    %lt3A_307 = arith.cmpi slt, %add3A_305, %lt3A_306 : i32
    %convert_element_type3A_308 = arith.extui %lt3A_307 : i1 to i32
    %cond3A_309 = arith.constant 0 : i32
    %cond3A_310 = arith.cmpi ne, %convert_element_type3A_308, %cond3A_309 : i32
    scf.if %cond3A_310 {
      %mul3A_364 = arith.constant 80 : i32
      %mul3A_365 = arith.muli %add3A_305, %mul3A_364 : i32
      "tpu.region"() ({
        %run_scoped3A = tpu.sem_alloc : memref<!tpu.dma_semaphore, #tpu.memory_space<semaphore_mem>>
        %dma_start3A_368 = tpu.memref_slice %arg2[%mul3A_365] : memref<10000xi32, #tpu.memory_space<hbm>> -> memref<80xi32, #tpu.memory_space<hbm>>
        %dma_start3A_369 = tpu.memref_slice %arg2[%mul3A_365] : memref<10000xi32, #tpu.memory_space<hbm>> -> memref<80xi32, #tpu.memory_space<hbm>>
        tpu.enqueue_dma source(%dma_start3A_369 : memref<80xi32, #tpu.memory_space<hbm>>) target(%arg14 : memref<80xi32, #tpu.memory_space<vmem>>) target_semaphore(%run_scoped3A : memref<!tpu.dma_semaphore, #tpu.memory_space<semaphore_mem>>)
        %dma_wait3A = tpu.memref_slice %arg2[%mul3A_365] : memref<10000xi32, #tpu.memory_space<hbm>> -> memref<80xi32, #tpu.memory_space<hbm>>
        %dma_wait3A_370 = tpu.memref_slice %arg2[%mul3A_365] : memref<10000xi32, #tpu.memory_space<hbm>> -> memref<80xi32, #tpu.memory_space<hbm>>
        tpu.wait_dma2 semaphore(%run_scoped3A : memref<!tpu.dma_semaphore, #tpu.memory_space<semaphore_mem>>) src(%dma_wait3A_370 : memref<80xi32, #tpu.memory_space<hbm>>) dst(%arg14 : memref<80xi32, #tpu.memory_space<vmem>>)
        tpu.yield
      }) : () -> ()
      %dma_start3A = arith.constant 0 : i32
      %dma_start3A_366 = arith.constant 0 : i32
      %dma_start3A_367 = tpu.memref_slice %arg3[%dma_start3A, %dma_start3A_366] : memref<100000x128xf32, #tpu.memory_space<hbm>> -> memref<100000x128xf32, #tpu.memory_space<hbm>>
      tpu.enqueue_indirect_dma source(%dma_start3A_367 : memref<100000x128xf32, #tpu.memory_space<hbm>>) target(%arg18 : memref<80x128xf32, #tpu.memory_space<vmem>>) offsets(%arg14 : memref<80xi32, #tpu.memory_space<vmem>>) semaphore(%arg26 : memref<!tpu.dma_semaphore, #tpu.memory_space<semaphore_mem>>)
    } else {
    }
    %add3A_311 = arith.constant 64 : i32
    %add3A_312 = arith.addi %add3A, %add3A_311 : i32
    %lt3A_313 = arith.constant 125 : i32
    %lt3A_314 = arith.cmpi slt, %add3A_312, %lt3A_313 : i32
    %convert_element_type3A_315 = arith.extui %lt3A_314 : i1 to i32
    %cond3A_316 = arith.constant 0 : i32
    %cond3A_317 = arith.cmpi ne, %convert_element_type3A_315, %cond3A_316 : i32
    scf.if %cond3A_317 {
      %mul3A_364 = arith.constant 80 : i32
      %mul3A_365 = arith.muli %add3A_312, %mul3A_364 : i32
      "tpu.region"() ({
        %run_scoped3A = tpu.sem_alloc : memref<!tpu.dma_semaphore, #tpu.memory_space<semaphore_mem>>
        %dma_start3A_368 = tpu.memref_slice %arg2[%mul3A_365] : memref<10000xi32, #tpu.memory_space<hbm>> -> memref<80xi32, #tpu.memory_space<hbm>>
        %dma_start3A_369 = tpu.memref_slice %arg2[%mul3A_365] : memref<10000xi32, #tpu.memory_space<hbm>> -> memref<80xi32, #tpu.memory_space<hbm>>
        tpu.enqueue_dma source(%dma_start3A_369 : memref<80xi32, #tpu.memory_space<hbm>>) target(%arg15 : memref<80xi32, #tpu.memory_space<vmem>>) target_semaphore(%run_scoped3A : memref<!tpu.dma_semaphore, #tpu.memory_space<semaphore_mem>>)
        %dma_wait3A = tpu.memref_slice %arg2[%mul3A_365] : memref<10000xi32, #tpu.memory_space<hbm>> -> memref<80xi32, #tpu.memory_space<hbm>>
        %dma_wait3A_370 = tpu.memref_slice %arg2[%mul3A_365] : memref<10000xi32, #tpu.memory_space<hbm>> -> memref<80xi32, #tpu.memory_space<hbm>>
        tpu.wait_dma2 semaphore(%run_scoped3A : memref<!tpu.dma_semaphore, #tpu.memory_space<semaphore_mem>>) src(%dma_wait3A_370 : memref<80xi32, #tpu.memory_space<hbm>>) dst(%arg15 : memref<80xi32, #tpu.memory_space<vmem>>)
        tpu.yield
      }) : () -> ()
      %dma_start3A = arith.constant 0 : i32
      %dma_start3A_366 = arith.constant 0 : i32
      %dma_start3A_367 = tpu.memref_slice %arg3[%dma_start3A, %dma_start3A_366] : memref<100000x128xf32, #tpu.memory_space<hbm>> -> memref<100000x128xf32, #tpu.memory_space<hbm>>
      tpu.enqueue_indirect_dma source(%dma_start3A_367 : memref<100000x128xf32, #tpu.memory_space<hbm>>) target(%arg19 : memref<80x128xf32, #tpu.memory_space<vmem>>) offsets(%arg15 : memref<80xi32, #tpu.memory_space<vmem>>) semaphore(%arg27 : memref<!tpu.dma_semaphore, #tpu.memory_space<semaphore_mem>>)
    } else {
    }
    %add3A_318 = arith.constant 96 : i32
    %add3A_319 = arith.addi %add3A, %add3A_318 : i32
    %lt3A_320 = arith.constant 125 : i32
    %lt3A_321 = arith.cmpi slt, %add3A_319, %lt3A_320 : i32
    %convert_element_type3A_322 = arith.extui %lt3A_321 : i1 to i32
    %cond3A_323 = arith.constant 0 : i32
    %cond3A_324 = arith.cmpi ne, %convert_element_type3A_322, %cond3A_323 : i32
    scf.if %cond3A_324 {
      %mul3A_364 = arith.constant 80 : i32
      %mul3A_365 = arith.muli %add3A_319, %mul3A_364 : i32
      "tpu.region"() ({
        %run_scoped3A = tpu.sem_alloc : memref<!tpu.dma_semaphore, #tpu.memory_space<semaphore_mem>>
        %dma_start3A_368 = tpu.memref_slice %arg2[%mul3A_365] : memref<10000xi32, #tpu.memory_space<hbm>> -> memref<80xi32, #tpu.memory_space<hbm>>
        %dma_start3A_369 = tpu.memref_slice %arg2[%mul3A_365] : memref<10000xi32, #tpu.memory_space<hbm>> -> memref<80xi32, #tpu.memory_space<hbm>>
        tpu.enqueue_dma source(%dma_start3A_369 : memref<80xi32, #tpu.memory_space<hbm>>) target(%arg16 : memref<80xi32, #tpu.memory_space<vmem>>) target_semaphore(%run_scoped3A : memref<!tpu.dma_semaphore, #tpu.memory_space<semaphore_mem>>)
        %dma_wait3A = tpu.memref_slice %arg2[%mul3A_365] : memref<10000xi32, #tpu.memory_space<hbm>> -> memref<80xi32, #tpu.memory_space<hbm>>
        %dma_wait3A_370 = tpu.memref_slice %arg2[%mul3A_365] : memref<10000xi32, #tpu.memory_space<hbm>> -> memref<80xi32, #tpu.memory_space<hbm>>
        tpu.wait_dma2 semaphore(%run_scoped3A : memref<!tpu.dma_semaphore, #tpu.memory_space<semaphore_mem>>) src(%dma_wait3A_370 : memref<80xi32, #tpu.memory_space<hbm>>) dst(%arg16 : memref<80xi32, #tpu.memory_space<vmem>>)
        tpu.yield
      }) : () -> ()
      %dma_start3A = arith.constant 0 : i32
      %dma_start3A_366 = arith.constant 0 : i32
      %dma_start3A_367 = tpu.memref_slice %arg3[%dma_start3A, %dma_start3A_366] : memref<100000x128xf32, #tpu.memory_space<hbm>> -> memref<100000x128xf32, #tpu.memory_space<hbm>>
      tpu.enqueue_indirect_dma source(%dma_start3A_367 : memref<100000x128xf32, #tpu.memory_space<hbm>>) target(%arg20 : memref<80x128xf32, #tpu.memory_space<vmem>>) offsets(%arg16 : memref<80xi32, #tpu.memory_space<vmem>>) semaphore(%arg28 : memref<!tpu.dma_semaphore, #tpu.memory_space<semaphore_mem>>)
    } else {
    }
    %barrier3A = arith.constant 0 : index
    tpu.barrier barrier_id(%barrier3A)
    %scan3A = arith.constant 0 : i32
    %scan3A_325 = arith.constant 0 : i32
    %scan3A_326 = arith.constant 10 : i32
    %scan3A_327 = arith.addi %scan3A_325, %scan3A_326 : i32
    %scan3A_328 = arith.constant 1 : i32
    scf.for %scan3A_364 = %scan3A_325 to %scan3A_327 step %scan3A_328  : i32 {
      %mul3A_365 = arith.constant 8 : i32
      %mul3A_366 = arith.muli %scan3A_364, %mul3A_365 : i32
      %add3A_367 = arith.constant 0 : i32
      %add3A_368 = arith.addi %mul3A_366, %add3A_367 : i32
      %dma_start3A = arith.constant 0 : i32
      %dma_start3A_369 = tpu.memref_slice %arg11[%dma_start3A] : memref<128xf32, #tpu.memory_space<vmem>> -> memref<125xf32, #tpu.memory_space<vmem>>
      %dma_start3A_370 = arith.constant 0 : i32
      %dma_start3A_371 = tpu.memref_slice %arg9[%add3A_368, %dma_start3A_370] : memref<80x125xi32, #tpu.memory_space<vmem>> -> memref<1x125xi32, #tpu.memory_space<vmem>>
      %dma_start3A_372 = tpu.memref_squeeze %dma_start3A_371 : memref<1x125xi32, #tpu.memory_space<vmem>> -> memref<125xi32, #tpu.memory_space<vmem>>
      %dma_start3A_373 = arith.constant 0 : i32
      %dma_start3A_374 = tpu.memref_slice %arg21[%dma_start3A_373] : memref<10000xf32, #tpu.memory_space<vmem_shared>> -> memref<10000xf32, #tpu.memory_space<vmem_shared>>
      tpu.enqueue_indirect_dma source(%dma_start3A_369 : memref<125xf32, #tpu.memory_space<vmem>>) target(%dma_start3A_374 : memref<10000xf32, #tpu.memory_space<vmem_shared>>) offsets(%dma_start3A_372 : memref<125xi32, #tpu.memory_space<vmem>>) semaphore(%arg23 : memref<!tpu.dma_semaphore, #tpu.memory_space<semaphore_mem>>) {add = true}
      %dma_start3A_375 = arith.constant 0 : i32
      %dma_start3A_376 = tpu.memref_slice %arg11[%dma_start3A_375] : memref<128xf32, #tpu.memory_space<vmem>> -> memref<125xf32, #tpu.memory_space<vmem>>
      %dma_start3A_377 = arith.constant 0 : i32
      %dma_start3A_378 = tpu.memref_slice %arg10[%add3A_368, %dma_start3A_377] : memref<80x125xi32, #tpu.memory_space<vmem>> -> memref<1x125xi32, #tpu.memory_space<vmem>>
      %dma_start3A_379 = tpu.memref_squeeze %dma_start3A_378 : memref<1x125xi32, #tpu.memory_space<vmem>> -> memref<125xi32, #tpu.memory_space<vmem>>
      %dma_start3A_380 = arith.constant 0 : i32
      %dma_start3A_381 = tpu.memref_slice %arg22[%dma_start3A_380] : memref<10000xf32, #tpu.memory_space<vmem_shared>> -> memref<10000xf32, #tpu.memory_space<vmem_shared>>
      tpu.enqueue_indirect_dma source(%dma_start3A_376 : memref<125xf32, #tpu.memory_space<vmem>>) target(%dma_start3A_381 : memref<10000xf32, #tpu.memory_space<vmem_shared>>) offsets(%dma_start3A_379 : memref<125xi32, #tpu.memory_space<vmem>>) semaphore(%arg24 : memref<!tpu.dma_semaphore, #tpu.memory_space<semaphore_mem>>) {add = true}
      %mul3A_382 = arith.constant 8 : i32
      %mul3A_383 = arith.muli %scan3A_364, %mul3A_382 : i32
      %add3A_384 = arith.constant 1 : i32
      %add3A_385 = arith.addi %mul3A_383, %add3A_384 : i32
      %dma_start3A_386 = arith.constant 0 : i32
      %dma_start3A_387 = tpu.memref_slice %arg11[%dma_start3A_386] : memref<128xf32, #tpu.memory_space<vmem>> -> memref<125xf32, #tpu.memory_space<vmem>>
      %dma_start3A_388 = arith.constant 0 : i32
      %dma_start3A_389 = tpu.memref_slice %arg9[%add3A_385, %dma_start3A_388] : memref<80x125xi32, #tpu.memory_space<vmem>> -> memref<1x125xi32, #tpu.memory_space<vmem>>
      %dma_start3A_390 = tpu.memref_squeeze %dma_start3A_389 : memref<1x125xi32, #tpu.memory_space<vmem>> -> memref<125xi32, #tpu.memory_space<vmem>>
      %dma_start3A_391 = arith.constant 0 : i32
      %dma_start3A_392 = tpu.memref_slice %arg21[%dma_start3A_391] : memref<10000xf32, #tpu.memory_space<vmem_shared>> -> memref<10000xf32, #tpu.memory_space<vmem_shared>>
      tpu.enqueue_indirect_dma source(%dma_start3A_387 : memref<125xf32, #tpu.memory_space<vmem>>) target(%dma_start3A_392 : memref<10000xf32, #tpu.memory_space<vmem_shared>>) offsets(%dma_start3A_390 : memref<125xi32, #tpu.memory_space<vmem>>) semaphore(%arg23 : memref<!tpu.dma_semaphore, #tpu.memory_space<semaphore_mem>>) {add = true}
      %dma_start3A_393 = arith.constant 0 : i32
      %dma_start3A_394 = tpu.memref_slice %arg11[%dma_start3A_393] : memref<128xf32, #tpu.memory_space<vmem>> -> memref<125xf32, #tpu.memory_space<vmem>>
      %dma_start3A_395 = arith.constant 0 : i32
      %dma_start3A_396 = tpu.memref_slice %arg10[%add3A_385, %dma_start3A_395] : memref<80x125xi32, #tpu.memory_space<vmem>> -> memref<1x125xi32, #tpu.memory_space<vmem>>
      %dma_start3A_397 = tpu.memref_squeeze %dma_start3A_396 : memref<1x125xi32, #tpu.memory_space<vmem>> -> memref<125xi32, #tpu.memory_space<vmem>>
      %dma_start3A_398 = arith.constant 0 : i32
      %dma_start3A_399 = tpu.memref_slice %arg22[%dma_start3A_398] : memref<10000xf32, #tpu.memory_space<vmem_shared>> -> memref<10000xf32, #tpu.memory_space<vmem_shared>>
      tpu.enqueue_indirect_dma source(%dma_start3A_394 : memref<125xf32, #tpu.memory_space<vmem>>) target(%dma_start3A_399 : memref<10000xf32, #tpu.memory_space<vmem_shared>>) offsets(%dma_start3A_397 : memref<125xi32, #tpu.memory_space<vmem>>) semaphore(%arg24 : memref<!tpu.dma_semaphore, #tpu.memory_space<semaphore_mem>>) {add = true}
      %mul3A_400 = arith.constant 8 : i32
      %mul3A_401 = arith.muli %scan3A_364, %mul3A_400 : i32
      %add3A_402 = arith.constant 2 : i32
      %add3A_403 = arith.addi %mul3A_401, %add3A_402 : i32
      %dma_start3A_404 = arith.constant 0 : i32
      %dma_start3A_405 = tpu.memref_slice %arg11[%dma_start3A_404] : memref<128xf32, #tpu.memory_space<vmem>> -> memref<125xf32, #tpu.memory_space<vmem>>
      %dma_start3A_406 = arith.constant 0 : i32
      %dma_start3A_407 = tpu.memref_slice %arg9[%add3A_403, %dma_start3A_406] : memref<80x125xi32, #tpu.memory_space<vmem>> -> memref<1x125xi32, #tpu.memory_space<vmem>>
      %dma_start3A_408 = tpu.memref_squeeze %dma_start3A_407 : memref<1x125xi32, #tpu.memory_space<vmem>> -> memref<125xi32, #tpu.memory_space<vmem>>
      %dma_start3A_409 = arith.constant 0 : i32
      %dma_start3A_410 = tpu.memref_slice %arg21[%dma_start3A_409] : memref<10000xf32, #tpu.memory_space<vmem_shared>> -> memref<10000xf32, #tpu.memory_space<vmem_shared>>
      tpu.enqueue_indirect_dma source(%dma_start3A_405 : memref<125xf32, #tpu.memory_space<vmem>>) target(%dma_start3A_410 : memref<10000xf32, #tpu.memory_space<vmem_shared>>) offsets(%dma_start3A_408 : memref<125xi32, #tpu.memory_space<vmem>>) semaphore(%arg23 : memref<!tpu.dma_semaphore, #tpu.memory_space<semaphore_mem>>) {add = true}
      %dma_start3A_411 = arith.constant 0 : i32
      %dma_start3A_412 = tpu.memref_slice %arg11[%dma_start3A_411] : memref<128xf32, #tpu.memory_space<vmem>> -> memref<125xf32, #tpu.memory_space<vmem>>
      %dma_start3A_413 = arith.constant 0 : i32
      %dma_start3A_414 = tpu.memref_slice %arg10[%add3A_403, %dma_start3A_413] : memref<80x125xi32, #tpu.memory_space<vmem>> -> memref<1x125xi32, #tpu.memory_space<vmem>>
      %dma_start3A_415 = tpu.memref_squeeze %dma_start3A_414 : memref<1x125xi32, #tpu.memory_space<vmem>> -> memref<125xi32, #tpu.memory_space<vmem>>
      %dma_start3A_416 = arith.constant 0 : i32
      %dma_start3A_417 = tpu.memref_slice %arg22[%dma_start3A_416] : memref<10000xf32, #tpu.memory_space<vmem_shared>> -> memref<10000xf32, #tpu.memory_space<vmem_shared>>
      tpu.enqueue_indirect_dma source(%dma_start3A_412 : memref<125xf32, #tpu.memory_space<vmem>>) target(%dma_start3A_417 : memref<10000xf32, #tpu.memory_space<vmem_shared>>) offsets(%dma_start3A_415 : memref<125xi32, #tpu.memory_space<vmem>>) semaphore(%arg24 : memref<!tpu.dma_semaphore, #tpu.memory_space<semaphore_mem>>) {add = true}
      %mul3A_418 = arith.constant 8 : i32
      %mul3A_419 = arith.muli %scan3A_364, %mul3A_418 : i32
      %add3A_420 = arith.constant 3 : i32
      %add3A_421 = arith.addi %mul3A_419, %add3A_420 : i32
      %dma_start3A_422 = arith.constant 0 : i32
      %dma_start3A_423 = tpu.memref_slice %arg11[%dma_start3A_422] : memref<128xf32, #tpu.memory_space<vmem>> -> memref<125xf32, #tpu.memory_space<vmem>>
      %dma_start3A_424 = arith.constant 0 : i32
      %dma_start3A_425 = tpu.memref_slice %arg9[%add3A_421, %dma_start3A_424] : memref<80x125xi32, #tpu.memory_space<vmem>> -> memref<1x125xi32, #tpu.memory_space<vmem>>
      %dma_start3A_426 = tpu.memref_squeeze %dma_start3A_425 : memref<1x125xi32, #tpu.memory_space<vmem>> -> memref<125xi32, #tpu.memory_space<vmem>>
      %dma_start3A_427 = arith.constant 0 : i32
      %dma_start3A_428 = tpu.memref_slice %arg21[%dma_start3A_427] : memref<10000xf32, #tpu.memory_space<vmem_shared>> -> memref<10000xf32, #tpu.memory_space<vmem_shared>>
      tpu.enqueue_indirect_dma source(%dma_start3A_423 : memref<125xf32, #tpu.memory_space<vmem>>) target(%dma_start3A_428 : memref<10000xf32, #tpu.memory_space<vmem_shared>>) offsets(%dma_start3A_426 : memref<125xi32, #tpu.memory_space<vmem>>) semaphore(%arg23 : memref<!tpu.dma_semaphore, #tpu.memory_space<semaphore_mem>>) {add = true}
      %dma_start3A_429 = arith.constant 0 : i32
      %dma_start3A_430 = tpu.memref_slice %arg11[%dma_start3A_429] : memref<128xf32, #tpu.memory_space<vmem>> -> memref<125xf32, #tpu.memory_space<vmem>>
      %dma_start3A_431 = arith.constant 0 : i32
      %dma_start3A_432 = tpu.memref_slice %arg10[%add3A_421, %dma_start3A_431] : memref<80x125xi32, #tpu.memory_space<vmem>> -> memref<1x125xi32, #tpu.memory_space<vmem>>
      %dma_start3A_433 = tpu.memref_squeeze %dma_start3A_432 : memref<1x125xi32, #tpu.memory_space<vmem>> -> memref<125xi32, #tpu.memory_space<vmem>>
      %dma_start3A_434 = arith.constant 0 : i32
      %dma_start3A_435 = tpu.memref_slice %arg22[%dma_start3A_434] : memref<10000xf32, #tpu.memory_space<vmem_shared>> -> memref<10000xf32, #tpu.memory_space<vmem_shared>>
      tpu.enqueue_indirect_dma source(%dma_start3A_430 : memref<125xf32, #tpu.memory_space<vmem>>) target(%dma_start3A_435 : memref<10000xf32, #tpu.memory_space<vmem_shared>>) offsets(%dma_start3A_433 : memref<125xi32, #tpu.memory_space<vmem>>) semaphore(%arg24 : memref<!tpu.dma_semaphore, #tpu.memory_space<semaphore_mem>>) {add = true}
      %mul3A_436 = arith.constant 8 : i32
      %mul3A_437 = arith.muli %scan3A_364, %mul3A_436 : i32
      %add3A_438 = arith.constant 4 : i32
      %add3A_439 = arith.addi %mul3A_437, %add3A_438 : i32
      %dma_start3A_440 = arith.constant 0 : i32
      %dma_start3A_441 = tpu.memref_slice %arg11[%dma_start3A_440] : memref<128xf32, #tpu.memory_space<vmem>> -> memref<125xf32, #tpu.memory_space<vmem>>
      %dma_start3A_442 = arith.constant 0 : i32
      %dma_start3A_443 = tpu.memref_slice %arg9[%add3A_439, %dma_start3A_442] : memref<80x125xi32, #tpu.memory_space<vmem>> -> memref<1x125xi32, #tpu.memory_space<vmem>>
      %dma_start3A_444 = tpu.memref_squeeze %dma_start3A_443 : memref<1x125xi32, #tpu.memory_space<vmem>> -> memref<125xi32, #tpu.memory_space<vmem>>
      %dma_start3A_445 = arith.constant 0 : i32
      %dma_start3A_446 = tpu.memref_slice %arg21[%dma_start3A_445] : memref<10000xf32, #tpu.memory_space<vmem_shared>> -> memref<10000xf32, #tpu.memory_space<vmem_shared>>
      tpu.enqueue_indirect_dma source(%dma_start3A_441 : memref<125xf32, #tpu.memory_space<vmem>>) target(%dma_start3A_446 : memref<10000xf32, #tpu.memory_space<vmem_shared>>) offsets(%dma_start3A_444 : memref<125xi32, #tpu.memory_space<vmem>>) semaphore(%arg23 : memref<!tpu.dma_semaphore, #tpu.memory_space<semaphore_mem>>) {add = true}
      %dma_start3A_447 = arith.constant 0 : i32
      %dma_start3A_448 = tpu.memref_slice %arg11[%dma_start3A_447] : memref<128xf32, #tpu.memory_space<vmem>> -> memref<125xf32, #tpu.memory_space<vmem>>
      %dma_start3A_449 = arith.constant 0 : i32
      %dma_start3A_450 = tpu.memref_slice %arg10[%add3A_439, %dma_start3A_449] : memref<80x125xi32, #tpu.memory_space<vmem>> -> memref<1x125xi32, #tpu.memory_space<vmem>>
      %dma_start3A_451 = tpu.memref_squeeze %dma_start3A_450 : memref<1x125xi32, #tpu.memory_space<vmem>> -> memref<125xi32, #tpu.memory_space<vmem>>
      %dma_start3A_452 = arith.constant 0 : i32
      %dma_start3A_453 = tpu.memref_slice %arg22[%dma_start3A_452] : memref<10000xf32, #tpu.memory_space<vmem_shared>> -> memref<10000xf32, #tpu.memory_space<vmem_shared>>
      tpu.enqueue_indirect_dma source(%dma_start3A_448 : memref<125xf32, #tpu.memory_space<vmem>>) target(%dma_start3A_453 : memref<10000xf32, #tpu.memory_space<vmem_shared>>) offsets(%dma_start3A_451 : memref<125xi32, #tpu.memory_space<vmem>>) semaphore(%arg24 : memref<!tpu.dma_semaphore, #tpu.memory_space<semaphore_mem>>) {add = true}
      %mul3A_454 = arith.constant 8 : i32
      %mul3A_455 = arith.muli %scan3A_364, %mul3A_454 : i32
      %add3A_456 = arith.constant 5 : i32
      %add3A_457 = arith.addi %mul3A_455, %add3A_456 : i32
      %dma_start3A_458 = arith.constant 0 : i32
      %dma_start3A_459 = tpu.memref_slice %arg11[%dma_start3A_458] : memref<128xf32, #tpu.memory_space<vmem>> -> memref<125xf32, #tpu.memory_space<vmem>>
      %dma_start3A_460 = arith.constant 0 : i32
      %dma_start3A_461 = tpu.memref_slice %arg9[%add3A_457, %dma_start3A_460] : memref<80x125xi32, #tpu.memory_space<vmem>> -> memref<1x125xi32, #tpu.memory_space<vmem>>
      %dma_start3A_462 = tpu.memref_squeeze %dma_start3A_461 : memref<1x125xi32, #tpu.memory_space<vmem>> -> memref<125xi32, #tpu.memory_space<vmem>>
      %dma_start3A_463 = arith.constant 0 : i32
      %dma_start3A_464 = tpu.memref_slice %arg21[%dma_start3A_463] : memref<10000xf32, #tpu.memory_space<vmem_shared>> -> memref<10000xf32, #tpu.memory_space<vmem_shared>>
      tpu.enqueue_indirect_dma source(%dma_start3A_459 : memref<125xf32, #tpu.memory_space<vmem>>) target(%dma_start3A_464 : memref<10000xf32, #tpu.memory_space<vmem_shared>>) offsets(%dma_start3A_462 : memref<125xi32, #tpu.memory_space<vmem>>) semaphore(%arg23 : memref<!tpu.dma_semaphore, #tpu.memory_space<semaphore_mem>>) {add = true}
      %dma_start3A_465 = arith.constant 0 : i32
      %dma_start3A_466 = tpu.memref_slice %arg11[%dma_start3A_465] : memref<128xf32, #tpu.memory_space<vmem>> -> memref<125xf32, #tpu.memory_space<vmem>>
      %dma_start3A_467 = arith.constant 0 : i32
      %dma_start3A_468 = tpu.memref_slice %arg10[%add3A_457, %dma_start3A_467] : memref<80x125xi32, #tpu.memory_space<vmem>> -> memref<1x125xi32, #tpu.memory_space<vmem>>
      %dma_start3A_469 = tpu.memref_squeeze %dma_start3A_468 : memref<1x125xi32, #tpu.memory_space<vmem>> -> memref<125xi32, #tpu.memory_space<vmem>>
      %dma_start3A_470 = arith.constant 0 : i32
      %dma_start3A_471 = tpu.memref_slice %arg22[%dma_start3A_470] : memref<10000xf32, #tpu.memory_space<vmem_shared>> -> memref<10000xf32, #tpu.memory_space<vmem_shared>>
      tpu.enqueue_indirect_dma source(%dma_start3A_466 : memref<125xf32, #tpu.memory_space<vmem>>) target(%dma_start3A_471 : memref<10000xf32, #tpu.memory_space<vmem_shared>>) offsets(%dma_start3A_469 : memref<125xi32, #tpu.memory_space<vmem>>) semaphore(%arg24 : memref<!tpu.dma_semaphore, #tpu.memory_space<semaphore_mem>>) {add = true}
      %mul3A_472 = arith.constant 8 : i32
      %mul3A_473 = arith.muli %scan3A_364, %mul3A_472 : i32
      %add3A_474 = arith.constant 6 : i32
      %add3A_475 = arith.addi %mul3A_473, %add3A_474 : i32
      %dma_start3A_476 = arith.constant 0 : i32
      %dma_start3A_477 = tpu.memref_slice %arg11[%dma_start3A_476] : memref<128xf32, #tpu.memory_space<vmem>> -> memref<125xf32, #tpu.memory_space<vmem>>
      %dma_start3A_478 = arith.constant 0 : i32
      %dma_start3A_479 = tpu.memref_slice %arg9[%add3A_475, %dma_start3A_478] : memref<80x125xi32, #tpu.memory_space<vmem>> -> memref<1x125xi32, #tpu.memory_space<vmem>>
      %dma_start3A_480 = tpu.memref_squeeze %dma_start3A_479 : memref<1x125xi32, #tpu.memory_space<vmem>> -> memref<125xi32, #tpu.memory_space<vmem>>
      %dma_start3A_481 = arith.constant 0 : i32
      %dma_start3A_482 = tpu.memref_slice %arg21[%dma_start3A_481] : memref<10000xf32, #tpu.memory_space<vmem_shared>> -> memref<10000xf32, #tpu.memory_space<vmem_shared>>
      tpu.enqueue_indirect_dma source(%dma_start3A_477 : memref<125xf32, #tpu.memory_space<vmem>>) target(%dma_start3A_482 : memref<10000xf32, #tpu.memory_space<vmem_shared>>) offsets(%dma_start3A_480 : memref<125xi32, #tpu.memory_space<vmem>>) semaphore(%arg23 : memref<!tpu.dma_semaphore, #tpu.memory_space<semaphore_mem>>) {add = true}
      %dma_start3A_483 = arith.constant 0 : i32
      %dma_start3A_484 = tpu.memref_slice %arg11[%dma_start3A_483] : memref<128xf32, #tpu.memory_space<vmem>> -> memref<125xf32, #tpu.memory_space<vmem>>
      %dma_start3A_485 = arith.constant 0 : i32
      %dma_start3A_486 = tpu.memref_slice %arg10[%add3A_475, %dma_start3A_485] : memref<80x125xi32, #tpu.memory_space<vmem>> -> memref<1x125xi32, #tpu.memory_space<vmem>>
      %dma_start3A_487 = tpu.memref_squeeze %dma_start3A_486 : memref<1x125xi32, #tpu.memory_space<vmem>> -> memref<125xi32, #tpu.memory_space<vmem>>
      %dma_start3A_488 = arith.constant 0 : i32
      %dma_start3A_489 = tpu.memref_slice %arg22[%dma_start3A_488] : memref<10000xf32, #tpu.memory_space<vmem_shared>> -> memref<10000xf32, #tpu.memory_space<vmem_shared>>
      tpu.enqueue_indirect_dma source(%dma_start3A_484 : memref<125xf32, #tpu.memory_space<vmem>>) target(%dma_start3A_489 : memref<10000xf32, #tpu.memory_space<vmem_shared>>) offsets(%dma_start3A_487 : memref<125xi32, #tpu.memory_space<vmem>>) semaphore(%arg24 : memref<!tpu.dma_semaphore, #tpu.memory_space<semaphore_mem>>) {add = true}
      %mul3A_490 = arith.constant 8 : i32
      %mul3A_491 = arith.muli %scan3A_364, %mul3A_490 : i32
      %add3A_492 = arith.constant 7 : i32
      %add3A_493 = arith.addi %mul3A_491, %add3A_492 : i32
      %dma_start3A_494 = arith.constant 0 : i32
      %dma_start3A_495 = tpu.memref_slice %arg11[%dma_start3A_494] : memref<128xf32, #tpu.memory_space<vmem>> -> memref<125xf32, #tpu.memory_space<vmem>>
      %dma_start3A_496 = arith.constant 0 : i32
      %dma_start3A_497 = tpu.memref_slice %arg9[%add3A_493, %dma_start3A_496] : memref<80x125xi32, #tpu.memory_space<vmem>> -> memref<1x125xi32, #tpu.memory_space<vmem>>
      %dma_start3A_498 = tpu.memref_squeeze %dma_start3A_497 : memref<1x125xi32, #tpu.memory_space<vmem>> -> memref<125xi32, #tpu.memory_space<vmem>>
      %dma_start3A_499 = arith.constant 0 : i32
      %dma_start3A_500 = tpu.memref_slice %arg21[%dma_start3A_499] : memref<10000xf32, #tpu.memory_space<vmem_shared>> -> memref<10000xf32, #tpu.memory_space<vmem_shared>>
      tpu.enqueue_indirect_dma source(%dma_start3A_495 : memref<125xf32, #tpu.memory_space<vmem>>) target(%dma_start3A_500 : memref<10000xf32, #tpu.memory_space<vmem_shared>>) offsets(%dma_start3A_498 : memref<125xi32, #tpu.memory_space<vmem>>) semaphore(%arg23 : memref<!tpu.dma_semaphore, #tpu.memory_space<semaphore_mem>>) {add = true}
      %dma_start3A_501 = arith.constant 0 : i32
      %dma_start3A_502 = tpu.memref_slice %arg11[%dma_start3A_501] : memref<128xf32, #tpu.memory_space<vmem>> -> memref<125xf32, #tpu.memory_space<vmem>>
      %dma_start3A_503 = arith.constant 0 : i32
      %dma_start3A_504 = tpu.memref_slice %arg10[%add3A_493, %dma_start3A_503] : memref<80x125xi32, #tpu.memory_space<vmem>> -> memref<1x125xi32, #tpu.memory_space<vmem>>
      %dma_start3A_505 = tpu.memref_squeeze %dma_start3A_504 : memref<1x125xi32, #tpu.memory_space<vmem>> -> memref<125xi32, #tpu.memory_space<vmem>>
      %dma_start3A_506 = arith.constant 0 : i32
      %dma_start3A_507 = tpu.memref_slice %arg22[%dma_start3A_506] : memref<10000xf32, #tpu.memory_space<vmem_shared>> -> memref<10000xf32, #tpu.memory_space<vmem_shared>>
      tpu.enqueue_indirect_dma source(%dma_start3A_502 : memref<125xf32, #tpu.memory_space<vmem>>) target(%dma_start3A_507 : memref<10000xf32, #tpu.memory_space<vmem_shared>>) offsets(%dma_start3A_505 : memref<125xi32, #tpu.memory_space<vmem>>) semaphore(%arg24 : memref<!tpu.dma_semaphore, #tpu.memory_space<semaphore_mem>>) {add = true}
      %mul3A_508 = arith.constant 8 : i32
      %mul3A_509 = arith.muli %scan3A_364, %mul3A_508 : i32
      %add3A_510 = arith.constant 0 : i32
      %add3A_511 = arith.addi %mul3A_509, %add3A_510 : i32
      %dma_wait3A = arith.constant 0 : i32
      %dma_wait3A_512 = tpu.memref_slice %arg11[%dma_wait3A] : memref<128xf32, #tpu.memory_space<vmem>> -> memref<125xf32, #tpu.memory_space<vmem>>
      %dma_wait3A_513 = arith.constant 0 : i32
      %dma_wait3A_514 = tpu.memref_slice %arg9[%add3A_511, %dma_wait3A_513] : memref<80x125xi32, #tpu.memory_space<vmem>> -> memref<1x125xi32, #tpu.memory_space<vmem>>
      %dma_wait3A_515 = tpu.memref_squeeze %dma_wait3A_514 : memref<1x125xi32, #tpu.memory_space<vmem>> -> memref<125xi32, #tpu.memory_space<vmem>>
      %dma_wait3A_516 = arith.constant 0 : i32
      %dma_wait3A_517 = tpu.memref_slice %arg21[%dma_wait3A_516] : memref<10000xf32, #tpu.memory_space<vmem_shared>> -> memref<10000xf32, #tpu.memory_space<vmem_shared>>
      tpu.wait_indirect_dma semaphore(%arg23 : memref<!tpu.dma_semaphore, #tpu.memory_space<semaphore_mem>>) src(%dma_wait3A_512 : memref<125xf32, #tpu.memory_space<vmem>>) dst(%dma_wait3A_517 : memref<10000xf32, #tpu.memory_space<vmem_shared>>)
      %dma_wait3A_518 = arith.constant 0 : i32
      %dma_wait3A_519 = tpu.memref_slice %arg11[%dma_wait3A_518] : memref<128xf32, #tpu.memory_space<vmem>> -> memref<125xf32, #tpu.memory_space<vmem>>
      %dma_wait3A_520 = arith.constant 0 : i32
      %dma_wait3A_521 = tpu.memref_slice %arg10[%add3A_511, %dma_wait3A_520] : memref<80x125xi32, #tpu.memory_space<vmem>> -> memref<1x125xi32, #tpu.memory_space<vmem>>
      %dma_wait3A_522 = tpu.memref_squeeze %dma_wait3A_521 : memref<1x125xi32, #tpu.memory_space<vmem>> -> memref<125xi32, #tpu.memory_space<vmem>>
      %dma_wait3A_523 = arith.constant 0 : i32
      %dma_wait3A_524 = tpu.memref_slice %arg22[%dma_wait3A_523] : memref<10000xf32, #tpu.memory_space<vmem_shared>> -> memref<10000xf32, #tpu.memory_space<vmem_shared>>
      tpu.wait_indirect_dma semaphore(%arg24 : memref<!tpu.dma_semaphore, #tpu.memory_space<semaphore_mem>>) src(%dma_wait3A_519 : memref<125xf32, #tpu.memory_space<vmem>>) dst(%dma_wait3A_524 : memref<10000xf32, #tpu.memory_space<vmem_shared>>)
      %mul3A_525 = arith.constant 8 : i32
      %mul3A_526 = arith.muli %scan3A_364, %mul3A_525 : i32
      %add3A_527 = arith.constant 1 : i32
      %add3A_528 = arith.addi %mul3A_526, %add3A_527 : i32
      %dma_wait3A_529 = arith.constant 0 : i32
      %dma_wait3A_530 = tpu.memref_slice %arg11[%dma_wait3A_529] : memref<128xf32, #tpu.memory_space<vmem>> -> memref<125xf32, #tpu.memory_space<vmem>>
      %dma_wait3A_531 = arith.constant 0 : i32
      %dma_wait3A_532 = tpu.memref_slice %arg9[%add3A_528, %dma_wait3A_531] : memref<80x125xi32, #tpu.memory_space<vmem>> -> memref<1x125xi32, #tpu.memory_space<vmem>>
      %dma_wait3A_533 = tpu.memref_squeeze %dma_wait3A_532 : memref<1x125xi32, #tpu.memory_space<vmem>> -> memref<125xi32, #tpu.memory_space<vmem>>
      %dma_wait3A_534 = arith.constant 0 : i32
      %dma_wait3A_535 = tpu.memref_slice %arg21[%dma_wait3A_534] : memref<10000xf32, #tpu.memory_space<vmem_shared>> -> memref<10000xf32, #tpu.memory_space<vmem_shared>>
      tpu.wait_indirect_dma semaphore(%arg23 : memref<!tpu.dma_semaphore, #tpu.memory_space<semaphore_mem>>) src(%dma_wait3A_530 : memref<125xf32, #tpu.memory_space<vmem>>) dst(%dma_wait3A_535 : memref<10000xf32, #tpu.memory_space<vmem_shared>>)
      %dma_wait3A_536 = arith.constant 0 : i32
      %dma_wait3A_537 = tpu.memref_slice %arg11[%dma_wait3A_536] : memref<128xf32, #tpu.memory_space<vmem>> -> memref<125xf32, #tpu.memory_space<vmem>>
      %dma_wait3A_538 = arith.constant 0 : i32
      %dma_wait3A_539 = tpu.memref_slice %arg10[%add3A_528, %dma_wait3A_538] : memref<80x125xi32, #tpu.memory_space<vmem>> -> memref<1x125xi32, #tpu.memory_space<vmem>>
      %dma_wait3A_540 = tpu.memref_squeeze %dma_wait3A_539 : memref<1x125xi32, #tpu.memory_space<vmem>> -> memref<125xi32, #tpu.memory_space<vmem>>
      %dma_wait3A_541 = arith.constant 0 : i32
      %dma_wait3A_542 = tpu.memref_slice %arg22[%dma_wait3A_541] : memref<10000xf32, #tpu.memory_space<vmem_shared>> -> memref<10000xf32, #tpu.memory_space<vmem_shared>>
      tpu.wait_indirect_dma semaphore(%arg24 : memref<!tpu.dma_semaphore, #tpu.memory_space<semaphore_mem>>) src(%dma_wait3A_537 : memref<125xf32, #tpu.memory_space<vmem>>) dst(%dma_wait3A_542 : memref<10000xf32, #tpu.memory_space<vmem_shared>>)
      %mul3A_543 = arith.constant 8 : i32
      %mul3A_544 = arith.muli %scan3A_364, %mul3A_543 : i32
      %add3A_545 = arith.constant 2 : i32
      %add3A_546 = arith.addi %mul3A_544, %add3A_545 : i32
      %dma_wait3A_547 = arith.constant 0 : i32
      %dma_wait3A_548 = tpu.memref_slice %arg11[%dma_wait3A_547] : memref<128xf32, #tpu.memory_space<vmem>> -> memref<125xf32, #tpu.memory_space<vmem>>
      %dma_wait3A_549 = arith.constant 0 : i32
      %dma_wait3A_550 = tpu.memref_slice %arg9[%add3A_546, %dma_wait3A_549] : memref<80x125xi32, #tpu.memory_space<vmem>> -> memref<1x125xi32, #tpu.memory_space<vmem>>
      %dma_wait3A_551 = tpu.memref_squeeze %dma_wait3A_550 : memref<1x125xi32, #tpu.memory_space<vmem>> -> memref<125xi32, #tpu.memory_space<vmem>>
      %dma_wait3A_552 = arith.constant 0 : i32
      %dma_wait3A_553 = tpu.memref_slice %arg21[%dma_wait3A_552] : memref<10000xf32, #tpu.memory_space<vmem_shared>> -> memref<10000xf32, #tpu.memory_space<vmem_shared>>
      tpu.wait_indirect_dma semaphore(%arg23 : memref<!tpu.dma_semaphore, #tpu.memory_space<semaphore_mem>>) src(%dma_wait3A_548 : memref<125xf32, #tpu.memory_space<vmem>>) dst(%dma_wait3A_553 : memref<10000xf32, #tpu.memory_space<vmem_shared>>)
      %dma_wait3A_554 = arith.constant 0 : i32
      %dma_wait3A_555 = tpu.memref_slice %arg11[%dma_wait3A_554] : memref<128xf32, #tpu.memory_space<vmem>> -> memref<125xf32, #tpu.memory_space<vmem>>
      %dma_wait3A_556 = arith.constant 0 : i32
      %dma_wait3A_557 = tpu.memref_slice %arg10[%add3A_546, %dma_wait3A_556] : memref<80x125xi32, #tpu.memory_space<vmem>> -> memref<1x125xi32, #tpu.memory_space<vmem>>
      %dma_wait3A_558 = tpu.memref_squeeze %dma_wait3A_557 : memref<1x125xi32, #tpu.memory_space<vmem>> -> memref<125xi32, #tpu.memory_space<vmem>>
      %dma_wait3A_559 = arith.constant 0 : i32
      %dma_wait3A_560 = tpu.memref_slice %arg22[%dma_wait3A_559] : memref<10000xf32, #tpu.memory_space<vmem_shared>> -> memref<10000xf32, #tpu.memory_space<vmem_shared>>
      tpu.wait_indirect_dma semaphore(%arg24 : memref<!tpu.dma_semaphore, #tpu.memory_space<semaphore_mem>>) src(%dma_wait3A_555 : memref<125xf32, #tpu.memory_space<vmem>>) dst(%dma_wait3A_560 : memref<10000xf32, #tpu.memory_space<vmem_shared>>)
      %mul3A_561 = arith.constant 8 : i32
      %mul3A_562 = arith.muli %scan3A_364, %mul3A_561 : i32
      %add3A_563 = arith.constant 3 : i32
      %add3A_564 = arith.addi %mul3A_562, %add3A_563 : i32
      %dma_wait3A_565 = arith.constant 0 : i32
      %dma_wait3A_566 = tpu.memref_slice %arg11[%dma_wait3A_565] : memref<128xf32, #tpu.memory_space<vmem>> -> memref<125xf32, #tpu.memory_space<vmem>>
      %dma_wait3A_567 = arith.constant 0 : i32
      %dma_wait3A_568 = tpu.memref_slice %arg9[%add3A_564, %dma_wait3A_567] : memref<80x125xi32, #tpu.memory_space<vmem>> -> memref<1x125xi32, #tpu.memory_space<vmem>>
      %dma_wait3A_569 = tpu.memref_squeeze %dma_wait3A_568 : memref<1x125xi32, #tpu.memory_space<vmem>> -> memref<125xi32, #tpu.memory_space<vmem>>
      %dma_wait3A_570 = arith.constant 0 : i32
      %dma_wait3A_571 = tpu.memref_slice %arg21[%dma_wait3A_570] : memref<10000xf32, #tpu.memory_space<vmem_shared>> -> memref<10000xf32, #tpu.memory_space<vmem_shared>>
      tpu.wait_indirect_dma semaphore(%arg23 : memref<!tpu.dma_semaphore, #tpu.memory_space<semaphore_mem>>) src(%dma_wait3A_566 : memref<125xf32, #tpu.memory_space<vmem>>) dst(%dma_wait3A_571 : memref<10000xf32, #tpu.memory_space<vmem_shared>>)
      %dma_wait3A_572 = arith.constant 0 : i32
      %dma_wait3A_573 = tpu.memref_slice %arg11[%dma_wait3A_572] : memref<128xf32, #tpu.memory_space<vmem>> -> memref<125xf32, #tpu.memory_space<vmem>>
      %dma_wait3A_574 = arith.constant 0 : i32
      %dma_wait3A_575 = tpu.memref_slice %arg10[%add3A_564, %dma_wait3A_574] : memref<80x125xi32, #tpu.memory_space<vmem>> -> memref<1x125xi32, #tpu.memory_space<vmem>>
      %dma_wait3A_576 = tpu.memref_squeeze %dma_wait3A_575 : memref<1x125xi32, #tpu.memory_space<vmem>> -> memref<125xi32, #tpu.memory_space<vmem>>
      %dma_wait3A_577 = arith.constant 0 : i32
      %dma_wait3A_578 = tpu.memref_slice %arg22[%dma_wait3A_577] : memref<10000xf32, #tpu.memory_space<vmem_shared>> -> memref<10000xf32, #tpu.memory_space<vmem_shared>>
      tpu.wait_indirect_dma semaphore(%arg24 : memref<!tpu.dma_semaphore, #tpu.memory_space<semaphore_mem>>) src(%dma_wait3A_573 : memref<125xf32, #tpu.memory_space<vmem>>) dst(%dma_wait3A_578 : memref<10000xf32, #tpu.memory_space<vmem_shared>>)
      %mul3A_579 = arith.constant 8 : i32
      %mul3A_580 = arith.muli %scan3A_364, %mul3A_579 : i32
      %add3A_581 = arith.constant 4 : i32
      %add3A_582 = arith.addi %mul3A_580, %add3A_581 : i32
      %dma_wait3A_583 = arith.constant 0 : i32
      %dma_wait3A_584 = tpu.memref_slice %arg11[%dma_wait3A_583] : memref<128xf32, #tpu.memory_space<vmem>> -> memref<125xf32, #tpu.memory_space<vmem>>
      %dma_wait3A_585 = arith.constant 0 : i32
      %dma_wait3A_586 = tpu.memref_slice %arg9[%add3A_582, %dma_wait3A_585] : memref<80x125xi32, #tpu.memory_space<vmem>> -> memref<1x125xi32, #tpu.memory_space<vmem>>
      %dma_wait3A_587 = tpu.memref_squeeze %dma_wait3A_586 : memref<1x125xi32, #tpu.memory_space<vmem>> -> memref<125xi32, #tpu.memory_space<vmem>>
      %dma_wait3A_588 = arith.constant 0 : i32
      %dma_wait3A_589 = tpu.memref_slice %arg21[%dma_wait3A_588] : memref<10000xf32, #tpu.memory_space<vmem_shared>> -> memref<10000xf32, #tpu.memory_space<vmem_shared>>
      tpu.wait_indirect_dma semaphore(%arg23 : memref<!tpu.dma_semaphore, #tpu.memory_space<semaphore_mem>>) src(%dma_wait3A_584 : memref<125xf32, #tpu.memory_space<vmem>>) dst(%dma_wait3A_589 : memref<10000xf32, #tpu.memory_space<vmem_shared>>)
      %dma_wait3A_590 = arith.constant 0 : i32
      %dma_wait3A_591 = tpu.memref_slice %arg11[%dma_wait3A_590] : memref<128xf32, #tpu.memory_space<vmem>> -> memref<125xf32, #tpu.memory_space<vmem>>
      %dma_wait3A_592 = arith.constant 0 : i32
      %dma_wait3A_593 = tpu.memref_slice %arg10[%add3A_582, %dma_wait3A_592] : memref<80x125xi32, #tpu.memory_space<vmem>> -> memref<1x125xi32, #tpu.memory_space<vmem>>
      %dma_wait3A_594 = tpu.memref_squeeze %dma_wait3A_593 : memref<1x125xi32, #tpu.memory_space<vmem>> -> memref<125xi32, #tpu.memory_space<vmem>>
      %dma_wait3A_595 = arith.constant 0 : i32
      %dma_wait3A_596 = tpu.memref_slice %arg22[%dma_wait3A_595] : memref<10000xf32, #tpu.memory_space<vmem_shared>> -> memref<10000xf32, #tpu.memory_space<vmem_shared>>
      tpu.wait_indirect_dma semaphore(%arg24 : memref<!tpu.dma_semaphore, #tpu.memory_space<semaphore_mem>>) src(%dma_wait3A_591 : memref<125xf32, #tpu.memory_space<vmem>>) dst(%dma_wait3A_596 : memref<10000xf32, #tpu.memory_space<vmem_shared>>)
      %mul3A_597 = arith.constant 8 : i32
      %mul3A_598 = arith.muli %scan3A_364, %mul3A_597 : i32
      %add3A_599 = arith.constant 5 : i32
      %add3A_600 = arith.addi %mul3A_598, %add3A_599 : i32
      %dma_wait3A_601 = arith.constant 0 : i32
      %dma_wait3A_602 = tpu.memref_slice %arg11[%dma_wait3A_601] : memref<128xf32, #tpu.memory_space<vmem>> -> memref<125xf32, #tpu.memory_space<vmem>>
      %dma_wait3A_603 = arith.constant 0 : i32
      %dma_wait3A_604 = tpu.memref_slice %arg9[%add3A_600, %dma_wait3A_603] : memref<80x125xi32, #tpu.memory_space<vmem>> -> memref<1x125xi32, #tpu.memory_space<vmem>>
      %dma_wait3A_605 = tpu.memref_squeeze %dma_wait3A_604 : memref<1x125xi32, #tpu.memory_space<vmem>> -> memref<125xi32, #tpu.memory_space<vmem>>
      %dma_wait3A_606 = arith.constant 0 : i32
      %dma_wait3A_607 = tpu.memref_slice %arg21[%dma_wait3A_606] : memref<10000xf32, #tpu.memory_space<vmem_shared>> -> memref<10000xf32, #tpu.memory_space<vmem_shared>>
      tpu.wait_indirect_dma semaphore(%arg23 : memref<!tpu.dma_semaphore, #tpu.memory_space<semaphore_mem>>) src(%dma_wait3A_602 : memref<125xf32, #tpu.memory_space<vmem>>) dst(%dma_wait3A_607 : memref<10000xf32, #tpu.memory_space<vmem_shared>>)
      %dma_wait3A_608 = arith.constant 0 : i32
      %dma_wait3A_609 = tpu.memref_slice %arg11[%dma_wait3A_608] : memref<128xf32, #tpu.memory_space<vmem>> -> memref<125xf32, #tpu.memory_space<vmem>>
      %dma_wait3A_610 = arith.constant 0 : i32
      %dma_wait3A_611 = tpu.memref_slice %arg10[%add3A_600, %dma_wait3A_610] : memref<80x125xi32, #tpu.memory_space<vmem>> -> memref<1x125xi32, #tpu.memory_space<vmem>>
      %dma_wait3A_612 = tpu.memref_squeeze %dma_wait3A_611 : memref<1x125xi32, #tpu.memory_space<vmem>> -> memref<125xi32, #tpu.memory_space<vmem>>
      %dma_wait3A_613 = arith.constant 0 : i32
      %dma_wait3A_614 = tpu.memref_slice %arg22[%dma_wait3A_613] : memref<10000xf32, #tpu.memory_space<vmem_shared>> -> memref<10000xf32, #tpu.memory_space<vmem_shared>>
      tpu.wait_indirect_dma semaphore(%arg24 : memref<!tpu.dma_semaphore, #tpu.memory_space<semaphore_mem>>) src(%dma_wait3A_609 : memref<125xf32, #tpu.memory_space<vmem>>) dst(%dma_wait3A_614 : memref<10000xf32, #tpu.memory_space<vmem_shared>>)
      %mul3A_615 = arith.constant 8 : i32
      %mul3A_616 = arith.muli %scan3A_364, %mul3A_615 : i32
      %add3A_617 = arith.constant 6 : i32
      %add3A_618 = arith.addi %mul3A_616, %add3A_617 : i32
      %dma_wait3A_619 = arith.constant 0 : i32
      %dma_wait3A_620 = tpu.memref_slice %arg11[%dma_wait3A_619] : memref<128xf32, #tpu.memory_space<vmem>> -> memref<125xf32, #tpu.memory_space<vmem>>
      %dma_wait3A_621 = arith.constant 0 : i32
      %dma_wait3A_622 = tpu.memref_slice %arg9[%add3A_618, %dma_wait3A_621] : memref<80x125xi32, #tpu.memory_space<vmem>> -> memref<1x125xi32, #tpu.memory_space<vmem>>
      %dma_wait3A_623 = tpu.memref_squeeze %dma_wait3A_622 : memref<1x125xi32, #tpu.memory_space<vmem>> -> memref<125xi32, #tpu.memory_space<vmem>>
      %dma_wait3A_624 = arith.constant 0 : i32
      %dma_wait3A_625 = tpu.memref_slice %arg21[%dma_wait3A_624] : memref<10000xf32, #tpu.memory_space<vmem_shared>> -> memref<10000xf32, #tpu.memory_space<vmem_shared>>
      tpu.wait_indirect_dma semaphore(%arg23 : memref<!tpu.dma_semaphore, #tpu.memory_space<semaphore_mem>>) src(%dma_wait3A_620 : memref<125xf32, #tpu.memory_space<vmem>>) dst(%dma_wait3A_625 : memref<10000xf32, #tpu.memory_space<vmem_shared>>)
      %dma_wait3A_626 = arith.constant 0 : i32
      %dma_wait3A_627 = tpu.memref_slice %arg11[%dma_wait3A_626] : memref<128xf32, #tpu.memory_space<vmem>> -> memref<125xf32, #tpu.memory_space<vmem>>
      %dma_wait3A_628 = arith.constant 0 : i32
      %dma_wait3A_629 = tpu.memref_slice %arg10[%add3A_618, %dma_wait3A_628] : memref<80x125xi32, #tpu.memory_space<vmem>> -> memref<1x125xi32, #tpu.memory_space<vmem>>
      %dma_wait3A_630 = tpu.memref_squeeze %dma_wait3A_629 : memref<1x125xi32, #tpu.memory_space<vmem>> -> memref<125xi32, #tpu.memory_space<vmem>>
      %dma_wait3A_631 = arith.constant 0 : i32
      %dma_wait3A_632 = tpu.memref_slice %arg22[%dma_wait3A_631] : memref<10000xf32, #tpu.memory_space<vmem_shared>> -> memref<10000xf32, #tpu.memory_space<vmem_shared>>
      tpu.wait_indirect_dma semaphore(%arg24 : memref<!tpu.dma_semaphore, #tpu.memory_space<semaphore_mem>>) src(%dma_wait3A_627 : memref<125xf32, #tpu.memory_space<vmem>>) dst(%dma_wait3A_632 : memref<10000xf32, #tpu.memory_space<vmem_shared>>)
      %mul3A_633 = arith.constant 8 : i32
      %mul3A_634 = arith.muli %scan3A_364, %mul3A_633 : i32
      %add3A_635 = arith.constant 7 : i32
      %add3A_636 = arith.addi %mul3A_634, %add3A_635 : i32
      %dma_wait3A_637 = arith.constant 0 : i32
      %dma_wait3A_638 = tpu.memref_slice %arg11[%dma_wait3A_637] : memref<128xf32, #tpu.memory_space<vmem>> -> memref<125xf32, #tpu.memory_space<vmem>>
      %dma_wait3A_639 = arith.constant 0 : i32
      %dma_wait3A_640 = tpu.memref_slice %arg9[%add3A_636, %dma_wait3A_639] : memref<80x125xi32, #tpu.memory_space<vmem>> -> memref<1x125xi32, #tpu.memory_space<vmem>>
      %dma_wait3A_641 = tpu.memref_squeeze %dma_wait3A_640 : memref<1x125xi32, #tpu.memory_space<vmem>> -> memref<125xi32, #tpu.memory_space<vmem>>
      %dma_wait3A_642 = arith.constant 0 : i32
      %dma_wait3A_643 = tpu.memref_slice %arg21[%dma_wait3A_642] : memref<10000xf32, #tpu.memory_space<vmem_shared>> -> memref<10000xf32, #tpu.memory_space<vmem_shared>>
      tpu.wait_indirect_dma semaphore(%arg23 : memref<!tpu.dma_semaphore, #tpu.memory_space<semaphore_mem>>) src(%dma_wait3A_638 : memref<125xf32, #tpu.memory_space<vmem>>) dst(%dma_wait3A_643 : memref<10000xf32, #tpu.memory_space<vmem_shared>>)
      %dma_wait3A_644 = arith.constant 0 : i32
      %dma_wait3A_645 = tpu.memref_slice %arg11[%dma_wait3A_644] : memref<128xf32, #tpu.memory_space<vmem>> -> memref<125xf32, #tpu.memory_space<vmem>>
      %dma_wait3A_646 = arith.constant 0 : i32
      %dma_wait3A_647 = tpu.memref_slice %arg10[%add3A_636, %dma_wait3A_646] : memref<80x125xi32, #tpu.memory_space<vmem>> -> memref<1x125xi32, #tpu.memory_space<vmem>>
      %dma_wait3A_648 = tpu.memref_squeeze %dma_wait3A_647 : memref<1x125xi32, #tpu.memory_space<vmem>> -> memref<125xi32, #tpu.memory_space<vmem>>
      %dma_wait3A_649 = arith.constant 0 : i32
      %dma_wait3A_650 = tpu.memref_slice %arg22[%dma_wait3A_649] : memref<10000xf32, #tpu.memory_space<vmem_shared>> -> memref<10000xf32, #tpu.memory_space<vmem_shared>>
      tpu.wait_indirect_dma semaphore(%arg24 : memref<!tpu.dma_semaphore, #tpu.memory_space<semaphore_mem>>) src(%dma_wait3A_645 : memref<125xf32, #tpu.memory_space<vmem>>) dst(%dma_wait3A_650 : memref<10000xf32, #tpu.memory_space<vmem_shared>>)
    }
    %scan3A_329 = arith.constant 10 : i32
    %add3A_330 = arith.constant 0 : i32
    %add3A_331 = arith.addi %add3A, %add3A_330 : i32
    %lt3A_332 = arith.constant 125 : i32
    %lt3A_333 = arith.cmpi slt, %add3A_331, %lt3A_332 : i32
    %convert_element_type3A_334 = arith.extui %lt3A_333 : i1 to i32
    %cond3A_335 = arith.constant 0 : i32
    %cond3A_336 = arith.cmpi ne, %convert_element_type3A_334, %cond3A_335 : i32
    scf.if %cond3A_336 {
      %dma_wait3A = arith.constant 0 : i32
      %dma_wait3A_364 = arith.constant 0 : i32
      %dma_wait3A_365 = tpu.memref_slice %arg3[%dma_wait3A, %dma_wait3A_364] : memref<100000x128xf32, #tpu.memory_space<hbm>> -> memref<100000x128xf32, #tpu.memory_space<hbm>>
      tpu.wait_indirect_dma semaphore(%arg25 : memref<!tpu.dma_semaphore, #tpu.memory_space<semaphore_mem>>) src(%dma_wait3A_365 : memref<100000x128xf32, #tpu.memory_space<hbm>>) dst(%arg17 : memref<80x128xf32, #tpu.memory_space<vmem>>)
      %mul3A_366 = arith.constant 80 : i32
      %mul3A_367 = arith.muli %add3A_331, %mul3A_366 : i32
      "tpu.region"() ({
        %run_scoped3A = tpu.sem_alloc : memref<!tpu.dma_semaphore, #tpu.memory_space<semaphore_mem>>
        %dma_start3A = arith.constant 0 : i32
        %dma_start3A_368 = tpu.memref_slice %arg6[%mul3A_367, %dma_start3A] : memref<10000x128xf32, #tpu.memory_space<hbm>> -> memref<80x128xf32, #tpu.memory_space<hbm>>
        %dma_start3A_369 = arith.constant 0 : i32
        %dma_start3A_370 = tpu.memref_slice %arg6[%mul3A_367, %dma_start3A_369] : memref<10000x128xf32, #tpu.memory_space<hbm>> -> memref<80x128xf32, #tpu.memory_space<hbm>>
        tpu.enqueue_dma source(%arg17 : memref<80x128xf32, #tpu.memory_space<vmem>>) target(%dma_start3A_370 : memref<80x128xf32, #tpu.memory_space<hbm>>) target_semaphore(%run_scoped3A : memref<!tpu.dma_semaphore, #tpu.memory_space<semaphore_mem>>)
        %dma_wait3A_371 = arith.constant 0 : i32
        %dma_wait3A_372 = tpu.memref_slice %arg6[%mul3A_367, %dma_wait3A_371] : memref<10000x128xf32, #tpu.memory_space<hbm>> -> memref<80x128xf32, #tpu.memory_space<hbm>>
        %dma_wait3A_373 = arith.constant 0 : i32
        %dma_wait3A_374 = tpu.memref_slice %arg6[%mul3A_367, %dma_wait3A_373] : memref<10000x128xf32, #tpu.memory_space<hbm>> -> memref<80x128xf32, #tpu.memory_space<hbm>>
        tpu.wait_dma2 semaphore(%run_scoped3A : memref<!tpu.dma_semaphore, #tpu.memory_space<semaphore_mem>>) src(%arg17 : memref<80x128xf32, #tpu.memory_space<vmem>>) dst(%dma_wait3A_374 : memref<80x128xf32, #tpu.memory_space<hbm>>)
        tpu.yield
      }) : () -> ()
    } else {
    }
    %add3A_337 = arith.constant 32 : i32
    %add3A_338 = arith.addi %add3A, %add3A_337 : i32
    %lt3A_339 = arith.constant 125 : i32
    %lt3A_340 = arith.cmpi slt, %add3A_338, %lt3A_339 : i32
    %convert_element_type3A_341 = arith.extui %lt3A_340 : i1 to i32
    %cond3A_342 = arith.constant 0 : i32
    %cond3A_343 = arith.cmpi ne, %convert_element_type3A_341, %cond3A_342 : i32
    scf.if %cond3A_343 {
      %dma_wait3A = arith.constant 0 : i32
      %dma_wait3A_364 = arith.constant 0 : i32
      %dma_wait3A_365 = tpu.memref_slice %arg3[%dma_wait3A, %dma_wait3A_364] : memref<100000x128xf32, #tpu.memory_space<hbm>> -> memref<100000x128xf32, #tpu.memory_space<hbm>>
      tpu.wait_indirect_dma semaphore(%arg26 : memref<!tpu.dma_semaphore, #tpu.memory_space<semaphore_mem>>) src(%dma_wait3A_365 : memref<100000x128xf32, #tpu.memory_space<hbm>>) dst(%arg18 : memref<80x128xf32, #tpu.memory_space<vmem>>)
      %mul3A_366 = arith.constant 80 : i32
      %mul3A_367 = arith.muli %add3A_338, %mul3A_366 : i32
      "tpu.region"() ({
        %run_scoped3A = tpu.sem_alloc : memref<!tpu.dma_semaphore, #tpu.memory_space<semaphore_mem>>
        %dma_start3A = arith.constant 0 : i32
        %dma_start3A_368 = tpu.memref_slice %arg6[%mul3A_367, %dma_start3A] : memref<10000x128xf32, #tpu.memory_space<hbm>> -> memref<80x128xf32, #tpu.memory_space<hbm>>
        %dma_start3A_369 = arith.constant 0 : i32
        %dma_start3A_370 = tpu.memref_slice %arg6[%mul3A_367, %dma_start3A_369] : memref<10000x128xf32, #tpu.memory_space<hbm>> -> memref<80x128xf32, #tpu.memory_space<hbm>>
        tpu.enqueue_dma source(%arg18 : memref<80x128xf32, #tpu.memory_space<vmem>>) target(%dma_start3A_370 : memref<80x128xf32, #tpu.memory_space<hbm>>) target_semaphore(%run_scoped3A : memref<!tpu.dma_semaphore, #tpu.memory_space<semaphore_mem>>)
        %dma_wait3A_371 = arith.constant 0 : i32
        %dma_wait3A_372 = tpu.memref_slice %arg6[%mul3A_367, %dma_wait3A_371] : memref<10000x128xf32, #tpu.memory_space<hbm>> -> memref<80x128xf32, #tpu.memory_space<hbm>>
        %dma_wait3A_373 = arith.constant 0 : i32
        %dma_wait3A_374 = tpu.memref_slice %arg6[%mul3A_367, %dma_wait3A_373] : memref<10000x128xf32, #tpu.memory_space<hbm>> -> memref<80x128xf32, #tpu.memory_space<hbm>>
        tpu.wait_dma2 semaphore(%run_scoped3A : memref<!tpu.dma_semaphore, #tpu.memory_space<semaphore_mem>>) src(%arg18 : memref<80x128xf32, #tpu.memory_space<vmem>>) dst(%dma_wait3A_374 : memref<80x128xf32, #tpu.memory_space<hbm>>)
        tpu.yield
      }) : () -> ()
    } else {
    }
    %add3A_344 = arith.constant 64 : i32
    %add3A_345 = arith.addi %add3A, %add3A_344 : i32
    %lt3A_346 = arith.constant 125 : i32
    %lt3A_347 = arith.cmpi slt, %add3A_345, %lt3A_346 : i32
    %convert_element_type3A_348 = arith.extui %lt3A_347 : i1 to i32
    %cond3A_349 = arith.constant 0 : i32
    %cond3A_350 = arith.cmpi ne, %convert_element_type3A_348, %cond3A_349 : i32
    scf.if %cond3A_350 {
      %dma_wait3A = arith.constant 0 : i32
      %dma_wait3A_364 = arith.constant 0 : i32
      %dma_wait3A_365 = tpu.memref_slice %arg3[%dma_wait3A, %dma_wait3A_364] : memref<100000x128xf32, #tpu.memory_space<hbm>> -> memref<100000x128xf32, #tpu.memory_space<hbm>>
      tpu.wait_indirect_dma semaphore(%arg27 : memref<!tpu.dma_semaphore, #tpu.memory_space<semaphore_mem>>) src(%dma_wait3A_365 : memref<100000x128xf32, #tpu.memory_space<hbm>>) dst(%arg19 : memref<80x128xf32, #tpu.memory_space<vmem>>)
      %mul3A_366 = arith.constant 80 : i32
      %mul3A_367 = arith.muli %add3A_345, %mul3A_366 : i32
      "tpu.region"() ({
        %run_scoped3A = tpu.sem_alloc : memref<!tpu.dma_semaphore, #tpu.memory_space<semaphore_mem>>
        %dma_start3A = arith.constant 0 : i32
        %dma_start3A_368 = tpu.memref_slice %arg6[%mul3A_367, %dma_start3A] : memref<10000x128xf32, #tpu.memory_space<hbm>> -> memref<80x128xf32, #tpu.memory_space<hbm>>
        %dma_start3A_369 = arith.constant 0 : i32
        %dma_start3A_370 = tpu.memref_slice %arg6[%mul3A_367, %dma_start3A_369] : memref<10000x128xf32, #tpu.memory_space<hbm>> -> memref<80x128xf32, #tpu.memory_space<hbm>>
        tpu.enqueue_dma source(%arg19 : memref<80x128xf32, #tpu.memory_space<vmem>>) target(%dma_start3A_370 : memref<80x128xf32, #tpu.memory_space<hbm>>) target_semaphore(%run_scoped3A : memref<!tpu.dma_semaphore, #tpu.memory_space<semaphore_mem>>)
        %dma_wait3A_371 = arith.constant 0 : i32
        %dma_wait3A_372 = tpu.memref_slice %arg6[%mul3A_367, %dma_wait3A_371] : memref<10000x128xf32, #tpu.memory_space<hbm>> -> memref<80x128xf32, #tpu.memory_space<hbm>>
        %dma_wait3A_373 = arith.constant 0 : i32
        %dma_wait3A_374 = tpu.memref_slice %arg6[%mul3A_367, %dma_wait3A_373] : memref<10000x128xf32, #tpu.memory_space<hbm>> -> memref<80x128xf32, #tpu.memory_space<hbm>>
        tpu.wait_dma2 semaphore(%run_scoped3A : memref<!tpu.dma_semaphore, #tpu.memory_space<semaphore_mem>>) src(%arg19 : memref<80x128xf32, #tpu.memory_space<vmem>>) dst(%dma_wait3A_374 : memref<80x128xf32, #tpu.memory_space<hbm>>)
        tpu.yield
      }) : () -> ()
    } else {
    }
    %add3A_351 = arith.constant 96 : i32
    %add3A_352 = arith.addi %add3A, %add3A_351 : i32
    %lt3A_353 = arith.constant 125 : i32
    %lt3A_354 = arith.cmpi slt, %add3A_352, %lt3A_353 : i32
    %convert_element_type3A_355 = arith.extui %lt3A_354 : i1 to i32
    %cond3A_356 = arith.constant 0 : i32
    %cond3A_357 = arith.cmpi ne, %convert_element_type3A_355, %cond3A_356 : i32
    scf.if %cond3A_357 {
      %dma_wait3A = arith.constant 0 : i32
      %dma_wait3A_364 = arith.constant 0 : i32
      %dma_wait3A_365 = tpu.memref_slice %arg3[%dma_wait3A, %dma_wait3A_364] : memref<100000x128xf32, #tpu.memory_space<hbm>> -> memref<100000x128xf32, #tpu.memory_space<hbm>>
      tpu.wait_indirect_dma semaphore(%arg28 : memref<!tpu.dma_semaphore, #tpu.memory_space<semaphore_mem>>) src(%dma_wait3A_365 : memref<100000x128xf32, #tpu.memory_space<hbm>>) dst(%arg20 : memref<80x128xf32, #tpu.memory_space<vmem>>)
      %mul3A_366 = arith.constant 80 : i32
      %mul3A_367 = arith.muli %add3A_352, %mul3A_366 : i32
      "tpu.region"() ({
        %run_scoped3A = tpu.sem_alloc : memref<!tpu.dma_semaphore, #tpu.memory_space<semaphore_mem>>
        %dma_start3A = arith.constant 0 : i32
        %dma_start3A_368 = tpu.memref_slice %arg6[%mul3A_367, %dma_start3A] : memref<10000x128xf32, #tpu.memory_space<hbm>> -> memref<80x128xf32, #tpu.memory_space<hbm>>
        %dma_start3A_369 = arith.constant 0 : i32
        %dma_start3A_370 = tpu.memref_slice %arg6[%mul3A_367, %dma_start3A_369] : memref<10000x128xf32, #tpu.memory_space<hbm>> -> memref<80x128xf32, #tpu.memory_space<hbm>>
        tpu.enqueue_dma source(%arg20 : memref<80x128xf32, #tpu.memory_space<vmem>>) target(%dma_start3A_370 : memref<80x128xf32, #tpu.memory_space<hbm>>) target_semaphore(%run_scoped3A : memref<!tpu.dma_semaphore, #tpu.memory_space<semaphore_mem>>)
        %dma_wait3A_371 = arith.constant 0 : i32
        %dma_wait3A_372 = tpu.memref_slice %arg6[%mul3A_367, %dma_wait3A_371] : memref<10000x128xf32, #tpu.memory_space<hbm>> -> memref<80x128xf32, #tpu.memory_space<hbm>>
        %dma_wait3A_373 = arith.constant 0 : i32
        %dma_wait3A_374 = tpu.memref_slice %arg6[%mul3A_367, %dma_wait3A_373] : memref<10000x128xf32, #tpu.memory_space<hbm>> -> memref<80x128xf32, #tpu.memory_space<hbm>>
        tpu.wait_dma2 semaphore(%run_scoped3A : memref<!tpu.dma_semaphore, #tpu.memory_space<semaphore_mem>>) src(%arg20 : memref<80x128xf32, #tpu.memory_space<vmem>>) dst(%dma_wait3A_374 : memref<80x128xf32, #tpu.memory_space<hbm>>)
        tpu.yield
      }) : () -> ()
    } else {
    }
    %barrier3A_358 = arith.constant 0 : index
    tpu.barrier barrier_id(%barrier3A_358)
    %eq3A_359 = arith.constant 0 : i32
    %eq3A_360 = arith.cmpi eq, %arg1, %eq3A_359 : i32
    %convert_element_type3A_361 = arith.extui %eq3A_360 : i1 to i32
    %cond3A_362 = arith.constant 0 : i32
    %cond3A_363 = arith.cmpi ne, %convert_element_type3A_361, %cond3A_362 : i32
    scf.if %cond3A_363 {
      "tpu.region"() ({
        %run_scoped3A = tpu.sem_alloc : memref<!tpu.dma_semaphore, #tpu.memory_space<semaphore_mem>>
        %dma_start3A = arith.constant 0 : i32
        %dma_start3A_364 = tpu.memref_slice %arg7[%arg0, %dma_start3A] : memref<2x10000xf32, #tpu.memory_space<hbm>> -> memref<1x10000xf32, #tpu.memory_space<hbm>>
        %dma_start3A_365 = tpu.memref_squeeze %dma_start3A_364 : memref<1x10000xf32, #tpu.memory_space<hbm>> -> memref<10000xf32, #tpu.memory_space<hbm>>
        tpu.enqueue_dma source(%arg21 : memref<10000xf32, #tpu.memory_space<vmem_shared>>) target(%dma_start3A_365 : memref<10000xf32, #tpu.memory_space<hbm>>) target_semaphore(%run_scoped3A : memref<!tpu.dma_semaphore, #tpu.memory_space<semaphore_mem>>)
        %dma_wait3A = arith.constant 0 : i32
        %dma_wait3A_366 = tpu.memref_slice %arg7[%arg0, %dma_wait3A] : memref<2x10000xf32, #tpu.memory_space<hbm>> -> memref<1x10000xf32, #tpu.memory_space<hbm>>
        %dma_wait3A_367 = tpu.memref_squeeze %dma_wait3A_366 : memref<1x10000xf32, #tpu.memory_space<hbm>> -> memref<10000xf32, #tpu.memory_space<hbm>>
        tpu.wait_dma2 semaphore(%run_scoped3A : memref<!tpu.dma_semaphore, #tpu.memory_space<semaphore_mem>>) src(%arg21 : memref<10000xf32, #tpu.memory_space<vmem_shared>>) dst(%dma_wait3A_367 : memref<10000xf32, #tpu.memory_space<hbm>>)
        tpu.yield
      }) : () -> ()
      "tpu.region"() ({
        %run_scoped3A = tpu.sem_alloc : memref<!tpu.dma_semaphore, #tpu.memory_space<semaphore_mem>>
        %dma_start3A = arith.constant 0 : i32
        %dma_start3A_364 = tpu.memref_slice %arg8[%arg0, %dma_start3A] : memref<2x10000xf32, #tpu.memory_space<hbm>> -> memref<1x10000xf32, #tpu.memory_space<hbm>>
        %dma_start3A_365 = tpu.memref_squeeze %dma_start3A_364 : memref<1x10000xf32, #tpu.memory_space<hbm>> -> memref<10000xf32, #tpu.memory_space<hbm>>
        tpu.enqueue_dma source(%arg22 : memref<10000xf32, #tpu.memory_space<vmem_shared>>) target(%dma_start3A_365 : memref<10000xf32, #tpu.memory_space<hbm>>) target_semaphore(%run_scoped3A : memref<!tpu.dma_semaphore, #tpu.memory_space<semaphore_mem>>)
        %dma_wait3A = arith.constant 0 : i32
        %dma_wait3A_366 = tpu.memref_slice %arg8[%arg0, %dma_wait3A] : memref<2x10000xf32, #tpu.memory_space<hbm>> -> memref<1x10000xf32, #tpu.memory_space<hbm>>
        %dma_wait3A_367 = tpu.memref_squeeze %dma_wait3A_366 : memref<1x10000xf32, #tpu.memory_space<hbm>> -> memref<10000xf32, #tpu.memory_space<hbm>>
        tpu.wait_dma2 semaphore(%run_scoped3A : memref<!tpu.dma_semaphore, #tpu.memory_space<semaphore_mem>>) src(%arg22 : memref<10000xf32, #tpu.memory_space<vmem_shared>>) dst(%dma_wait3A_367 : memref<10000xf32, #tpu.memory_space<hbm>>)
        tpu.yield
      }) : () -> ()
    } else {
    }
    return
  }
}

#map = affine_map<(d0, d1) -> (0, 0)>
#map1 = affine_map<(d0, d1) -> (0)>
#map2 = affine_map<(d0, d1) -> (0, 0, 0)>
module attributes {stable_mosaic.version = 14 : i64} {
  func.func @_agg_body(%arg0: i32, %arg1: i32, %arg2: memref<10000x128xf32, #tpu.memory_space<hbm>>, %arg3: memref<320000xi32, #tpu.memory_space<hbm>>, %arg4: memref<320000xi32, #tpu.memory_space<hbm>>, %arg5: memref<2x10000x128xf32, #tpu.memory_space<hbm>>, %arg6: memref<96xi32, #tpu.memory_space<vmem>>, %arg7: memref<96xi32, #tpu.memory_space<vmem>>, %arg8: memref<96xi32, #tpu.memory_space<vmem>>, %arg9: memref<96xi32, #tpu.memory_space<vmem>>, %arg10: memref<96xi32, #tpu.memory_space<vmem>>, %arg11: memref<96xi32, #tpu.memory_space<vmem>>, %arg12: memref<96xi32, #tpu.memory_space<vmem>>, %arg13: memref<96xi32, #tpu.memory_space<vmem>>, %arg14: memref<16xi32, #tpu.memory_space<vmem>>, %arg15: memref<16xi32, #tpu.memory_space<vmem>>, %arg16: memref<96x128xf32, #tpu.memory_space<vmem>>, %arg17: memref<96x128xf32, #tpu.memory_space<vmem>>, %arg18: memref<96x128xf32, #tpu.memory_space<vmem>>, %arg19: memref<96x128xf32, #tpu.memory_space<vmem>>, %arg20: memref<10000x128xf32, #tpu.memory_space<vmem_shared>>, %arg21: memref<!tpu.dma_semaphore, #tpu.memory_space<semaphore_mem>>, %arg22: memref<!tpu.dma_semaphore, #tpu.memory_space<semaphore_mem>>, %arg23: memref<!tpu.dma_semaphore, #tpu.memory_space<semaphore_mem>>, %arg24: memref<!tpu.dma_semaphore, #tpu.memory_space<semaphore_mem>>, %arg25: memref<!tpu.dma_semaphore, #tpu.memory_space<semaphore_mem>>, %arg26: memref<!tpu.dma_semaphore, #tpu.memory_space<semaphore_mem>>, %arg27: memref<!tpu.dma_semaphore, #tpu.memory_space<semaphore_mem>>, %arg28: memref<!tpu.dma_semaphore, #tpu.memory_space<semaphore_mem>>) attributes {dimension_semantics = [#tpu.dimension_semantics<core_parallel>, #tpu.dimension_semantics<subcore_parallel>], iteration_bounds = array<i64: 2, 16>, scalar_prefetch = 0 : i64, scratch_operands = 23 : i64, tpu.core_type = #tpu.core_type<sc_vector_subcore>, window_params = [{transform_indices = #map}, {transform_indices = #map1}, {transform_indices = #map1}, {transform_indices = #map2}]} {
    %mul3A = arith.constant 16 : i32
    %mul3A_0 = arith.muli %arg0, %mul3A : i32
    %add3A = arith.addi %mul3A_0, %arg1 : i32
    %mul3A_1 = arith.constant 10000 : i32
    %mul3A_2 = arith.muli %add3A, %mul3A_1 : i32
    %scan3A = arith.constant 0 : i32
    %scan3A_3 = arith.constant 0 : i32
    %scan3A_4 = arith.constant 96 : i32
    %scan3A_5 = arith.addi %scan3A_3, %scan3A_4 : i32
    %scan3A_6 = arith.constant 1 : i32
    scf.for %scan3A_86 = %scan3A_3 to %scan3A_5 step %scan3A_6  : i32 {
      %broadcast_in_dim3A = arith.constant 0.000000e+00 : f32
      %broadcast_in_dim3A_87 = vector.broadcast %broadcast_in_dim3A : f32 to vector<16xf32>
      %swap3A = arith.index_cast %scan3A_86 : i32 to index
      %swap3A_88 = arith.constant 0 : index
      %swap3A_89 = tpu.vector_load %arg16[%swap3A, %swap3A_88] {strides = array<i32>} : memref<96x128xf32, #tpu.memory_space<vmem>>, vector<1x16xf32>,
      %swap3A_90 = vector.shape_cast %swap3A_89 : vector<1x16xf32> to vector<16xf32>
      %swap3A_91 = vector.shape_cast %broadcast_in_dim3A_87 : vector<16xf32> to vector<1x16xf32>
      tpu.vector_store %arg16[%swap3A, %swap3A_88], %swap3A_91 {strides = array<i32>} : memref<96x128xf32, #tpu.memory_space<vmem>>, vector<1x16xf32>,
      %broadcast_in_dim3A_92 = arith.constant 0.000000e+00 : f32
      %broadcast_in_dim3A_93 = vector.broadcast %broadcast_in_dim3A_92 : f32 to vector<16xf32>
      %swap3A_94 = arith.index_cast %scan3A_86 : i32 to index
      %swap3A_95 = arith.constant 16 : index
      %swap3A_96 = tpu.vector_load %arg16[%swap3A_94, %swap3A_95] {strides = array<i32>} : memref<96x128xf32, #tpu.memory_space<vmem>>, vector<1x16xf32>,
      %swap3A_97 = vector.shape_cast %swap3A_96 : vector<1x16xf32> to vector<16xf32>
      %swap3A_98 = vector.shape_cast %broadcast_in_dim3A_93 : vector<16xf32> to vector<1x16xf32>
      tpu.vector_store %arg16[%swap3A_94, %swap3A_95], %swap3A_98 {strides = array<i32>} : memref<96x128xf32, #tpu.memory_space<vmem>>, vector<1x16xf32>,
      %broadcast_in_dim3A_99 = arith.constant 0.000000e+00 : f32
      %broadcast_in_dim3A_100 = vector.broadcast %broadcast_in_dim3A_99 : f32 to vector<16xf32>
      %swap3A_101 = arith.index_cast %scan3A_86 : i32 to index
      %swap3A_102 = arith.constant 32 : index
      %swap3A_103 = tpu.vector_load %arg16[%swap3A_101, %swap3A_102] {strides = array<i32>} : memref<96x128xf32, #tpu.memory_space<vmem>>, vector<1x16xf32>,
      %swap3A_104 = vector.shape_cast %swap3A_103 : vector<1x16xf32> to vector<16xf32>
      %swap3A_105 = vector.shape_cast %broadcast_in_dim3A_100 : vector<16xf32> to vector<1x16xf32>
      tpu.vector_store %arg16[%swap3A_101, %swap3A_102], %swap3A_105 {strides = array<i32>} : memref<96x128xf32, #tpu.memory_space<vmem>>, vector<1x16xf32>,
      %broadcast_in_dim3A_106 = arith.constant 0.000000e+00 : f32
      %broadcast_in_dim3A_107 = vector.broadcast %broadcast_in_dim3A_106 : f32 to vector<16xf32>
      %swap3A_108 = arith.index_cast %scan3A_86 : i32 to index
      %swap3A_109 = arith.constant 48 : index
      %swap3A_110 = tpu.vector_load %arg16[%swap3A_108, %swap3A_109] {strides = array<i32>} : memref<96x128xf32, #tpu.memory_space<vmem>>, vector<1x16xf32>,
      %swap3A_111 = vector.shape_cast %swap3A_110 : vector<1x16xf32> to vector<16xf32>
      %swap3A_112 = vector.shape_cast %broadcast_in_dim3A_107 : vector<16xf32> to vector<1x16xf32>
      tpu.vector_store %arg16[%swap3A_108, %swap3A_109], %swap3A_112 {strides = array<i32>} : memref<96x128xf32, #tpu.memory_space<vmem>>, vector<1x16xf32>,
      %broadcast_in_dim3A_113 = arith.constant 0.000000e+00 : f32
      %broadcast_in_dim3A_114 = vector.broadcast %broadcast_in_dim3A_113 : f32 to vector<16xf32>
      %swap3A_115 = arith.index_cast %scan3A_86 : i32 to index
      %swap3A_116 = arith.constant 64 : index
      %swap3A_117 = tpu.vector_load %arg16[%swap3A_115, %swap3A_116] {strides = array<i32>} : memref<96x128xf32, #tpu.memory_space<vmem>>, vector<1x16xf32>,
      %swap3A_118 = vector.shape_cast %swap3A_117 : vector<1x16xf32> to vector<16xf32>
      %swap3A_119 = vector.shape_cast %broadcast_in_dim3A_114 : vector<16xf32> to vector<1x16xf32>
      tpu.vector_store %arg16[%swap3A_115, %swap3A_116], %swap3A_119 {strides = array<i32>} : memref<96x128xf32, #tpu.memory_space<vmem>>, vector<1x16xf32>,
      %broadcast_in_dim3A_120 = arith.constant 0.000000e+00 : f32
      %broadcast_in_dim3A_121 = vector.broadcast %broadcast_in_dim3A_120 : f32 to vector<16xf32>
      %swap3A_122 = arith.index_cast %scan3A_86 : i32 to index
      %swap3A_123 = arith.constant 80 : index
      %swap3A_124 = tpu.vector_load %arg16[%swap3A_122, %swap3A_123] {strides = array<i32>} : memref<96x128xf32, #tpu.memory_space<vmem>>, vector<1x16xf32>,
      %swap3A_125 = vector.shape_cast %swap3A_124 : vector<1x16xf32> to vector<16xf32>
      %swap3A_126 = vector.shape_cast %broadcast_in_dim3A_121 : vector<16xf32> to vector<1x16xf32>
      tpu.vector_store %arg16[%swap3A_122, %swap3A_123], %swap3A_126 {strides = array<i32>} : memref<96x128xf32, #tpu.memory_space<vmem>>, vector<1x16xf32>,
      %broadcast_in_dim3A_127 = arith.constant 0.000000e+00 : f32
      %broadcast_in_dim3A_128 = vector.broadcast %broadcast_in_dim3A_127 : f32 to vector<16xf32>
      %swap3A_129 = arith.index_cast %scan3A_86 : i32 to index
      %swap3A_130 = arith.constant 96 : index
      %swap3A_131 = tpu.vector_load %arg16[%swap3A_129, %swap3A_130] {strides = array<i32>} : memref<96x128xf32, #tpu.memory_space<vmem>>, vector<1x16xf32>,
      %swap3A_132 = vector.shape_cast %swap3A_131 : vector<1x16xf32> to vector<16xf32>
      %swap3A_133 = vector.shape_cast %broadcast_in_dim3A_128 : vector<16xf32> to vector<1x16xf32>
      tpu.vector_store %arg16[%swap3A_129, %swap3A_130], %swap3A_133 {strides = array<i32>} : memref<96x128xf32, #tpu.memory_space<vmem>>, vector<1x16xf32>,
      %broadcast_in_dim3A_134 = arith.constant 0.000000e+00 : f32
      %broadcast_in_dim3A_135 = vector.broadcast %broadcast_in_dim3A_134 : f32 to vector<16xf32>
      %swap3A_136 = arith.index_cast %scan3A_86 : i32 to index
      %swap3A_137 = arith.constant 112 : index
      %swap3A_138 = tpu.vector_load %arg16[%swap3A_136, %swap3A_137] {strides = array<i32>} : memref<96x128xf32, #tpu.memory_space<vmem>>, vector<1x16xf32>,
      %swap3A_139 = vector.shape_cast %swap3A_138 : vector<1x16xf32> to vector<16xf32>
      %swap3A_140 = vector.shape_cast %broadcast_in_dim3A_135 : vector<16xf32> to vector<1x16xf32>
      tpu.vector_store %arg16[%swap3A_136, %swap3A_137], %swap3A_140 {strides = array<i32>} : memref<96x128xf32, #tpu.memory_space<vmem>>, vector<1x16xf32>,
    }
    %scan3A_7 = arith.constant 96 : i32
    %mul3A_8 = arith.constant 624 : i32
    %mul3A_9 = arith.muli %arg1, %mul3A_8 : i32
    %add3A_10 = arith.constant 0 : i32
    %add3A_11 = arith.addi %mul3A_9, %add3A_10 : i32
    "tpu.region"() ({
      %run_scoped3A = tpu.sem_alloc : memref<!tpu.dma_semaphore, #tpu.memory_space<semaphore_mem>>
      %dma_start3A_86 = arith.constant 0 : i32
      %dma_start3A_87 = tpu.memref_slice %arg20[%add3A_11, %dma_start3A_86] : memref<10000x128xf32, #tpu.memory_space<vmem_shared>> -> memref<96x128xf32, #tpu.memory_space<vmem_shared>>
      %dma_start3A_88 = arith.constant 0 : i32
      %dma_start3A_89 = tpu.memref_slice %arg20[%add3A_11, %dma_start3A_88] : memref<10000x128xf32, #tpu.memory_space<vmem_shared>> -> memref<96x128xf32, #tpu.memory_space<vmem_shared>>
      tpu.enqueue_dma source(%arg16 : memref<96x128xf32, #tpu.memory_space<vmem>>) target(%dma_start3A_89 : memref<96x128xf32, #tpu.memory_space<vmem_shared>>) target_semaphore(%run_scoped3A : memref<!tpu.dma_semaphore, #tpu.memory_space<semaphore_mem>>)
      %dma_wait3A_90 = arith.constant 0 : i32
      %dma_wait3A_91 = tpu.memref_slice %arg20[%add3A_11, %dma_wait3A_90] : memref<10000x128xf32, #tpu.memory_space<vmem_shared>> -> memref<96x128xf32, #tpu.memory_space<vmem_shared>>
      %dma_wait3A_92 = arith.constant 0 : i32
      %dma_wait3A_93 = tpu.memref_slice %arg20[%add3A_11, %dma_wait3A_92] : memref<10000x128xf32, #tpu.memory_space<vmem_shared>> -> memref<96x128xf32, #tpu.memory_space<vmem_shared>>
      tpu.wait_dma2 semaphore(%run_scoped3A : memref<!tpu.dma_semaphore, #tpu.memory_space<semaphore_mem>>) src(%arg16 : memref<96x128xf32, #tpu.memory_space<vmem>>) dst(%dma_wait3A_93 : memref<96x128xf32, #tpu.memory_space<vmem_shared>>)
      tpu.yield
    }) : () -> ()
    %mul3A_12 = arith.constant 624 : i32
    %mul3A_13 = arith.muli %arg1, %mul3A_12 : i32
    %add3A_14 = arith.constant 96 : i32
    %add3A_15 = arith.addi %mul3A_13, %add3A_14 : i32
    "tpu.region"() ({
      %run_scoped3A = tpu.sem_alloc : memref<!tpu.dma_semaphore, #tpu.memory_space<semaphore_mem>>
      %dma_start3A_86 = arith.constant 0 : i32
      %dma_start3A_87 = tpu.memref_slice %arg20[%add3A_15, %dma_start3A_86] : memref<10000x128xf32, #tpu.memory_space<vmem_shared>> -> memref<96x128xf32, #tpu.memory_space<vmem_shared>>
      %dma_start3A_88 = arith.constant 0 : i32
      %dma_start3A_89 = tpu.memref_slice %arg20[%add3A_15, %dma_start3A_88] : memref<10000x128xf32, #tpu.memory_space<vmem_shared>> -> memref<96x128xf32, #tpu.memory_space<vmem_shared>>
      tpu.enqueue_dma source(%arg16 : memref<96x128xf32, #tpu.memory_space<vmem>>) target(%dma_start3A_89 : memref<96x128xf32, #tpu.memory_space<vmem_shared>>) target_semaphore(%run_scoped3A : memref<!tpu.dma_semaphore, #tpu.memory_space<semaphore_mem>>)
      %dma_wait3A_90 = arith.constant 0 : i32
      %dma_wait3A_91 = tpu.memref_slice %arg20[%add3A_15, %dma_wait3A_90] : memref<10000x128xf32, #tpu.memory_space<vmem_shared>> -> memref<96x128xf32, #tpu.memory_space<vmem_shared>>
      %dma_wait3A_92 = arith.constant 0 : i32
      %dma_wait3A_93 = tpu.memref_slice %arg20[%add3A_15, %dma_wait3A_92] : memref<10000x128xf32, #tpu.memory_space<vmem_shared>> -> memref<96x128xf32, #tpu.memory_space<vmem_shared>>
      tpu.wait_dma2 semaphore(%run_scoped3A : memref<!tpu.dma_semaphore, #tpu.memory_space<semaphore_mem>>) src(%arg16 : memref<96x128xf32, #tpu.memory_space<vmem>>) dst(%dma_wait3A_93 : memref<96x128xf32, #tpu.memory_space<vmem_shared>>)
      tpu.yield
    }) : () -> ()
    %mul3A_16 = arith.constant 624 : i32
    %mul3A_17 = arith.muli %arg1, %mul3A_16 : i32
    %add3A_18 = arith.constant 192 : i32
    %add3A_19 = arith.addi %mul3A_17, %add3A_18 : i32
    "tpu.region"() ({
      %run_scoped3A = tpu.sem_alloc : memref<!tpu.dma_semaphore, #tpu.memory_space<semaphore_mem>>
      %dma_start3A_86 = arith.constant 0 : i32
      %dma_start3A_87 = tpu.memref_slice %arg20[%add3A_19, %dma_start3A_86] : memref<10000x128xf32, #tpu.memory_space<vmem_shared>> -> memref<96x128xf32, #tpu.memory_space<vmem_shared>>
      %dma_start3A_88 = arith.constant 0 : i32
      %dma_start3A_89 = tpu.memref_slice %arg20[%add3A_19, %dma_start3A_88] : memref<10000x128xf32, #tpu.memory_space<vmem_shared>> -> memref<96x128xf32, #tpu.memory_space<vmem_shared>>
      tpu.enqueue_dma source(%arg16 : memref<96x128xf32, #tpu.memory_space<vmem>>) target(%dma_start3A_89 : memref<96x128xf32, #tpu.memory_space<vmem_shared>>) target_semaphore(%run_scoped3A : memref<!tpu.dma_semaphore, #tpu.memory_space<semaphore_mem>>)
      %dma_wait3A_90 = arith.constant 0 : i32
      %dma_wait3A_91 = tpu.memref_slice %arg20[%add3A_19, %dma_wait3A_90] : memref<10000x128xf32, #tpu.memory_space<vmem_shared>> -> memref<96x128xf32, #tpu.memory_space<vmem_shared>>
      %dma_wait3A_92 = arith.constant 0 : i32
      %dma_wait3A_93 = tpu.memref_slice %arg20[%add3A_19, %dma_wait3A_92] : memref<10000x128xf32, #tpu.memory_space<vmem_shared>> -> memref<96x128xf32, #tpu.memory_space<vmem_shared>>
      tpu.wait_dma2 semaphore(%run_scoped3A : memref<!tpu.dma_semaphore, #tpu.memory_space<semaphore_mem>>) src(%arg16 : memref<96x128xf32, #tpu.memory_space<vmem>>) dst(%dma_wait3A_93 : memref<96x128xf32, #tpu.memory_space<vmem_shared>>)
      tpu.yield
    }) : () -> ()
    %mul3A_20 = arith.constant 624 : i32
    %mul3A_21 = arith.muli %arg1, %mul3A_20 : i32
    %add3A_22 = arith.constant 288 : i32
    %add3A_23 = arith.addi %mul3A_21, %add3A_22 : i32
    "tpu.region"() ({
      %run_scoped3A = tpu.sem_alloc : memref<!tpu.dma_semaphore, #tpu.memory_space<semaphore_mem>>
      %dma_start3A_86 = arith.constant 0 : i32
      %dma_start3A_87 = tpu.memref_slice %arg20[%add3A_23, %dma_start3A_86] : memref<10000x128xf32, #tpu.memory_space<vmem_shared>> -> memref<96x128xf32, #tpu.memory_space<vmem_shared>>
      %dma_start3A_88 = arith.constant 0 : i32
      %dma_start3A_89 = tpu.memref_slice %arg20[%add3A_23, %dma_start3A_88] : memref<10000x128xf32, #tpu.memory_space<vmem_shared>> -> memref<96x128xf32, #tpu.memory_space<vmem_shared>>
      tpu.enqueue_dma source(%arg16 : memref<96x128xf32, #tpu.memory_space<vmem>>) target(%dma_start3A_89 : memref<96x128xf32, #tpu.memory_space<vmem_shared>>) target_semaphore(%run_scoped3A : memref<!tpu.dma_semaphore, #tpu.memory_space<semaphore_mem>>)
      %dma_wait3A_90 = arith.constant 0 : i32
      %dma_wait3A_91 = tpu.memref_slice %arg20[%add3A_23, %dma_wait3A_90] : memref<10000x128xf32, #tpu.memory_space<vmem_shared>> -> memref<96x128xf32, #tpu.memory_space<vmem_shared>>
      %dma_wait3A_92 = arith.constant 0 : i32
      %dma_wait3A_93 = tpu.memref_slice %arg20[%add3A_23, %dma_wait3A_92] : memref<10000x128xf32, #tpu.memory_space<vmem_shared>> -> memref<96x128xf32, #tpu.memory_space<vmem_shared>>
      tpu.wait_dma2 semaphore(%run_scoped3A : memref<!tpu.dma_semaphore, #tpu.memory_space<semaphore_mem>>) src(%arg16 : memref<96x128xf32, #tpu.memory_space<vmem>>) dst(%dma_wait3A_93 : memref<96x128xf32, #tpu.memory_space<vmem_shared>>)
      tpu.yield
    }) : () -> ()
    %mul3A_24 = arith.constant 624 : i32
    %mul3A_25 = arith.muli %arg1, %mul3A_24 : i32
    %add3A_26 = arith.constant 384 : i32
    %add3A_27 = arith.addi %mul3A_25, %add3A_26 : i32
    "tpu.region"() ({
      %run_scoped3A = tpu.sem_alloc : memref<!tpu.dma_semaphore, #tpu.memory_space<semaphore_mem>>
      %dma_start3A_86 = arith.constant 0 : i32
      %dma_start3A_87 = tpu.memref_slice %arg20[%add3A_27, %dma_start3A_86] : memref<10000x128xf32, #tpu.memory_space<vmem_shared>> -> memref<96x128xf32, #tpu.memory_space<vmem_shared>>
      %dma_start3A_88 = arith.constant 0 : i32
      %dma_start3A_89 = tpu.memref_slice %arg20[%add3A_27, %dma_start3A_88] : memref<10000x128xf32, #tpu.memory_space<vmem_shared>> -> memref<96x128xf32, #tpu.memory_space<vmem_shared>>
      tpu.enqueue_dma source(%arg16 : memref<96x128xf32, #tpu.memory_space<vmem>>) target(%dma_start3A_89 : memref<96x128xf32, #tpu.memory_space<vmem_shared>>) target_semaphore(%run_scoped3A : memref<!tpu.dma_semaphore, #tpu.memory_space<semaphore_mem>>)
      %dma_wait3A_90 = arith.constant 0 : i32
      %dma_wait3A_91 = tpu.memref_slice %arg20[%add3A_27, %dma_wait3A_90] : memref<10000x128xf32, #tpu.memory_space<vmem_shared>> -> memref<96x128xf32, #tpu.memory_space<vmem_shared>>
      %dma_wait3A_92 = arith.constant 0 : i32
      %dma_wait3A_93 = tpu.memref_slice %arg20[%add3A_27, %dma_wait3A_92] : memref<10000x128xf32, #tpu.memory_space<vmem_shared>> -> memref<96x128xf32, #tpu.memory_space<vmem_shared>>
      tpu.wait_dma2 semaphore(%run_scoped3A : memref<!tpu.dma_semaphore, #tpu.memory_space<semaphore_mem>>) src(%arg16 : memref<96x128xf32, #tpu.memory_space<vmem>>) dst(%dma_wait3A_93 : memref<96x128xf32, #tpu.memory_space<vmem_shared>>)
      tpu.yield
    }) : () -> ()
    %mul3A_28 = arith.constant 624 : i32
    %mul3A_29 = arith.muli %arg1, %mul3A_28 : i32
    %add3A_30 = arith.constant 480 : i32
    %add3A_31 = arith.addi %mul3A_29, %add3A_30 : i32
    "tpu.region"() ({
      %run_scoped3A = tpu.sem_alloc : memref<!tpu.dma_semaphore, #tpu.memory_space<semaphore_mem>>
      %dma_start3A_86 = arith.constant 0 : i32
      %dma_start3A_87 = tpu.memref_slice %arg20[%add3A_31, %dma_start3A_86] : memref<10000x128xf32, #tpu.memory_space<vmem_shared>> -> memref<96x128xf32, #tpu.memory_space<vmem_shared>>
      %dma_start3A_88 = arith.constant 0 : i32
      %dma_start3A_89 = tpu.memref_slice %arg20[%add3A_31, %dma_start3A_88] : memref<10000x128xf32, #tpu.memory_space<vmem_shared>> -> memref<96x128xf32, #tpu.memory_space<vmem_shared>>
      tpu.enqueue_dma source(%arg16 : memref<96x128xf32, #tpu.memory_space<vmem>>) target(%dma_start3A_89 : memref<96x128xf32, #tpu.memory_space<vmem_shared>>) target_semaphore(%run_scoped3A : memref<!tpu.dma_semaphore, #tpu.memory_space<semaphore_mem>>)
      %dma_wait3A_90 = arith.constant 0 : i32
      %dma_wait3A_91 = tpu.memref_slice %arg20[%add3A_31, %dma_wait3A_90] : memref<10000x128xf32, #tpu.memory_space<vmem_shared>> -> memref<96x128xf32, #tpu.memory_space<vmem_shared>>
      %dma_wait3A_92 = arith.constant 0 : i32
      %dma_wait3A_93 = tpu.memref_slice %arg20[%add3A_31, %dma_wait3A_92] : memref<10000x128xf32, #tpu.memory_space<vmem_shared>> -> memref<96x128xf32, #tpu.memory_space<vmem_shared>>
      tpu.wait_dma2 semaphore(%run_scoped3A : memref<!tpu.dma_semaphore, #tpu.memory_space<semaphore_mem>>) src(%arg16 : memref<96x128xf32, #tpu.memory_space<vmem>>) dst(%dma_wait3A_93 : memref<96x128xf32, #tpu.memory_space<vmem_shared>>)
      tpu.yield
    }) : () -> ()
    %mul3A_32 = arith.constant 624 : i32
    %mul3A_33 = arith.muli %arg1, %mul3A_32 : i32
    %add3A_34 = arith.constant 576 : i32
    %add3A_35 = arith.addi %mul3A_33, %add3A_34 : i32
    "tpu.region"() ({
      %run_scoped3A = tpu.sem_alloc : memref<!tpu.dma_semaphore, #tpu.memory_space<semaphore_mem>>
      %dma_start3A_86 = arith.constant 0 : i32
      %dma_start3A_87 = arith.constant 0 : i32
      %dma_start3A_88 = tpu.memref_slice %arg16[%dma_start3A_86, %dma_start3A_87] : memref<96x128xf32, #tpu.memory_space<vmem>> -> memref<48x128xf32, #tpu.memory_space<vmem>>
      %dma_start3A_89 = arith.constant 0 : i32
      %dma_start3A_90 = tpu.memref_slice %arg20[%add3A_35, %dma_start3A_89] : memref<10000x128xf32, #tpu.memory_space<vmem_shared>> -> memref<48x128xf32, #tpu.memory_space<vmem_shared>>
      %dma_start3A_91 = arith.constant 0 : i32
      %dma_start3A_92 = tpu.memref_slice %arg20[%add3A_35, %dma_start3A_91] : memref<10000x128xf32, #tpu.memory_space<vmem_shared>> -> memref<48x128xf32, #tpu.memory_space<vmem_shared>>
      %dma_start3A_93 = arith.constant 0 : i32
      %dma_start3A_94 = arith.constant 0 : i32
      %dma_start3A_95 = tpu.memref_slice %arg16[%dma_start3A_93, %dma_start3A_94] : memref<96x128xf32, #tpu.memory_space<vmem>> -> memref<48x128xf32, #tpu.memory_space<vmem>>
      tpu.enqueue_dma source(%dma_start3A_95 : memref<48x128xf32, #tpu.memory_space<vmem>>) target(%dma_start3A_92 : memref<48x128xf32, #tpu.memory_space<vmem_shared>>) target_semaphore(%run_scoped3A : memref<!tpu.dma_semaphore, #tpu.memory_space<semaphore_mem>>)
      %dma_wait3A_96 = arith.constant 0 : i32
      %dma_wait3A_97 = arith.constant 0 : i32
      %dma_wait3A_98 = tpu.memref_slice %arg16[%dma_wait3A_96, %dma_wait3A_97] : memref<96x128xf32, #tpu.memory_space<vmem>> -> memref<48x128xf32, #tpu.memory_space<vmem>>
      %dma_wait3A_99 = arith.constant 0 : i32
      %dma_wait3A_100 = tpu.memref_slice %arg20[%add3A_35, %dma_wait3A_99] : memref<10000x128xf32, #tpu.memory_space<vmem_shared>> -> memref<48x128xf32, #tpu.memory_space<vmem_shared>>
      %dma_wait3A_101 = arith.constant 0 : i32
      %dma_wait3A_102 = tpu.memref_slice %arg20[%add3A_35, %dma_wait3A_101] : memref<10000x128xf32, #tpu.memory_space<vmem_shared>> -> memref<48x128xf32, #tpu.memory_space<vmem_shared>>
      %dma_wait3A_103 = arith.constant 0 : i32
      %dma_wait3A_104 = arith.constant 0 : i32
      %dma_wait3A_105 = tpu.memref_slice %arg16[%dma_wait3A_103, %dma_wait3A_104] : memref<96x128xf32, #tpu.memory_space<vmem>> -> memref<48x128xf32, #tpu.memory_space<vmem>>
      tpu.wait_dma2 semaphore(%run_scoped3A : memref<!tpu.dma_semaphore, #tpu.memory_space<semaphore_mem>>) src(%dma_wait3A_105 : memref<48x128xf32, #tpu.memory_space<vmem>>) dst(%dma_wait3A_102 : memref<48x128xf32, #tpu.memory_space<vmem_shared>>)
      tpu.yield
    }) : () -> ()
    %eq3A = arith.constant 15 : i32
    %eq3A_36 = arith.cmpi eq, %arg1, %eq3A : i32
    %convert_element_type3A = arith.extui %eq3A_36 : i1 to i32
    %cond3A = arith.constant 0 : i32
    %cond3A_37 = arith.cmpi ne, %convert_element_type3A, %cond3A : i32
    scf.if %cond3A_37 {
      "tpu.region"() ({
        %run_scoped3A = tpu.sem_alloc : memref<!tpu.dma_semaphore, #tpu.memory_space<semaphore_mem>>
        %dma_start3A_86 = arith.constant 0 : i32
        %dma_start3A_87 = arith.constant 0 : i32
        %dma_start3A_88 = tpu.memref_slice %arg16[%dma_start3A_86, %dma_start3A_87] : memref<96x128xf32, #tpu.memory_space<vmem>> -> memref<16x128xf32, #tpu.memory_space<vmem>>
        %dma_start3A_89 = arith.constant 9984 : i32
        %dma_start3A_90 = arith.constant 0 : i32
        %dma_start3A_91 = tpu.memref_slice %arg20[%dma_start3A_89, %dma_start3A_90] : memref<10000x128xf32, #tpu.memory_space<vmem_shared>> -> memref<16x128xf32, #tpu.memory_space<vmem_shared>>
        %dma_start3A_92 = arith.constant 9984 : i32
        %dma_start3A_93 = arith.constant 0 : i32
        %dma_start3A_94 = tpu.memref_slice %arg20[%dma_start3A_92, %dma_start3A_93] : memref<10000x128xf32, #tpu.memory_space<vmem_shared>> -> memref<16x128xf32, #tpu.memory_space<vmem_shared>>
        %dma_start3A_95 = arith.constant 0 : i32
        %dma_start3A_96 = arith.constant 0 : i32
        %dma_start3A_97 = tpu.memref_slice %arg16[%dma_start3A_95, %dma_start3A_96] : memref<96x128xf32, #tpu.memory_space<vmem>> -> memref<16x128xf32, #tpu.memory_space<vmem>>
        tpu.enqueue_dma source(%dma_start3A_97 : memref<16x128xf32, #tpu.memory_space<vmem>>) target(%dma_start3A_94 : memref<16x128xf32, #tpu.memory_space<vmem_shared>>) target_semaphore(%run_scoped3A : memref<!tpu.dma_semaphore, #tpu.memory_space<semaphore_mem>>)
        %dma_wait3A_98 = arith.constant 0 : i32
        %dma_wait3A_99 = arith.constant 0 : i32
        %dma_wait3A_100 = tpu.memref_slice %arg16[%dma_wait3A_98, %dma_wait3A_99] : memref<96x128xf32, #tpu.memory_space<vmem>> -> memref<16x128xf32, #tpu.memory_space<vmem>>
        %dma_wait3A_101 = arith.constant 9984 : i32
        %dma_wait3A_102 = arith.constant 0 : i32
        %dma_wait3A_103 = tpu.memref_slice %arg20[%dma_wait3A_101, %dma_wait3A_102] : memref<10000x128xf32, #tpu.memory_space<vmem_shared>> -> memref<16x128xf32, #tpu.memory_space<vmem_shared>>
        %dma_wait3A_104 = arith.constant 9984 : i32
        %dma_wait3A_105 = arith.constant 0 : i32
        %dma_wait3A_106 = tpu.memref_slice %arg20[%dma_wait3A_104, %dma_wait3A_105] : memref<10000x128xf32, #tpu.memory_space<vmem_shared>> -> memref<16x128xf32, #tpu.memory_space<vmem_shared>>
        %dma_wait3A_107 = arith.constant 0 : i32
        %dma_wait3A_108 = arith.constant 0 : i32
        %dma_wait3A_109 = tpu.memref_slice %arg16[%dma_wait3A_107, %dma_wait3A_108] : memref<96x128xf32, #tpu.memory_space<vmem>> -> memref<16x128xf32, #tpu.memory_space<vmem>>
        tpu.wait_dma2 semaphore(%run_scoped3A : memref<!tpu.dma_semaphore, #tpu.memory_space<semaphore_mem>>) src(%dma_wait3A_109 : memref<16x128xf32, #tpu.memory_space<vmem>>) dst(%dma_wait3A_106 : memref<16x128xf32, #tpu.memory_space<vmem_shared>>)
        tpu.yield
      }) : () -> ()
    } else {
    }
    %barrier3A = arith.constant 0 : index
    tpu.barrier barrier_id(%barrier3A)
    %add3A_38 = arith.constant 0 : i32
    %add3A_39 = arith.addi %mul3A_2, %add3A_38 : i32
    "tpu.region"() ({
      %run_scoped3A = tpu.sem_alloc : memref<!tpu.dma_semaphore, #tpu.memory_space<semaphore_mem>>
      %dma_start3A_86 = tpu.memref_slice %arg3[%add3A_39] : memref<320000xi32, #tpu.memory_space<hbm>> -> memref<96xi32, #tpu.memory_space<hbm>>
      %dma_start3A_87 = tpu.memref_slice %arg3[%add3A_39] : memref<320000xi32, #tpu.memory_space<hbm>> -> memref<96xi32, #tpu.memory_space<hbm>>
      tpu.enqueue_dma source(%dma_start3A_87 : memref<96xi32, #tpu.memory_space<hbm>>) target(%arg6 : memref<96xi32, #tpu.memory_space<vmem>>) target_semaphore(%run_scoped3A : memref<!tpu.dma_semaphore, #tpu.memory_space<semaphore_mem>>)
      %dma_wait3A_88 = tpu.memref_slice %arg3[%add3A_39] : memref<320000xi32, #tpu.memory_space<hbm>> -> memref<96xi32, #tpu.memory_space<hbm>>
      %dma_wait3A_89 = tpu.memref_slice %arg3[%add3A_39] : memref<320000xi32, #tpu.memory_space<hbm>> -> memref<96xi32, #tpu.memory_space<hbm>>
      tpu.wait_dma2 semaphore(%run_scoped3A : memref<!tpu.dma_semaphore, #tpu.memory_space<semaphore_mem>>) src(%dma_wait3A_89 : memref<96xi32, #tpu.memory_space<hbm>>) dst(%arg6 : memref<96xi32, #tpu.memory_space<vmem>>)
      tpu.yield
    }) : () -> ()
    "tpu.region"() ({
      %run_scoped3A = tpu.sem_alloc : memref<!tpu.dma_semaphore, #tpu.memory_space<semaphore_mem>>
      %dma_start3A_86 = tpu.memref_slice %arg4[%add3A_39] : memref<320000xi32, #tpu.memory_space<hbm>> -> memref<96xi32, #tpu.memory_space<hbm>>
      %dma_start3A_87 = tpu.memref_slice %arg4[%add3A_39] : memref<320000xi32, #tpu.memory_space<hbm>> -> memref<96xi32, #tpu.memory_space<hbm>>
      tpu.enqueue_dma source(%dma_start3A_87 : memref<96xi32, #tpu.memory_space<hbm>>) target(%arg10 : memref<96xi32, #tpu.memory_space<vmem>>) target_semaphore(%run_scoped3A : memref<!tpu.dma_semaphore, #tpu.memory_space<semaphore_mem>>)
      %dma_wait3A_88 = tpu.memref_slice %arg4[%add3A_39] : memref<320000xi32, #tpu.memory_space<hbm>> -> memref<96xi32, #tpu.memory_space<hbm>>
      %dma_wait3A_89 = tpu.memref_slice %arg4[%add3A_39] : memref<320000xi32, #tpu.memory_space<hbm>> -> memref<96xi32, #tpu.memory_space<hbm>>
      tpu.wait_dma2 semaphore(%run_scoped3A : memref<!tpu.dma_semaphore, #tpu.memory_space<semaphore_mem>>) src(%dma_wait3A_89 : memref<96xi32, #tpu.memory_space<hbm>>) dst(%arg10 : memref<96xi32, #tpu.memory_space<vmem>>)
      tpu.yield
    }) : () -> ()
    %dma_start3A = arith.constant 0 : i32
    %dma_start3A_40 = arith.constant 0 : i32
    %dma_start3A_41 = tpu.memref_slice %arg2[%dma_start3A, %dma_start3A_40] : memref<10000x128xf32, #tpu.memory_space<hbm>> -> memref<10000x128xf32, #tpu.memory_space<hbm>>
    tpu.enqueue_indirect_dma source(%dma_start3A_41 : memref<10000x128xf32, #tpu.memory_space<hbm>>) target(%arg16 : memref<96x128xf32, #tpu.memory_space<vmem>>) offsets(%arg6 : memref<96xi32, #tpu.memory_space<vmem>>) semaphore(%arg21 : memref<!tpu.dma_semaphore, #tpu.memory_space<semaphore_mem>>)
    %add3A_42 = arith.constant 96 : i32
    %add3A_43 = arith.addi %mul3A_2, %add3A_42 : i32
    "tpu.region"() ({
      %run_scoped3A = tpu.sem_alloc : memref<!tpu.dma_semaphore, #tpu.memory_space<semaphore_mem>>
      %dma_start3A_86 = tpu.memref_slice %arg3[%add3A_43] : memref<320000xi32, #tpu.memory_space<hbm>> -> memref<96xi32, #tpu.memory_space<hbm>>
      %dma_start3A_87 = tpu.memref_slice %arg3[%add3A_43] : memref<320000xi32, #tpu.memory_space<hbm>> -> memref<96xi32, #tpu.memory_space<hbm>>
      tpu.enqueue_dma source(%dma_start3A_87 : memref<96xi32, #tpu.memory_space<hbm>>) target(%arg7 : memref<96xi32, #tpu.memory_space<vmem>>) target_semaphore(%run_scoped3A : memref<!tpu.dma_semaphore, #tpu.memory_space<semaphore_mem>>)
      %dma_wait3A_88 = tpu.memref_slice %arg3[%add3A_43] : memref<320000xi32, #tpu.memory_space<hbm>> -> memref<96xi32, #tpu.memory_space<hbm>>
      %dma_wait3A_89 = tpu.memref_slice %arg3[%add3A_43] : memref<320000xi32, #tpu.memory_space<hbm>> -> memref<96xi32, #tpu.memory_space<hbm>>
      tpu.wait_dma2 semaphore(%run_scoped3A : memref<!tpu.dma_semaphore, #tpu.memory_space<semaphore_mem>>) src(%dma_wait3A_89 : memref<96xi32, #tpu.memory_space<hbm>>) dst(%arg7 : memref<96xi32, #tpu.memory_space<vmem>>)
      tpu.yield
    }) : () -> ()
    "tpu.region"() ({
      %run_scoped3A = tpu.sem_alloc : memref<!tpu.dma_semaphore, #tpu.memory_space<semaphore_mem>>
      %dma_start3A_86 = tpu.memref_slice %arg4[%add3A_43] : memref<320000xi32, #tpu.memory_space<hbm>> -> memref<96xi32, #tpu.memory_space<hbm>>
      %dma_start3A_87 = tpu.memref_slice %arg4[%add3A_43] : memref<320000xi32, #tpu.memory_space<hbm>> -> memref<96xi32, #tpu.memory_space<hbm>>
      tpu.enqueue_dma source(%dma_start3A_87 : memref<96xi32, #tpu.memory_space<hbm>>) target(%arg11 : memref<96xi32, #tpu.memory_space<vmem>>) target_semaphore(%run_scoped3A : memref<!tpu.dma_semaphore, #tpu.memory_space<semaphore_mem>>)
      %dma_wait3A_88 = tpu.memref_slice %arg4[%add3A_43] : memref<320000xi32, #tpu.memory_space<hbm>> -> memref<96xi32, #tpu.memory_space<hbm>>
      %dma_wait3A_89 = tpu.memref_slice %arg4[%add3A_43] : memref<320000xi32, #tpu.memory_space<hbm>> -> memref<96xi32, #tpu.memory_space<hbm>>
      tpu.wait_dma2 semaphore(%run_scoped3A : memref<!tpu.dma_semaphore, #tpu.memory_space<semaphore_mem>>) src(%dma_wait3A_89 : memref<96xi32, #tpu.memory_space<hbm>>) dst(%arg11 : memref<96xi32, #tpu.memory_space<vmem>>)
      tpu.yield
    }) : () -> ()
    %dma_start3A_44 = arith.constant 0 : i32
    %dma_start3A_45 = arith.constant 0 : i32
    %dma_start3A_46 = tpu.memref_slice %arg2[%dma_start3A_44, %dma_start3A_45] : memref<10000x128xf32, #tpu.memory_space<hbm>> -> memref<10000x128xf32, #tpu.memory_space<hbm>>
    tpu.enqueue_indirect_dma source(%dma_start3A_46 : memref<10000x128xf32, #tpu.memory_space<hbm>>) target(%arg17 : memref<96x128xf32, #tpu.memory_space<vmem>>) offsets(%arg7 : memref<96xi32, #tpu.memory_space<vmem>>) semaphore(%arg22 : memref<!tpu.dma_semaphore, #tpu.memory_space<semaphore_mem>>)
    %add3A_47 = arith.constant 192 : i32
    %add3A_48 = arith.addi %mul3A_2, %add3A_47 : i32
    "tpu.region"() ({
      %run_scoped3A = tpu.sem_alloc : memref<!tpu.dma_semaphore, #tpu.memory_space<semaphore_mem>>
      %dma_start3A_86 = tpu.memref_slice %arg3[%add3A_48] : memref<320000xi32, #tpu.memory_space<hbm>> -> memref<96xi32, #tpu.memory_space<hbm>>
      %dma_start3A_87 = tpu.memref_slice %arg3[%add3A_48] : memref<320000xi32, #tpu.memory_space<hbm>> -> memref<96xi32, #tpu.memory_space<hbm>>
      tpu.enqueue_dma source(%dma_start3A_87 : memref<96xi32, #tpu.memory_space<hbm>>) target(%arg8 : memref<96xi32, #tpu.memory_space<vmem>>) target_semaphore(%run_scoped3A : memref<!tpu.dma_semaphore, #tpu.memory_space<semaphore_mem>>)
      %dma_wait3A_88 = tpu.memref_slice %arg3[%add3A_48] : memref<320000xi32, #tpu.memory_space<hbm>> -> memref<96xi32, #tpu.memory_space<hbm>>
      %dma_wait3A_89 = tpu.memref_slice %arg3[%add3A_48] : memref<320000xi32, #tpu.memory_space<hbm>> -> memref<96xi32, #tpu.memory_space<hbm>>
      tpu.wait_dma2 semaphore(%run_scoped3A : memref<!tpu.dma_semaphore, #tpu.memory_space<semaphore_mem>>) src(%dma_wait3A_89 : memref<96xi32, #tpu.memory_space<hbm>>) dst(%arg8 : memref<96xi32, #tpu.memory_space<vmem>>)
      tpu.yield
    }) : () -> ()
    "tpu.region"() ({
      %run_scoped3A = tpu.sem_alloc : memref<!tpu.dma_semaphore, #tpu.memory_space<semaphore_mem>>
      %dma_start3A_86 = tpu.memref_slice %arg4[%add3A_48] : memref<320000xi32, #tpu.memory_space<hbm>> -> memref<96xi32, #tpu.memory_space<hbm>>
      %dma_start3A_87 = tpu.memref_slice %arg4[%add3A_48] : memref<320000xi32, #tpu.memory_space<hbm>> -> memref<96xi32, #tpu.memory_space<hbm>>
      tpu.enqueue_dma source(%dma_start3A_87 : memref<96xi32, #tpu.memory_space<hbm>>) target(%arg12 : memref<96xi32, #tpu.memory_space<vmem>>) target_semaphore(%run_scoped3A : memref<!tpu.dma_semaphore, #tpu.memory_space<semaphore_mem>>)
      %dma_wait3A_88 = tpu.memref_slice %arg4[%add3A_48] : memref<320000xi32, #tpu.memory_space<hbm>> -> memref<96xi32, #tpu.memory_space<hbm>>
      %dma_wait3A_89 = tpu.memref_slice %arg4[%add3A_48] : memref<320000xi32, #tpu.memory_space<hbm>> -> memref<96xi32, #tpu.memory_space<hbm>>
      tpu.wait_dma2 semaphore(%run_scoped3A : memref<!tpu.dma_semaphore, #tpu.memory_space<semaphore_mem>>) src(%dma_wait3A_89 : memref<96xi32, #tpu.memory_space<hbm>>) dst(%arg12 : memref<96xi32, #tpu.memory_space<vmem>>)
      tpu.yield
    }) : () -> ()
    %dma_start3A_49 = arith.constant 0 : i32
    %dma_start3A_50 = arith.constant 0 : i32
    %dma_start3A_51 = tpu.memref_slice %arg2[%dma_start3A_49, %dma_start3A_50] : memref<10000x128xf32, #tpu.memory_space<hbm>> -> memref<10000x128xf32, #tpu.memory_space<hbm>>
    tpu.enqueue_indirect_dma source(%dma_start3A_51 : memref<10000x128xf32, #tpu.memory_space<hbm>>) target(%arg18 : memref<96x128xf32, #tpu.memory_space<vmem>>) offsets(%arg8 : memref<96xi32, #tpu.memory_space<vmem>>) semaphore(%arg23 : memref<!tpu.dma_semaphore, #tpu.memory_space<semaphore_mem>>)
    %add3A_52 = arith.constant 288 : i32
    %add3A_53 = arith.addi %mul3A_2, %add3A_52 : i32
    "tpu.region"() ({
      %run_scoped3A = tpu.sem_alloc : memref<!tpu.dma_semaphore, #tpu.memory_space<semaphore_mem>>
      %dma_start3A_86 = tpu.memref_slice %arg3[%add3A_53] : memref<320000xi32, #tpu.memory_space<hbm>> -> memref<96xi32, #tpu.memory_space<hbm>>
      %dma_start3A_87 = tpu.memref_slice %arg3[%add3A_53] : memref<320000xi32, #tpu.memory_space<hbm>> -> memref<96xi32, #tpu.memory_space<hbm>>
      tpu.enqueue_dma source(%dma_start3A_87 : memref<96xi32, #tpu.memory_space<hbm>>) target(%arg9 : memref<96xi32, #tpu.memory_space<vmem>>) target_semaphore(%run_scoped3A : memref<!tpu.dma_semaphore, #tpu.memory_space<semaphore_mem>>)
      %dma_wait3A_88 = tpu.memref_slice %arg3[%add3A_53] : memref<320000xi32, #tpu.memory_space<hbm>> -> memref<96xi32, #tpu.memory_space<hbm>>
      %dma_wait3A_89 = tpu.memref_slice %arg3[%add3A_53] : memref<320000xi32, #tpu.memory_space<hbm>> -> memref<96xi32, #tpu.memory_space<hbm>>
      tpu.wait_dma2 semaphore(%run_scoped3A : memref<!tpu.dma_semaphore, #tpu.memory_space<semaphore_mem>>) src(%dma_wait3A_89 : memref<96xi32, #tpu.memory_space<hbm>>) dst(%arg9 : memref<96xi32, #tpu.memory_space<vmem>>)
      tpu.yield
    }) : () -> ()
    "tpu.region"() ({
      %run_scoped3A = tpu.sem_alloc : memref<!tpu.dma_semaphore, #tpu.memory_space<semaphore_mem>>
      %dma_start3A_86 = tpu.memref_slice %arg4[%add3A_53] : memref<320000xi32, #tpu.memory_space<hbm>> -> memref<96xi32, #tpu.memory_space<hbm>>
      %dma_start3A_87 = tpu.memref_slice %arg4[%add3A_53] : memref<320000xi32, #tpu.memory_space<hbm>> -> memref<96xi32, #tpu.memory_space<hbm>>
      tpu.enqueue_dma source(%dma_start3A_87 : memref<96xi32, #tpu.memory_space<hbm>>) target(%arg13 : memref<96xi32, #tpu.memory_space<vmem>>) target_semaphore(%run_scoped3A : memref<!tpu.dma_semaphore, #tpu.memory_space<semaphore_mem>>)
      %dma_wait3A_88 = tpu.memref_slice %arg4[%add3A_53] : memref<320000xi32, #tpu.memory_space<hbm>> -> memref<96xi32, #tpu.memory_space<hbm>>
      %dma_wait3A_89 = tpu.memref_slice %arg4[%add3A_53] : memref<320000xi32, #tpu.memory_space<hbm>> -> memref<96xi32, #tpu.memory_space<hbm>>
      tpu.wait_dma2 semaphore(%run_scoped3A : memref<!tpu.dma_semaphore, #tpu.memory_space<semaphore_mem>>) src(%dma_wait3A_89 : memref<96xi32, #tpu.memory_space<hbm>>) dst(%arg13 : memref<96xi32, #tpu.memory_space<vmem>>)
      tpu.yield
    }) : () -> ()
    %dma_start3A_54 = arith.constant 0 : i32
    %dma_start3A_55 = arith.constant 0 : i32
    %dma_start3A_56 = tpu.memref_slice %arg2[%dma_start3A_54, %dma_start3A_55] : memref<10000x128xf32, #tpu.memory_space<hbm>> -> memref<10000x128xf32, #tpu.memory_space<hbm>>
    tpu.enqueue_indirect_dma source(%dma_start3A_56 : memref<10000x128xf32, #tpu.memory_space<hbm>>) target(%arg19 : memref<96x128xf32, #tpu.memory_space<vmem>>) offsets(%arg9 : memref<96xi32, #tpu.memory_space<vmem>>) semaphore(%arg24 : memref<!tpu.dma_semaphore, #tpu.memory_space<semaphore_mem>>)
    %scan3A_57 = arith.constant 0 : i32
    %scan3A_58 = arith.constant 0 : i32
    %scan3A_59 = arith.constant 26 : i32
    %scan3A_60 = arith.addi %scan3A_58, %scan3A_59 : i32
    %scan3A_61 = arith.constant 1 : i32
    scf.for %scan3A_86 = %scan3A_58 to %scan3A_60 step %scan3A_61  : i32 {
      %dma_wait3A_87 = arith.constant 0 : i32
      %dma_wait3A_88 = arith.constant 0 : i32
      %dma_wait3A_89 = tpu.memref_slice %arg2[%dma_wait3A_87, %dma_wait3A_88] : memref<10000x128xf32, #tpu.memory_space<hbm>> -> memref<10000x128xf32, #tpu.memory_space<hbm>>
      tpu.wait_indirect_dma semaphore(%arg21 : memref<!tpu.dma_semaphore, #tpu.memory_space<semaphore_mem>>) src(%dma_wait3A_89 : memref<10000x128xf32, #tpu.memory_space<hbm>>) dst(%arg16 : memref<96x128xf32, #tpu.memory_space<vmem>>)
      %dma_start3A_90 = arith.constant 0 : i32
      %dma_start3A_91 = arith.constant 0 : i32
      %dma_start3A_92 = tpu.memref_slice %arg20[%dma_start3A_90, %dma_start3A_91] : memref<10000x128xf32, #tpu.memory_space<vmem_shared>> -> memref<10000x128xf32, #tpu.memory_space<vmem_shared>>
      tpu.enqueue_indirect_dma source(%arg16 : memref<96x128xf32, #tpu.memory_space<vmem>>) target(%dma_start3A_92 : memref<10000x128xf32, #tpu.memory_space<vmem_shared>>) offsets(%arg10 : memref<96xi32, #tpu.memory_space<vmem>>) semaphore(%arg25 : memref<!tpu.dma_semaphore, #tpu.memory_space<semaphore_mem>>) {add = true}
      %dma_wait3A_93 = arith.constant 0 : i32
      %dma_wait3A_94 = arith.constant 0 : i32
      %dma_wait3A_95 = tpu.memref_slice %arg2[%dma_wait3A_93, %dma_wait3A_94] : memref<10000x128xf32, #tpu.memory_space<hbm>> -> memref<10000x128xf32, #tpu.memory_space<hbm>>
      tpu.wait_indirect_dma semaphore(%arg22 : memref<!tpu.dma_semaphore, #tpu.memory_space<semaphore_mem>>) src(%dma_wait3A_95 : memref<10000x128xf32, #tpu.memory_space<hbm>>) dst(%arg17 : memref<96x128xf32, #tpu.memory_space<vmem>>)
      %dma_start3A_96 = arith.constant 0 : i32
      %dma_start3A_97 = arith.constant 0 : i32
      %dma_start3A_98 = tpu.memref_slice %arg20[%dma_start3A_96, %dma_start3A_97] : memref<10000x128xf32, #tpu.memory_space<vmem_shared>> -> memref<10000x128xf32, #tpu.memory_space<vmem_shared>>
      tpu.enqueue_indirect_dma source(%arg17 : memref<96x128xf32, #tpu.memory_space<vmem>>) target(%dma_start3A_98 : memref<10000x128xf32, #tpu.memory_space<vmem_shared>>) offsets(%arg11 : memref<96xi32, #tpu.memory_space<vmem>>) semaphore(%arg26 : memref<!tpu.dma_semaphore, #tpu.memory_space<semaphore_mem>>) {add = true}
      %dma_wait3A_99 = arith.constant 0 : i32
      %dma_wait3A_100 = arith.constant 0 : i32
      %dma_wait3A_101 = tpu.memref_slice %arg2[%dma_wait3A_99, %dma_wait3A_100] : memref<10000x128xf32, #tpu.memory_space<hbm>> -> memref<10000x128xf32, #tpu.memory_space<hbm>>
      tpu.wait_indirect_dma semaphore(%arg23 : memref<!tpu.dma_semaphore, #tpu.memory_space<semaphore_mem>>) src(%dma_wait3A_101 : memref<10000x128xf32, #tpu.memory_space<hbm>>) dst(%arg18 : memref<96x128xf32, #tpu.memory_space<vmem>>)
      %dma_start3A_102 = arith.constant 0 : i32
      %dma_start3A_103 = arith.constant 0 : i32
      %dma_start3A_104 = tpu.memref_slice %arg20[%dma_start3A_102, %dma_start3A_103] : memref<10000x128xf32, #tpu.memory_space<vmem_shared>> -> memref<10000x128xf32, #tpu.memory_space<vmem_shared>>
      tpu.enqueue_indirect_dma source(%arg18 : memref<96x128xf32, #tpu.memory_space<vmem>>) target(%dma_start3A_104 : memref<10000x128xf32, #tpu.memory_space<vmem_shared>>) offsets(%arg12 : memref<96xi32, #tpu.memory_space<vmem>>) semaphore(%arg27 : memref<!tpu.dma_semaphore, #tpu.memory_space<semaphore_mem>>) {add = true}
      %dma_wait3A_105 = arith.constant 0 : i32
      %dma_wait3A_106 = arith.constant 0 : i32
      %dma_wait3A_107 = tpu.memref_slice %arg2[%dma_wait3A_105, %dma_wait3A_106] : memref<10000x128xf32, #tpu.memory_space<hbm>> -> memref<10000x128xf32, #tpu.memory_space<hbm>>
      tpu.wait_indirect_dma semaphore(%arg24 : memref<!tpu.dma_semaphore, #tpu.memory_space<semaphore_mem>>) src(%dma_wait3A_107 : memref<10000x128xf32, #tpu.memory_space<hbm>>) dst(%arg19 : memref<96x128xf32, #tpu.memory_space<vmem>>)
      %dma_start3A_108 = arith.constant 0 : i32
      %dma_start3A_109 = arith.constant 0 : i32
      %dma_start3A_110 = tpu.memref_slice %arg20[%dma_start3A_108, %dma_start3A_109] : memref<10000x128xf32, #tpu.memory_space<vmem_shared>> -> memref<10000x128xf32, #tpu.memory_space<vmem_shared>>
      tpu.enqueue_indirect_dma source(%arg19 : memref<96x128xf32, #tpu.memory_space<vmem>>) target(%dma_start3A_110 : memref<10000x128xf32, #tpu.memory_space<vmem_shared>>) offsets(%arg13 : memref<96xi32, #tpu.memory_space<vmem>>) semaphore(%arg28 : memref<!tpu.dma_semaphore, #tpu.memory_space<semaphore_mem>>) {add = true}
      %dma_wait3A_111 = arith.constant 0 : i32
      %dma_wait3A_112 = arith.constant 0 : i32
      %dma_wait3A_113 = tpu.memref_slice %arg20[%dma_wait3A_111, %dma_wait3A_112] : memref<10000x128xf32, #tpu.memory_space<vmem_shared>> -> memref<10000x128xf32, #tpu.memory_space<vmem_shared>>
      tpu.wait_indirect_dma semaphore(%arg25 : memref<!tpu.dma_semaphore, #tpu.memory_space<semaphore_mem>>) src(%arg16 : memref<96x128xf32, #tpu.memory_space<vmem>>) dst(%dma_wait3A_113 : memref<10000x128xf32, #tpu.memory_space<vmem_shared>>)
      %lt3A_114 = arith.constant 25 : i32
      %lt3A_115 = arith.cmpi slt, %scan3A_86, %lt3A_114 : i32
      %convert_element_type3A_116 = arith.extui %lt3A_115 : i1 to i32
      %cond3A_117 = arith.constant 0 : i32
      %cond3A_118 = arith.cmpi ne, %convert_element_type3A_116, %cond3A_117 : i32
      scf.if %cond3A_118 {
        %add3A_143 = arith.constant 1 : i32
        %add3A_144 = arith.addi %scan3A_86, %add3A_143 : i32
        %mul3A_145 = arith.constant 4 : i32
        %mul3A_146 = arith.muli %add3A_144, %mul3A_145 : i32
        %add3A_147 = arith.constant 0 : i32
        %add3A_148 = arith.addi %mul3A_146, %add3A_147 : i32
        %mul3A_149 = arith.constant 96 : i32
        %mul3A_150 = arith.muli %add3A_148, %mul3A_149 : i32
        %add3A_151 = arith.addi %mul3A_2, %mul3A_150 : i32
        "tpu.region"() ({
          %run_scoped3A = tpu.sem_alloc : memref<!tpu.dma_semaphore, #tpu.memory_space<semaphore_mem>>
          %dma_start3A_155 = tpu.memref_slice %arg3[%add3A_151] : memref<320000xi32, #tpu.memory_space<hbm>> -> memref<96xi32, #tpu.memory_space<hbm>>
          %dma_start3A_156 = tpu.memref_slice %arg3[%add3A_151] : memref<320000xi32, #tpu.memory_space<hbm>> -> memref<96xi32, #tpu.memory_space<hbm>>
          tpu.enqueue_dma source(%dma_start3A_156 : memref<96xi32, #tpu.memory_space<hbm>>) target(%arg6 : memref<96xi32, #tpu.memory_space<vmem>>) target_semaphore(%run_scoped3A : memref<!tpu.dma_semaphore, #tpu.memory_space<semaphore_mem>>)
          %dma_wait3A_157 = tpu.memref_slice %arg3[%add3A_151] : memref<320000xi32, #tpu.memory_space<hbm>> -> memref<96xi32, #tpu.memory_space<hbm>>
          %dma_wait3A_158 = tpu.memref_slice %arg3[%add3A_151] : memref<320000xi32, #tpu.memory_space<hbm>> -> memref<96xi32, #tpu.memory_space<hbm>>
          tpu.wait_dma2 semaphore(%run_scoped3A : memref<!tpu.dma_semaphore, #tpu.memory_space<semaphore_mem>>) src(%dma_wait3A_158 : memref<96xi32, #tpu.memory_space<hbm>>) dst(%arg6 : memref<96xi32, #tpu.memory_space<vmem>>)
          tpu.yield
        }) : () -> ()
        "tpu.region"() ({
          %run_scoped3A = tpu.sem_alloc : memref<!tpu.dma_semaphore, #tpu.memory_space<semaphore_mem>>
          %dma_start3A_155 = tpu.memref_slice %arg4[%add3A_151] : memref<320000xi32, #tpu.memory_space<hbm>> -> memref<96xi32, #tpu.memory_space<hbm>>
          %dma_start3A_156 = tpu.memref_slice %arg4[%add3A_151] : memref<320000xi32, #tpu.memory_space<hbm>> -> memref<96xi32, #tpu.memory_space<hbm>>
          tpu.enqueue_dma source(%dma_start3A_156 : memref<96xi32, #tpu.memory_space<hbm>>) target(%arg10 : memref<96xi32, #tpu.memory_space<vmem>>) target_semaphore(%run_scoped3A : memref<!tpu.dma_semaphore, #tpu.memory_space<semaphore_mem>>)
          %dma_wait3A_157 = tpu.memref_slice %arg4[%add3A_151] : memref<320000xi32, #tpu.memory_space<hbm>> -> memref<96xi32, #tpu.memory_space<hbm>>
          %dma_wait3A_158 = tpu.memref_slice %arg4[%add3A_151] : memref<320000xi32, #tpu.memory_space<hbm>> -> memref<96xi32, #tpu.memory_space<hbm>>
          tpu.wait_dma2 semaphore(%run_scoped3A : memref<!tpu.dma_semaphore, #tpu.memory_space<semaphore_mem>>) src(%dma_wait3A_158 : memref<96xi32, #tpu.memory_space<hbm>>) dst(%arg10 : memref<96xi32, #tpu.memory_space<vmem>>)
          tpu.yield
        }) : () -> ()
        %dma_start3A_152 = arith.constant 0 : i32
        %dma_start3A_153 = arith.constant 0 : i32
        %dma_start3A_154 = tpu.memref_slice %arg2[%dma_start3A_152, %dma_start3A_153] : memref<10000x128xf32, #tpu.memory_space<hbm>> -> memref<10000x128xf32, #tpu.memory_space<hbm>>
        tpu.enqueue_indirect_dma source(%dma_start3A_154 : memref<10000x128xf32, #tpu.memory_space<hbm>>) target(%arg16 : memref<96x128xf32, #tpu.memory_space<vmem>>) offsets(%arg6 : memref<96xi32, #tpu.memory_space<vmem>>) semaphore(%arg21 : memref<!tpu.dma_semaphore, #tpu.memory_space<semaphore_mem>>)
      } else {
      }
      %dma_wait3A_119 = arith.constant 0 : i32
      %dma_wait3A_120 = arith.constant 0 : i32
      %dma_wait3A_121 = tpu.memref_slice %arg20[%dma_wait3A_119, %dma_wait3A_120] : memref<10000x128xf32, #tpu.memory_space<vmem_shared>> -> memref<10000x128xf32, #tpu.memory_space<vmem_shared>>
      tpu.wait_indirect_dma semaphore(%arg26 : memref<!tpu.dma_semaphore, #tpu.memory_space<semaphore_mem>>) src(%arg17 : memref<96x128xf32, #tpu.memory_space<vmem>>) dst(%dma_wait3A_121 : memref<10000x128xf32, #tpu.memory_space<vmem_shared>>)
      %lt3A_122 = arith.constant 25 : i32
      %lt3A_123 = arith.cmpi slt, %scan3A_86, %lt3A_122 : i32
      %convert_element_type3A_124 = arith.extui %lt3A_123 : i1 to i32
      %cond3A_125 = arith.constant 0 : i32
      %cond3A_126 = arith.cmpi ne, %convert_element_type3A_124, %cond3A_125 : i32
      scf.if %cond3A_126 {
        %add3A_143 = arith.constant 1 : i32
        %add3A_144 = arith.addi %scan3A_86, %add3A_143 : i32
        %mul3A_145 = arith.constant 4 : i32
        %mul3A_146 = arith.muli %add3A_144, %mul3A_145 : i32
        %add3A_147 = arith.constant 1 : i32
        %add3A_148 = arith.addi %mul3A_146, %add3A_147 : i32
        %mul3A_149 = arith.constant 96 : i32
        %mul3A_150 = arith.muli %add3A_148, %mul3A_149 : i32
        %add3A_151 = arith.addi %mul3A_2, %mul3A_150 : i32
        "tpu.region"() ({
          %run_scoped3A = tpu.sem_alloc : memref<!tpu.dma_semaphore, #tpu.memory_space<semaphore_mem>>
          %dma_start3A_155 = tpu.memref_slice %arg3[%add3A_151] : memref<320000xi32, #tpu.memory_space<hbm>> -> memref<96xi32, #tpu.memory_space<hbm>>
          %dma_start3A_156 = tpu.memref_slice %arg3[%add3A_151] : memref<320000xi32, #tpu.memory_space<hbm>> -> memref<96xi32, #tpu.memory_space<hbm>>
          tpu.enqueue_dma source(%dma_start3A_156 : memref<96xi32, #tpu.memory_space<hbm>>) target(%arg7 : memref<96xi32, #tpu.memory_space<vmem>>) target_semaphore(%run_scoped3A : memref<!tpu.dma_semaphore, #tpu.memory_space<semaphore_mem>>)
          %dma_wait3A_157 = tpu.memref_slice %arg3[%add3A_151] : memref<320000xi32, #tpu.memory_space<hbm>> -> memref<96xi32, #tpu.memory_space<hbm>>
          %dma_wait3A_158 = tpu.memref_slice %arg3[%add3A_151] : memref<320000xi32, #tpu.memory_space<hbm>> -> memref<96xi32, #tpu.memory_space<hbm>>
          tpu.wait_dma2 semaphore(%run_scoped3A : memref<!tpu.dma_semaphore, #tpu.memory_space<semaphore_mem>>) src(%dma_wait3A_158 : memref<96xi32, #tpu.memory_space<hbm>>) dst(%arg7 : memref<96xi32, #tpu.memory_space<vmem>>)
          tpu.yield
        }) : () -> ()
        "tpu.region"() ({
          %run_scoped3A = tpu.sem_alloc : memref<!tpu.dma_semaphore, #tpu.memory_space<semaphore_mem>>
          %dma_start3A_155 = tpu.memref_slice %arg4[%add3A_151] : memref<320000xi32, #tpu.memory_space<hbm>> -> memref<96xi32, #tpu.memory_space<hbm>>
          %dma_start3A_156 = tpu.memref_slice %arg4[%add3A_151] : memref<320000xi32, #tpu.memory_space<hbm>> -> memref<96xi32, #tpu.memory_space<hbm>>
          tpu.enqueue_dma source(%dma_start3A_156 : memref<96xi32, #tpu.memory_space<hbm>>) target(%arg11 : memref<96xi32, #tpu.memory_space<vmem>>) target_semaphore(%run_scoped3A : memref<!tpu.dma_semaphore, #tpu.memory_space<semaphore_mem>>)
          %dma_wait3A_157 = tpu.memref_slice %arg4[%add3A_151] : memref<320000xi32, #tpu.memory_space<hbm>> -> memref<96xi32, #tpu.memory_space<hbm>>
          %dma_wait3A_158 = tpu.memref_slice %arg4[%add3A_151] : memref<320000xi32, #tpu.memory_space<hbm>> -> memref<96xi32, #tpu.memory_space<hbm>>
          tpu.wait_dma2 semaphore(%run_scoped3A : memref<!tpu.dma_semaphore, #tpu.memory_space<semaphore_mem>>) src(%dma_wait3A_158 : memref<96xi32, #tpu.memory_space<hbm>>) dst(%arg11 : memref<96xi32, #tpu.memory_space<vmem>>)
          tpu.yield
        }) : () -> ()
        %dma_start3A_152 = arith.constant 0 : i32
        %dma_start3A_153 = arith.constant 0 : i32
        %dma_start3A_154 = tpu.memref_slice %arg2[%dma_start3A_152, %dma_start3A_153] : memref<10000x128xf32, #tpu.memory_space<hbm>> -> memref<10000x128xf32, #tpu.memory_space<hbm>>
        tpu.enqueue_indirect_dma source(%dma_start3A_154 : memref<10000x128xf32, #tpu.memory_space<hbm>>) target(%arg17 : memref<96x128xf32, #tpu.memory_space<vmem>>) offsets(%arg7 : memref<96xi32, #tpu.memory_space<vmem>>) semaphore(%arg22 : memref<!tpu.dma_semaphore, #tpu.memory_space<semaphore_mem>>)
      } else {
      }
      %dma_wait3A_127 = arith.constant 0 : i32
      %dma_wait3A_128 = arith.constant 0 : i32
      %dma_wait3A_129 = tpu.memref_slice %arg20[%dma_wait3A_127, %dma_wait3A_128] : memref<10000x128xf32, #tpu.memory_space<vmem_shared>> -> memref<10000x128xf32, #tpu.memory_space<vmem_shared>>
      tpu.wait_indirect_dma semaphore(%arg27 : memref<!tpu.dma_semaphore, #tpu.memory_space<semaphore_mem>>) src(%arg18 : memref<96x128xf32, #tpu.memory_space<vmem>>) dst(%dma_wait3A_129 : memref<10000x128xf32, #tpu.memory_space<vmem_shared>>)
      %lt3A_130 = arith.constant 25 : i32
      %lt3A_131 = arith.cmpi slt, %scan3A_86, %lt3A_130 : i32
      %convert_element_type3A_132 = arith.extui %lt3A_131 : i1 to i32
      %cond3A_133 = arith.constant 0 : i32
      %cond3A_134 = arith.cmpi ne, %convert_element_type3A_132, %cond3A_133 : i32
      scf.if %cond3A_134 {
        %add3A_143 = arith.constant 1 : i32
        %add3A_144 = arith.addi %scan3A_86, %add3A_143 : i32
        %mul3A_145 = arith.constant 4 : i32
        %mul3A_146 = arith.muli %add3A_144, %mul3A_145 : i32
        %add3A_147 = arith.constant 2 : i32
        %add3A_148 = arith.addi %mul3A_146, %add3A_147 : i32
        %mul3A_149 = arith.constant 96 : i32
        %mul3A_150 = arith.muli %add3A_148, %mul3A_149 : i32
        %add3A_151 = arith.addi %mul3A_2, %mul3A_150 : i32
        "tpu.region"() ({
          %run_scoped3A = tpu.sem_alloc : memref<!tpu.dma_semaphore, #tpu.memory_space<semaphore_mem>>
          %dma_start3A_155 = tpu.memref_slice %arg3[%add3A_151] : memref<320000xi32, #tpu.memory_space<hbm>> -> memref<96xi32, #tpu.memory_space<hbm>>
          %dma_start3A_156 = tpu.memref_slice %arg3[%add3A_151] : memref<320000xi32, #tpu.memory_space<hbm>> -> memref<96xi32, #tpu.memory_space<hbm>>
          tpu.enqueue_dma source(%dma_start3A_156 : memref<96xi32, #tpu.memory_space<hbm>>) target(%arg8 : memref<96xi32, #tpu.memory_space<vmem>>) target_semaphore(%run_scoped3A : memref<!tpu.dma_semaphore, #tpu.memory_space<semaphore_mem>>)
          %dma_wait3A_157 = tpu.memref_slice %arg3[%add3A_151] : memref<320000xi32, #tpu.memory_space<hbm>> -> memref<96xi32, #tpu.memory_space<hbm>>
          %dma_wait3A_158 = tpu.memref_slice %arg3[%add3A_151] : memref<320000xi32, #tpu.memory_space<hbm>> -> memref<96xi32, #tpu.memory_space<hbm>>
          tpu.wait_dma2 semaphore(%run_scoped3A : memref<!tpu.dma_semaphore, #tpu.memory_space<semaphore_mem>>) src(%dma_wait3A_158 : memref<96xi32, #tpu.memory_space<hbm>>) dst(%arg8 : memref<96xi32, #tpu.memory_space<vmem>>)
          tpu.yield
        }) : () -> ()
        "tpu.region"() ({
          %run_scoped3A = tpu.sem_alloc : memref<!tpu.dma_semaphore, #tpu.memory_space<semaphore_mem>>
          %dma_start3A_155 = tpu.memref_slice %arg4[%add3A_151] : memref<320000xi32, #tpu.memory_space<hbm>> -> memref<96xi32, #tpu.memory_space<hbm>>
          %dma_start3A_156 = tpu.memref_slice %arg4[%add3A_151] : memref<320000xi32, #tpu.memory_space<hbm>> -> memref<96xi32, #tpu.memory_space<hbm>>
          tpu.enqueue_dma source(%dma_start3A_156 : memref<96xi32, #tpu.memory_space<hbm>>) target(%arg12 : memref<96xi32, #tpu.memory_space<vmem>>) target_semaphore(%run_scoped3A : memref<!tpu.dma_semaphore, #tpu.memory_space<semaphore_mem>>)
          %dma_wait3A_157 = tpu.memref_slice %arg4[%add3A_151] : memref<320000xi32, #tpu.memory_space<hbm>> -> memref<96xi32, #tpu.memory_space<hbm>>
          %dma_wait3A_158 = tpu.memref_slice %arg4[%add3A_151] : memref<320000xi32, #tpu.memory_space<hbm>> -> memref<96xi32, #tpu.memory_space<hbm>>
          tpu.wait_dma2 semaphore(%run_scoped3A : memref<!tpu.dma_semaphore, #tpu.memory_space<semaphore_mem>>) src(%dma_wait3A_158 : memref<96xi32, #tpu.memory_space<hbm>>) dst(%arg12 : memref<96xi32, #tpu.memory_space<vmem>>)
          tpu.yield
        }) : () -> ()
        %dma_start3A_152 = arith.constant 0 : i32
        %dma_start3A_153 = arith.constant 0 : i32
        %dma_start3A_154 = tpu.memref_slice %arg2[%dma_start3A_152, %dma_start3A_153] : memref<10000x128xf32, #tpu.memory_space<hbm>> -> memref<10000x128xf32, #tpu.memory_space<hbm>>
        tpu.enqueue_indirect_dma source(%dma_start3A_154 : memref<10000x128xf32, #tpu.memory_space<hbm>>) target(%arg18 : memref<96x128xf32, #tpu.memory_space<vmem>>) offsets(%arg8 : memref<96xi32, #tpu.memory_space<vmem>>) semaphore(%arg23 : memref<!tpu.dma_semaphore, #tpu.memory_space<semaphore_mem>>)
      } else {
      }
      %dma_wait3A_135 = arith.constant 0 : i32
      %dma_wait3A_136 = arith.constant 0 : i32
      %dma_wait3A_137 = tpu.memref_slice %arg20[%dma_wait3A_135, %dma_wait3A_136] : memref<10000x128xf32, #tpu.memory_space<vmem_shared>> -> memref<10000x128xf32, #tpu.memory_space<vmem_shared>>
      tpu.wait_indirect_dma semaphore(%arg28 : memref<!tpu.dma_semaphore, #tpu.memory_space<semaphore_mem>>) src(%arg19 : memref<96x128xf32, #tpu.memory_space<vmem>>) dst(%dma_wait3A_137 : memref<10000x128xf32, #tpu.memory_space<vmem_shared>>)
      %lt3A_138 = arith.constant 25 : i32
      %lt3A_139 = arith.cmpi slt, %scan3A_86, %lt3A_138 : i32
      %convert_element_type3A_140 = arith.extui %lt3A_139 : i1 to i32
      %cond3A_141 = arith.constant 0 : i32
      %cond3A_142 = arith.cmpi ne, %convert_element_type3A_140, %cond3A_141 : i32
      scf.if %cond3A_142 {
        %add3A_143 = arith.constant 1 : i32
        %add3A_144 = arith.addi %scan3A_86, %add3A_143 : i32
        %mul3A_145 = arith.constant 4 : i32
        %mul3A_146 = arith.muli %add3A_144, %mul3A_145 : i32
        %add3A_147 = arith.constant 3 : i32
        %add3A_148 = arith.addi %mul3A_146, %add3A_147 : i32
        %mul3A_149 = arith.constant 96 : i32
        %mul3A_150 = arith.muli %add3A_148, %mul3A_149 : i32
        %add3A_151 = arith.addi %mul3A_2, %mul3A_150 : i32
        "tpu.region"() ({
          %run_scoped3A = tpu.sem_alloc : memref<!tpu.dma_semaphore, #tpu.memory_space<semaphore_mem>>
          %dma_start3A_155 = tpu.memref_slice %arg3[%add3A_151] : memref<320000xi32, #tpu.memory_space<hbm>> -> memref<96xi32, #tpu.memory_space<hbm>>
          %dma_start3A_156 = tpu.memref_slice %arg3[%add3A_151] : memref<320000xi32, #tpu.memory_space<hbm>> -> memref<96xi32, #tpu.memory_space<hbm>>
          tpu.enqueue_dma source(%dma_start3A_156 : memref<96xi32, #tpu.memory_space<hbm>>) target(%arg9 : memref<96xi32, #tpu.memory_space<vmem>>) target_semaphore(%run_scoped3A : memref<!tpu.dma_semaphore, #tpu.memory_space<semaphore_mem>>)
          %dma_wait3A_157 = tpu.memref_slice %arg3[%add3A_151] : memref<320000xi32, #tpu.memory_space<hbm>> -> memref<96xi32, #tpu.memory_space<hbm>>
          %dma_wait3A_158 = tpu.memref_slice %arg3[%add3A_151] : memref<320000xi32, #tpu.memory_space<hbm>> -> memref<96xi32, #tpu.memory_space<hbm>>
          tpu.wait_dma2 semaphore(%run_scoped3A : memref<!tpu.dma_semaphore, #tpu.memory_space<semaphore_mem>>) src(%dma_wait3A_158 : memref<96xi32, #tpu.memory_space<hbm>>) dst(%arg9 : memref<96xi32, #tpu.memory_space<vmem>>)
          tpu.yield
        }) : () -> ()
        "tpu.region"() ({
          %run_scoped3A = tpu.sem_alloc : memref<!tpu.dma_semaphore, #tpu.memory_space<semaphore_mem>>
          %dma_start3A_155 = tpu.memref_slice %arg4[%add3A_151] : memref<320000xi32, #tpu.memory_space<hbm>> -> memref<96xi32, #tpu.memory_space<hbm>>
          %dma_start3A_156 = tpu.memref_slice %arg4[%add3A_151] : memref<320000xi32, #tpu.memory_space<hbm>> -> memref<96xi32, #tpu.memory_space<hbm>>
          tpu.enqueue_dma source(%dma_start3A_156 : memref<96xi32, #tpu.memory_space<hbm>>) target(%arg13 : memref<96xi32, #tpu.memory_space<vmem>>) target_semaphore(%run_scoped3A : memref<!tpu.dma_semaphore, #tpu.memory_space<semaphore_mem>>)
          %dma_wait3A_157 = tpu.memref_slice %arg4[%add3A_151] : memref<320000xi32, #tpu.memory_space<hbm>> -> memref<96xi32, #tpu.memory_space<hbm>>
          %dma_wait3A_158 = tpu.memref_slice %arg4[%add3A_151] : memref<320000xi32, #tpu.memory_space<hbm>> -> memref<96xi32, #tpu.memory_space<hbm>>
          tpu.wait_dma2 semaphore(%run_scoped3A : memref<!tpu.dma_semaphore, #tpu.memory_space<semaphore_mem>>) src(%dma_wait3A_158 : memref<96xi32, #tpu.memory_space<hbm>>) dst(%arg13 : memref<96xi32, #tpu.memory_space<vmem>>)
          tpu.yield
        }) : () -> ()
        %dma_start3A_152 = arith.constant 0 : i32
        %dma_start3A_153 = arith.constant 0 : i32
        %dma_start3A_154 = tpu.memref_slice %arg2[%dma_start3A_152, %dma_start3A_153] : memref<10000x128xf32, #tpu.memory_space<hbm>> -> memref<10000x128xf32, #tpu.memory_space<hbm>>
        tpu.enqueue_indirect_dma source(%dma_start3A_154 : memref<10000x128xf32, #tpu.memory_space<hbm>>) target(%arg19 : memref<96x128xf32, #tpu.memory_space<vmem>>) offsets(%arg9 : memref<96xi32, #tpu.memory_space<vmem>>) semaphore(%arg24 : memref<!tpu.dma_semaphore, #tpu.memory_space<semaphore_mem>>)
      } else {
      }
    }
    %scan3A_62 = arith.constant 26 : i32
    %add3A_63 = arith.constant 9984 : i32
    %add3A_64 = arith.addi %mul3A_2, %add3A_63 : i32
    "tpu.region"() ({
      %run_scoped3A = tpu.sem_alloc : memref<!tpu.dma_semaphore, #tpu.memory_space<semaphore_mem>>
      %dma_start3A_86 = tpu.memref_slice %arg3[%add3A_64] : memref<320000xi32, #tpu.memory_space<hbm>> -> memref<16xi32, #tpu.memory_space<hbm>>
      %dma_start3A_87 = tpu.memref_slice %arg3[%add3A_64] : memref<320000xi32, #tpu.memory_space<hbm>> -> memref<16xi32, #tpu.memory_space<hbm>>
      tpu.enqueue_dma source(%dma_start3A_87 : memref<16xi32, #tpu.memory_space<hbm>>) target(%arg14 : memref<16xi32, #tpu.memory_space<vmem>>) target_semaphore(%run_scoped3A : memref<!tpu.dma_semaphore, #tpu.memory_space<semaphore_mem>>)
      %dma_wait3A_88 = tpu.memref_slice %arg3[%add3A_64] : memref<320000xi32, #tpu.memory_space<hbm>> -> memref<16xi32, #tpu.memory_space<hbm>>
      %dma_wait3A_89 = tpu.memref_slice %arg3[%add3A_64] : memref<320000xi32, #tpu.memory_space<hbm>> -> memref<16xi32, #tpu.memory_space<hbm>>
      tpu.wait_dma2 semaphore(%run_scoped3A : memref<!tpu.dma_semaphore, #tpu.memory_space<semaphore_mem>>) src(%dma_wait3A_89 : memref<16xi32, #tpu.memory_space<hbm>>) dst(%arg14 : memref<16xi32, #tpu.memory_space<vmem>>)
      tpu.yield
    }) : () -> ()
    "tpu.region"() ({
      %run_scoped3A = tpu.sem_alloc : memref<!tpu.dma_semaphore, #tpu.memory_space<semaphore_mem>>
      %dma_start3A_86 = tpu.memref_slice %arg4[%add3A_64] : memref<320000xi32, #tpu.memory_space<hbm>> -> memref<16xi32, #tpu.memory_space<hbm>>
      %dma_start3A_87 = tpu.memref_slice %arg4[%add3A_64] : memref<320000xi32, #tpu.memory_space<hbm>> -> memref<16xi32, #tpu.memory_space<hbm>>
      tpu.enqueue_dma source(%dma_start3A_87 : memref<16xi32, #tpu.memory_space<hbm>>) target(%arg15 : memref<16xi32, #tpu.memory_space<vmem>>) target_semaphore(%run_scoped3A : memref<!tpu.dma_semaphore, #tpu.memory_space<semaphore_mem>>)
      %dma_wait3A_88 = tpu.memref_slice %arg4[%add3A_64] : memref<320000xi32, #tpu.memory_space<hbm>> -> memref<16xi32, #tpu.memory_space<hbm>>
      %dma_wait3A_89 = tpu.memref_slice %arg4[%add3A_64] : memref<320000xi32, #tpu.memory_space<hbm>> -> memref<16xi32, #tpu.memory_space<hbm>>
      tpu.wait_dma2 semaphore(%run_scoped3A : memref<!tpu.dma_semaphore, #tpu.memory_space<semaphore_mem>>) src(%dma_wait3A_89 : memref<16xi32, #tpu.memory_space<hbm>>) dst(%arg15 : memref<16xi32, #tpu.memory_space<vmem>>)
      tpu.yield
    }) : () -> ()
    %dma_start3A_65 = arith.constant 0 : i32
    %dma_start3A_66 = arith.constant 0 : i32
    %dma_start3A_67 = tpu.memref_slice %arg16[%dma_start3A_65, %dma_start3A_66] : memref<96x128xf32, #tpu.memory_space<vmem>> -> memref<16x128xf32, #tpu.memory_space<vmem>>
    %dma_start3A_68 = arith.constant 0 : i32
    %dma_start3A_69 = arith.constant 0 : i32
    %dma_start3A_70 = tpu.memref_slice %arg2[%dma_start3A_68, %dma_start3A_69] : memref<10000x128xf32, #tpu.memory_space<hbm>> -> memref<10000x128xf32, #tpu.memory_space<hbm>>
    tpu.enqueue_indirect_dma source(%dma_start3A_70 : memref<10000x128xf32, #tpu.memory_space<hbm>>) target(%dma_start3A_67 : memref<16x128xf32, #tpu.memory_space<vmem>>) offsets(%arg14 : memref<16xi32, #tpu.memory_space<vmem>>) semaphore(%arg21 : memref<!tpu.dma_semaphore, #tpu.memory_space<semaphore_mem>>)
    %dma_wait3A = arith.constant 0 : i32
    %dma_wait3A_71 = arith.constant 0 : i32
    %dma_wait3A_72 = tpu.memref_slice %arg16[%dma_wait3A, %dma_wait3A_71] : memref<96x128xf32, #tpu.memory_space<vmem>> -> memref<16x128xf32, #tpu.memory_space<vmem>>
    %dma_wait3A_73 = arith.constant 0 : i32
    %dma_wait3A_74 = arith.constant 0 : i32
    %dma_wait3A_75 = tpu.memref_slice %arg2[%dma_wait3A_73, %dma_wait3A_74] : memref<10000x128xf32, #tpu.memory_space<hbm>> -> memref<10000x128xf32, #tpu.memory_space<hbm>>
    tpu.wait_indirect_dma semaphore(%arg21 : memref<!tpu.dma_semaphore, #tpu.memory_space<semaphore_mem>>) src(%dma_wait3A_75 : memref<10000x128xf32, #tpu.memory_space<hbm>>) dst(%dma_wait3A_72 : memref<16x128xf32, #tpu.memory_space<vmem>>)
    "tpu.region"() ({
      %run_scoped3A = tpu.sem_alloc : memref<!tpu.dma_semaphore, #tpu.memory_space<semaphore_mem>>
      %dma_start3A_86 = arith.constant 0 : i32
      %dma_start3A_87 = arith.constant 0 : i32
      %dma_start3A_88 = tpu.memref_slice %arg16[%dma_start3A_86, %dma_start3A_87] : memref<96x128xf32, #tpu.memory_space<vmem>> -> memref<16x128xf32, #tpu.memory_space<vmem>>
      %dma_start3A_89 = arith.constant 0 : i32
      %dma_start3A_90 = arith.constant 0 : i32
      %dma_start3A_91 = tpu.memref_slice %arg20[%dma_start3A_89, %dma_start3A_90] : memref<10000x128xf32, #tpu.memory_space<vmem_shared>> -> memref<10000x128xf32, #tpu.memory_space<vmem_shared>>
      tpu.enqueue_indirect_dma source(%dma_start3A_88 : memref<16x128xf32, #tpu.memory_space<vmem>>) target(%dma_start3A_91 : memref<10000x128xf32, #tpu.memory_space<vmem_shared>>) offsets(%arg15 : memref<16xi32, #tpu.memory_space<vmem>>) semaphore(%run_scoped3A : memref<!tpu.dma_semaphore, #tpu.memory_space<semaphore_mem>>) {add = true}
      %dma_wait3A_92 = arith.constant 0 : i32
      %dma_wait3A_93 = arith.constant 0 : i32
      %dma_wait3A_94 = tpu.memref_slice %arg16[%dma_wait3A_92, %dma_wait3A_93] : memref<96x128xf32, #tpu.memory_space<vmem>> -> memref<16x128xf32, #tpu.memory_space<vmem>>
      %dma_wait3A_95 = arith.constant 0 : i32
      %dma_wait3A_96 = arith.constant 0 : i32
      %dma_wait3A_97 = tpu.memref_slice %arg20[%dma_wait3A_95, %dma_wait3A_96] : memref<10000x128xf32, #tpu.memory_space<vmem_shared>> -> memref<10000x128xf32, #tpu.memory_space<vmem_shared>>
      tpu.wait_indirect_dma semaphore(%run_scoped3A : memref<!tpu.dma_semaphore, #tpu.memory_space<semaphore_mem>>) src(%dma_wait3A_94 : memref<16x128xf32, #tpu.memory_space<vmem>>) dst(%dma_wait3A_97 : memref<10000x128xf32, #tpu.memory_space<vmem_shared>>)
      tpu.yield
    }) : () -> ()
    %barrier3A_76 = arith.constant 0 : index
    tpu.barrier barrier_id(%barrier3A_76)
    %lt3A = arith.constant 15 : i32
    %lt3A_77 = arith.cmpi slt, %arg1, %lt3A : i32
    %convert_element_type3A_78 = arith.extui %lt3A_77 : i1 to i32
    %cond3A_79 = arith.constant 0 : i32
    %cond3A_80 = arith.cmpi ne, %convert_element_type3A_78, %cond3A_79 : i32
    scf.if %cond3A_80 {
      %mul3A_86 = arith.constant 624 : i32
      %mul3A_87 = arith.muli %arg1, %mul3A_86 : i32
      %mul3A_88 = arith.constant 624 : i32
      %mul3A_89 = arith.muli %arg1, %mul3A_88 : i32
      "tpu.region"() ({
        %run_scoped3A = tpu.sem_alloc : memref<!tpu.dma_semaphore, #tpu.memory_space<semaphore_mem>>
        %dma_start3A_90 = arith.constant 0 : i32
        %dma_start3A_91 = tpu.memref_slice %arg5[%arg0, %mul3A_89, %dma_start3A_90] : memref<2x10000x128xf32, #tpu.memory_space<hbm>> -> memref<1x624x128xf32, #tpu.memory_space<hbm>>
        %dma_start3A_92 = tpu.memref_squeeze %dma_start3A_91 : memref<1x624x128xf32, #tpu.memory_space<hbm>> -> memref<624x128xf32, #tpu.memory_space<hbm>>
        %dma_start3A_93 = arith.constant 0 : i32
        %dma_start3A_94 = tpu.memref_slice %arg20[%mul3A_87, %dma_start3A_93] : memref<10000x128xf32, #tpu.memory_space<vmem_shared>> -> memref<624x128xf32, #tpu.memory_space<vmem_shared>>
        tpu.enqueue_dma source(%dma_start3A_94 : memref<624x128xf32, #tpu.memory_space<vmem_shared>>) target(%dma_start3A_92 : memref<624x128xf32, #tpu.memory_space<hbm>>) target_semaphore(%run_scoped3A : memref<!tpu.dma_semaphore, #tpu.memory_space<semaphore_mem>>)
        %dma_wait3A_95 = arith.constant 0 : i32
        %dma_wait3A_96 = tpu.memref_slice %arg5[%arg0, %mul3A_89, %dma_wait3A_95] : memref<2x10000x128xf32, #tpu.memory_space<hbm>> -> memref<1x624x128xf32, #tpu.memory_space<hbm>>
        %dma_wait3A_97 = tpu.memref_squeeze %dma_wait3A_96 : memref<1x624x128xf32, #tpu.memory_space<hbm>> -> memref<624x128xf32, #tpu.memory_space<hbm>>
        %dma_wait3A_98 = arith.constant 0 : i32
        %dma_wait3A_99 = tpu.memref_slice %arg20[%mul3A_87, %dma_wait3A_98] : memref<10000x128xf32, #tpu.memory_space<vmem_shared>> -> memref<624x128xf32, #tpu.memory_space<vmem_shared>>
        tpu.wait_dma2 semaphore(%run_scoped3A : memref<!tpu.dma_semaphore, #tpu.memory_space<semaphore_mem>>) src(%dma_wait3A_99 : memref<624x128xf32, #tpu.memory_space<vmem_shared>>) dst(%dma_wait3A_97 : memref<624x128xf32, #tpu.memory_space<hbm>>)
        tpu.yield
      }) : () -> ()
    } else {
    }
    %eq3A_81 = arith.constant 15 : i32
    %eq3A_82 = arith.cmpi eq, %arg1, %eq3A_81 : i32
    %convert_element_type3A_83 = arith.extui %eq3A_82 : i1 to i32
    %cond3A_84 = arith.constant 0 : i32
    %cond3A_85 = arith.cmpi ne, %convert_element_type3A_83, %cond3A_84 : i32
    scf.if %cond3A_85 {
      "tpu.region"() ({
        %run_scoped3A = tpu.sem_alloc : memref<!tpu.dma_semaphore, #tpu.memory_space<semaphore_mem>>
        %dma_start3A_86 = arith.constant 9360 : i32
        %dma_start3A_87 = arith.constant 0 : i32
        %dma_start3A_88 = tpu.memref_slice %arg5[%arg0, %dma_start3A_86, %dma_start3A_87] : memref<2x10000x128xf32, #tpu.memory_space<hbm>> -> memref<1x640x128xf32, #tpu.memory_space<hbm>>
        %dma_start3A_89 = tpu.memref_squeeze %dma_start3A_88 : memref<1x640x128xf32, #tpu.memory_space<hbm>> -> memref<640x128xf32, #tpu.memory_space<hbm>>
        %dma_start3A_90 = arith.constant 9360 : i32
        %dma_start3A_91 = arith.constant 0 : i32
        %dma_start3A_92 = tpu.memref_slice %arg20[%dma_start3A_90, %dma_start3A_91] : memref<10000x128xf32, #tpu.memory_space<vmem_shared>> -> memref<640x128xf32, #tpu.memory_space<vmem_shared>>
        tpu.enqueue_dma source(%dma_start3A_92 : memref<640x128xf32, #tpu.memory_space<vmem_shared>>) target(%dma_start3A_89 : memref<640x128xf32, #tpu.memory_space<hbm>>) target_semaphore(%run_scoped3A : memref<!tpu.dma_semaphore, #tpu.memory_space<semaphore_mem>>)
        %dma_wait3A_93 = arith.constant 9360 : i32
        %dma_wait3A_94 = arith.constant 0 : i32
        %dma_wait3A_95 = tpu.memref_slice %arg5[%arg0, %dma_wait3A_93, %dma_wait3A_94] : memref<2x10000x128xf32, #tpu.memory_space<hbm>> -> memref<1x640x128xf32, #tpu.memory_space<hbm>>
        %dma_wait3A_96 = tpu.memref_squeeze %dma_wait3A_95 : memref<1x640x128xf32, #tpu.memory_space<hbm>> -> memref<640x128xf32, #tpu.memory_space<hbm>>
        %dma_wait3A_97 = arith.constant 9360 : i32
        %dma_wait3A_98 = arith.constant 0 : i32
        %dma_wait3A_99 = tpu.memref_slice %arg20[%dma_wait3A_97, %dma_wait3A_98] : memref<10000x128xf32, #tpu.memory_space<vmem_shared>> -> memref<640x128xf32, #tpu.memory_space<vmem_shared>>
        tpu.wait_dma2 semaphore(%run_scoped3A : memref<!tpu.dma_semaphore, #tpu.memory_space<semaphore_mem>>) src(%dma_wait3A_99 : memref<640x128xf32, #tpu.memory_space<vmem_shared>>) dst(%dma_wait3A_96 : memref<640x128xf32, #tpu.memory_space<hbm>>)
        tpu.yield
      }) : () -> ()
    } else {
    }
    return
  }
}

module attributes {stable_mosaic.version = 14 : i64} {
  func.func @_prep_body(%arg0: memref<10000x128xf32, #tpu.memory_space<vmem>>, %arg1: memref<10000x4xf32, #tpu.memory_space<vmem>>, %arg2: memref<10000x128xf32, #tpu.memory_space<vmem>>, %arg3: memref<10000x2xf32, #tpu.memory_space<vmem>>) attributes {dimension_semantics = [], scalar_prefetch = 0 : i64, scratch_operands = 0 : i64, tpu.core_type = #tpu.core_type<tc>} {
    %get3A = arith.constant 0 : index
    %get3A_0 = arith.constant 0 : index
    %get3A_1 = vector.load %arg1[%get3A, %get3A_0] : memref<10000x4xf32, #tpu.memory_space<vmem>>, vector<10000x4xf32>
    %slice3A = vector.extract_strided_slice %get3A_1 {offsets = [0, 0], sizes = [10000, 1], strides = [1, 1]} : vector<10000x4xf32> to vector<10000x1xf32>
    %slice3A_2 = vector.extract_strided_slice %get3A_1 {offsets = [0, 1], sizes = [10000, 1], strides = [1, 1]} : vector<10000x4xf32> to vector<10000x1xf32>
    %add3A = arith.addf %slice3A, %slice3A_2 : vector<10000x1xf32>
    %max3A = arith.constant 1.000000e+00 : f32
    %max3A_3 = vector.broadcast %max3A : f32 to vector<10000x1xf32>
    %max3A_4 = arith.maximumf %add3A, %max3A_3 : vector<10000x1xf32>
    %slice3A_5 = vector.extract_strided_slice %get3A_1 {offsets = [0, 2], sizes = [10000, 1], strides = [1, 1]} : vector<10000x4xf32> to vector<10000x1xf32>
    %slice3A_6 = vector.extract_strided_slice %get3A_1 {offsets = [0, 3], sizes = [10000, 1], strides = [1, 1]} : vector<10000x4xf32> to vector<10000x1xf32>
    %add3A_7 = arith.addf %slice3A_5, %slice3A_6 : vector<10000x1xf32>
    %max3A_8 = arith.constant 1.000000e+00 : f32
    %max3A_9 = vector.broadcast %max3A_8 : f32 to vector<10000x1xf32>
    %max3A_10 = arith.maximumf %add3A_7, %max3A_9 : vector<10000x1xf32>
    %rsqrt3A = math.rsqrt %max3A_4 : vector<10000x1xf32>
    %rsqrt3A_11 = math.rsqrt %max3A_10 : vector<10000x1xf32>
    %get3A_12 = arith.constant 0 : index
    %get3A_13 = arith.constant 0 : index
    %get3A_14 = vector.load %arg0[%get3A_12, %get3A_13] : memref<10000x128xf32, #tpu.memory_space<vmem>>, vector<10000x128xf32>
    %mul3A = vector.broadcast %rsqrt3A : vector<10000x1xf32> to vector<10000x128xf32>
    %mul3A_15 = arith.mulf %get3A_14, %mul3A : vector<10000x128xf32>
    %swap3A = arith.constant 0 : index
    %swap3A_16 = arith.constant 0 : index
    %swap3A_17 = vector.load %arg2[%swap3A, %swap3A_16] : memref<10000x128xf32, #tpu.memory_space<vmem>>, vector<10000x128xf32>
    tpu.vector_store %arg2[%swap3A, %swap3A_16], %mul3A_15 {strides = array<i32>} : memref<10000x128xf32, #tpu.memory_space<vmem>>, vector<10000x128xf32>,
    %concatenate3A = tpu.concatenate %rsqrt3A_11, %rsqrt3A in 1 : vector<10000x1xf32>, vector<10000x1xf32> -> vector<10000x2xf32>
    %swap3A_18 = arith.constant 0 : index
    %swap3A_19 = arith.constant 0 : index
    %swap3A_20 = vector.load %arg3[%swap3A_18, %swap3A_19] : memref<10000x2xf32, #tpu.memory_space<vmem>>, vector<10000x2xf32>
    tpu.vector_store %arg3[%swap3A_18, %swap3A_19], %concatenate3A {strides = array<i32>} : memref<10000x2xf32, #tpu.memory_space<vmem>>, vector<10000x2xf32>,
    return
  }
}

module attributes {stable_mosaic.version = 14 : i64} {
  func.func @_layer_body(%arg0: memref<2x10000x128xf32, #tpu.memory_space<vmem>>, %arg1: memref<10000x2xf32, #tpu.memory_space<vmem>>, %arg2: memref<128x128xf32, #tpu.memory_space<vmem>>, %arg3: memref<1x128xf32, #tpu.memory_space<vmem>>, %arg4: memref<1x128xf32, #tpu.memory_space<vmem>>, %arg5: memref<1x128xf32, #tpu.memory_space<vmem>>, %arg6: memref<10000x128xf32, #tpu.memory_space<vmem>>) attributes {dimension_semantics = [], scalar_prefetch = 0 : i64, scratch_operands = 0 : i64, tpu.core_type = #tpu.core_type<tc>} {
    %get3A = arith.constant 0 : index
    %get3A_0 = arith.constant 0 : index
    %get3A_1 = arith.constant 0 : index
    %get3A_2 = vector.load %arg0[%get3A, %get3A_0, %get3A_1] : memref<2x10000x128xf32, #tpu.memory_space<vmem>>, vector<1x10000x128xf32>
    %get3A_3 = vector.shape_cast %get3A_2 : vector<1x10000x128xf32> to vector<10000x128xf32>
    %get3A_4 = arith.constant 1 : index
    %get3A_5 = arith.constant 0 : index
    %get3A_6 = arith.constant 0 : index
    %get3A_7 = vector.load %arg0[%get3A_4, %get3A_5, %get3A_6] : memref<2x10000x128xf32, #tpu.memory_space<vmem>>, vector<1x10000x128xf32>
    %get3A_8 = vector.shape_cast %get3A_7 : vector<1x10000x128xf32> to vector<10000x128xf32>
    %add3A = arith.addf %get3A_3, %get3A_8 : vector<10000x128xf32>
    %get3A_9 = arith.constant 0 : index
    %get3A_10 = arith.constant 0 : index
    %get3A_11 = vector.load %arg1[%get3A_9, %get3A_10] : memref<10000x2xf32, #tpu.memory_space<vmem>>, vector<10000x2xf32>
    %slice3A = vector.extract_strided_slice %get3A_11 {offsets = [0, 0], sizes = [10000, 1], strides = [1, 1]} : vector<10000x2xf32> to vector<10000x1xf32>
    %get3A_12 = arith.constant 0 : index
    %get3A_13 = arith.constant 0 : index
    %get3A_14 = vector.load %arg2[%get3A_12, %get3A_13] : memref<128x128xf32, #tpu.memory_space<vmem>>, vector<128x128xf32>
    %dot_general3A = arith.constant dense<0.000000e+00> : vector<10000x128xf32>
    %dot_general3A_15 = tpu.matmul %add3A, %get3A_14, %dot_general3A {dimension_numbers = #tpu.dot_dimension_numbers<[1], [0], [0], [1], [0, 0, 1, 1], [], []>, transpose_lhs_hint = false} : vector<10000x128xf32>, vector<128x128xf32>, vector<10000x128xf32> -> vector<10000x128xf32>
    %mul3A = vector.broadcast %slice3A : vector<10000x1xf32> to vector<10000x128xf32>
    %mul3A_16 = arith.mulf %mul3A, %dot_general3A_15 : vector<10000x128xf32>
    %get3A_17 = arith.constant 0 : index
    %get3A_18 = arith.constant 0 : index
    %get3A_19 = vector.load %arg3[%get3A_17, %get3A_18] : memref<1x128xf32, #tpu.memory_space<vmem>>, vector<1x128xf32>
    %add3A_20 = vector.broadcast %get3A_19 : vector<1x128xf32> to vector<10000x128xf32>
    %add3A_21 = arith.addf %mul3A_16, %add3A_20 : vector<10000x128xf32>
    %get3A_22 = arith.constant 0 : index
    %get3A_23 = arith.constant 0 : index
    %get3A_24 = vector.load %arg4[%get3A_22, %get3A_23] : memref<1x128xf32, #tpu.memory_space<vmem>>, vector<1x128xf32>
    %get3A_25 = arith.constant 0 : index
    %get3A_26 = arith.constant 0 : index
    %get3A_27 = vector.load %arg5[%get3A_25, %get3A_26] : memref<1x128xf32, #tpu.memory_space<vmem>>, vector<1x128xf32>
    %reduce_sum3A = arith.constant dense<0.000000e+00> : vector<128xf32>
    %reduce_sum3A_28 = vector.multi_reduction <add>, %add3A_21, %reduce_sum3A [0] : vector<10000x128xf32> to vector<128xf32>
    %broadcast_in_dim3A = vector.shape_cast %reduce_sum3A_28 : vector<128xf32> to vector<1x128xf32>
    %div3A = arith.constant 1.000000e+04 : f32
    %div3A_29 = vector.broadcast %div3A : f32 to vector<1x128xf32>
    %div3A_30 = arith.divf %broadcast_in_dim3A, %div3A_29 : vector<1x128xf32>
    %sub3A = vector.broadcast %div3A_30 : vector<1x128xf32> to vector<10000x128xf32>
    %sub3A_31 = arith.subf %add3A_21, %sub3A : vector<10000x128xf32>
    %integer_pow3A = arith.mulf %sub3A_31, %sub3A_31 : vector<10000x128xf32>
    %reduce_sum3A_32 = arith.constant dense<0.000000e+00> : vector<128xf32>
    %reduce_sum3A_33 = vector.multi_reduction <add>, %integer_pow3A, %reduce_sum3A_32 [0] : vector<10000x128xf32> to vector<128xf32>
    %broadcast_in_dim3A_34 = vector.shape_cast %reduce_sum3A_33 : vector<128xf32> to vector<1x128xf32>
    %div3A_35 = arith.constant 1.000000e+04 : f32
    %div3A_36 = vector.broadcast %div3A_35 : f32 to vector<1x128xf32>
    %div3A_37 = arith.divf %broadcast_in_dim3A_34, %div3A_36 : vector<1x128xf32>
    %sub3A_38 = vector.broadcast %div3A_30 : vector<1x128xf32> to vector<10000x128xf32>
    %sub3A_39 = arith.subf %add3A_21, %sub3A_38 : vector<10000x128xf32>
    %add3A_40 = arith.constant 9.99999974E-6 : f32
    %add3A_41 = vector.broadcast %add3A_40 : f32 to vector<1x128xf32>
    %add3A_42 = arith.addf %div3A_37, %add3A_41 : vector<1x128xf32>
    %rsqrt3A = math.rsqrt %add3A_42 : vector<1x128xf32>
    %mul3A_43 = vector.broadcast %rsqrt3A : vector<1x128xf32> to vector<10000x128xf32>
    %mul3A_44 = arith.mulf %sub3A_39, %mul3A_43 : vector<10000x128xf32>
    %mul3A_45 = vector.broadcast %get3A_24 : vector<1x128xf32> to vector<10000x128xf32>
    %mul3A_46 = arith.mulf %mul3A_44, %mul3A_45 : vector<10000x128xf32>
    %add3A_47 = vector.broadcast %get3A_27 : vector<1x128xf32> to vector<10000x128xf32>
    %add3A_48 = arith.addf %mul3A_46, %add3A_47 : vector<10000x128xf32>
    %max3A = arith.constant 0.000000e+00 : f32
    %max3A_49 = vector.broadcast %max3A : f32 to vector<10000x128xf32>
    %max3A_50 = arith.maximumf %add3A_48, %max3A_49 : vector<10000x128xf32>
    %slice3A_51 = vector.extract_strided_slice %get3A_11 {offsets = [0, 1], sizes = [10000, 1], strides = [1, 1]} : vector<10000x2xf32> to vector<10000x1xf32>
    %mul3A_52 = vector.broadcast %slice3A_51 : vector<10000x1xf32> to vector<10000x128xf32>
    %mul3A_53 = arith.mulf %max3A_50, %mul3A_52 : vector<10000x128xf32>
    %swap3A = arith.constant 0 : index
    %swap3A_54 = arith.constant 0 : index
    %swap3A_55 = vector.load %arg6[%swap3A, %swap3A_54] : memref<10000x128xf32, #tpu.memory_space<vmem>>, vector<10000x128xf32>
    tpu.vector_store %arg6[%swap3A, %swap3A_54], %mul3A_53 {strides = array<i32>} : memref<10000x128xf32, #tpu.memory_space<vmem>>, vector<10000x128xf32>,
    return
  }
}

module attributes {stable_mosaic.version = 14 : i64} {
  func.func @_final_body(%arg0: memref<2x10000x128xf32, #tpu.memory_space<vmem>>, %arg1: memref<10000x2xf32, #tpu.memory_space<vmem>>, %arg2: memref<1x10000xi32, #tpu.memory_space<vmem>>, %arg3: memref<128x128xf32, #tpu.memory_space<vmem>>, %arg4: memref<1x128xf32, #tpu.memory_space<vmem>>, %arg5: memref<1x128xf32, #tpu.memory_space<vmem>>, %arg6: memref<1x128xf32, #tpu.memory_space<vmem>>, %arg7: memref<128x64xf32, #tpu.memory_space<vmem>>, %arg8: memref<1x64xf32, #tpu.memory_space<vmem>>, %arg9: memref<64x2xf32, #tpu.memory_space<vmem>>, %arg10: memref<1x2xf32, #tpu.memory_space<vmem>>, %arg11: memref<64x2xf32, #tpu.memory_space<vmem>>) attributes {dimension_semantics = [], scalar_prefetch = 0 : i64, scratch_operands = 0 : i64, tpu.core_type = #tpu.core_type<tc>} {
    %get3A = arith.constant 0 : index
    %get3A_0 = arith.constant 0 : index
    %get3A_1 = arith.constant 0 : index
    %get3A_2 = vector.load %arg0[%get3A, %get3A_0, %get3A_1] : memref<2x10000x128xf32, #tpu.memory_space<vmem>>, vector<1x10000x128xf32>
    %get3A_3 = vector.shape_cast %get3A_2 : vector<1x10000x128xf32> to vector<10000x128xf32>
    %get3A_4 = arith.constant 1 : index
    %get3A_5 = arith.constant 0 : index
    %get3A_6 = arith.constant 0 : index
    %get3A_7 = vector.load %arg0[%get3A_4, %get3A_5, %get3A_6] : memref<2x10000x128xf32, #tpu.memory_space<vmem>>, vector<1x10000x128xf32>
    %get3A_8 = vector.shape_cast %get3A_7 : vector<1x10000x128xf32> to vector<10000x128xf32>
    %add3A = arith.addf %get3A_3, %get3A_8 : vector<10000x128xf32>
    %get3A_9 = arith.constant 0 : index
    %get3A_10 = arith.constant 0 : index
    %get3A_11 = vector.load %arg1[%get3A_9, %get3A_10] : memref<10000x2xf32, #tpu.memory_space<vmem>>, vector<10000x2xf32>
    %slice3A = vector.extract_strided_slice %get3A_11 {offsets = [0, 0], sizes = [10000, 1], strides = [1, 1]} : vector<10000x2xf32> to vector<10000x1xf32>
    %get3A_12 = arith.constant 0 : index
    %get3A_13 = arith.constant 0 : index
    %get3A_14 = vector.load %arg3[%get3A_12, %get3A_13] : memref<128x128xf32, #tpu.memory_space<vmem>>, vector<128x128xf32>
    %dot_general3A = arith.constant dense<0.000000e+00> : vector<10000x128xf32>
    %dot_general3A_15 = tpu.matmul %add3A, %get3A_14, %dot_general3A {dimension_numbers = #tpu.dot_dimension_numbers<[1], [0], [0], [1], [0, 0, 1, 1], [], []>, transpose_lhs_hint = false} : vector<10000x128xf32>, vector<128x128xf32>, vector<10000x128xf32> -> vector<10000x128xf32>
    %mul3A = vector.broadcast %slice3A : vector<10000x1xf32> to vector<10000x128xf32>
    %mul3A_16 = arith.mulf %mul3A, %dot_general3A_15 : vector<10000x128xf32>
    %get3A_17 = arith.constant 0 : index
    %get3A_18 = arith.constant 0 : index
    %get3A_19 = vector.load %arg4[%get3A_17, %get3A_18] : memref<1x128xf32, #tpu.memory_space<vmem>>, vector<1x128xf32>
    %add3A_20 = vector.broadcast %get3A_19 : vector<1x128xf32> to vector<10000x128xf32>
    %add3A_21 = arith.addf %mul3A_16, %add3A_20 : vector<10000x128xf32>
    %get3A_22 = arith.constant 0 : index
    %get3A_23 = arith.constant 0 : index
    %get3A_24 = vector.load %arg5[%get3A_22, %get3A_23] : memref<1x128xf32, #tpu.memory_space<vmem>>, vector<1x128xf32>
    %get3A_25 = arith.constant 0 : index
    %get3A_26 = arith.constant 0 : index
    %get3A_27 = vector.load %arg6[%get3A_25, %get3A_26] : memref<1x128xf32, #tpu.memory_space<vmem>>, vector<1x128xf32>
    %reduce_sum3A = arith.constant dense<0.000000e+00> : vector<128xf32>
    %reduce_sum3A_28 = vector.multi_reduction <add>, %add3A_21, %reduce_sum3A [0] : vector<10000x128xf32> to vector<128xf32>
    %broadcast_in_dim3A = vector.shape_cast %reduce_sum3A_28 : vector<128xf32> to vector<1x128xf32>
    %div3A = arith.constant 1.000000e+04 : f32
    %div3A_29 = vector.broadcast %div3A : f32 to vector<1x128xf32>
    %div3A_30 = arith.divf %broadcast_in_dim3A, %div3A_29 : vector<1x128xf32>
    %sub3A = vector.broadcast %div3A_30 : vector<1x128xf32> to vector<10000x128xf32>
    %sub3A_31 = arith.subf %add3A_21, %sub3A : vector<10000x128xf32>
    %integer_pow3A = arith.mulf %sub3A_31, %sub3A_31 : vector<10000x128xf32>
    %reduce_sum3A_32 = arith.constant dense<0.000000e+00> : vector<128xf32>
    %reduce_sum3A_33 = vector.multi_reduction <add>, %integer_pow3A, %reduce_sum3A_32 [0] : vector<10000x128xf32> to vector<128xf32>
    %broadcast_in_dim3A_34 = vector.shape_cast %reduce_sum3A_33 : vector<128xf32> to vector<1x128xf32>
    %div3A_35 = arith.constant 1.000000e+04 : f32
    %div3A_36 = vector.broadcast %div3A_35 : f32 to vector<1x128xf32>
    %div3A_37 = arith.divf %broadcast_in_dim3A_34, %div3A_36 : vector<1x128xf32>
    %sub3A_38 = vector.broadcast %div3A_30 : vector<1x128xf32> to vector<10000x128xf32>
    %sub3A_39 = arith.subf %add3A_21, %sub3A_38 : vector<10000x128xf32>
    %add3A_40 = arith.constant 9.99999974E-6 : f32
    %add3A_41 = vector.broadcast %add3A_40 : f32 to vector<1x128xf32>
    %add3A_42 = arith.addf %div3A_37, %add3A_41 : vector<1x128xf32>
    %rsqrt3A = math.rsqrt %add3A_42 : vector<1x128xf32>
    %mul3A_43 = vector.broadcast %rsqrt3A : vector<1x128xf32> to vector<10000x128xf32>
    %mul3A_44 = arith.mulf %sub3A_39, %mul3A_43 : vector<10000x128xf32>
    %mul3A_45 = vector.broadcast %get3A_24 : vector<1x128xf32> to vector<10000x128xf32>
    %mul3A_46 = arith.mulf %mul3A_44, %mul3A_45 : vector<10000x128xf32>
    %add3A_47 = vector.broadcast %get3A_27 : vector<1x128xf32> to vector<10000x128xf32>
    %add3A_48 = arith.addf %mul3A_46, %add3A_47 : vector<10000x128xf32>
    %max3A = arith.constant 0.000000e+00 : f32
    %max3A_49 = vector.broadcast %max3A : f32 to vector<10000x128xf32>
    %max3A_50 = arith.maximumf %add3A_48, %max3A_49 : vector<10000x128xf32>
    %get3A_51 = arith.constant 0 : index
    %get3A_52 = arith.constant 0 : index
    %get3A_53 = vector.load %arg2[%get3A_51, %get3A_52] : memref<1x10000xi32, #tpu.memory_space<vmem>>, vector<1x10000xi32>
    %iota3A = tpu.iota {dimensions = array<i32: 0>} : vector<64x10000xi32>
    %eq3A = vector.broadcast %get3A_53 : vector<1x10000xi32> to vector<64x10000xi32>
    %eq3A_54 = arith.cmpi eq, %iota3A, %eq3A : vector<64x10000xi32>
    %convert_element_type3A = arith.extui %eq3A_54 : vector<64x10000xi1> to vector<64x10000xi32>
    %convert_element_type3A_55 = arith.sitofp %convert_element_type3A : vector<64x10000xi32> to vector<64x10000xf32>
    %reduce_sum3A_56 = arith.constant dense<0.000000e+00> : vector<64xf32>
    %reduce_sum3A_57 = vector.multi_reduction <add>, %convert_element_type3A_55, %reduce_sum3A_56 [1] : vector<64x10000xf32> to vector<64xf32>
    %broadcast_in_dim3A_58 = vector.shape_cast %reduce_sum3A_57 : vector<64xf32> to vector<64x1xf32>
    %dot_general3A_59 = arith.constant dense<0.000000e+00> : vector<64x128xf32>
    %dot_general3A_60 = tpu.matmul %convert_element_type3A_55, %max3A_50, %dot_general3A_59 {dimension_numbers = #tpu.dot_dimension_numbers<[1], [0], [0], [1], [0, 0, 1, 1], [], []>, transpose_lhs_hint = false} : vector<64x10000xf32>, vector<10000x128xf32>, vector<64x128xf32> -> vector<64x128xf32>
    %max3A_61 = arith.constant 1.000000e+00 : f32
    %max3A_62 = vector.broadcast %max3A_61 : f32 to vector<64x1xf32>
    %max3A_63 = arith.maximumf %broadcast_in_dim3A_58, %max3A_62 : vector<64x1xf32>
    %div3A_64 = vector.broadcast %max3A_63 : vector<64x1xf32> to vector<64x128xf32>
    %div3A_65 = arith.divf %dot_general3A_60, %div3A_64 : vector<64x128xf32>
    %get3A_66 = arith.constant 0 : index
    %get3A_67 = arith.constant 0 : index
    %get3A_68 = vector.load %arg7[%get3A_66, %get3A_67] : memref<128x64xf32, #tpu.memory_space<vmem>>, vector<128x64xf32>
    %dot_general3A_69 = arith.constant dense<0.000000e+00> : vector<64x64xf32>
    %dot_general3A_70 = tpu.matmul %div3A_65, %get3A_68, %dot_general3A_69 {dimension_numbers = #tpu.dot_dimension_numbers<[1], [0], [0], [1], [0, 0, 1, 1], [], []>, transpose_lhs_hint = false} : vector<64x128xf32>, vector<128x64xf32>, vector<64x64xf32> -> vector<64x64xf32>
    %get3A_71 = arith.constant 0 : index
    %get3A_72 = arith.constant 0 : index
    %get3A_73 = vector.load %arg8[%get3A_71, %get3A_72] : memref<1x64xf32, #tpu.memory_space<vmem>>, vector<1x64xf32>
    %add3A_74 = vector.broadcast %get3A_73 : vector<1x64xf32> to vector<64x64xf32>
    %add3A_75 = arith.addf %dot_general3A_70, %add3A_74 : vector<64x64xf32>
    %max3A_76 = arith.constant 0.000000e+00 : f32
    %max3A_77 = vector.broadcast %max3A_76 : f32 to vector<64x64xf32>
    %max3A_78 = arith.maximumf %add3A_75, %max3A_77 : vector<64x64xf32>
    %get3A_79 = arith.constant 0 : index
    %get3A_80 = arith.constant 0 : index
    %get3A_81 = vector.load %arg9[%get3A_79, %get3A_80] : memref<64x2xf32, #tpu.memory_space<vmem>>, vector<64x2xf32>
    %dot_general3A_82 = arith.constant dense<0.000000e+00> : vector<64x2xf32>
    %dot_general3A_83 = tpu.matmul %max3A_78, %get3A_81, %dot_general3A_82 {dimension_numbers = #tpu.dot_dimension_numbers<[1], [0], [0], [1], [0, 0, 1, 1], [], []>, transpose_lhs_hint = false} : vector<64x64xf32>, vector<64x2xf32>, vector<64x2xf32> -> vector<64x2xf32>
    %get3A_84 = arith.constant 0 : index
    %get3A_85 = arith.constant 0 : index
    %get3A_86 = vector.load %arg10[%get3A_84, %get3A_85] : memref<1x2xf32, #tpu.memory_space<vmem>>, vector<1x2xf32>
    %add3A_87 = vector.broadcast %get3A_86 : vector<1x2xf32> to vector<64x2xf32>
    %add3A_88 = arith.addf %dot_general3A_83, %add3A_87 : vector<64x2xf32>
    %swap3A = arith.constant 0 : index
    %swap3A_89 = arith.constant 0 : index
    %swap3A_90 = vector.load %arg11[%swap3A, %swap3A_89] : memref<64x2xf32, #tpu.memory_space<vmem>>, vector<64x2xf32>
    tpu.vector_store %arg11[%swap3A, %swap3A_89], %add3A_88 {strides = array<i32>} : memref<64x2xf32, #tpu.memory_space<vmem>>, vector<64x2xf32>,
    return
  }
}

</mosaic_0001>

<sc_bundles>
// kernel: kernel.10.cloned.1.call-start
scs
__scs_entry_jumppad:
0x0: {  	(pc) =	sbr.rel $0x88, $3  }
0x1: {  	(tag) =	ssettag $0x0;
	lr =	simm.s32 $0x1  }
0x2: {  	[smem:$0x3F8D] =	sst lr;
	_ =	strace $0xD0000000  }
0x3: {  	_ = 	snop  }
0x4: {  	_ = 	snop  }
0x5: {  	_ = 	snop  }
0x6: {  	_ = 	snop  }
0x7: {  	_ = 	snop  }
__scs_overlays_trampoline_lowered:
0x8: {  	[smem:$0x3F9C] =	sst s0  }
0x9: {  	[smem:$0x3F9D] =	sst s1  }
0xa: {  	[smem:$0x3F9E] =	sst s2  }
0xb: {  	[smem:$0x3F9F] =	sst s3  }
0xc: {  	[smem:$0x3FA0] =	sst s4  }
0xd: {  	[smem:$0x3FA1] =	sst s5  }
0xe: {  	[smem:$0x3FA2] =	sst s6  }
0xf: {  	[smem:$0x3FA3] =	sst s7  }
0x10: {  	[smem:$0x3FA4] =	sst s8  }
0x11: {  	[smem:$0x3FA5] =	sst s9;
	s0 =	simm.s32 @!p0 $0x0  }
0x12: {  	s1 =	sld [smem:$0x3F8B];
	s0 =	simm.s32 @p0 $0x1  }
0x13: {  	[smem:$0x3FA6] =	sst s0;
	s0 =	simm.s32 @!p1 $0x0  }
0x14: {  	s2 =	sld [smem:$0x3F8A];
	s0 =	simm.s32 @p1 $0x1  }
0x15: {  	[smem:$0x3FA7] =	sst s0;
	s0 =	simm.s32 @!p2 $0x0  }
0x16: {  	s3 =	sld [smem:$0x3FDB];
	s0 =	simm.s32 @p2 $0x1  }
0x17: {  	s4 =	simm.s32 $0x1BF5;
	[smem:$0x3FA9] =	sst s0  }
0x18: {  	s0 =	sld [smem:$0x3F8C];
	_ =	swait.ge [sflag:s4], $0x0  }
0x19: {  	s7 =	sld [smem:$0x3F8D]  }
0x1a: {  	s8 =	sadd.s32 $0xFFFFE003, lr  }
0x1b: {  	s9 =	sadd.s32 $0xFFFFFEF7, lr;
	s5 =	simm.s32 $0xFFFFFFFF;
	p2 =	slt.u32 s8, $0xFFFFF086  }
0x1c: {  	p1 =	slt.u32 s9, $0xF7A;
	s5 =	simm.s32 @!p2 $0x0  }
0x1d: {  	s5 =	simm.s32 @p1 $0x1;
	p0 =	seq.s32 s7, s2  }
0x1e: {  	s7 =	smul.u32 @!p0 $0xF7A, s2;
	p2 =	seq.s32 @!p0 s5, $0x0  }
0x1f: {  	s9 =	smul.u32 $0xF7A, s1;
	s8 =	simm.s32 @!p0 $0x1BF5;
	p2 =	por !p2, p0  }
0x20: {  	[sflag:s8] =	ssyncset.s32 @!p0 $0xFFFFF086;
	s6 =	sadd.s32 @!p0 s3, s7;
	s7 =	simm.s32 @!p0 $0x108  }
0x21: {  	s3 =	sadd.s32 s3, s9;
	s6 =	sadd.s32 @!p0 $0x88, s6;
	s7 =	simm.s32 @p2 $0x1082  }
0x22: {  	[simem:s7], [sflag:s8] =	dma.local @!p0 [hbm:s6], $0xF7A  }
0x23: {  	s9 =	sor.u32 $0xD0000000, s2;
	s6 =	simm.s32 $0x108;
	_ =	swait.ge @!p0 [sflag:s8], $0x0  }
0x24: {  	s3 =	sadd.s32 $0x88, s3;
	s6 =	simm.s32 @!p1 $0x1082;
	[sflag:s4] =	ssyncset.s32 $0xFFFFF086  }
0x25: {  	[simem:s6], [sflag:s4] =	dma.local [hbm:s3], $0xF7A  }
0x26: {  	[smem:$0x3F8D] =	sst s1;
	(tag) =	ssettag s2;
	_ =	strace s9  }
0x27: {  	s1 =	sld [smem:$0x3F9D]  }
0x28: {  	s2 =	sld [smem:$0x3F9E]  }
0x29: {  	s4 =	sld [smem:$0x3FA0]  }
0x2a: {  	p0 =	seq.s32 s5, $0x0;
	s5 =	sld [smem:$0x3FA1]  }
0x2b: {  	s6 =	sld [smem:$0x3FA2]  }
0x2c: {  	s7 =	sld [smem:$0x3FA3]  }
0x2d: {  	s3 =	simm.s32 $0x108;
	s8 =	sld [smem:$0x3FA4]  }
0x2e: {  	s3 =	simm.s32 @!p0 $0x1082;
	s9 =	sld [smem:$0x3FA5]  }
0x2f: {  	lr =	sadd.s32 s0, s3;
	s0 =	sld [smem:$0x3F9C]  }
0x30: {  	s3 =	sld [smem:$0x3F9F]  }
0x31: {  	[smem:$0x3FA8] =	sst s10  }
0x32: {  	s10 =	sld [smem:$0x3FA6];
	_ =	sdelay $0x3  }
0x33: {  	p0 =	seq.s32 s10, $0x1;
	s10 =	sld [smem:$0x3FA8];
	_ =	sdelay $0x3  }
0x34: {  	[smem:$0x3FA8] =	sst s10  }
0x35: {  	s10 =	sld [smem:$0x3FA7];
	_ =	sdelay $0x3  }
0x36: {  	p1 =	seq.s32 s10, $0x1;
	s10 =	sld [smem:$0x3FA8];
	_ =	sdelay $0x3  }
0x37: {  	[smem:$0x3FA8] =	sst s10  }
0x38: {  	s10 =	sld [smem:$0x3FA9]  }
0x39: {  	_ = 	snop;
	(pc) =	sbr.ind lr, $3  }
0x3a: {  	_ = 	snop  }
0x3b: {  	_ = 	snop  }
0x3c: {  	p2 =	seq.s32 s10, $0x1;
	s10 =	sld [smem:$0x3FA8]  }
0x3d: {  	_ =	shalt  }
0x3e: {  	_ =	shalt  }
0x3f: {  	_ =	shalt  }
0x40: {  	_ =	shalt  }
0x41: {  	_ =	shalt  }
0x42: {  	_ =	shalt  }
0x43: {  	_ =	shalt  }
0x44: {  	_ =	shalt  }
0x45: {  	_ =	shalt  }
0x46: {  	_ =	shalt  }
0x47: {  	_ =	shalt  }
0x48: {  	_ =	shalt  }
0x49: {  	_ =	shalt  }
0x4a: {  	_ =	shalt  }
0x4b: {  	_ =	shalt  }
0x4c: {  	_ =	shalt  }
0x4d: {  	_ =	shalt  }
0x4e: {  	_ =	shalt  }
0x4f: {  	_ =	shalt  }
0x50: {  	_ =	shalt  }
0x51: {  	_ =	shalt  }
0x52: {  	_ =	shalt  }
0x53: {  	_ =	shalt  }
0x54: {  	_ =	shalt  }
0x55: {  	_ =	shalt  }
0x56: {  	_ =	shalt  }
0x57: {  	_ =	shalt  }
0x58: {  	_ =	shalt  }
0x59: {  	_ =	shalt  }
0x5a: {  	_ =	shalt  }
0x5b: {  	_ =	shalt  }
0x5c: {  	_ =	shalt  }
0x5d: {  	_ =	shalt  }
0x5e: {  	_ =	shalt  }
0x5f: {  	_ =	shalt  }
0x60: {  	_ =	shalt  }
0x61: {  	_ =	shalt  }
0x62: {  	_ =	shalt  }
0x63: {  	_ =	shalt  }
0x64: {  	_ =	shalt  }
0x65: {  	_ =	shalt  }
0x66: {  	_ =	shalt  }
0x67: {  	_ =	shalt  }
0x68: {  	_ =	shalt  }
0x69: {  	_ =	shalt  }
0x6a: {  	_ =	shalt  }
0x6b: {  	_ =	shalt  }
0x6c: {  	_ =	shalt  }
0x6d: {  	_ =	shalt  }
0x6e: {  	_ =	shalt  }
0x6f: {  	_ =	shalt  }
0x70: {  	_ =	shalt  }
0x71: {  	_ =	shalt  }
0x72: {  	_ =	shalt  }
0x73: {  	_ =	shalt  }
0x74: {  	_ =	shalt  }
0x75: {  	_ =	shalt  }
0x76: {  	_ =	shalt  }
0x77: {  	_ =	shalt  }
0x78: {  	_ =	shalt  }
0x79: {  	_ =	shalt  }
0x7a: {  	_ =	shalt  }
0x7b: {  	_ =	shalt  }
0x7c: {  	_ =	shalt  }
0x7d: {  	_ =	shalt  }
0x7e: {  	_ =	shalt  }
0x7f: {  	_ =	shalt  }
0x80: {  	_ =	shalt  }
0x81: {  	_ =	shalt  }
0x82: {  	_ =	shalt  }
0x83: {  	_ =	shalt  }
0x84: {  	_ =	shalt  }
0x85: {  	_ =	shalt  }
0x86: {  	_ =	shalt  }
0x87: {  	_ =	shalt  }
.Lfunc_end0:
.L_simem_size_0:
called_computation_lowered:
.L_overlay_start_0:
0x88: {  	s2 =	sld [smem:$0x3FD9]  }
0x89: {  	s3 =	sld [smem:$0x3FFE];
	_ =	sdelay $0x1  }
0x8a: {  	s1 =	srdreg.scid  }
0x8b: {  	s0 =	sand.u32 $0x1, s1  }
0x8c: {  	s17 =	sshll.u32 s0, $0xA;
	s2 =	sadd.s32 s3, s2  }
0x8d: {  	s2 =	sadd.s32 s2, s17  }
0x8e: {  	[smem:$0x3FB4] =	sst s2  }
0x8f: {  	_ = 	snop  }
0x90: {  	s2 =	sld [smem:$0x3FC6];
	(tm) =	ssettm $0x1  }
0x91: {  	s18 =	sld [smem:$0x3FFB];
	_ =	sdelay $0x3  }
0x92: {  	_ =	strace s18  }
0x93: {  	s3 =	sld [smem:$0x3FFC];
	_ =	sdelay $0x3  }
0x94: {  	_ =	strace s3  }
0x95: {  	s3 =	sld [smem:$0x3FFD];
	_ =	sdelay $0x3  }
0x96: {  	_ =	strace s3  }
0x97: {  	_ =	strace $0x8FFFFFFF  }
0x98: {  	s19 =	sld [smem:$0x3FDB];
	_ =	sdelay $0x1  }
0x99: {  	s4 =	simm.s32 $_scs_section_size  }
0x9a: {  	s5 =	simm.s32 $_size__tile_overlayer_lowered;
	s6 =	simm.s32 $_tile_overlayer_lowered  }
0x9b: {  	s22 =	simm.s32 $0x1BFF;
	s21 =	sshll.u32 s6, $0x1;
	s3 =	sadd.s32 s4, s19  }
0x9c: {  	s7 =	simm.s32 $0x0;
	s20 =	sshll.u32 s5, $0x1;
	s5 =	sadd.s32 s21, s3  }
0x9d: {  	[timem:s7], [sflag:s22] =	dma.local [hbm:s5], s20  }
0x9e: {  	_ =	swait.ge [sflag:s22], s20  }
0x9f: {  	s4 =	ssub.s32 $0x0, s20;
	[sflag:s22] =	ssyncset.done $0x0  }
0xa0: {  	[sflag:s22] =	ssyncadd.s32 s4;
	_ =	sdelay $0x1  }
0xa1: {  	s23 =	simm.s32 $0x1B8B  }
0xa2: {  	_ =	swait.ge [sflag:s23], $0x1  }
0xa3: {  	[sflag:s23] =	ssyncset.done $0x0  }
0xa4: {  	s25 =	simm.s32 $0x1B8E;
	s24 =	sld [smem:$0x3FFE];
	[sflag:s23] =	ssyncadd.s32 $0xFFFFFFFF  }
0xa5: {  	s26 =	simm.s32 $execute0_lowered;
	[smem:$0x3FD2] =	sst s25  }
0xa6: {  	s5 =	sshll.u32 s26, $0x1;
	_ =	strace $0x80000046;
	[dreg:$0x1] =	wrdreg $0xFFFFFFFF  }
0xa7: {  	s28 =	simm.s32 $_size_execute0_lowered;
	s3 =	sadd.s32 s3, s5;
	[dreg:$0x0] =	wrdreg $0x0  }
0xa8: {  	s5 =	sshll.u32 s28, $0x1;
	[dreg:$0x2] =	wrdreg s3  }
0xa9: {  	[dreg:$0x3] =	wrdreg s5  }
0xaa: {  	[dreg:$0x4] =	wrdreg $0xC0  }
0xab: {  	_ =	task [dreg:s7], $0x5FFFF  }
0xac: {  	[dreg:$0x1] =	wrdreg $0xFFFFFFFF  }
0xad: {  	[dreg:$0x0] =	wrdreg $0x60  }
0xae: {  	[dreg:$0x2] =	wrdreg s24  }
0xaf: {  	[dreg:$0x3] =	wrdreg s2  }
0xb0: {  	[dreg:$0x4] =	wrdreg $0xF5000  }
0xb1: {  	[dreg:$0x5] =	wrdreg $0xF7780  }
0xb2: {  	[dreg:$0x6] =	wrdreg $0x9  }
0xb3: {  	_ =	task.clear_ibuf [dreg:s7], $0x7FFFF;
	_ =	strace $0x90000046  }
0xb4: {  	s29 =	simm.s32 $0x9;
	_ =	strace $0x80000048  }
0xb5: {  	_ =	swait.ge [sflag:s29], $0x1  }
0xb6: {  	[sflag:s29] =	ssyncadd.s32 $0xFFFFFFFF  }
0xb7: {  	_ =	strace $0x90000048  }
0xb8: {  	_ =	sfence  }
0xb9: {  	s30 =	sld [smem:$0x0];
	_ =	sdelay $0x2  }
0xba: {  	s31 =	sshll.u32 s1, $0xD;
	s1 =	sshrl.u32 s1, $0x2  }
0xbb: {  	s3 =	sand.u32 $0x4000, s31;
	s1 =	sadd.s32 s1, s30  }
0xbc: {  	s0 =	sor.u32 s3, s0;
	s1 =	sshll.u32 s1, $0x11  }
0xbd: {  	s0 =	sor.u32 s1, s0  }
0xbe: {  	s0 =	sadd.s32 $0x8F2B, s0  }
0xbf: {  	[sflag:s0] =	ssyncadd.remote.s32 $0x1  }
0xc0: {  	_ =	sfence.sel $0xFFFF  }
0xc1: {  	[dreg:$0x0] =	wrdreg $0xFFFFFFFF;
	(pc) =	sbr.abs _section_cstart, $3  }
0xc2: {  	[dreg:$0x1] =	wrdreg $0xFFFFFFFF  }
0xc3: {  	_ =	task.clear_ibuf [dreg:s7], $0x2FFFF;
	_ =	strace $0x9FFFFFFF  }
0xc4: {  	(tm) =	ssettm $0x7FFFFFFF  }
0xc5: {  	_ =	shalt  }
tec
execute0_lowered:
.L_overlay_start_1:
0x0: {  	(tag) =	ssettag $0x1  }
0x1: {  	s1 =	rddreg [dreg:$0x0]  }
0x2: {  	s0 =	rddreg [dreg:$0x1]  }
0x3: {  	s3 =	srdreg.scid;
	s2 =	rddreg [dreg:$0x2]  }
0x4: {  	s6 =	stileid.u32;
	s4 =	simm.s32 $0x0;
	s28 =	simm.s32 $0x5380  }
0x5: {  	s29 =	simm.s32 $0x7D00;
	s5 =	sand.u32 $0x1, s3;
	s3 =	rddreg [dreg:$0x3]  }
0x6: {  	s30 =	simm.s32 $0x5400;
	s31 =	simm.s32 $0xA500;
	[smem:$0x7FF] =	sst s4  }
0x7: {  	s10 =	sadd.s32 $0x2BC00, s1;
	s12 =	sadd.s32 $0x2D600, s1;
	s13 =	smul.u32 $0x270, s6  }
0x8: {  	s18 =	sadd.s32 $0x2490, s2;
	p1 =	seq.s32 s6, $0xF;
	p0 =	sne.s32 s6, $0x0  }
0x9: {  	s7 =	sshll.u32 s5, $0x4;
	_ =	strace $0x80000047;
	s5 =	ssub.s32 $0x2, s5  }
0xa: {  	[dreg:$0x7] =	wrdreg s18;
	s20 =	sadd.s32 $0x2490, s3;
	s8 =	sor.u32 s6, s7  }
0xb: {  	s23 =	sshrl.u32 s5, $0x1;
	s15 =	sadd.s32 s13, s2;
	s13 =	sadd.s32 s13, s3  }
0xc: {  	[dreg:$0x8] =	wrdreg s20;
	s6 =	simm.s32 $0x2;
	s9 =	smul.u32 $0x500, s8  }
0xd: {  	s5 =	ssub.s32 s5, s23;
	s24 =	smul.u32 $0xA, s8;
	s14 =	sor.u32 $0x20, s8  }
0xe: {  	[dreg:$0x5] =	wrdreg s15;
	s16 =	sor.u32 $0x40, s8;
	s25 =	smul.u32 $0xA, s14  }
0xf: {  	[dreg:$0x6] =	wrdreg s13;
	s17 =	sor.u32 $0x60, s8;
	s26 =	smul.u32 $0xA, s16  }
0x10: {  	p2 =	sgt.u32 s8, $0x1C;
	s8 =	simm.s32 $0x4;
	s21 =	smul.u32 $0xA, s17  }
0x11: {  	s11 =	sadd.s32 s9, s1;
	s1 =	sadd.s32 s7, s1;
	s7 =	sadd.s32 s10, s24  }
0x12: {  	s22 =	smul.u32 $0x500, s14;
	s9 =	sadd.s32 s12, s9;
	[dreg:$0xb] =	wrdreg s7  }
0x13: {  	s24 =	smul.u32 $0x500, s16;
	s19 =	sadd.s32 $0x17C00, s11;
	[dreg:$0xf] =	wrdreg s9  }
0x14: {  	s11 =	sadd.s32 $0x21C00, s11;
	s23 =	sadd.s32 s10, s25;
	[dreg:$0x9] =	wrdreg s19  }
0x15: {  	s13 =	sadd.s32 s10, s26;
	s10 =	sadd.s32 s10, s21;
	[dreg:$0xa] =	wrdreg s11  }
0x16: {  	s25 =	smul.u32 $0x500, s17;
	s26 =	sadd.s32 s12, s22;
	[dreg:$0xc] =	wrdreg s23  }
0x17: {  	s20 =	sadd.s32 $0x2CC00, s1;
	s21 =	smax.u32 s5, $0x1;
	[dreg:$0xd] =	wrdreg s13  }
0x18: {  	s22 =	simm.s32 $0x7;
	s5 =	simm.s32 $0x1;
	[dreg:$0xe] =	wrdreg s10  }
0x19: {  	s7 =	simm.s32 $0x3;
	s9 =	simm.s32 $0x5;
	[dreg:$0x10] =	wrdreg s26  }
0x1a: {  	s17 =	sadd.s32 s12, s24;
	s19 =	sadd.s32 $0x2C200, s1;
	s24 =	simm.s32 $0x5300  }
0x1b: {  	s26 =	simm.s32 $0x5500;
	s1 =	simm.s32 $0x7D;
	s23 =	simm.s32 $0x5000  }
0x1c: {  	v0 =	vimm.f32 $1.000000000e+00;
	v1 =	vimm.f32 $0.0e+00;
	s10 =	simm.s32 $0x0;
	s18 =	sadd.s32 s12, s25;
	s25 =	simm.s32 $0x50  }
.LBB2_1:
0x1d: {  	[tilespmem:$0x5000] =	vst v0  }
0x1e: {  	[tilespmem:$0x5010] =	vst v0  }
0x1f: {  	[tilespmem:$0x5020] =	vst v0  }
0x20: {  	[tilespmem:$0x5030] =	vst v0  }
0x21: {  	[tilespmem:$0x5040] =	vst v0  }
0x22: {  	[tilespmem:$0x5050] =	vst v0  }
0x23: {  	[tilespmem:$0x5060] =	vst v0  }
0x24: {  	[tilespmem:$0x5070] =	vst v0  }
0x25: {  	[tilespmem:$0x5080] =	vst v1  }
0x26: {  	[tilespmem:$0x5090] =	vst v1  }
0x27: {  	[tilespmem:$0x50A0] =	vst v1  }
0x28: {  	[tilespmem:$0x50B0] =	vst v1  }
0x29: {  	[tilespmem:$0x50C0] =	vst v1  }
0x2a: {  	[tilespmem:$0x50D0] =	vst v1  }
0x2b: {  	[tilespmem:$0x50E0] =	vst v1  }
0x2c: {  	[tilespmem:$0x50F0] =	vst v1  }
0x2d: {  	[tilespmem:$0x5100] =	vst v1  }
0x2e: {  	[tilespmem:$0x5110] =	vst v1  }
0x2f: {  	[tilespmem:$0x5120] =	vst v1  }
0x30: {  	[tilespmem:$0x5130] =	vst v1  }
0x31: {  	[tilespmem:$0x5140] =	vst v1  }
0x32: {  	[tilespmem:$0x5150] =	vst v1  }
0x33: {  	[tilespmem:$0x5160] =	vst v1  }
0x34: {  	[tilespmem:$0x5170] =	vst v1  }
0x35: {  	[tilespmem:$0x5180] =	vst v1  }
0x36: {  	[tilespmem:$0x5190] =	vst v1  }
0x37: {  	[tilespmem:$0x51A0] =	vst v1  }
0x38: {  	[tilespmem:$0x51B0] =	vst v1  }
0x39: {  	[tilespmem:$0x51C0] =	vst v1  }
0x3a: {  	[tilespmem:$0x51D0] =	vst v1  }
0x3b: {  	[tilespmem:$0x51E0] =	vst v1  }
0x3c: {  	[tilespmem:$0x51F0] =	vst v1  }
0x3d: {  	[tilespmem:$0x5200] =	vst v1  }
0x3e: {  	[tilespmem:$0x5210] =	vst v1  }
0x3f: {  	[tilespmem:$0x5220] =	vst v1  }
0x40: {  	[tilespmem:$0x5230] =	vst v1  }
0x41: {  	[tilespmem:$0x5240] =	vst v1  }
0x42: {  	[tilespmem:$0x5250] =	vst v1  }
0x43: {  	[tilespmem:$0x5260] =	vst v1  }
0x44: {  	[tilespmem:$0x5270] =	vst v1  }
0x45: {  	[tilespmem:$0x5280] =	vst v1  }
0x46: {  	[tilespmem:$0x5290] =	vst v1  }
0x47: {  	[tilespmem:$0x52A0] =	vst v1  }
0x48: {  	[tilespmem:$0x52B0] =	vst v1  }
0x49: {  	[tilespmem:$0x52C0] =	vst v1  }
0x4a: {  	[tilespmem:$0x52D0] =	vst v1  }
0x4b: {  	[tilespmem:$0x52E0] =	vst v1  }
0x4c: {  	[tilespmem:$0x52F0] =	vst v1;
	s11 =	simm.s32 @p1 $0x5080;
	s12 =	rddreg [dreg:$0x7]  }
0x4d: {  	[spmem:s12] =	stream.linear.scatter @p1 [tilespmem:s11], [sflag:$0x7], $0x280, $0x38;
	[tilespmem:$0xF9F0] =	vst v63  }
0x4e: {  	s12 =	simm.s32 @p1 $0x7  }
0x4f: {  	_ =	swait.ge @p1 [sflag:s12], $0x280  }
0x50: {  	[sflag:s12] =	ssyncset.done @p1 $0x0  }
0x51: {  	s13 =	rddreg [dreg:$0x8];
	[sflag:s12] =	ssyncadd.s32 @p1 $0xFFFFFD80  }
0x52: {  	[spmem:s13] =	stream.linear.scatter @p1 [tilespmem:s11], [sflag:$0x7], $0x280, $0x38;
	[tilespmem:$0xF9F0] =	vst v63  }
0x53: {  	_ =	swait.ge @p1 [sflag:s12], $0x280  }
0x54: {  	[sflag:s12] =	ssyncset.done @p1 $0x0  }
0x55: {  	s11 =	simm.s32 @!p1 $0x5080;
	[sflag:s12] =	ssyncadd.s32 @p1 $0xFFFFFD80;
	s12 =	rddreg [dreg:$0x5]  }
0x56: {  	[spmem:s12] =	stream.linear.scatter @!p1 [tilespmem:s11], [sflag:$0x7], $0x270, $0x38;
	[tilespmem:$0xF9F0] =	vst v63  }
0x57: {  	s12 =	simm.s32 @!p1 $0x7  }
0x58: {  	_ =	swait.ge @!p1 [sflag:s12], $0x270  }
0x59: {  	[sflag:s12] =	ssyncset.done @!p1 $0x0  }
0x5a: {  	s13 =	rddreg [dreg:$0x6];
	[sflag:s12] =	ssyncadd.s32 @!p1 $0xFFFFFD90  }
0x5b: {  	[spmem:s13] =	stream.linear.scatter @!p1 [tilespmem:s11], [sflag:$0x7], $0x270, $0x38;
	[tilespmem:$0xF9F0] =	vst v63  }
0x5c: {  	_ =	swait.ge @!p1 [sflag:s12], $0x270  }
0x5d: {  	[sflag:s12] =	ssyncset.done @!p1 $0x0  }
0x5e: {  	s14 =	rddreg [dreg:$0x9];
	[sflag:s12] =	ssyncadd.s32 @!p1 $0xFFFFFD90  }
0x5f: {  	[tilespmem:s4], [sflag:$0x7] =	stream.linear.gather [hbm4b:s14+s4], $0x2800, $0x38;
	[tilespmem:$0xF9F0] =	vst v63  }
0x60: {  	_ =	swait.ge [sflag:s22], $0x2800  }
0x61: {  	[sflag:s22] =	ssyncset.done $0x0  }
0x62: {  	s16 =	simm.s32 $0x2800;
	s15 =	rddreg [dreg:$0xa];
	[sflag:s22] =	ssyncadd.s32 $0xFFFFD800  }
0x63: {  	[tilespmem:s16], [sflag:$0x7] =	stream.linear.gather [hbm4b:s15+s4], $0x2800, $0x38;
	[tilespmem:$0xF9F0] =	vst v63  }
0x64: {  	_ =	swait.ge [sflag:s22], $0x2800  }
0x65: {  	[sflag:s22] =	ssyncset.done $0x0  }
0x66: {  	s13 =	rddreg [dreg:$0xb];
	[sflag:s22] =	ssyncadd.s32 $0xFFFFD800  }
0x67: {  	[tilespmem:s24], [sflag:$0x7] =	stream.linear.gather [hbm4b:s13+s4], $0x50, $0x38;
	[tilespmem:$0xF9F0] =	vst v63  }
0x68: {  	_ =	swait.ge [sflag:s22], $0x50  }
0x69: {  	[sflag:s22] =	ssyncset.done $0x0  }
0x6a: {  	[sflag:s22] =	ssyncadd.s32 $0xFFFFFFB0  }
0x6b: {  	[tilespmem:s26], [sflag:$0x3] =	stream.indirect.gather [hbm4b:s0+s25], $0x80, s24, s25, $0xb8;
	[tilespmem:$0xF9F0] =	vst v63  }
0x6c: {  	s14 =	rddreg [dreg:$0xc]  }
0x6d: {  	[tilespmem:s28], [sflag:$0x7] =	stream.linear.gather [hbm4b:s14+s4], $0x50, $0x38;
	[tilespmem:$0xF9F0] =	vst v63  }
0x6e: {  	_ =	swait.ge [sflag:s22], $0x50  }
0x6f: {  	[sflag:s22] =	ssyncset.done $0x0  }
0x70: {  	[sflag:s22] =	ssyncadd.s32 $0xFFFFFFB0  }
0x71: {  	[tilespmem:s29], [sflag:$0x4] =	stream.indirect.gather [hbm4b:s0+s25], $0x80, s28, s25, $0xb8;
	[tilespmem:$0xF9F0] =	vst v63  }
0x72: {  	s15 =	rddreg [dreg:$0xd]  }
0x73: {  	[tilespmem:s30], [sflag:$0x7] =	stream.linear.gather [hbm4b:s15+s4], $0x50, $0x38;
	[tilespmem:$0xF9F0] =	vst v63  }
0x74: {  	_ =	swait.ge [sflag:s22], $0x50  }
0x75: {  	[sflag:s22] =	ssyncset.done $0x0  }
0x76: {  	[sflag:s22] =	ssyncadd.s32 $0xFFFFFFB0  }
0x77: {  	[tilespmem:s31], [sflag:$0x5] =	stream.indirect.gather [hbm4b:s0+s25], $0x80, s30, s25, $0xb8;
	[tilespmem:$0xF9F0] =	vst v63  }
0x78: {  	s11 =	simm.s32 @!p2 $0x0;
	s12 =	simm.s32 @!p2 $0x5480;
	s13 =	rddreg [dreg:$0xe]  }
0x79: {  	[tilespmem:s12], [sflag:$0x7] =	stream.linear.gather @!p2 [hbm4b:s13+s11], $0x50, $0x38;
	[tilespmem:$0xF9F0] =	vst v63  }
0x7a: {  	s11 =	simm.s32 @!p2 $0x7  }
0x7b: {  	_ =	swait.ge @!p2 [sflag:s11], $0x50  }
0x7c: {  	[sflag:s11] =	ssyncset.done @!p2 $0x0  }
0x7d: {  	s13 =	simm.s32 @!p2 $0xCD00;
	[sflag:s11] =	ssyncadd.s32 @!p2 $0xFFFFFFB0;
	s11 =	simm.s32 @!p2 $0x50  }
0x7e: {  	[tilespmem:s13], [sflag:$0x6] =	stream.indirect.gather @!p2 [hbm4b:s0+s11], $0x80, s12, s11, $0xb8;
	[tilespmem:$0xF9F0] =	vst v63  }
0x7f: {  	s16 =	simm.s32 $0x0;
	[bflag:$0x0] =	sbarrier.arrive $0xFFFF  }
0x80: {  	[spmem:s2] =	stream.indirect.scatter.add.f32 [tilespmem:s23], [sflag:$0x1], $0x1, s16, s1, $0xb8;
	[tilespmem:$0xF9F0] =	vst v63  }
0x81: {  	s12 =	simm.s32 $0x2800  }
0x82: {  	[spmem:s3] =	stream.indirect.scatter.add.f32 [tilespmem:s23], [sflag:$0x2], $0x1, s12, s1, $0xb8;
	[tilespmem:$0xF9F0] =	vst v63  }
0x83: {  	s13 =	simm.s32 $0x80  }
0x84: {  	[spmem:s2] =	stream.indirect.scatter.add.f32 [tilespmem:s23], [sflag:$0x1], $0x1, s13, s1, $0xb8;
	[tilespmem:$0xF9F0] =	vst v63  }
0x85: {  	s14 =	simm.s32 $0x2880  }
0x86: {  	[spmem:s3] =	stream.indirect.scatter.add.f32 [tilespmem:s23], [sflag:$0x2], $0x1, s14, s1, $0xb8;
	[tilespmem:$0xF9F0] =	vst v63  }
0x87: {  	s15 =	simm.s32 $0x100  }
0x88: {  	[spmem:s2] =	stream.indirect.scatter.add.f32 [tilespmem:s23], [sflag:$0x1], $0x1, s15, s1, $0xb8;
	[tilespmem:$0xF9F0] =	vst v63  }
0x89: {  	s16 =	simm.s32 $0x2900  }
0x8a: {  	[spmem:s3] =	stream.indirect.scatter.add.f32 [tilespmem:s23], [sflag:$0x2], $0x1, s16, s1, $0xb8;
	[tilespmem:$0xF9F0] =	vst v63  }
0x8b: {  	s12 =	simm.s32 $0x180  }
0x8c: {  	[spmem:s2] =	stream.indirect.scatter.add.f32 [tilespmem:s23], [sflag:$0x1], $0x1, s12, s1, $0xb8;
	[tilespmem:$0xF9F0] =	vst v63  }
0x8d: {  	s13 =	simm.s32 $0x2980  }
0x8e: {  	[spmem:s3] =	stream.indirect.scatter.add.f32 [tilespmem:s23], [sflag:$0x2], $0x1, s13, s1, $0xb8;
	[tilespmem:$0xF9F0] =	vst v63  }
0x8f: {  	s14 =	simm.s32 $0x200  }
0x90: {  	[spmem:s2] =	stream.indirect.scatter.add.f32 [tilespmem:s23], [sflag:$0x1], $0x1, s14, s1, $0xb8;
	[tilespmem:$0xF9F0] =	vst v63  }
0x91: {  	s15 =	simm.s32 $0x2A00  }
0x92: {  	[spmem:s3] =	stream.indirect.scatter.add.f32 [tilespmem:s23], [sflag:$0x2], $0x1, s15, s1, $0xb8;
	[tilespmem:$0xF9F0] =	vst v63  }
0x93: {  	s16 =	simm.s32 $0x280  }
0x94: {  	[spmem:s2] =	stream.indirect.scatter.add.f32 [tilespmem:s23], [sflag:$0x1], $0x1, s16, s1, $0xb8;
	[tilespmem:$0xF9F0] =	vst v63  }
0x95: {  	s12 =	simm.s32 $0x2A80  }
0x96: {  	[spmem:s3] =	stream.indirect.scatter.add.f32 [tilespmem:s23], [sflag:$0x2], $0x1, s12, s1, $0xb8;
	[tilespmem:$0xF9F0] =	vst v63  }
0x97: {  	s13 =	simm.s32 $0x300  }
0x98: {  	[spmem:s2] =	stream.indirect.scatter.add.f32 [tilespmem:s23], [sflag:$0x1], $0x1, s13, s1, $0xb8;
	[tilespmem:$0xF9F0] =	vst v63  }
0x99: {  	s14 =	simm.s32 $0x2B00  }
0x9a: {  	[spmem:s3] =	stream.indirect.scatter.add.f32 [tilespmem:s23], [sflag:$0x2], $0x1, s14, s1, $0xb8;
	[tilespmem:$0xF9F0] =	vst v63  }
0x9b: {  	s15 =	simm.s32 $0x380  }
0x9c: {  	[spmem:s2] =	stream.indirect.scatter.add.f32 [tilespmem:s23], [sflag:$0x1], $0x1, s15, s1, $0xb8;
	[tilespmem:$0xF9F0] =	vst v63  }
0x9d: {  	s16 =	simm.s32 $0x2B80  }
0x9e: {  	[spmem:s3] =	stream.indirect.scatter.add.f32 [tilespmem:s23], [sflag:$0x2], $0x1, s16, s1, $0xb8;
	[tilespmem:$0xF9F0] =	vst v63  }
0x9f: {  	_ =	swait.ge [sflag:s5], $0x7D  }
0xa0: {  	[sflag:s5] =	ssyncset.done $0x0  }
0xa1: {  	[sflag:s5] =	ssyncadd.s32 $0xFFFFFF83  }
0xa2: {  	_ =	swait.ge [sflag:s6], $0x7D  }
0xa3: {  	[sflag:s6] =	ssyncset.done $0x0  }
0xa4: {  	[sflag:s6] =	ssyncadd.s32 $0xFFFFFF83  }
0xa5: {  	_ =	swait.ge [sflag:s5], $0x7D  }
0xa6: {  	[sflag:s5] =	ssyncset.done $0x0  }
0xa7: {  	[sflag:s5] =	ssyncadd.s32 $0xFFFFFF83  }
0xa8: {  	_ =	swait.ge [sflag:s6], $0x7D  }
0xa9: {  	[sflag:s6] =	ssyncset.done $0x0  }
0xaa: {  	[sflag:s6] =	ssyncadd.s32 $0xFFFFFF83  }
0xab: {  	_ =	swait.ge [sflag:s5], $0x7D  }
0xac: {  	[sflag:s5] =	ssyncset.done $0x0  }
0xad: {  	[sflag:s5] =	ssyncadd.s32 $0xFFFFFF83  }
0xae: {  	_ =	swait.ge [sflag:s6], $0x7D  }
0xaf: {  	[sflag:s6] =	ssyncset.done $0x0  }
0xb0: {  	[sflag:s6] =	ssyncadd.s32 $0xFFFFFF83  }
0xb1: {  	_ =	swait.ge [sflag:s5], $0x7D  }
0xb2: {  	[sflag:s5] =	ssyncset.done $0x0  }
0xb3: {  	[sflag:s5] =	ssyncadd.s32 $0xFFFFFF83  }
0xb4: {  	_ =	swait.ge [sflag:s6], $0x7D  }
0xb5: {  	[sflag:s6] =	ssyncset.done $0x0  }
0xb6: {  	[sflag:s6] =	ssyncadd.s32 $0xFFFFFF83  }
0xb7: {  	_ =	swait.ge [sflag:s5], $0x7D  }
0xb8: {  	[sflag:s5] =	ssyncset.done $0x0  }
0xb9: {  	[sflag:s5] =	ssyncadd.s32 $0xFFFFFF83  }
0xba: {  	_ =	swait.ge [sflag:s6], $0x7D  }
0xbb: {  	[sflag:s6] =	ssyncset.done $0x0  }
0xbc: {  	[sflag:s6] =	ssyncadd.s32 $0xFFFFFF83  }
0xbd: {  	_ =	swait.ge [sflag:s5], $0x7D  }
0xbe: {  	[sflag:s5] =	ssyncset.done $0x0  }
0xbf: {  	[sflag:s5] =	ssyncadd.s32 $0xFFFFFF83  }
0xc0: {  	_ =	swait.ge [sflag:s6], $0x7D  }
0xc1: {  	[sflag:s6] =	ssyncset.done $0x0  }
0xc2: {  	[sflag:s6] =	ssyncadd.s32 $0xFFFFFF83  }
0xc3: {  	_ =	swait.ge [sflag:s5], $0x7D  }
0xc4: {  	[sflag:s5] =	ssyncset.done $0x0  }
0xc5: {  	[sflag:s5] =	ssyncadd.s32 $0xFFFFFF83  }
0xc6: {  	_ =	swait.ge [sflag:s6], $0x7D  }
0xc7: {  	[sflag:s6] =	ssyncset.done $0x0  }
0xc8: {  	[sflag:s6] =	ssyncadd.s32 $0xFFFFFF83  }
0xc9: {  	_ =	swait.ge [sflag:s5], $0x7D  }
0xca: {  	[sflag:s5] =	ssyncset.done $0x0  }
0xcb: {  	[sflag:s5] =	ssyncadd.s32 $0xFFFFFF83  }
0xcc: {  	_ =	swait.ge [sflag:s6], $0x7D  }
0xcd: {  	s11 =	simm.s32 $0x1000;
	s12 =	simm.s32 $0x2000;
	[sflag:s6] =	ssyncset.done $0x0  }
.LBB2_2:
0xce: {  	s13 =	sshra.s32 s11, $0x2  }
0xcf: {  	[sflag:s6] =	ssyncadd.s32 $0xFFFFFF83;
	s11 =	smov.u32 s12;
	s14 =	sadd.s32 $0x1000, s12  }
0xd0: {  	[spmem:s2] =	stream.indirect.scatter.add.f32 [tilespmem:s23], [sflag:$0x1], $0x1, s13, s1, $0xb8;
	[tilespmem:$0xF9F0] =	vst v63  }
0xd1: {  	p3 =	sne.s32 s12, $0x9000;
	s12 =	sadd.s32 $0x2800, s13  }
0xd2: {  	[spmem:s3] =	stream.indirect.scatter.add.f32 [tilespmem:s23], [sflag:$0x2], $0x1, s12, s1, $0xb8;
	[tilespmem:$0xF9F0] =	vst v63  }
0xd3: {  	s12 =	sadd.s32 $0x80, s13  }
0xd4: {  	[spmem:s2] =	stream.indirect.scatter.add.f32 [tilespmem:s23], [sflag:$0x1], $0x1, s12, s1, $0xb8;
	[tilespmem:$0xF9F0] =	vst v63  }
0xd5: {  	s12 =	sadd.s32 $0x2880, s13  }
0xd6: {  	[spmem:s3] =	stream.indirect.scatter.add.f32 [tilespmem:s23], [sflag:$0x2], $0x1, s12, s1, $0xb8;
	[tilespmem:$0xF9F0] =	vst v63  }
0xd7: {  	s12 =	sadd.s32 $0x100, s13  }
0xd8: {  	[spmem:s2] =	stream.indirect.scatter.add.f32 [tilespmem:s23], [sflag:$0x1], $0x1, s12, s1, $0xb8;
	[tilespmem:$0xF9F0] =	vst v63  }
0xd9: {  	s12 =	sadd.s32 $0x2900, s13  }
0xda: {  	[spmem:s3] =	stream.indirect.scatter.add.f32 [tilespmem:s23], [sflag:$0x2], $0x1, s12, s1, $0xb8;
	[tilespmem:$0xF9F0] =	vst v63  }
0xdb: {  	s12 =	sadd.s32 $0x180, s13  }
0xdc: {  	[spmem:s2] =	stream.indirect.scatter.add.f32 [tilespmem:s23], [sflag:$0x1], $0x1, s12, s1, $0xb8;
	[tilespmem:$0xF9F0] =	vst v63  }
0xdd: {  	s12 =	sadd.s32 $0x2980, s13  }
0xde: {  	[spmem:s3] =	stream.indirect.scatter.add.f32 [tilespmem:s23], [sflag:$0x2], $0x1, s12, s1, $0xb8;
	[tilespmem:$0xF9F0] =	vst v63  }
0xdf: {  	s12 =	sadd.s32 $0x200, s13  }
0xe0: {  	[spmem:s2] =	stream.indirect.scatter.add.f32 [tilespmem:s23], [sflag:$0x1], $0x1, s12, s1, $0xb8;
	[tilespmem:$0xF9F0] =	vst v63  }
0xe1: {  	s12 =	sadd.s32 $0x2A00, s13  }
0xe2: {  	[spmem:s3] =	stream.indirect.scatter.add.f32 [tilespmem:s23], [sflag:$0x2], $0x1, s12, s1, $0xb8;
	[tilespmem:$0xF9F0] =	vst v63  }
0xe3: {  	s12 =	sadd.s32 $0x280, s13  }
0xe4: {  	[spmem:s2] =	stream.indirect.scatter.add.f32 [tilespmem:s23], [sflag:$0x1], $0x1, s12, s1, $0xb8;
	[tilespmem:$0xF9F0] =	vst v63  }
0xe5: {  	s12 =	sadd.s32 $0x2A80, s13  }
0xe6: {  	[spmem:s3] =	stream.indirect.scatter.add.f32 [tilespmem:s23], [sflag:$0x2], $0x1, s12, s1, $0xb8;
	[tilespmem:$0xF9F0] =	vst v63  }
0xe7: {  	s12 =	sadd.s32 $0x300, s13  }
0xe8: {  	[spmem:s2] =	stream.indirect.scatter.add.f32 [tilespmem:s23], [sflag:$0x1], $0x1, s12, s1, $0xb8;
	[tilespmem:$0xF9F0] =	vst v63  }
0xe9: {  	s12 =	sadd.s32 $0x2B00, s13  }
0xea: {  	[spmem:s3] =	stream.indirect.scatter.add.f32 [tilespmem:s23], [sflag:$0x2], $0x1, s12, s1, $0xb8;
	[tilespmem:$0xF9F0] =	vst v63  }
0xeb: {  	s12 =	sadd.s32 $0x380, s13  }
0xec: {  	[spmem:s2] =	stream.indirect.scatter.add.f32 [tilespmem:s23], [sflag:$0x1], $0x1, s12, s1, $0xb8;
	[tilespmem:$0xF9F0] =	vst v63  }
0xed: {  	s12 =	sadd.s32 $0x2B80, s13  }
0xee: {  	[spmem:s3] =	stream.indirect.scatter.add.f32 [tilespmem:s23], [sflag:$0x2], $0x1, s12, s1, $0xb8;
	[tilespmem:$0xF9F0] =	vst v63  }
0xef: {  	_ =	swait.ge [sflag:s5], $0x7D  }
0xf0: {  	[sflag:s5] =	ssyncset.done $0x0  }
0xf1: {  	[sflag:s5] =	ssyncadd.s32 $0xFFFFFF83  }
0xf2: {  	_ =	swait.ge [sflag:s6], $0x7D  }
0xf3: {  	[sflag:s6] =	ssyncset.done $0x0  }
0xf4: {  	[sflag:s6] =	ssyncadd.s32 $0xFFFFFF83  }
0xf5: {  	_ =	swait.ge [sflag:s5], $0x7D  }
0xf6: {  	[sflag:s5] =	ssyncset.done $0x0  }
0xf7: {  	[sflag:s5] =	ssyncadd.s32 $0xFFFFFF83  }
0xf8: {  	_ =	swait.ge [sflag:s6], $0x7D  }
0xf9: {  	[sflag:s6] =	ssyncset.done $0x0  }
0xfa: {  	[sflag:s6] =	ssyncadd.s32 $0xFFFFFF83  }
0xfb: {  	_ =	swait.ge [sflag:s5], $0x7D  }
0xfc: {  	[sflag:s5] =	ssyncset.done $0x0  }
0xfd: {  	[sflag:s5] =	ssyncadd.s32 $0xFFFFFF83  }
0xfe: {  	_ =	swait.ge [sflag:s6], $0x7D  }
0xff: {  	[sflag:s6] =	ssyncset.done $0x0  }
0x100: {  	[sflag:s6] =	ssyncadd.s32 $0xFFFFFF83  }
0x101: {  	_ =	swait.ge [sflag:s5], $0x7D  }
0x102: {  	[sflag:s5] =	ssyncset.done $0x0  }
0x103: {  	[sflag:s5] =	ssyncadd.s32 $0xFFFFFF83  }
0x104: {  	_ =	swait.ge [sflag:s6], $0x7D  }
0x105: {  	[sflag:s6] =	ssyncset.done $0x0  }
0x106: {  	[sflag:s6] =	ssyncadd.s32 $0xFFFFFF83  }
0x107: {  	_ =	swait.ge [sflag:s5], $0x7D  }
0x108: {  	[sflag:s5] =	ssyncset.done $0x0  }
0x109: {  	[sflag:s5] =	ssyncadd.s32 $0xFFFFFF83  }
0x10a: {  	_ =	swait.ge [sflag:s6], $0x7D  }
0x10b: {  	[sflag:s6] =	ssyncset.done $0x0  }
0x10c: {  	[sflag:s6] =	ssyncadd.s32 $0xFFFFFF83  }
0x10d: {  	_ =	swait.ge [sflag:s5], $0x7D  }
0x10e: {  	[sflag:s5] =	ssyncset.done $0x0  }
0x10f: {  	[sflag:s5] =	ssyncadd.s32 $0xFFFFFF83  }
0x110: {  	_ =	swait.ge [sflag:s6], $0x7D  }
0x111: {  	[sflag:s6] =	ssyncset.done $0x0  }
0x112: {  	[sflag:s6] =	ssyncadd.s32 $0xFFFFFF83  }
0x113: {  	_ =	swait.ge [sflag:s5], $0x7D  }
0x114: {  	[sflag:s5] =	ssyncset.done $0x0  }
0x115: {  	[sflag:s5] =	ssyncadd.s32 $0xFFFFFF83  }
0x116: {  	_ =	swait.ge [sflag:s6], $0x7D  }
0x117: {  	[sflag:s6] =	ssyncset.done $0x0  }
0x118: {  	[sflag:s6] =	ssyncadd.s32 $0xFFFFFF83  }
.Ltmp0:
0x119: {  	_ =	swait.ge [sflag:s5], $0x7D;
	(pc) =	sbr.rel @p3 .LBB2_2-.Ltmp0, $4  }
0x11a: {  	[sflag:s5] =	ssyncset.done $0x0  }
0x11b: {  	[sflag:s5] =	ssyncadd.s32 $0xFFFFFF83  }
0x11c: {  	_ =	swait.ge [sflag:s6], $0x7D  }
0x11d: {  	s12 =	smov.u32 s14;
	[sflag:s6] =	ssyncset.done $0x0  }
0x11e: {  	s11 =	sshra.s32 s11, $0x2;
	[sflag:s6] =	ssyncadd.s32 $0xFFFFFF83  }
0x11f: {  	[spmem:s2] =	stream.indirect.scatter.add.f32 [tilespmem:s23], [sflag:$0x1], $0x1, s11, s1, $0xb8;
	[tilespmem:$0xF9F0] =	vst v63  }
0x120: {  	s12 =	sadd.s32 $0x2800, s11  }
0x121: {  	[spmem:s3] =	stream.indirect.scatter.add.f32 [tilespmem:s23], [sflag:$0x2], $0x1, s12, s1, $0xb8;
	[tilespmem:$0xF9F0] =	vst v63  }
0x122: {  	s14 =	sadd.s32 $0x80, s11  }
0x123: {  	[spmem:s2] =	stream.indirect.scatter.add.f32 [tilespmem:s23], [sflag:$0x1], $0x1, s14, s1, $0xb8;
	[tilespmem:$0xF9F0] =	vst v63  }
0x124: {  	s15 =	sadd.s32 $0x2880, s11  }
0x125: {  	[spmem:s3] =	stream.indirect.scatter.add.f32 [tilespmem:s23], [sflag:$0x2], $0x1, s15, s1, $0xb8;
	[tilespmem:$0xF9F0] =	vst v63  }
0x126: {  	s16 =	sadd.s32 $0x100, s11  }
0x127: {  	[spmem:s2] =	stream.indirect.scatter.add.f32 [tilespmem:s23], [sflag:$0x1], $0x1, s16, s1, $0xb8;
	[tilespmem:$0xF9F0] =	vst v63  }
0x128: {  	s13 =	sadd.s32 $0x2900, s11  }
0x129: {  	[spmem:s3] =	stream.indirect.scatter.add.f32 [tilespmem:s23], [sflag:$0x2], $0x1, s13, s1, $0xb8;
	[tilespmem:$0xF9F0] =	vst v63  }
0x12a: {  	s14 =	sadd.s32 $0x180, s11  }
0x12b: {  	[spmem:s2] =	stream.indirect.scatter.add.f32 [tilespmem:s23], [sflag:$0x1], $0x1, s14, s1, $0xb8;
	[tilespmem:$0xF9F0] =	vst v63  }
0x12c: {  	s15 =	sadd.s32 $0x2980, s11  }
0x12d: {  	[spmem:s3] =	stream.indirect.scatter.add.f32 [tilespmem:s23], [sflag:$0x2], $0x1, s15, s1, $0xb8;
	[tilespmem:$0xF9F0] =	vst v63  }
0x12e: {  	s16 =	sadd.s32 $0x200, s11  }
0x12f: {  	[spmem:s2] =	stream.indirect.scatter.add.f32 [tilespmem:s23], [sflag:$0x1], $0x1, s16, s1, $0xb8;
	[tilespmem:$0xF9F0] =	vst v63  }
0x130: {  	s13 =	sadd.s32 $0x2A00, s11  }
0x131: {  	[spmem:s3] =	stream.indirect.scatter.add.f32 [tilespmem:s23], [sflag:$0x2], $0x1, s13, s1, $0xb8;
	[tilespmem:$0xF9F0] =	vst v63  }
0x132: {  	s14 =	sadd.s32 $0x280, s11  }
0x133: {  	[spmem:s2] =	stream.indirect.scatter.add.f32 [tilespmem:s23], [sflag:$0x1], $0x1, s14, s1, $0xb8;
	[tilespmem:$0xF9F0] =	vst v63  }
0x134: {  	s15 =	sadd.s32 $0x2A80, s11  }
0x135: {  	[spmem:s3] =	stream.indirect.scatter.add.f32 [tilespmem:s23], [sflag:$0x2], $0x1, s15, s1, $0xb8;
	[tilespmem:$0xF9F0] =	vst v63  }
0x136: {  	s16 =	sadd.s32 $0x300, s11  }
0x137: {  	[spmem:s2] =	stream.indirect.scatter.add.f32 [tilespmem:s23], [sflag:$0x1], $0x1, s16, s1, $0xb8;
	[tilespmem:$0xF9F0] =	vst v63  }
0x138: {  	s13 =	sadd.s32 $0x2B00, s11  }
0x139: {  	[spmem:s3] =	stream.indirect.scatter.add.f32 [tilespmem:s23], [sflag:$0x2], $0x1, s13, s1, $0xb8;
	[tilespmem:$0xF9F0] =	vst v63  }
0x13a: {  	s14 =	sadd.s32 $0x380, s11  }
0x13b: {  	[spmem:s2] =	stream.indirect.scatter.add.f32 [tilespmem:s23], [sflag:$0x1], $0x1, s14, s1, $0xb8;
	[tilespmem:$0xF9F0] =	vst v63  }
0x13c: {  	s11 =	sadd.s32 $0x2B80, s11  }
0x13d: {  	[spmem:s3] =	stream.indirect.scatter.add.f32 [tilespmem:s23], [sflag:$0x2], $0x1, s11, s1, $0xb8;
	[tilespmem:$0xF9F0] =	vst v63  }
0x13e: {  	_ =	swait.ge [sflag:s5], $0x7D  }
0x13f: {  	[sflag:s5] =	ssyncset.done $0x0  }
0x140: {  	[sflag:s5] =	ssyncadd.s32 $0xFFFFFF83  }
0x141: {  	_ =	swait.ge [sflag:s6], $0x7D  }
0x142: {  	[sflag:s6] =	ssyncset.done $0x0  }
0x143: {  	[sflag:s6] =	ssyncadd.s32 $0xFFFFFF83  }
0x144: {  	_ =	swait.ge [sflag:s5], $0x7D  }
0x145: {  	[sflag:s5] =	ssyncset.done $0x0  }
0x146: {  	[sflag:s5] =	ssyncadd.s32 $0xFFFFFF83  }
0x147: {  	_ =	swait.ge [sflag:s6], $0x7D  }
0x148: {  	[sflag:s6] =	ssyncset.done $0x0  }
0x149: {  	[sflag:s6] =	ssyncadd.s32 $0xFFFFFF83  }
0x14a: {  	_ =	swait.ge [sflag:s5], $0x7D  }
0x14b: {  	[sflag:s5] =	ssyncset.done $0x0  }
0x14c: {  	[sflag:s5] =	ssyncadd.s32 $0xFFFFFF83  }
0x14d: {  	_ =	swait.ge [sflag:s6], $0x7D  }
0x14e: {  	[sflag:s6] =	ssyncset.done $0x0  }
0x14f: {  	[sflag:s6] =	ssyncadd.s32 $0xFFFFFF83  }
0x150: {  	_ =	swait.ge [sflag:s5], $0x7D  }
0x151: {  	[sflag:s5] =	ssyncset.done $0x0  }
0x152: {  	[sflag:s5] =	ssyncadd.s32 $0xFFFFFF83  }
0x153: {  	_ =	swait.ge [sflag:s6], $0x7D  }
0x154: {  	[sflag:s6] =	ssyncset.done $0x0  }
0x155: {  	[sflag:s6] =	ssyncadd.s32 $0xFFFFFF83  }
0x156: {  	_ =	swait.ge [sflag:s5], $0x7D  }
0x157: {  	[sflag:s5] =	ssyncset.done $0x0  }
0x158: {  	[sflag:s5] =	ssyncadd.s32 $0xFFFFFF83  }
0x159: {  	_ =	swait.ge [sflag:s6], $0x7D  }
0x15a: {  	[sflag:s6] =	ssyncset.done $0x0  }
0x15b: {  	[sflag:s6] =	ssyncadd.s32 $0xFFFFFF83  }
0x15c: {  	_ =	swait.ge [sflag:s5], $0x7D  }
0x15d: {  	[sflag:s5] =	ssyncset.done $0x0  }
0x15e: {  	[sflag:s5] =	ssyncadd.s32 $0xFFFFFF83  }
0x15f: {  	_ =	swait.ge [sflag:s6], $0x7D  }
0x160: {  	[sflag:s6] =	ssyncset.done $0x0  }
0x161: {  	[sflag:s6] =	ssyncadd.s32 $0xFFFFFF83  }
0x162: {  	_ =	swait.ge [sflag:s5], $0x7D  }
0x163: {  	[sflag:s5] =	ssyncset.done $0x0  }
0x164: {  	[sflag:s5] =	ssyncadd.s32 $0xFFFFFF83  }
0x165: {  	_ =	swait.ge [sflag:s6], $0x7D  }
0x166: {  	[sflag:s6] =	ssyncset.done $0x0  }
0x167: {  	[sflag:s6] =	ssyncadd.s32 $0xFFFFFF83  }
0x168: {  	_ =	swait.ge [sflag:s5], $0x7D  }
0x169: {  	[sflag:s5] =	ssyncset.done $0x0  }
0x16a: {  	[sflag:s5] =	ssyncadd.s32 $0xFFFFFF83  }
0x16b: {  	_ =	swait.ge [sflag:s6], $0x7D  }
0x16c: {  	[sflag:s6] =	ssyncset.done $0x0  }
0x16d: {  	[sflag:s6] =	ssyncadd.s32 $0xFFFFFF83  }
0x16e: {  	_ =	swait.ge [sflag:s7], $0x2800  }
0x16f: {  	[sflag:s7] =	ssyncset.done $0x0  }
0x170: {  	s15 =	rddreg [dreg:$0xf];
	[sflag:s7] =	ssyncadd.s32 $0xFFFFD800  }
0x171: {  	[hbm4b:s15+s4] =	stream.linear.scatter [tilespmem:s26], [sflag:$0x7], $0x2800, $0x38;
	[tilespmem:$0xF9F0] =	vst v63  }
0x172: {  	_ =	swait.ge [sflag:s22], $0x2800  }
0x173: {  	[sflag:s22] =	ssyncset.done $0x0  }
0x174: {  	[sflag:s22] =	ssyncadd.s32 $0xFFFFD800  }
0x175: {  	_ =	swait.ge [sflag:s8], $0x2800  }
0x176: {  	[sflag:s8] =	ssyncset.done $0x0  }
0x177: {  	s16 =	rddreg [dreg:$0x10];
	[sflag:s8] =	ssyncadd.s32 $0xFFFFD800  }
0x178: {  	[hbm4b:s16+s4] =	stream.linear.scatter [tilespmem:s29], [sflag:$0x7], $0x2800, $0x38;
	[tilespmem:$0xF9F0] =	vst v63  }
0x179: {  	_ =	swait.ge [sflag:s22], $0x2800  }
0x17a: {  	[sflag:s22] =	ssyncset.done $0x0  }
0x17b: {  	[sflag:s22] =	ssyncadd.s32 $0xFFFFD800  }
0x17c: {  	_ =	swait.ge [sflag:s9], $0x2800  }
0x17d: {  	[sflag:s9] =	ssyncset.done $0x0  }
0x17e: {  	[sflag:s9] =	ssyncadd.s32 $0xFFFFD800  }
0x17f: {  	[hbm4b:s17+s4] =	stream.linear.scatter [tilespmem:s31], [sflag:$0x7], $0x2800, $0x38;
	[tilespmem:$0xF9F0] =	vst v63  }
0x180: {  	_ =	swait.ge [sflag:s22], $0x2800  }
0x181: {  	[sflag:s22] =	ssyncset.done $0x0  }
0x182: {  	s11 =	simm.s32 @!p2 $0x6;
	[sflag:s22] =	ssyncadd.s32 $0xFFFFD800  }
0x183: {  	_ =	swait.ge @!p2 [sflag:s11], $0x2800  }
0x184: {  	[sflag:s11] =	ssyncset.done @!p2 $0x0  }
0x185: {  	s12 =	simm.s32 @!p2 $0xCD00;
	[sflag:s11] =	ssyncadd.s32 @!p2 $0xFFFFD800;
	s11 =	simm.s32 @!p2 $0x0  }
0x186: {  	[hbm4b:s18+s11] =	stream.linear.scatter @!p2 [tilespmem:s12], [sflag:$0x7], $0x2800, $0x38;
	[tilespmem:$0xF9F0] =	vst v63  }
0x187: {  	s11 =	simm.s32 @!p2 $0x7  }
0x188: {  	_ =	swait.ge @!p2 [sflag:s11], $0x2800  }
0x189: {  	s13 =	simm.s32 @!p0 $0x20;
	[sflag:s11] =	ssyncset.done @!p2 $0x0  }
0x18a: {  	s14 =	simm.s32 @!p0 $0x10;
	s15 =	simm.s32 @!p0 $0x1C07;
	[sflag:s11] =	ssyncadd.s32 @!p2 $0xFFFFD800  }
0x18b: {  	s12 =	simm.s32 @!p0 $0x1;
	s11 =	sshrl.u32 @!p0 s2, $0x3;
	[bflag:$0x0] =	sbarrier.arrive $0xFFFF  }
0x18c: {  	[hbm:s19@s13], [sflag:s15] =	dma.strided @!p0 [spmem:s11@s14], $0x4F0, s12, $0x10   }
0x18d: {  	s11 =	simm.s32 @!p0 $0x7  }
0x18e: {  	s10 =	sadd.s32 $0x1, s10;
	_ =	swait.ge @!p0 [sflag:s11], $0x4F0  }
0x18f: {  	p3 =	sne.s32 s10, s21;
	[sflag:s11] =	ssyncset.done @!p0 $0x0  }
.Ltmp1:
0x190: {  	s16 =	sshrl.u32 @!p0 s3, $0x3;
	[sflag:s11] =	ssyncadd.s32 @!p0 $0xFFFFFB10;
	(pc) =	sbr.rel @p3 .LBB2_1-.Ltmp1, $4  }
0x191: {  	[hbm:s20@s13], [sflag:s15] =	dma.strided @!p0 [spmem:s16@s14], $0x4F0, s12, $0x10   }
0x192: {  	_ =	swait.ge @!p0 [sflag:s11], $0x4F0  }
0x193: {  	[sflag:s11] =	ssyncset.done @!p0 $0x0  }
0x194: {  	[sflag:s11] =	ssyncadd.s32 @!p0 $0xFFFFFB10  }
0x195: {  	_ =	sfence.sel $0x180000  }
0x196: {  	[bflag:$0x0] =	sbarrier.arrive $0xFFFF  }
0x197: {  	_ =	strace $0x90000047  }
0x198: {  	[bflag:$0x2] =	sbarrier.arrive $0xFFFF  }
0x199: {  	s0 =	rddreg [dreg:$0x4]  }
0x19a: {  	s0 =	sadd.s32 @!p0 $0x100000, s0  }
0x19b: {  	[sflag:s0] =	ssyncadd.tile.s32 @!p0 $0x1;
	_ =	shalt  }
.Lfunc_end2:
_tile_overlayer_lowered:
.L_overlay_start_2:
0x19c: {  	(tag) =	ssettag $0x2  }
0x19d: {  	s0 =	rddreg [dreg:$0x0];
	s2 =	stileid.u32  }
0x19e: {  	s1 =	rddreg [dreg:$0x1];
	p0 =	sne.s32 s2, $0x0  }
0x19f: {  	s3 =	rddreg [dreg:$0x2];
	[bflag:$0x3] =	sbarrier.arrive $0xFFFF;
	s2 =	simm.s32 @!p0 $0x1C07  }
0x1a0: {  	[timem:s3], [sflag:s2] =	dma.local @!p0 [hbm:s0], s1  }
0x1a1: {  	s0 =	simm.s32 @!p0 $0x7  }
0x1a2: {  	_ =	swait.ge @!p0 [sflag:s0], s1  }
0x1a3: {  	s1 =	ssub.s32 @!p0 $0x0, s1;
	[sflag:s0] =	ssyncset.done @!p0 $0x0  }
0x1a4: {  	[sflag:s0] =	ssyncadd.s32 @!p0 s1  }
0x1a5: {  	[bflag:$0x3] =	sbarrier.arrive $0xFFFF  }
0x1a6: {  	_ =	shalt  }

// kernel: kernel.13.cloned.1.call-start
scs
__scs_entry_jumppad:
0x0: {  	(pc) =	sbr.rel $0x88, $3  }
0x1: {  	(tag) =	ssettag $0x0;
	lr =	simm.s32 $0x1  }
0x2: {  	[smem:$0x3F8D] =	sst lr;
	_ =	strace $0xD0000000  }
0x3: {  	_ = 	snop  }
0x4: {  	_ = 	snop  }
0x5: {  	_ = 	snop  }
0x6: {  	_ = 	snop  }
0x7: {  	_ = 	snop  }
__scs_overlays_trampoline_lowered:
0x8: {  	[smem:$0x3F9C] =	sst s0  }
0x9: {  	[smem:$0x3F9D] =	sst s1  }
0xa: {  	[smem:$0x3F9E] =	sst s2  }
0xb: {  	[smem:$0x3F9F] =	sst s3  }
0xc: {  	[smem:$0x3FA0] =	sst s4  }
0xd: {  	[smem:$0x3FA1] =	sst s5  }
0xe: {  	[smem:$0x3FA2] =	sst s6  }
0xf: {  	[smem:$0x3FA3] =	sst s7  }
0x10: {  	[smem:$0x3FA4] =	sst s8  }
0x11: {  	[smem:$0x3FA5] =	sst s9;
	s0 =	simm.s32 @!p0 $0x0  }
0x12: {  	s1 =	sld [smem:$0x3F8B];
	s0 =	simm.s32 @p0 $0x1  }
0x13: {  	[smem:$0x3FA6] =	sst s0;
	s0 =	simm.s32 @!p1 $0x0  }
0x14: {  	s2 =	sld [smem:$0x3F8A];
	s0 =	simm.s32 @p1 $0x1  }
0x15: {  	[smem:$0x3FA7] =	sst s0;
	s0 =	simm.s32 @!p2 $0x0  }
0x16: {  	s3 =	sld [smem:$0x3FDB];
	s0 =	simm.s32 @p2 $0x1  }
0x17: {  	s4 =	simm.s32 $0x1BF5;
	[smem:$0x3FA9] =	sst s0  }
0x18: {  	s0 =	sld [smem:$0x3F8C];
	_ =	swait.ge [sflag:s4], $0x0  }
0x19: {  	s7 =	sld [smem:$0x3F8D]  }
0x1a: {  	s8 =	sadd.s32 $0xFFFFE003, lr  }
0x1b: {  	s9 =	sadd.s32 $0xFFFFFEF7, lr;
	s5 =	simm.s32 $0xFFFFFFFF;
	p2 =	slt.u32 s8, $0xFFFFF086  }
0x1c: {  	p1 =	slt.u32 s9, $0xF7A;
	s5 =	simm.s32 @!p2 $0x0  }
0x1d: {  	s5 =	simm.s32 @p1 $0x1;
	p0 =	seq.s32 s7, s2  }
0x1e: {  	s7 =	smul.u32 @!p0 $0xF7A, s2;
	p2 =	seq.s32 @!p0 s5, $0x0  }
0x1f: {  	s9 =	smul.u32 $0xF7A, s1;
	s8 =	simm.s32 @!p0 $0x1BF5;
	p2 =	por !p2, p0  }
0x20: {  	[sflag:s8] =	ssyncset.s32 @!p0 $0xFFFFF086;
	s6 =	sadd.s32 @!p0 s3, s7;
	s7 =	simm.s32 @!p0 $0x108  }
0x21: {  	s3 =	sadd.s32 s3, s9;
	s6 =	sadd.s32 @!p0 $0x88, s6;
	s7 =	simm.s32 @p2 $0x1082  }
0x22: {  	[simem:s7], [sflag:s8] =	dma.local @!p0 [hbm:s6], $0xF7A  }
0x23: {  	s9 =	sor.u32 $0xD0000000, s2;
	s6 =	simm.s32 $0x108;
	_ =	swait.ge @!p0 [sflag:s8], $0x0  }
0x24: {  	s3 =	sadd.s32 $0x88, s3;
	s6 =	simm.s32 @!p1 $0x1082;
	[sflag:s4] =	ssyncset.s32 $0xFFFFF086  }
0x25: {  	[simem:s6], [sflag:s4] =	dma.local [hbm:s3], $0xF7A  }
0x26: {  	[smem:$0x3F8D] =	sst s1;
	(tag) =	ssettag s2;
	_ =	strace s9  }
0x27: {  	s1 =	sld [smem:$0x3F9D]  }
0x28: {  	s2 =	sld [smem:$0x3F9E]  }
0x29: {  	s4 =	sld [smem:$0x3FA0]  }
0x2a: {  	p0 =	seq.s32 s5, $0x0;
	s5 =	sld [smem:$0x3FA1]  }
0x2b: {  	s6 =	sld [smem:$0x3FA2]  }
0x2c: {  	s7 =	sld [smem:$0x3FA3]  }
0x2d: {  	s3 =	simm.s32 $0x108;
	s8 =	sld [smem:$0x3FA4]  }
0x2e: {  	s3 =	simm.s32 @!p0 $0x1082;
	s9 =	sld [smem:$0x3FA5]  }
0x2f: {  	lr =	sadd.s32 s0, s3;
	s0 =	sld [smem:$0x3F9C]  }
0x30: {  	s3 =	sld [smem:$0x3F9F]  }
0x31: {  	[smem:$0x3FA8] =	sst s10  }
0x32: {  	s10 =	sld [smem:$0x3FA6];
	_ =	sdelay $0x3  }
0x33: {  	p0 =	seq.s32 s10, $0x1;
	s10 =	sld [smem:$0x3FA8];
	_ =	sdelay $0x3  }
0x34: {  	[smem:$0x3FA8] =	sst s10  }
0x35: {  	s10 =	sld [smem:$0x3FA7];
	_ =	sdelay $0x3  }
0x36: {  	p1 =	seq.s32 s10, $0x1;
	s10 =	sld [smem:$0x3FA8];
	_ =	sdelay $0x3  }
0x37: {  	[smem:$0x3FA8] =	sst s10  }
0x38: {  	s10 =	sld [smem:$0x3FA9]  }
0x39: {  	_ = 	snop;
	(pc) =	sbr.ind lr, $3  }
0x3a: {  	_ = 	snop  }
0x3b: {  	_ = 	snop  }
0x3c: {  	p2 =	seq.s32 s10, $0x1;
	s10 =	sld [smem:$0x3FA8]  }
0x3d: {  	_ =	shalt  }
0x3e: {  	_ =	shalt  }
0x3f: {  	_ =	shalt  }
0x40: {  	_ =	shalt  }
0x41: {  	_ =	shalt  }
0x42: {  	_ =	shalt  }
0x43: {  	_ =	shalt  }
0x44: {  	_ =	shalt  }
0x45: {  	_ =	shalt  }
0x46: {  	_ =	shalt  }
0x47: {  	_ =	shalt  }
0x48: {  	_ =	shalt  }
0x49: {  	_ =	shalt  }
0x4a: {  	_ =	shalt  }
0x4b: {  	_ =	shalt  }
0x4c: {  	_ =	shalt  }
0x4d: {  	_ =	shalt  }
0x4e: {  	_ =	shalt  }
0x4f: {  	_ =	shalt  }
0x50: {  	_ =	shalt  }
0x51: {  	_ =	shalt  }
0x52: {  	_ =	shalt  }
0x53: {  	_ =	shalt  }
0x54: {  	_ =	shalt  }
0x55: {  	_ =	shalt  }
0x56: {  	_ =	shalt  }
0x57: {  	_ =	shalt  }
0x58: {  	_ =	shalt  }
0x59: {  	_ =	shalt  }
0x5a: {  	_ =	shalt  }
0x5b: {  	_ =	shalt  }
0x5c: {  	_ =	shalt  }
0x5d: {  	_ =	shalt  }
0x5e: {  	_ =	shalt  }
0x5f: {  	_ =	shalt  }
0x60: {  	_ =	shalt  }
0x61: {  	_ =	shalt  }
0x62: {  	_ =	shalt  }
0x63: {  	_ =	shalt  }
0x64: {  	_ =	shalt  }
0x65: {  	_ =	shalt  }
0x66: {  	_ =	shalt  }
0x67: {  	_ =	shalt  }
0x68: {  	_ =	shalt  }
0x69: {  	_ =	shalt  }
0x6a: {  	_ =	shalt  }
0x6b: {  	_ =	shalt  }
0x6c: {  	_ =	shalt  }
0x6d: {  	_ =	shalt  }
0x6e: {  	_ =	shalt  }
0x6f: {  	_ =	shalt  }
0x70: {  	_ =	shalt  }
0x71: {  	_ =	shalt  }
0x72: {  	_ =	shalt  }
0x73: {  	_ =	shalt  }
0x74: {  	_ =	shalt  }
0x75: {  	_ =	shalt  }
0x76: {  	_ =	shalt  }
0x77: {  	_ =	shalt  }
0x78: {  	_ =	shalt  }
0x79: {  	_ =	shalt  }
0x7a: {  	_ =	shalt  }
0x7b: {  	_ =	shalt  }
0x7c: {  	_ =	shalt  }
0x7d: {  	_ =	shalt  }
0x7e: {  	_ =	shalt  }
0x7f: {  	_ =	shalt  }
0x80: {  	_ =	shalt  }
0x81: {  	_ =	shalt  }
0x82: {  	_ =	shalt  }
0x83: {  	_ =	shalt  }
0x84: {  	_ =	shalt  }
0x85: {  	_ =	shalt  }
0x86: {  	_ =	shalt  }
0x87: {  	_ =	shalt  }
.Lfunc_end0:
.L_simem_size_0:
called_computation.1_lowered:
.L_overlay_start_0:
0x88: {  	s2 =	sld [smem:$0x3FD9]  }
0x89: {  	s3 =	sld [smem:$0x3FFE];
	_ =	sdelay $0x1  }
0x8a: {  	s1 =	srdreg.scid  }
0x8b: {  	s0 =	sand.u32 $0x1, s1  }
0x8c: {  	s16 =	sshll.u32 s0, $0xA;
	s2 =	sadd.s32 s3, s2  }
0x8d: {  	s2 =	sadd.s32 s2, s16  }
0x8e: {  	[smem:$0x3FB4] =	sst s2  }
0x8f: {  	_ = 	snop  }
0x90: {  	(tm) =	ssettm $0x1  }
0x91: {  	s17 =	sld [smem:$0x3FFB];
	_ =	sdelay $0x3  }
0x92: {  	_ =	strace s17  }
0x93: {  	s2 =	sld [smem:$0x3FFC];
	_ =	sdelay $0x3  }
0x94: {  	_ =	strace s2  }
0x95: {  	s2 =	sld [smem:$0x3FFD];
	_ =	sdelay $0x3  }
0x96: {  	_ =	strace s2  }
0x97: {  	_ =	strace $0x8FFFFFFF  }
0x98: {  	s18 =	sld [smem:$0x3FDB];
	_ =	sdelay $0x1  }
0x99: {  	s19 =	simm.s32 $_scs_section_size  }
0x9a: {  	s4 =	simm.s32 $_size__tile_overlayer_lowered;
	s5 =	simm.s32 $_tile_overlayer_lowered  }
0x9b: {  	s22 =	simm.s32 $0x1BFF;
	s21 =	sshll.u32 s5, $0x1;
	s2 =	sadd.s32 s19, s18  }
0x9c: {  	s6 =	simm.s32 $0x0;
	s20 =	sshll.u32 s4, $0x1;
	s4 =	sadd.s32 s21, s2  }
0x9d: {  	[timem:s6], [sflag:s22] =	dma.local [hbm:s4], s20  }
0x9e: {  	_ =	swait.ge [sflag:s22], s20  }
0x9f: {  	s3 =	ssub.s32 $0x0, s20;
	[sflag:s22] =	ssyncset.done $0x0  }
0xa0: {  	[sflag:s22] =	ssyncadd.s32 s3;
	_ =	sdelay $0x1  }
0xa1: {  	s23 =	simm.s32 $0x1B8B  }
0xa2: {  	_ =	swait.ge [sflag:s23], $0x1  }
0xa3: {  	[sflag:s23] =	ssyncset.done $0x0  }
0xa4: {  	s25 =	simm.s32 $0x1B8E;
	s24 =	sld [smem:$0x3FFE];
	[sflag:s23] =	ssyncadd.s32 $0xFFFFFFFF  }
0xa5: {  	s26 =	simm.s32 $execute0_lowered;
	[smem:$0x3FD2] =	sst s25  }
0xa6: {  	s4 =	sshll.u32 s26, $0x1;
	_ =	strace $0x80000049;
	[dreg:$0x1] =	wrdreg $0xFFFFFFFF  }
0xa7: {  	s28 =	simm.s32 $_size_execute0_lowered;
	s2 =	sadd.s32 s2, s4;
	[dreg:$0x0] =	wrdreg $0x0  }
0xa8: {  	s4 =	sshll.u32 s28, $0x1;
	[dreg:$0x2] =	wrdreg s2  }
0xa9: {  	[dreg:$0x3] =	wrdreg s4  }
0xaa: {  	[dreg:$0x4] =	wrdreg $0xC0  }
0xab: {  	_ =	task [dreg:s6], $0x5FFFF  }
0xac: {  	[dreg:$0x1] =	wrdreg $0xFFFFFFFF  }
0xad: {  	[dreg:$0x0] =	wrdreg $0x60  }
0xae: {  	[dreg:$0x2] =	wrdreg s24  }
0xaf: {  	[dreg:$0x3] =	wrdreg $0xC5000  }
0xb0: {  	[dreg:$0x4] =	wrdreg $0x9  }
0xb1: {  	_ =	task.clear_ibuf [dreg:s6], $0x5FFFF;
	_ =	strace $0x90000049  }
0xb2: {  	s29 =	simm.s32 $0x9;
	_ =	strace $0x8000004B  }
0xb3: {  	_ =	swait.ge [sflag:s29], $0x1  }
0xb4: {  	[sflag:s29] =	ssyncadd.s32 $0xFFFFFFFF  }
0xb5: {  	_ =	strace $0x9000004B  }
0xb6: {  	_ =	sfence  }
0xb7: {  	s30 =	sld [smem:$0x0];
	_ =	sdelay $0x2  }
0xb8: {  	s31 =	sshll.u32 s1, $0xD;
	s1 =	sshrl.u32 s1, $0x2  }
0xb9: {  	s3 =	sand.u32 $0x4000, s31;
	s1 =	sadd.s32 s1, s30  }
0xba: {  	s0 =	sor.u32 s3, s0;
	s1 =	sshll.u32 s1, $0x11  }
0xbb: {  	s0 =	sor.u32 s1, s0  }
0xbc: {  	s0 =	sadd.s32 $0x8F2B, s0  }
0xbd: {  	[sflag:s0] =	ssyncadd.remote.s32 $0x1  }
0xbe: {  	_ =	sfence.sel $0xFFFF  }
0xbf: {  	[dreg:$0x0] =	wrdreg $0xFFFFFFFF;
	(pc) =	sbr.abs _section_cstart, $3  }
0xc0: {  	[dreg:$0x1] =	wrdreg $0xFFFFFFFF  }
0xc1: {  	_ =	task.clear_ibuf [dreg:s6], $0x2FFFF;
	_ =	strace $0x9FFFFFFF  }
0xc2: {  	(tm) =	ssettm $0x7FFFFFFF  }
0xc3: {  	_ =	shalt  }
tec
execute0_lowered:
.L_overlay_start_1:
0x0: {  	(tag) =	ssettag $0x1  }
0x1: {  	s0 =	rddreg [dreg:$0x0]  }
0x2: {  	s1 =	rddreg [dreg:$0x1]  }
0x3: {  	s2 =	simm.s32 $0x0;
	s3 =	srdreg.scid;
	s11 =	stileid.u32  }
0x4: {  	s28 =	simm.s32 $0x180;
	s29 =	simm.s32 $0x380;
	s30 =	simm.s32 $0x9500  }
0x5: {  	s31 =	simm.s32 $0x1;
	[smem:$0x7FF] =	sst s2;
	s3 =	sand.u32 $0x1, s3  }
0x6: {  	s4 =	sadd.s32 $0x17C00, s0;
	s12 =	sadd.s32 $0xDE00, s0;
	s6 =	smul.u32 $0x4E000, s11  }
0x7: {  	s13 =	sadd.s32 $0x4000, s0;
	s0 =	sadd.s32 $0x3EE00, s0;
	s17 =	smul.u32 $0x13800, s11  }
0x8: {  	s19 =	smul.u32 $0x2710, s11;
	p0 =	sne.s32 s11, $0xF;
	p1 =	seq.s32 s11, $0xF  }
0x9: {  	_ =	strace $0x8000004A;
	s5 =	sshll.u32 s3, $0x4;
	s9 =	smul.u32 $0x138800, s3  }
0xa: {  	s7 =	ssub.s32 $0x2, s3;
	s3 =	smul.u32 $0x27100, s3;
	s5 =	sor.u32 s11, s5  }
0xb: {  	s8 =	sshrl.u32 s7, $0x1;
	s6 =	sshrl.u32 s6, $0x2;
	s11 =	simm.s32 $0x500  }
0xc: {  	s5 =	smul.u32 $0x2710, s5;
	s7 =	ssub.s32 s7, s8;
	s14 =	sadd.s32 s6, s1  }
0xd: {  	s21 =	sadd.s32 s17, s9;
	s22 =	sshrl.u32 s9, $0x3;
	s3 =	sadd.s32 s19, s3  }
0xe: {  	s23 =	sadd.s32 $0x240, s3;
	s17 =	sadd.s32 $0x3000, s14;
	[dreg:$0x3] =	wrdreg s14  }
0xf: {  	s9 =	sadd.s32 $0x1E0, s3;
	s19 =	sadd.s32 $0x9000, s14;
	[dreg:$0x18] =	wrdreg s17  }
0x10: {  	s5 =	sshrl.u32 s5, $0x3;
	[dreg:$0x1a] =	wrdreg s19;
	s17 =	simm.s32 $0x3500  }
0x11: {  	s19 =	simm.s32 $0x300;
	s24 =	sadd.s32 s12, s5;
	s25 =	sadd.s32 s13, s5  }
0x12: {  	s26 =	sadd.s32 $0xC, s5;
	s15 =	sadd.s32 $0x18, s5;
	[dreg:$0x4] =	wrdreg s24  }
0x13: {  	s18 =	sadd.s32 $0x24, s5;
	[dreg:$0x5] =	wrdreg s25;
	s10 =	sadd.s32 s12, s26  }
0x14: {  	s5 =	sadd.s32 $0x4E0, s5;
	s6 =	sadd.s32 s13, s26;
	[dreg:$0x6] =	wrdreg s10  }
0x15: {  	s16 =	sadd.s32 s12, s15;
	s8 =	sadd.s32 s13, s15;
	[dreg:$0x7] =	wrdreg s6  }
0x16: {  	s20 =	sadd.s32 s12, s5;
	s5 =	sadd.s32 s13, s5;
	[dreg:$0x8] =	wrdreg s16  }
0x17: {  	s25 =	sshrl.u32 s23, $0x3;
	s26 =	smax.u32 s7, $0x1;
	[dreg:$0x9] =	wrdreg s8  }
0x18: {  	s7 =	sadd.s32 $0x2A0, s3;
	s15 =	sshrl.u32 s9, $0x3;
	[dreg:$0xc] =	wrdreg s20  }
0x19: {  	s23 =	sadd.s32 $0x138000, s1;
	s9 =	simm.s32 $0x5;
	[dreg:$0xd] =	wrdreg s5  }
0x1a: {  	s10 =	sadd.s32 s12, s18;
	s8 =	sadd.s32 s13, s18;
	[dreg:$0x10] =	wrdreg s26  }
0x1b: {  	s5 =	sshrl.u32 s21, $0x3;
	s6 =	sadd.s32 s0, s22;
	[dreg:$0x1e] =	wrdreg s23  }
0x1c: {  	s26 =	sadd.s32 s15, s12;
	s16 =	sadd.s32 $0x180, s3;
	[dreg:$0xa] =	wrdreg s10  }
0x1d: {  	s18 =	sadd.s32 $0x6000, s14;
	s20 =	sadd.s32 $0xC000, s14;
	[dreg:$0xb] =	wrdreg s8  }
0x1e: {  	s21 =	sadd.s32 $0xF000, s14;
	s22 =	sadd.s32 $0x12000, s14;
	[dreg:$0x16] =	wrdreg s16  }
0x1f: {  	s14 =	simm.s32 $0x60;
	s3 =	simm.s32 $0x3;
	[dreg:$0x19] =	wrdreg s18  }
0x20: {  	s0 =	sadd.s32 s0, s5;
	s24 =	sadd.s32 $0x24900, s6;
	[dreg:$0x1b] =	wrdreg s20  }
0x21: {  	s6 =	sadd.s32 s25, s13;
	s8 =	sshrl.u32 s7, $0x3;
	[dreg:$0x1c] =	wrdreg s21  }
0x22: {  	s5 =	sadd.s32 s15, s13;
	[dreg:$0x1d] =	wrdreg s22;
	s15 =	simm.s32 $0x80  }
0x23: {  	s16 =	simm.s32 $0x280;
	s18 =	simm.s32 $0x100;
	[dreg:$0xe] =	wrdreg s0  }
0x24: {  	s20 =	simm.s32 $0x6500;
	s7 =	simm.s32 $0x7;
	[dreg:$0xf] =	wrdreg s24  }
0x25: {  	s22 =	simm.s32 $0x0;
	[dreg:$0x11] =	wrdreg s6;
	s0 =	sadd.s32 s25, s12  }
0x26: {  	s10 =	sadd.s32 s8, s13;
	s25 =	smov.u32 s13;
	[dreg:$0x15] =	wrdreg s5  }
.Ltmp0:
0x27: {  	s24 =	smov.u32 s12;
	[dreg:$0x12] =	wrdreg s0;
	(pc) =	sbr.rel .LBB2_1-.Ltmp0, $4  }
0x28: {  	s13 =	simm.s32 $0x200;
	[dreg:$0x13] =	wrdreg s10;
	s0 =	sadd.s32 s8, s12  }
0x29: {  	s5 =	simm.s32 $0x8;
	[dreg:$0x14] =	wrdreg s0;
	s0 =	sadd.s32 $0x124800, s1  }
0x2a: {  	s12 =	simm.s32 $0x9;
	s8 =	simm.s32 $0x4;
	s0 =	sshrl.u32 @p1 s0, $0x3  }
0x2b: {  	v0 =	vimm.f32 $0.0e+00;
	s10 =	simm.s32 $0x6;
	[dreg:$0x17] =	wrdreg s0;
	s0 =	simm.s32 $0x2  }
.LBB2_6:
0x2c: {  	_ =	swait.ge [sflag:s10], $0x3000  }
0x2d: {  	[sflag:s10] =	ssyncset.done $0x0  }
0x2e: {  	[sflag:s10] =	ssyncadd.s32 $0xFFFFD000  }
0x2f: {  	_ =	swait.ge [sflag:s7], $0x3000  }
0x30: {  	[sflag:s7] =	ssyncset.done $0x0  }
0x31: {  	[sflag:s7] =	ssyncadd.s32 $0xFFFFD000  }
0x32: {  	_ =	swait.ge [sflag:s5], $0x3000  }
0x33: {  	[sflag:s5] =	ssyncset.done $0x0  }
0x34: {  	s21 =	simm.s32 $0x400;
	s6 =	rddreg [dreg:$0xc];
	[sflag:s5] =	ssyncadd.s32 $0xFFFFD000  }
0x35: {  	[tilespmem:s21], [sflag:$0x9] =	stream.linear.gather [hbm4b:s6+s2], $0x10, $0x38;
	[tilespmem:$0x1FD80] =	vst v63  }
0x36: {  	_ =	swait.ge [sflag:s12], $0x10  }
0x37: {  	[sflag:s12] =	ssyncset.done $0x0  }
0x38: {  	s22 =	simm.s32 $0x480;
	s23 =	rddreg [dreg:$0xd];
	[sflag:s12] =	ssyncadd.s32 $0xFFFFFFF0  }
0x39: {  	[tilespmem:s22], [sflag:$0x9] =	stream.linear.gather [hbm4b:s23+s2], $0x10, $0x38;
	[tilespmem:$0x1FD80] =	vst v63  }
0x3a: {  	_ =	swait.ge [sflag:s12], $0x10  }
0x3b: {  	[sflag:s12] =	ssyncset.done $0x0  }
0x3c: {  	s23 =	simm.s32 $0x10;
	[sflag:s12] =	ssyncadd.s32 $0xFFFFFFF0  }
0x3d: {  	[tilespmem:s11], [sflag:$0x1] =	stream.indirect.gather [hbm4b:s4+s23], $0x80, s21, s23, $0xb8;
	[tilespmem:$0x1FD80] =	vst v63  }
0x3e: {  	_ =	swait.ge [sflag:s31], $0x800  }
0x3f: {  	[sflag:s31] =	ssyncset.done $0x0  }
0x40: {  	[sflag:s31] =	ssyncadd.s32 $0xFFFFF800  }
0x41: {  	[spmem:s1] =	stream.indirect.scatter.add.f32 [tilespmem:s11], [sflag:$0x9], $0x80, s22, s23, $0xb8;
	[tilespmem:$0x1FD80] =	vst v63  }
0x42: {  	_ =	swait.ge [sflag:s12], $0x800  }
0x43: {  	[sflag:s12] =	ssyncset.done $0x0  }
0x44: {  	[sflag:s12] =	ssyncadd.s32 $0xFFFFF800  }
0x45: {  	[bflag:$0x0] =	sbarrier.arrive $0xFFFF  }
0x46: {  	s21 =	rddreg [dreg:$0xf]  }
0x47: {  	s6 =	simm.s32 @p1 $0x1FC9;
	s22 =	rddreg [dreg:$0x17]  }
0x48: {  	[hbm:s21], [sflag:s6] =	dma.local @p1 [spmem:s22], $0x2800  }
0x49: {  	s6 =	simm.s32 @p1 $0x9  }
0x4a: {  	s21 =	stileid.u32;
	_ =	swait.ge @p1 [sflag:s6], $0x2800  }
0x4b: {  	s21 =	sshll.u32 @!p1 s21, $0x6;
	[sflag:s6] =	ssyncset.done @p1 $0x0  }
0x4c: {  	[sflag:s6] =	ssyncadd.s32 @p1 $0xFFFFD800;
	s6 =	sor.u32 @!p1 $0x1C09, s21;
	s21 =	rddreg [dreg:$0x3]  }
0x4d: {  	s22 =	rddreg [dreg:$0xe];
	s21 =	sshrl.u32 @!p1 s21, $0x3  }
0x4e: {  	[hbm:s22], [sflag:s6] =	dma.local @!p1 [spmem:s21], $0x2700  }
0x4f: {  	s6 =	simm.s32 @!p1 $0x9  }
0x50: {  	_ =	swait.ge @!p1 [sflag:s6], $0x2700  }
0x51: {  	s21 =	rddreg [dreg:$0x1f]  }
0x52: {  	s23 =	rddreg [dreg:$0x10];
	s22 =	sadd.s32 $0x1, s21  }
0x53: {  	p2 =	sne.s32 s22, s23  }
.Ltmp1:
0x54: {  	_ = 	snop;
	(pc) =	sbr.rel @!p2 .LBB2_7-.Ltmp1, $3  }
0x55: {  	_ =	sdelay $0x1  }
0x56: {  	[sflag:s6] =	ssyncset.done @!p1 $0x0  }
0x57: {  	[sflag:s6] =	ssyncadd.s32 @!p1 $0xFFFFD900  }
.LBB2_1:
0x58: {  	[dreg:$0x1f] =	wrdreg s22;
	s6 =	simm.s32 $0x0;
	s21 =	simm.s32 $0x200  }
.LBB2_2:
0x59: {  	p2 =	sne.s32 s21, $0xBE00;
	[tilespmem:s6+$0x570] =	vst v0  }
0x5a: {  	[tilespmem:s6+$0x500] =	vst v0  }
0x5b: {  	[tilespmem:s6+$0x510] =	vst v0  }
.Ltmp2:
0x5c: {  	[tilespmem:s6+$0x520] =	vst v0;
	(pc) =	sbr.rel @p2 .LBB2_2-.Ltmp2, $4  }
0x5d: {  	[tilespmem:s6+$0x530] =	vst v0  }
0x5e: {  	[tilespmem:s6+$0x540] =	vst v0  }
0x5f: {  	[tilespmem:s6+$0x550] =	vst v0  }
0x60: {  	[tilespmem:s6+$0x560] =	vst v0;
	s6 =	sshra.s32 s21, $0x2;
	s21 =	sadd.s32 $0x200, s21  }
0x61: {  	[tilespmem:s6+$0x570] =	vst v0  }
0x62: {  	[tilespmem:s6+$0x500] =	vst v0  }
0x63: {  	[tilespmem:s6+$0x510] =	vst v0  }
0x64: {  	[tilespmem:s6+$0x520] =	vst v0  }
0x65: {  	[tilespmem:s6+$0x530] =	vst v0  }
0x66: {  	[tilespmem:s6+$0x540] =	vst v0  }
0x67: {  	[tilespmem:s6+$0x550] =	vst v0  }
0x68: {  	[tilespmem:s6+$0x560] =	vst v0;
	s21 =	rddreg [dreg:$0x3]  }
0x69: {  	[spmem:s21] =	stream.linear.scatter [tilespmem:s11], [sflag:$0x9], $0x3000, $0x38;
	[tilespmem:$0x1FD80] =	vst v63  }
0x6a: {  	_ =	swait.ge [sflag:s12], $0x3000  }
0x6b: {  	[sflag:s12] =	ssyncset.done $0x0  }
0x6c: {  	s22 =	rddreg [dreg:$0x18];
	[sflag:s12] =	ssyncadd.s32 $0xFFFFD000  }
0x6d: {  	[spmem:s22] =	stream.linear.scatter [tilespmem:s11], [sflag:$0x9], $0x3000, $0x38;
	[tilespmem:$0x1FD80] =	vst v63  }
0x6e: {  	_ =	swait.ge [sflag:s12], $0x3000  }
0x6f: {  	[sflag:s12] =	ssyncset.done $0x0  }
0x70: {  	s23 =	rddreg [dreg:$0x19];
	[sflag:s12] =	ssyncadd.s32 $0xFFFFD000  }
0x71: {  	[spmem:s23] =	stream.linear.scatter [tilespmem:s11], [sflag:$0x9], $0x3000, $0x38;
	[tilespmem:$0x1FD80] =	vst v63  }
0x72: {  	_ =	swait.ge [sflag:s12], $0x3000  }
0x73: {  	[sflag:s12] =	ssyncset.done $0x0  }
0x74: {  	s21 =	rddreg [dreg:$0x1a];
	[sflag:s12] =	ssyncadd.s32 $0xFFFFD000  }
0x75: {  	[spmem:s21] =	stream.linear.scatter [tilespmem:s11], [sflag:$0x9], $0x3000, $0x38;
	[tilespmem:$0x1FD80] =	vst v63  }
0x76: {  	_ =	swait.ge [sflag:s12], $0x3000  }
0x77: {  	[sflag:s12] =	ssyncset.done $0x0  }
0x78: {  	s22 =	rddreg [dreg:$0x1b];
	[sflag:s12] =	ssyncadd.s32 $0xFFFFD000  }
0x79: {  	[spmem:s22] =	stream.linear.scatter [tilespmem:s11], [sflag:$0x9], $0x3000, $0x38;
	[tilespmem:$0x1FD80] =	vst v63  }
0x7a: {  	_ =	swait.ge [sflag:s12], $0x3000  }
0x7b: {  	[sflag:s12] =	ssyncset.done $0x0  }
0x7c: {  	s23 =	rddreg [dreg:$0x1c];
	[sflag:s12] =	ssyncadd.s32 $0xFFFFD000  }
0x7d: {  	[spmem:s23] =	stream.linear.scatter [tilespmem:s11], [sflag:$0x9], $0x3000, $0x38;
	[tilespmem:$0x1FD80] =	vst v63  }
0x7e: {  	_ =	swait.ge [sflag:s12], $0x3000  }
0x7f: {  	[sflag:s12] =	ssyncset.done $0x0  }
0x80: {  	s21 =	rddreg [dreg:$0x1d];
	[sflag:s12] =	ssyncadd.s32 $0xFFFFD000  }
0x81: {  	[spmem:s21] =	stream.linear.scatter [tilespmem:s11], [sflag:$0x9], $0x1800, $0x38;
	[tilespmem:$0x1FD80] =	vst v63  }
0x82: {  	_ =	swait.ge [sflag:s12], $0x1800  }
0x83: {  	[sflag:s12] =	ssyncset.done $0x0  }
0x84: {  	s6 =	simm.s32 @!p0 $0x500;
	s21 =	rddreg [dreg:$0x1e];
	[sflag:s12] =	ssyncadd.s32 $0xFFFFE800  }
0x85: {  	[spmem:s21] =	stream.linear.scatter @!p0 [tilespmem:s6], [sflag:$0x9], $0x800, $0x38;
	[tilespmem:$0x1FD80] =	vst v63  }
0x86: {  	s6 =	simm.s32 @!p0 $0x9  }
0x87: {  	_ =	swait.ge @!p0 [sflag:s6], $0x800  }
0x88: {  	[sflag:s6] =	ssyncset.done @!p0 $0x0  }
0x89: {  	[sflag:s6] =	ssyncadd.s32 @!p0 $0xFFFFF800  }
0x8a: {  	[bflag:$0x0] =	sbarrier.arrive $0xFFFF  }
0x8b: {  	s6 =	simm.s32 $0x0;
	s22 =	rddreg [dreg:$0x4]  }
0x8c: {  	[tilespmem:s6], [sflag:$0x9] =	stream.linear.gather [hbm4b:s22+s6], $0x60, $0x38;
	[tilespmem:$0x1FD80] =	vst v63  }
0x8d: {  	_ =	swait.ge [sflag:s12], $0x60  }
0x8e: {  	[sflag:s12] =	ssyncset.done $0x0  }
0x8f: {  	s23 =	rddreg [dreg:$0x5];
	[sflag:s12] =	ssyncadd.s32 $0xFFFFFFA0  }
0x90: {  	[tilespmem:s13], [sflag:$0x9] =	stream.linear.gather [hbm4b:s23+s6], $0x60, $0x38;
	[tilespmem:$0x1FD80] =	vst v63  }
0x91: {  	_ =	swait.ge [sflag:s12], $0x60  }
0x92: {  	[sflag:s12] =	ssyncset.done $0x0  }
0x93: {  	[sflag:s12] =	ssyncadd.s32 $0xFFFFFFA0  }
0x94: {  	[tilespmem:s11], [sflag:$0x1] =	stream.indirect.gather [hbm4b:s4+s14], $0x80, s6, s14, $0xb8;
	[tilespmem:$0x1FD80] =	vst v63  }
0x95: {  	s22 =	rddreg [dreg:$0x6]  }
0x96: {  	[tilespmem:s15], [sflag:$0x9] =	stream.linear.gather [hbm4b:s22+s6], $0x60, $0x38;
	[tilespmem:$0x1FD80] =	vst v63  }
0x97: {  	_ =	swait.ge [sflag:s12], $0x60  }
0x98: {  	[sflag:s12] =	ssyncset.done $0x0  }
0x99: {  	s23 =	rddreg [dreg:$0x7];
	[sflag:s12] =	ssyncadd.s32 $0xFFFFFFA0  }
0x9a: {  	[tilespmem:s16], [sflag:$0x9] =	stream.linear.gather [hbm4b:s23+s6], $0x60, $0x38;
	[tilespmem:$0x1FD80] =	vst v63  }
0x9b: {  	_ =	swait.ge [sflag:s12], $0x60  }
0x9c: {  	[sflag:s12] =	ssyncset.done $0x0  }
0x9d: {  	[sflag:s12] =	ssyncadd.s32 $0xFFFFFFA0  }
0x9e: {  	[tilespmem:s17], [sflag:$0x2] =	stream.indirect.gather [hbm4b:s4+s14], $0x80, s15, s14, $0xb8;
	[tilespmem:$0x1FD80] =	vst v63  }
0x9f: {  	s22 =	rddreg [dreg:$0x8]  }
0xa0: {  	[tilespmem:s18], [sflag:$0x9] =	stream.linear.gather [hbm4b:s22+s6], $0x60, $0x38;
	[tilespmem:$0x1FD80] =	vst v63  }
0xa1: {  	_ =	swait.ge [sflag:s12], $0x60  }
0xa2: {  	[sflag:s12] =	ssyncset.done $0x0  }
0xa3: {  	s23 =	rddreg [dreg:$0x9];
	[sflag:s12] =	ssyncadd.s32 $0xFFFFFFA0  }
0xa4: {  	[tilespmem:s19], [sflag:$0x9] =	stream.linear.gather [hbm4b:s23+s6], $0x60, $0x38;
	[tilespmem:$0x1FD80] =	vst v63  }
0xa5: {  	_ =	swait.ge [sflag:s12], $0x60  }
0xa6: {  	[sflag:s12] =	ssyncset.done $0x0  }
0xa7: {  	[sflag:s12] =	ssyncadd.s32 $0xFFFFFFA0  }
0xa8: {  	[tilespmem:s20], [sflag:$0x3] =	stream.indirect.gather [hbm4b:s4+s14], $0x80, s18, s14, $0xb8;
	[tilespmem:$0x1FD80] =	vst v63  }
0xa9: {  	s22 =	rddreg [dreg:$0xa]  }
0xaa: {  	[tilespmem:s28], [sflag:$0x9] =	stream.linear.gather [hbm4b:s22+s6], $0x60, $0x38;
	[tilespmem:$0x1FD80] =	vst v63  }
0xab: {  	_ =	swait.ge [sflag:s12], $0x60  }
0xac: {  	[sflag:s12] =	ssyncset.done $0x0  }
0xad: {  	s23 =	rddreg [dreg:$0xb];
	[sflag:s12] =	ssyncadd.s32 $0xFFFFFFA0  }
0xae: {  	[tilespmem:s29], [sflag:$0x9] =	stream.linear.gather [hbm4b:s23+s6], $0x60, $0x38;
	[tilespmem:$0x1FD80] =	vst v63  }
0xaf: {  	_ =	swait.ge [sflag:s12], $0x60  }
0xb0: {  	[sflag:s12] =	ssyncset.done $0x0  }
0xb1: {  	s21 =	rddreg [dreg:$0x16];
	[sflag:s12] =	ssyncadd.s32 $0xFFFFFFA0  }
0xb2: {  	[tilespmem:s30], [sflag:$0x4] =	stream.indirect.gather [hbm4b:s4+s14], $0x80, s28, s14, $0xb8;
	[tilespmem:$0x1FD80] =	vst v63  }
.LBB2_4:
0xb3: {  	_ =	swait.ge [sflag:s31], $0x3000  }
0xb4: {  	[sflag:s31] =	ssyncset.done $0x0  }
0xb5: {  	[sflag:s31] =	ssyncadd.s32 $0xFFFFD000  }
0xb6: {  	[spmem:s1] =	stream.indirect.scatter.add.f32 [tilespmem:s11], [sflag:$0x5], $0x80, s13, s14, $0xb8;
	[tilespmem:$0x1FD80] =	vst v63  }
0xb7: {  	_ =	swait.ge [sflag:s0], $0x3000  }
0xb8: {  	[sflag:s0] =	ssyncset.done $0x0  }
0xb9: {  	[sflag:s0] =	ssyncadd.s32 $0xFFFFD000  }
0xba: {  	[spmem:s1] =	stream.indirect.scatter.add.f32 [tilespmem:s17], [sflag:$0x6], $0x80, s16, s14, $0xb8;
	[tilespmem:$0x1FD80] =	vst v63  }
0xbb: {  	_ =	swait.ge [sflag:s3], $0x3000  }
0xbc: {  	[sflag:s3] =	ssyncset.done $0x0  }
0xbd: {  	[sflag:s3] =	ssyncadd.s32 $0xFFFFD000  }
0xbe: {  	[spmem:s1] =	stream.indirect.scatter.add.f32 [tilespmem:s20], [sflag:$0x7], $0x80, s19, s14, $0xb8;
	[tilespmem:$0x1FD80] =	vst v63  }
0xbf: {  	_ =	swait.ge [sflag:s8], $0x3000  }
0xc0: {  	p2 =	seq.s32 s6, $0x4B0;
	[sflag:s8] =	ssyncset.done $0x0  }
.Ltmp3:
0xc1: {  	[sflag:s8] =	ssyncadd.s32 $0xFFFFD000;
	(pc) =	sbr.rel @p2 .LBB2_6-.Ltmp3, $4  }
0xc2: {  	[spmem:s1] =	stream.indirect.scatter.add.f32 [tilespmem:s30], [sflag:$0x8], $0x80, s29, s14, $0xb8;
	[tilespmem:$0x1FD80] =	vst v63  }
0xc3: {  	_ =	swait.ge [sflag:s9], $0x3000  }
0xc4: {  	[sflag:s9] =	ssyncset.done $0x0  }
0xc5: {  	[sflag:s9] =	ssyncadd.s32 $0xFFFFD000  }
0xc6: {  	s22 =	sshrl.u32 s21, $0x3  }
0xc7: {  	s23 =	sadd.s32 s24, s22  }
0xc8: {  	[tilespmem:s2], [sflag:$0x9] =	stream.linear.gather [hbm4b:s23+s2], $0x60, $0x38;
	[tilespmem:$0x1FD80] =	vst v63  }
0xc9: {  	_ =	swait.ge [sflag:s12], $0x60  }
0xca: {  	[sflag:s12] =	ssyncset.done $0x0  }
0xcb: {  	s22 =	sadd.s32 s25, s22;
	[sflag:s12] =	ssyncadd.s32 $0xFFFFFFA0  }
0xcc: {  	[tilespmem:s13], [sflag:$0x9] =	stream.linear.gather [hbm4b:s22+s2], $0x60, $0x38;
	[tilespmem:$0x1FD80] =	vst v63  }
0xcd: {  	_ =	swait.ge [sflag:s12], $0x60  }
0xce: {  	[sflag:s12] =	ssyncset.done $0x0  }
0xcf: {  	[sflag:s12] =	ssyncadd.s32 $0xFFFFFFA0  }
0xd0: {  	[tilespmem:s11], [sflag:$0x1] =	stream.indirect.gather [hbm4b:s4+s14], $0x80, s2, s14, $0xb8;
	[tilespmem:$0x1FD80] =	vst v63  }
0xd1: {  	_ =	swait.ge [sflag:s10], $0x3000  }
0xd2: {  	[sflag:s10] =	ssyncset.done $0x0  }
0xd3: {  	s23 =	sadd.s32 s6, s26;
	[sflag:s10] =	ssyncadd.s32 $0xFFFFD000  }
0xd4: {  	[tilespmem:s15], [sflag:$0x9] =	stream.linear.gather [hbm4b:s23+s2], $0x60, $0x38;
	[tilespmem:$0x1FD80] =	vst v63  }
0xd5: {  	_ =	swait.ge [sflag:s12], $0x60  }
0xd6: {  	[sflag:s12] =	ssyncset.done $0x0;
	s23 =	rddreg [dreg:$0x15]  }
0xd7: {  	[sflag:s12] =	ssyncadd.s32 $0xFFFFFFA0;
	s22 =	sadd.s32 s6, s23  }
0xd8: {  	[tilespmem:s16], [sflag:$0x9] =	stream.linear.gather [hbm4b:s22+s2], $0x60, $0x38;
	[tilespmem:$0x1FD80] =	vst v63  }
0xd9: {  	_ =	swait.ge [sflag:s12], $0x60  }
0xda: {  	[sflag:s12] =	ssyncset.done $0x0  }
0xdb: {  	[sflag:s12] =	ssyncadd.s32 $0xFFFFFFA0  }
0xdc: {  	[tilespmem:s17], [sflag:$0x2] =	stream.indirect.gather [hbm4b:s4+s14], $0x80, s15, s14, $0xb8;
	[tilespmem:$0x1FD80] =	vst v63  }
0xdd: {  	_ =	swait.ge [sflag:s7], $0x3000  }
0xde: {  	[sflag:s7] =	ssyncset.done $0x0;
	s23 =	rddreg [dreg:$0x12]  }
0xdf: {  	[sflag:s7] =	ssyncadd.s32 $0xFFFFD000;
	s22 =	sadd.s32 s6, s23  }
0xe0: {  	[tilespmem:s18], [sflag:$0x9] =	stream.linear.gather [hbm4b:s22+s2], $0x60, $0x38;
	[tilespmem:$0x1FD80] =	vst v63  }
0xe1: {  	_ =	swait.ge [sflag:s12], $0x60  }
0xe2: {  	[sflag:s12] =	ssyncset.done $0x0;
	s23 =	rddreg [dreg:$0x11]  }
0xe3: {  	[sflag:s12] =	ssyncadd.s32 $0xFFFFFFA0;
	s22 =	sadd.s32 s6, s23  }
0xe4: {  	[tilespmem:s19], [sflag:$0x9] =	stream.linear.gather [hbm4b:s22+s2], $0x60, $0x38;
	[tilespmem:$0x1FD80] =	vst v63  }
0xe5: {  	_ =	swait.ge [sflag:s12], $0x60  }
0xe6: {  	[sflag:s12] =	ssyncset.done $0x0  }
0xe7: {  	[sflag:s12] =	ssyncadd.s32 $0xFFFFFFA0  }
0xe8: {  	[tilespmem:s20], [sflag:$0x3] =	stream.indirect.gather [hbm4b:s4+s14], $0x80, s18, s14, $0xb8;
	[tilespmem:$0x1FD80] =	vst v63  }
0xe9: {  	_ =	swait.ge [sflag:s5], $0x3000  }
0xea: {  	[sflag:s5] =	ssyncset.done $0x0;
	s23 =	rddreg [dreg:$0x14]  }
0xeb: {  	[sflag:s5] =	ssyncadd.s32 $0xFFFFD000;
	s22 =	sadd.s32 s6, s23  }
0xec: {  	[tilespmem:s28], [sflag:$0x9] =	stream.linear.gather [hbm4b:s22+s2], $0x60, $0x38;
	[tilespmem:$0x1FD80] =	vst v63  }
0xed: {  	_ =	swait.ge [sflag:s12], $0x60  }
0xee: {  	[sflag:s12] =	ssyncset.done $0x0;
	s23 =	rddreg [dreg:$0x13]  }
0xef: {  	[sflag:s12] =	ssyncadd.s32 $0xFFFFFFA0;
	s22 =	sadd.s32 s6, s23  }
0xf0: {  	[tilespmem:s29], [sflag:$0x9] =	stream.linear.gather [hbm4b:s22+s2], $0x60, $0x38;
	[tilespmem:$0x1FD80] =	vst v63  }
.Ltmp4:
0xf1: {  	_ = 	snop;
	(pc) =	sbr.rel .LBB2_4-.Ltmp4, $4  }
0xf2: {  	_ =	swait.ge [sflag:s12], $0x60  }
0xf3: {  	[sflag:s12] =	ssyncset.done $0x0  }
0xf4: {  	s21 =	sadd.s32 $0x180, s21;
	s6 =	sadd.s32 $0x30, s6;
	[sflag:s12] =	ssyncadd.s32 $0xFFFFFFA0  }
0xf5: {  	[tilespmem:s30], [sflag:$0x4] =	stream.indirect.gather [hbm4b:s4+s14], $0x80, s28, s14, $0xb8;
	[tilespmem:$0x1FD80] =	vst v63  }
.LBB2_7:
0xf6: {  	_ =	sfence.sel $0x180000  }
0xf7: {  	[bflag:$0x0] =	sbarrier.arrive $0xFFFF  }
0xf8: {  	_ =	strace $0x9000004A  }
0xf9: {  	s0 =	stileid.u32;
	[bflag:$0x2] =	sbarrier.arrive $0xFFFF  }
0xfa: {  	p0 =	sne.s32 s0, $0x0;
	s0 =	rddreg [dreg:$0x2]  }
0xfb: {  	s0 =	sadd.s32 @!p0 $0x100000, s0  }
0xfc: {  	[sflag:s0] =	ssyncadd.tile.s32 @!p0 $0x1;
	_ =	shalt  }
.Lfunc_end2:
_tile_overlayer_lowered:
.L_overlay_start_2:
0xfd: {  	(tag) =	ssettag $0x2  }
0xfe: {  	s0 =	rddreg [dreg:$0x0];
	s2 =	stileid.u32  }
0xff: {  	s1 =	rddreg [dreg:$0x1];
	p0 =	sne.s32 s2, $0x0  }
0x100: {  	s3 =	rddreg [dreg:$0x2];
	[bflag:$0x3] =	sbarrier.arrive $0xFFFF;
	s2 =	simm.s32 @!p0 $0x1C09  }
0x101: {  	[timem:s3], [sflag:s2] =	dma.local @!p0 [hbm:s0], s1  }
0x102: {  	s0 =	simm.s32 @!p0 $0x9  }
0x103: {  	_ =	swait.ge @!p0 [sflag:s0], s1  }
0x104: {  	s1 =	ssub.s32 @!p0 $0x0, s1;
	[sflag:s0] =	ssyncset.done @!p0 $0x0  }
0x105: {  	[sflag:s0] =	ssyncadd.s32 @!p0 s1  }
0x106: {  	[bflag:$0x3] =	sbarrier.arrive $0xFFFF  }
0x107: {  	_ =	shalt  }

// kernel: kernel.16.cloned.1.call-start
scs
__scs_entry_jumppad:
0x0: {  	(pc) =	sbr.rel $0x88, $3  }
0x1: {  	(tag) =	ssettag $0x0;
	lr =	simm.s32 $0x1  }
0x2: {  	[smem:$0x3F8D] =	sst lr;
	_ =	strace $0xD0000000  }
0x3: {  	_ = 	snop  }
0x4: {  	_ = 	snop  }
0x5: {  	_ = 	snop  }
0x6: {  	_ = 	snop  }
0x7: {  	_ = 	snop  }
__scs_overlays_trampoline_lowered:
0x8: {  	[smem:$0x3F9C] =	sst s0  }
0x9: {  	[smem:$0x3F9D] =	sst s1  }
0xa: {  	[smem:$0x3F9E] =	sst s2  }
0xb: {  	[smem:$0x3F9F] =	sst s3  }
0xc: {  	[smem:$0x3FA0] =	sst s4  }
0xd: {  	[smem:$0x3FA1] =	sst s5  }
0xe: {  	[smem:$0x3FA2] =	sst s6  }
0xf: {  	[smem:$0x3FA3] =	sst s7  }
0x10: {  	[smem:$0x3FA4] =	sst s8  }
0x11: {  	[smem:$0x3FA5] =	sst s9;
	s0 =	simm.s32 @!p0 $0x0  }
0x12: {  	s1 =	sld [smem:$0x3F8B];
	s0 =	simm.s32 @p0 $0x1  }
0x13: {  	[smem:$0x3FA6] =	sst s0;
	s0 =	simm.s32 @!p1 $0x0  }
0x14: {  	s2 =	sld [smem:$0x3F8A];
	s0 =	simm.s32 @p1 $0x1  }
0x15: {  	[smem:$0x3FA7] =	sst s0;
	s0 =	simm.s32 @!p2 $0x0  }
0x16: {  	s3 =	sld [smem:$0x3FDB];
	s0 =	simm.s32 @p2 $0x1  }
0x17: {  	s4 =	simm.s32 $0x1BF5;
	[smem:$0x3FA9] =	sst s0  }
0x18: {  	s0 =	sld [smem:$0x3F8C];
	_ =	swait.ge [sflag:s4], $0x0  }
0x19: {  	s7 =	sld [smem:$0x3F8D]  }
0x1a: {  	s8 =	sadd.s32 $0xFFFFE003, lr  }
0x1b: {  	s9 =	sadd.s32 $0xFFFFFEF7, lr;
	s5 =	simm.s32 $0xFFFFFFFF;
	p2 =	slt.u32 s8, $0xFFFFF086  }
0x1c: {  	p1 =	slt.u32 s9, $0xF7A;
	s5 =	simm.s32 @!p2 $0x0  }
0x1d: {  	s5 =	simm.s32 @p1 $0x1;
	p0 =	seq.s32 s7, s2  }
0x1e: {  	s7 =	smul.u32 @!p0 $0xF7A, s2;
	p2 =	seq.s32 @!p0 s5, $0x0  }
0x1f: {  	s9 =	smul.u32 $0xF7A, s1;
	s8 =	simm.s32 @!p0 $0x1BF5;
	p2 =	por !p2, p0  }
0x20: {  	[sflag:s8] =	ssyncset.s32 @!p0 $0xFFFFF086;
	s6 =	sadd.s32 @!p0 s3, s7;
	s7 =	simm.s32 @!p0 $0x108  }
0x21: {  	s3 =	sadd.s32 s3, s9;
	s6 =	sadd.s32 @!p0 $0x88, s6;
	s7 =	simm.s32 @p2 $0x1082  }
0x22: {  	[simem:s7], [sflag:s8] =	dma.local @!p0 [hbm:s6], $0xF7A  }
0x23: {  	s9 =	sor.u32 $0xD0000000, s2;
	s6 =	simm.s32 $0x108;
	_ =	swait.ge @!p0 [sflag:s8], $0x0  }
0x24: {  	s3 =	sadd.s32 $0x88, s3;
	s6 =	simm.s32 @!p1 $0x1082;
	[sflag:s4] =	ssyncset.s32 $0xFFFFF086  }
0x25: {  	[simem:s6], [sflag:s4] =	dma.local [hbm:s3], $0xF7A  }
0x26: {  	[smem:$0x3F8D] =	sst s1;
	(tag) =	ssettag s2;
	_ =	strace s9  }
0x27: {  	s1 =	sld [smem:$0x3F9D]  }
0x28: {  	s2 =	sld [smem:$0x3F9E]  }
0x29: {  	s4 =	sld [smem:$0x3FA0]  }
0x2a: {  	p0 =	seq.s32 s5, $0x0;
	s5 =	sld [smem:$0x3FA1]  }
0x2b: {  	s6 =	sld [smem:$0x3FA2]  }
0x2c: {  	s7 =	sld [smem:$0x3FA3]  }
0x2d: {  	s3 =	simm.s32 $0x108;
	s8 =	sld [smem:$0x3FA4]  }
0x2e: {  	s3 =	simm.s32 @!p0 $0x1082;
	s9 =	sld [smem:$0x3FA5]  }
0x2f: {  	lr =	sadd.s32 s0, s3;
	s0 =	sld [smem:$0x3F9C]  }
0x30: {  	s3 =	sld [smem:$0x3F9F]  }
0x31: {  	[smem:$0x3FA8] =	sst s10  }
0x32: {  	s10 =	sld [smem:$0x3FA6];
	_ =	sdelay $0x3  }
0x33: {  	p0 =	seq.s32 s10, $0x1;
	s10 =	sld [smem:$0x3FA8];
	_ =	sdelay $0x3  }
0x34: {  	[smem:$0x3FA8] =	sst s10  }
0x35: {  	s10 =	sld [smem:$0x3FA7];
	_ =	sdelay $0x3  }
0x36: {  	p1 =	seq.s32 s10, $0x1;
	s10 =	sld [smem:$0x3FA8];
	_ =	sdelay $0x3  }
0x37: {  	[smem:$0x3FA8] =	sst s10  }
0x38: {  	s10 =	sld [smem:$0x3FA9]  }
0x39: {  	_ = 	snop;
	(pc) =	sbr.ind lr, $3  }
0x3a: {  	_ = 	snop  }
0x3b: {  	_ = 	snop  }
0x3c: {  	p2 =	seq.s32 s10, $0x1;
	s10 =	sld [smem:$0x3FA8]  }
0x3d: {  	_ =	shalt  }
0x3e: {  	_ =	shalt  }
0x3f: {  	_ =	shalt  }
0x40: {  	_ =	shalt  }
0x41: {  	_ =	shalt  }
0x42: {  	_ =	shalt  }
0x43: {  	_ =	shalt  }
0x44: {  	_ =	shalt  }
0x45: {  	_ =	shalt  }
0x46: {  	_ =	shalt  }
0x47: {  	_ =	shalt  }
0x48: {  	_ =	shalt  }
0x49: {  	_ =	shalt  }
0x4a: {  	_ =	shalt  }
0x4b: {  	_ =	shalt  }
0x4c: {  	_ =	shalt  }
0x4d: {  	_ =	shalt  }
0x4e: {  	_ =	shalt  }
0x4f: {  	_ =	shalt  }
0x50: {  	_ =	shalt  }
0x51: {  	_ =	shalt  }
0x52: {  	_ =	shalt  }
0x53: {  	_ =	shalt  }
0x54: {  	_ =	shalt  }
0x55: {  	_ =	shalt  }
0x56: {  	_ =	shalt  }
0x57: {  	_ =	shalt  }
0x58: {  	_ =	shalt  }
0x59: {  	_ =	shalt  }
0x5a: {  	_ =	shalt  }
0x5b: {  	_ =	shalt  }
0x5c: {  	_ =	shalt  }
0x5d: {  	_ =	shalt  }
0x5e: {  	_ =	shalt  }
0x5f: {  	_ =	shalt  }
0x60: {  	_ =	shalt  }
0x61: {  	_ =	shalt  }
0x62: {  	_ =	shalt  }
0x63: {  	_ =	shalt  }
0x64: {  	_ =	shalt  }
0x65: {  	_ =	shalt  }
0x66: {  	_ =	shalt  }
0x67: {  	_ =	shalt  }
0x68: {  	_ =	shalt  }
0x69: {  	_ =	shalt  }
0x6a: {  	_ =	shalt  }
0x6b: {  	_ =	shalt  }
0x6c: {  	_ =	shalt  }
0x6d: {  	_ =	shalt  }
0x6e: {  	_ =	shalt  }
0x6f: {  	_ =	shalt  }
0x70: {  	_ =	shalt  }
0x71: {  	_ =	shalt  }
0x72: {  	_ =	shalt  }
0x73: {  	_ =	shalt  }
0x74: {  	_ =	shalt  }
0x75: {  	_ =	shalt  }
0x76: {  	_ =	shalt  }
0x77: {  	_ =	shalt  }
0x78: {  	_ =	shalt  }
0x79: {  	_ =	shalt  }
0x7a: {  	_ =	shalt  }
0x7b: {  	_ =	shalt  }
0x7c: {  	_ =	shalt  }
0x7d: {  	_ =	shalt  }
0x7e: {  	_ =	shalt  }
0x7f: {  	_ =	shalt  }
0x80: {  	_ =	shalt  }
0x81: {  	_ =	shalt  }
0x82: {  	_ =	shalt  }
0x83: {  	_ =	shalt  }
0x84: {  	_ =	shalt  }
0x85: {  	_ =	shalt  }
0x86: {  	_ =	shalt  }
0x87: {  	_ =	shalt  }
.Lfunc_end0:
.L_simem_size_0:
called_computation.2_lowered:
.L_overlay_start_0:
0x88: {  	s2 =	sld [smem:$0x3FD9]  }
0x89: {  	s3 =	sld [smem:$0x3FFE];
	_ =	sdelay $0x1  }
0x8a: {  	s1 =	srdreg.scid  }
0x8b: {  	s0 =	sand.u32 $0x1, s1  }
0x8c: {  	s16 =	sshll.u32 s0, $0xA;
	s2 =	sadd.s32 s3, s2  }
0x8d: {  	s2 =	sadd.s32 s2, s16  }
0x8e: {  	[smem:$0x3FB4] =	sst s2  }
0x8f: {  	_ = 	snop  }
0x90: {  	(tm) =	ssettm $0x1  }
0x91: {  	s17 =	sld [smem:$0x3FFB];
	_ =	sdelay $0x3  }
0x92: {  	_ =	strace s17  }
0x93: {  	s2 =	sld [smem:$0x3FFC];
	_ =	sdelay $0x3  }
0x94: {  	_ =	strace s2  }
0x95: {  	s2 =	sld [smem:$0x3FFD];
	_ =	sdelay $0x3  }
0x96: {  	_ =	strace s2  }
0x97: {  	_ =	strace $0x8FFFFFFF  }
0x98: {  	s18 =	sld [smem:$0x3FDB];
	_ =	sdelay $0x1  }
0x99: {  	s19 =	simm.s32 $_scs_section_size  }
0x9a: {  	s4 =	simm.s32 $_size__tile_overlayer_lowered;
	s5 =	simm.s32 $_tile_overlayer_lowered  }
0x9b: {  	s22 =	simm.s32 $0x1BFF;
	s21 =	sshll.u32 s5, $0x1;
	s2 =	sadd.s32 s19, s18  }
0x9c: {  	s6 =	simm.s32 $0x0;
	s20 =	sshll.u32 s4, $0x1;
	s4 =	sadd.s32 s21, s2  }
0x9d: {  	[timem:s6], [sflag:s22] =	dma.local [hbm:s4], s20  }
0x9e: {  	_ =	swait.ge [sflag:s22], s20  }
0x9f: {  	s3 =	ssub.s32 $0x0, s20;
	[sflag:s22] =	ssyncset.done $0x0  }
0xa0: {  	[sflag:s22] =	ssyncadd.s32 s3;
	_ =	sdelay $0x1  }
0xa1: {  	s23 =	simm.s32 $0x1B8B  }
0xa2: {  	_ =	swait.ge [sflag:s23], $0x1  }
0xa3: {  	[sflag:s23] =	ssyncset.done $0x0  }
0xa4: {  	s25 =	simm.s32 $0x1B8E;
	s24 =	sld [smem:$0x3FFE];
	[sflag:s23] =	ssyncadd.s32 $0xFFFFFFFF  }
0xa5: {  	s26 =	simm.s32 $execute0_lowered;
	[smem:$0x3FD2] =	sst s25  }
0xa6: {  	s4 =	sshll.u32 s26, $0x1;
	_ =	strace $0x8000004C;
	[dreg:$0x1] =	wrdreg $0xFFFFFFFF  }
0xa7: {  	s28 =	simm.s32 $_size_execute0_lowered;
	s2 =	sadd.s32 s2, s4;
	[dreg:$0x0] =	wrdreg $0x0  }
0xa8: {  	s4 =	sshll.u32 s28, $0x1;
	[dreg:$0x2] =	wrdreg s2  }
0xa9: {  	[dreg:$0x3] =	wrdreg s4  }
0xaa: {  	[dreg:$0x4] =	wrdreg $0xC0  }
0xab: {  	_ =	task [dreg:s6], $0x5FFFF  }
0xac: {  	[dreg:$0x1] =	wrdreg $0xFFFFFFFF  }
0xad: {  	[dreg:$0x0] =	wrdreg $0x60  }
0xae: {  	[dreg:$0x2] =	wrdreg s24  }
0xaf: {  	[dreg:$0x3] =	wrdreg $0xC5000  }
0xb0: {  	[dreg:$0x4] =	wrdreg $0x9  }
0xb1: {  	_ =	task.clear_ibuf [dreg:s6], $0x5FFFF;
	_ =	strace $0x9000004C  }
0xb2: {  	s29 =	simm.s32 $0x9;
	_ =	strace $0x8000004E  }
0xb3: {  	_ =	swait.ge [sflag:s29], $0x1  }
0xb4: {  	[sflag:s29] =	ssyncadd.s32 $0xFFFFFFFF  }
0xb5: {  	_ =	strace $0x9000004E  }
0xb6: {  	_ =	sfence  }
0xb7: {  	s30 =	sld [smem:$0x0];
	_ =	sdelay $0x2  }
0xb8: {  	s31 =	sshll.u32 s1, $0xD;
	s1 =	sshrl.u32 s1, $0x2  }
0xb9: {  	s3 =	sand.u32 $0x4000, s31;
	s1 =	sadd.s32 s1, s30  }
0xba: {  	s0 =	sor.u32 s3, s0;
	s1 =	sshll.u32 s1, $0x11  }
0xbb: {  	s0 =	sor.u32 s1, s0  }
0xbc: {  	s0 =	sadd.s32 $0x8F2B, s0  }
0xbd: {  	[sflag:s0] =	ssyncadd.remote.s32 $0x1  }
0xbe: {  	_ =	sfence.sel $0xFFFF  }
0xbf: {  	[dreg:$0x0] =	wrdreg $0xFFFFFFFF;
	(pc) =	sbr.abs _section_cstart, $3  }
0xc0: {  	[dreg:$0x1] =	wrdreg $0xFFFFFFFF  }
0xc1: {  	_ =	task.clear_ibuf [dreg:s6], $0x2FFFF;
	_ =	strace $0x9FFFFFFF  }
0xc2: {  	(tm) =	ssettm $0x7FFFFFFF  }
0xc3: {  	_ =	shalt  }
tec
execute0_lowered:
.L_overlay_start_1:
0x0: {  	(tag) =	ssettag $0x1  }
0x1: {  	s0 =	rddreg [dreg:$0x0]  }
0x2: {  	s1 =	rddreg [dreg:$0x1]  }
0x3: {  	s2 =	simm.s32 $0x0;
	s3 =	srdreg.scid;
	s11 =	stileid.u32  }
0x4: {  	s28 =	simm.s32 $0x180;
	s29 =	simm.s32 $0x380;
	s30 =	simm.s32 $0x9500  }
0x5: {  	s31 =	simm.s32 $0x1;
	[smem:$0x7FF] =	sst s2;
	s3 =	sand.u32 $0x1, s3  }
0x6: {  	s4 =	sadd.s32 $0x17C00, s0;
	s12 =	sadd.s32 $0xDE00, s0;
	s6 =	smul.u32 $0x4E000, s11  }
0x7: {  	s13 =	sadd.s32 $0x4000, s0;
	s0 =	sadd.s32 $0x3EE00, s0;
	s17 =	smul.u32 $0x13800, s11  }
0x8: {  	s19 =	smul.u32 $0x2710, s11;
	p0 =	sne.s32 s11, $0xF;
	p1 =	seq.s32 s11, $0xF  }
0x9: {  	_ =	strace $0x8000004D;
	s5 =	sshll.u32 s3, $0x4;
	s9 =	smul.u32 $0x138800, s3  }
0xa: {  	s7 =	ssub.s32 $0x2, s3;
	s3 =	smul.u32 $0x27100, s3;
	s5 =	sor.u32 s11, s5  }
0xb: {  	s8 =	sshrl.u32 s7, $0x1;
	s6 =	sshrl.u32 s6, $0x2;
	s11 =	simm.s32 $0x500  }
0xc: {  	s5 =	smul.u32 $0x2710, s5;
	s7 =	ssub.s32 s7, s8;
	s14 =	sadd.s32 s6, s1  }
0xd: {  	s21 =	sadd.s32 s17, s9;
	s22 =	sshrl.u32 s9, $0x3;
	s3 =	sadd.s32 s19, s3  }
0xe: {  	s23 =	sadd.s32 $0x240, s3;
	s17 =	sadd.s32 $0x3000, s14;
	[dreg:$0x3] =	wrdreg s14  }
0xf: {  	s9 =	sadd.s32 $0x1E0, s3;
	s19 =	sadd.s32 $0x9000, s14;
	[dreg:$0x18] =	wrdreg s17  }
0x10: {  	s5 =	sshrl.u32 s5, $0x3;
	[dreg:$0x1a] =	wrdreg s19;
	s17 =	simm.s32 $0x3500  }
0x11: {  	s19 =	simm.s32 $0x300;
	s24 =	sadd.s32 s12, s5;
	s25 =	sadd.s32 s13, s5  }
0x12: {  	s26 =	sadd.s32 $0xC, s5;
	s15 =	sadd.s32 $0x18, s5;
	[dreg:$0x4] =	wrdreg s24  }
0x13: {  	s18 =	sadd.s32 $0x24, s5;
	[dreg:$0x5] =	wrdreg s25;
	s10 =	sadd.s32 s12, s26  }
0x14: {  	s5 =	sadd.s32 $0x4E0, s5;
	s6 =	sadd.s32 s13, s26;
	[dreg:$0x6] =	wrdreg s10  }
0x15: {  	s16 =	sadd.s32 s12, s15;
	s8 =	sadd.s32 s13, s15;
	[dreg:$0x7] =	wrdreg s6  }
0x16: {  	s20 =	sadd.s32 s12, s5;
	s5 =	sadd.s32 s13, s5;
	[dreg:$0x8] =	wrdreg s16  }
0x17: {  	s25 =	sshrl.u32 s23, $0x3;
	s26 =	smax.u32 s7, $0x1;
	[dreg:$0x9] =	wrdreg s8  }
0x18: {  	s7 =	sadd.s32 $0x2A0, s3;
	s15 =	sshrl.u32 s9, $0x3;
	[dreg:$0xc] =	wrdreg s20  }
0x19: {  	s23 =	sadd.s32 $0x138000, s1;
	s9 =	simm.s32 $0x5;
	[dreg:$0xd] =	wrdreg s5  }
0x1a: {  	s10 =	sadd.s32 s12, s18;
	s8 =	sadd.s32 s13, s18;
	[dreg:$0x10] =	wrdreg s26  }
0x1b: {  	s5 =	sshrl.u32 s21, $0x3;
	s6 =	sadd.s32 s0, s22;
	[dreg:$0x1e] =	wrdreg s23  }
0x1c: {  	s26 =	sadd.s32 s15, s12;
	s16 =	sadd.s32 $0x180, s3;
	[dreg:$0xa] =	wrdreg s10  }
0x1d: {  	s18 =	sadd.s32 $0x6000, s14;
	s20 =	sadd.s32 $0xC000, s14;
	[dreg:$0xb] =	wrdreg s8  }
0x1e: {  	s21 =	sadd.s32 $0xF000, s14;
	s22 =	sadd.s32 $0x12000, s14;
	[dreg:$0x16] =	wrdreg s16  }
0x1f: {  	s14 =	simm.s32 $0x60;
	s3 =	simm.s32 $0x3;
	[dreg:$0x19] =	wrdreg s18  }
0x20: {  	s0 =	sadd.s32 s0, s5;
	s24 =	sadd.s32 $0x24900, s6;
	[dreg:$0x1b] =	wrdreg s20  }
0x21: {  	s6 =	sadd.s32 s25, s13;
	s8 =	sshrl.u32 s7, $0x3;
	[dreg:$0x1c] =	wrdreg s21  }
0x22: {  	s5 =	sadd.s32 s15, s13;
	[dreg:$0x1d] =	wrdreg s22;
	s15 =	simm.s32 $0x80  }
0x23: {  	s16 =	simm.s32 $0x280;
	s18 =	simm.s32 $0x100;
	[dreg:$0xe] =	wrdreg s0  }
0x24: {  	s20 =	simm.s32 $0x6500;
	s7 =	simm.s32 $0x7;
	[dreg:$0xf] =	wrdreg s24  }
0x25: {  	s22 =	simm.s32 $0x0;
	[dreg:$0x11] =	wrdreg s6;
	s0 =	sadd.s32 s25, s12  }
0x26: {  	s10 =	sadd.s32 s8, s13;
	s25 =	smov.u32 s13;
	[dreg:$0x15] =	wrdreg s5  }
.Ltmp0:
0x27: {  	s24 =	smov.u32 s12;
	[dreg:$0x12] =	wrdreg s0;
	(pc) =	sbr.rel .LBB2_1-.Ltmp0, $4  }
0x28: {  	s13 =	simm.s32 $0x200;
	[dreg:$0x13] =	wrdreg s10;
	s0 =	sadd.s32 s8, s12  }
0x29: {  	s5 =	simm.s32 $0x8;
	[dreg:$0x14] =	wrdreg s0;
	s0 =	sadd.s32 $0x124800, s1  }
0x2a: {  	s12 =	simm.s32 $0x9;
	s8 =	simm.s32 $0x4;
	s0 =	sshrl.u32 @p1 s0, $0x3  }
0x2b: {  	v0 =	vimm.f32 $0.0e+00;
	s10 =	simm.s32 $0x6;
	[dreg:$0x17] =	wrdreg s0;
	s0 =	simm.s32 $0x2  }
.LBB2_6:
0x2c: {  	_ =	swait.ge [sflag:s10], $0x3000  }
0x2d: {  	[sflag:s10] =	ssyncset.done $0x0  }
0x2e: {  	[sflag:s10] =	ssyncadd.s32 $0xFFFFD000  }
0x2f: {  	_ =	swait.ge [sflag:s7], $0x3000  }
0x30: {  	[sflag:s7] =	ssyncset.done $0x0  }
0x31: {  	[sflag:s7] =	ssyncadd.s32 $0xFFFFD000  }
0x32: {  	_ =	swait.ge [sflag:s5], $0x3000  }
0x33: {  	[sflag:s5] =	ssyncset.done $0x0  }
0x34: {  	s21 =	simm.s32 $0x400;
	s6 =	rddreg [dreg:$0xc];
	[sflag:s5] =	ssyncadd.s32 $0xFFFFD000  }
0x35: {  	[tilespmem:s21], [sflag:$0x9] =	stream.linear.gather [hbm4b:s6+s2], $0x10, $0x38;
	[tilespmem:$0x1FD80] =	vst v63  }
0x36: {  	_ =	swait.ge [sflag:s12], $0x10  }
0x37: {  	[sflag:s12] =	ssyncset.done $0x0  }
0x38: {  	s22 =	simm.s32 $0x480;
	s23 =	rddreg [dreg:$0xd];
	[sflag:s12] =	ssyncadd.s32 $0xFFFFFFF0  }
0x39: {  	[tilespmem:s22], [sflag:$0x9] =	stream.linear.gather [hbm4b:s23+s2], $0x10, $0x38;
	[tilespmem:$0x1FD80] =	vst v63  }
0x3a: {  	_ =	swait.ge [sflag:s12], $0x10  }
0x3b: {  	[sflag:s12] =	ssyncset.done $0x0  }
0x3c: {  	s23 =	simm.s32 $0x10;
	[sflag:s12] =	ssyncadd.s32 $0xFFFFFFF0  }
0x3d: {  	[tilespmem:s11], [sflag:$0x1] =	stream.indirect.gather [hbm4b:s4+s23], $0x80, s21, s23, $0xb8;
	[tilespmem:$0x1FD80] =	vst v63  }
0x3e: {  	_ =	swait.ge [sflag:s31], $0x800  }
0x3f: {  	[sflag:s31] =	ssyncset.done $0x0  }
0x40: {  	[sflag:s31] =	ssyncadd.s32 $0xFFFFF800  }
0x41: {  	[spmem:s1] =	stream.indirect.scatter.add.f32 [tilespmem:s11], [sflag:$0x9], $0x80, s22, s23, $0xb8;
	[tilespmem:$0x1FD80] =	vst v63  }
0x42: {  	_ =	swait.ge [sflag:s12], $0x800  }
0x43: {  	[sflag:s12] =	ssyncset.done $0x0  }
0x44: {  	[sflag:s12] =	ssyncadd.s32 $0xFFFFF800  }
0x45: {  	[bflag:$0x0] =	sbarrier.arrive $0xFFFF  }
0x46: {  	s21 =	rddreg [dreg:$0xf]  }
0x47: {  	s6 =	simm.s32 @p1 $0x1FC9;
	s22 =	rddreg [dreg:$0x17]  }
0x48: {  	[hbm:s21], [sflag:s6] =	dma.local @p1 [spmem:s22], $0x2800  }
0x49: {  	s6 =	simm.s32 @p1 $0x9  }
0x4a: {  	s21 =	stileid.u32;
	_ =	swait.ge @p1 [sflag:s6], $0x2800  }
0x4b: {  	s21 =	sshll.u32 @!p1 s21, $0x6;
	[sflag:s6] =	ssyncset.done @p1 $0x0  }
0x4c: {  	[sflag:s6] =	ssyncadd.s32 @p1 $0xFFFFD800;
	s6 =	sor.u32 @!p1 $0x1C09, s21;
	s21 =	rddreg [dreg:$0x3]  }
0x4d: {  	s22 =	rddreg [dreg:$0xe];
	s21 =	sshrl.u32 @!p1 s21, $0x3  }
0x4e: {  	[hbm:s22], [sflag:s6] =	dma.local @!p1 [spmem:s21], $0x2700  }
0x4f: {  	s6 =	simm.s32 @!p1 $0x9  }
0x50: {  	_ =	swait.ge @!p1 [sflag:s6], $0x2700  }
0x51: {  	s21 =	rddreg [dreg:$0x1f]  }
0x52: {  	s23 =	rddreg [dreg:$0x10];
	s22 =	sadd.s32 $0x1, s21  }
0x53: {  	p2 =	sne.s32 s22, s23  }
.Ltmp1:
0x54: {  	_ = 	snop;
	(pc) =	sbr.rel @!p2 .LBB2_7-.Ltmp1, $3  }
0x55: {  	_ =	sdelay $0x1  }
0x56: {  	[sflag:s6] =	ssyncset.done @!p1 $0x0  }
0x57: {  	[sflag:s6] =	ssyncadd.s32 @!p1 $0xFFFFD900  }
.LBB2_1:
0x58: {  	[dreg:$0x1f] =	wrdreg s22;
	s6 =	simm.s32 $0x0;
	s21 =	simm.s32 $0x200  }
.LBB2_2:
0x59: {  	p2 =	sne.s32 s21, $0xBE00;
	[tilespmem:s6+$0x570] =	vst v0  }
0x5a: {  	[tilespmem:s6+$0x500] =	vst v0  }
0x5b: {  	[tilespmem:s6+$0x510] =	vst v0  }
.Ltmp2:
0x5c: {  	[tilespmem:s6+$0x520] =	vst v0;
	(pc) =	sbr.rel @p2 .LBB2_2-.Ltmp2, $4  }
0x5d: {  	[tilespmem:s6+$0x530] =	vst v0  }
0x5e: {  	[tilespmem:s6+$0x540] =	vst v0  }
0x5f: {  	[tilespmem:s6+$0x550] =	vst v0  }
0x60: {  	[tilespmem:s6+$0x560] =	vst v0;
	s6 =	sshra.s32 s21, $0x2;
	s21 =	sadd.s32 $0x200, s21  }
0x61: {  	[tilespmem:s6+$0x570] =	vst v0  }
0x62: {  	[tilespmem:s6+$0x500] =	vst v0  }
0x63: {  	[tilespmem:s6+$0x510] =	vst v0  }
0x64: {  	[tilespmem:s6+$0x520] =	vst v0  }
0x65: {  	[tilespmem:s6+$0x530] =	vst v0  }
0x66: {  	[tilespmem:s6+$0x540] =	vst v0  }
0x67: {  	[tilespmem:s6+$0x550] =	vst v0  }
0x68: {  	[tilespmem:s6+$0x560] =	vst v0;
	s21 =	rddreg [dreg:$0x3]  }
0x69: {  	[spmem:s21] =	stream.linear.scatter [tilespmem:s11], [sflag:$0x9], $0x3000, $0x38;
	[tilespmem:$0x1FD80] =	vst v63  }
0x6a: {  	_ =	swait.ge [sflag:s12], $0x3000  }
0x6b: {  	[sflag:s12] =	ssyncset.done $0x0  }
0x6c: {  	s22 =	rddreg [dreg:$0x18];
	[sflag:s12] =	ssyncadd.s32 $0xFFFFD000  }
0x6d: {  	[spmem:s22] =	stream.linear.scatter [tilespmem:s11], [sflag:$0x9], $0x3000, $0x38;
	[tilespmem:$0x1FD80] =	vst v63  }
0x6e: {  	_ =	swait.ge [sflag:s12], $0x3000  }
0x6f: {  	[sflag:s12] =	ssyncset.done $0x0  }
0x70: {  	s23 =	rddreg [dreg:$0x19];
	[sflag:s12] =	ssyncadd.s32 $0xFFFFD000  }
0x71: {  	[spmem:s23] =	stream.linear.scatter [tilespmem:s11], [sflag:$0x9], $0x3000, $0x38;
	[tilespmem:$0x1FD80] =	vst v63  }
0x72: {  	_ =	swait.ge [sflag:s12], $0x3000  }
0x73: {  	[sflag:s12] =	ssyncset.done $0x0  }
0x74: {  	s21 =	rddreg [dreg:$0x1a];
	[sflag:s12] =	ssyncadd.s32 $0xFFFFD000  }
0x75: {  	[spmem:s21] =	stream.linear.scatter [tilespmem:s11], [sflag:$0x9], $0x3000, $0x38;
	[tilespmem:$0x1FD80] =	vst v63  }
0x76: {  	_ =	swait.ge [sflag:s12], $0x3000  }
0x77: {  	[sflag:s12] =	ssyncset.done $0x0  }
0x78: {  	s22 =	rddreg [dreg:$0x1b];
	[sflag:s12] =	ssyncadd.s32 $0xFFFFD000  }
0x79: {  	[spmem:s22] =	stream.linear.scatter [tilespmem:s11], [sflag:$0x9], $0x3000, $0x38;
	[tilespmem:$0x1FD80] =	vst v63  }
0x7a: {  	_ =	swait.ge [sflag:s12], $0x3000  }
0x7b: {  	[sflag:s12] =	ssyncset.done $0x0  }
0x7c: {  	s23 =	rddreg [dreg:$0x1c];
	[sflag:s12] =	ssyncadd.s32 $0xFFFFD000  }
0x7d: {  	[spmem:s23] =	stream.linear.scatter [tilespmem:s11], [sflag:$0x9], $0x3000, $0x38;
	[tilespmem:$0x1FD80] =	vst v63  }
0x7e: {  	_ =	swait.ge [sflag:s12], $0x3000  }
0x7f: {  	[sflag:s12] =	ssyncset.done $0x0  }
0x80: {  	s21 =	rddreg [dreg:$0x1d];
	[sflag:s12] =	ssyncadd.s32 $0xFFFFD000  }
0x81: {  	[spmem:s21] =	stream.linear.scatter [tilespmem:s11], [sflag:$0x9], $0x1800, $0x38;
	[tilespmem:$0x1FD80] =	vst v63  }
0x82: {  	_ =	swait.ge [sflag:s12], $0x1800  }
0x83: {  	[sflag:s12] =	ssyncset.done $0x0  }
0x84: {  	s6 =	simm.s32 @!p0 $0x500;
	s21 =	rddreg [dreg:$0x1e];
	[sflag:s12] =	ssyncadd.s32 $0xFFFFE800  }
0x85: {  	[spmem:s21] =	stream.linear.scatter @!p0 [tilespmem:s6], [sflag:$0x9], $0x800, $0x38;
	[tilespmem:$0x1FD80] =	vst v63  }
0x86: {  	s6 =	simm.s32 @!p0 $0x9  }
0x87: {  	_ =	swait.ge @!p0 [sflag:s6], $0x800  }
0x88: {  	[sflag:s6] =	ssyncset.done @!p0 $0x0  }
0x89: {  	[sflag:s6] =	ssyncadd.s32 @!p0 $0xFFFFF800  }
0x8a: {  	[bflag:$0x0] =	sbarrier.arrive $0xFFFF  }
0x8b: {  	s6 =	simm.s32 $0x0;
	s22 =	rddreg [dreg:$0x4]  }
0x8c: {  	[tilespmem:s6], [sflag:$0x9] =	stream.linear.gather [hbm4b:s22+s6], $0x60, $0x38;
	[tilespmem:$0x1FD80] =	vst v63  }
0x8d: {  	_ =	swait.ge [sflag:s12], $0x60  }
0x8e: {  	[sflag:s12] =	ssyncset.done $0x0  }
0x8f: {  	s23 =	rddreg [dreg:$0x5];
	[sflag:s12] =	ssyncadd.s32 $0xFFFFFFA0  }
0x90: {  	[tilespmem:s13], [sflag:$0x9] =	stream.linear.gather [hbm4b:s23+s6], $0x60, $0x38;
	[tilespmem:$0x1FD80] =	vst v63  }
0x91: {  	_ =	swait.ge [sflag:s12], $0x60  }
0x92: {  	[sflag:s12] =	ssyncset.done $0x0  }
0x93: {  	[sflag:s12] =	ssyncadd.s32 $0xFFFFFFA0  }
0x94: {  	[tilespmem:s11], [sflag:$0x1] =	stream.indirect.gather [hbm4b:s4+s14], $0x80, s6, s14, $0xb8;
	[tilespmem:$0x1FD80] =	vst v63  }
0x95: {  	s22 =	rddreg [dreg:$0x6]  }
0x96: {  	[tilespmem:s15], [sflag:$0x9] =	stream.linear.gather [hbm4b:s22+s6], $0x60, $0x38;
	[tilespmem:$0x1FD80] =	vst v63  }
0x97: {  	_ =	swait.ge [sflag:s12], $0x60  }
0x98: {  	[sflag:s12] =	ssyncset.done $0x0  }
0x99: {  	s23 =	rddreg [dreg:$0x7];
	[sflag:s12] =	ssyncadd.s32 $0xFFFFFFA0  }
0x9a: {  	[tilespmem:s16], [sflag:$0x9] =	stream.linear.gather [hbm4b:s23+s6], $0x60, $0x38;
	[tilespmem:$0x1FD80] =	vst v63  }
0x9b: {  	_ =	swait.ge [sflag:s12], $0x60  }
0x9c: {  	[sflag:s12] =	ssyncset.done $0x0  }
0x9d: {  	[sflag:s12] =	ssyncadd.s32 $0xFFFFFFA0  }
0x9e: {  	[tilespmem:s17], [sflag:$0x2] =	stream.indirect.gather [hbm4b:s4+s14], $0x80, s15, s14, $0xb8;
	[tilespmem:$0x1FD80] =	vst v63  }
0x9f: {  	s22 =	rddreg [dreg:$0x8]  }
0xa0: {  	[tilespmem:s18], [sflag:$0x9] =	stream.linear.gather [hbm4b:s22+s6], $0x60, $0x38;
	[tilespmem:$0x1FD80] =	vst v63  }
0xa1: {  	_ =	swait.ge [sflag:s12], $0x60  }
0xa2: {  	[sflag:s12] =	ssyncset.done $0x0  }
0xa3: {  	s23 =	rddreg [dreg:$0x9];
	[sflag:s12] =	ssyncadd.s32 $0xFFFFFFA0  }
0xa4: {  	[tilespmem:s19], [sflag:$0x9] =	stream.linear.gather [hbm4b:s23+s6], $0x60, $0x38;
	[tilespmem:$0x1FD80] =	vst v63  }
0xa5: {  	_ =	swait.ge [sflag:s12], $0x60  }
0xa6: {  	[sflag:s12] =	ssyncset.done $0x0  }
0xa7: {  	[sflag:s12] =	ssyncadd.s32 $0xFFFFFFA0  }
0xa8: {  	[tilespmem:s20], [sflag:$0x3] =	stream.indirect.gather [hbm4b:s4+s14], $0x80, s18, s14, $0xb8;
	[tilespmem:$0x1FD80] =	vst v63  }
0xa9: {  	s22 =	rddreg [dreg:$0xa]  }
0xaa: {  	[tilespmem:s28], [sflag:$0x9] =	stream.linear.gather [hbm4b:s22+s6], $0x60, $0x38;
	[tilespmem:$0x1FD80] =	vst v63  }
0xab: {  	_ =	swait.ge [sflag:s12], $0x60  }
0xac: {  	[sflag:s12] =	ssyncset.done $0x0  }
0xad: {  	s23 =	rddreg [dreg:$0xb];
	[sflag:s12] =	ssyncadd.s32 $0xFFFFFFA0  }
0xae: {  	[tilespmem:s29], [sflag:$0x9] =	stream.linear.gather [hbm4b:s23+s6], $0x60, $0x38;
	[tilespmem:$0x1FD80] =	vst v63  }
0xaf: {  	_ =	swait.ge [sflag:s12], $0x60  }
0xb0: {  	[sflag:s12] =	ssyncset.done $0x0  }
0xb1: {  	s21 =	rddreg [dreg:$0x16];
	[sflag:s12] =	ssyncadd.s32 $0xFFFFFFA0  }
0xb2: {  	[tilespmem:s30], [sflag:$0x4] =	stream.indirect.gather [hbm4b:s4+s14], $0x80, s28, s14, $0xb8;
	[tilespmem:$0x1FD80] =	vst v63  }
.LBB2_4:
0xb3: {  	_ =	swait.ge [sflag:s31], $0x3000  }
0xb4: {  	[sflag:s31] =	ssyncset.done $0x0  }
0xb5: {  	[sflag:s31] =	ssyncadd.s32 $0xFFFFD000  }
0xb6: {  	[spmem:s1] =	stream.indirect.scatter.add.f32 [tilespmem:s11], [sflag:$0x5], $0x80, s13, s14, $0xb8;
	[tilespmem:$0x1FD80] =	vst v63  }
0xb7: {  	_ =	swait.ge [sflag:s0], $0x3000  }
0xb8: {  	[sflag:s0] =	ssyncset.done $0x0  }
0xb9: {  	[sflag:s0] =	ssyncadd.s32 $0xFFFFD000  }
0xba: {  	[spmem:s1] =	stream.indirect.scatter.add.f32 [tilespmem:s17], [sflag:$0x6], $0x80, s16, s14, $0xb8;
	[tilespmem:$0x1FD80] =	vst v63  }
0xbb: {  	_ =	swait.ge [sflag:s3], $0x3000  }
0xbc: {  	[sflag:s3] =	ssyncset.done $0x0  }
0xbd: {  	[sflag:s3] =	ssyncadd.s32 $0xFFFFD000  }
0xbe: {  	[spmem:s1] =	stream.indirect.scatter.add.f32 [tilespmem:s20], [sflag:$0x7], $0x80, s19, s14, $0xb8;
	[tilespmem:$0x1FD80] =	vst v63  }
0xbf: {  	_ =	swait.ge [sflag:s8], $0x3000  }
0xc0: {  	p2 =	seq.s32 s6, $0x4B0;
	[sflag:s8] =	ssyncset.done $0x0  }
.Ltmp3:
0xc1: {  	[sflag:s8] =	ssyncadd.s32 $0xFFFFD000;
	(pc) =	sbr.rel @p2 .LBB2_6-.Ltmp3, $4  }
0xc2: {  	[spmem:s1] =	stream.indirect.scatter.add.f32 [tilespmem:s30], [sflag:$0x8], $0x80, s29, s14, $0xb8;
	[tilespmem:$0x1FD80] =	vst v63  }
0xc3: {  	_ =	swait.ge [sflag:s9], $0x3000  }
0xc4: {  	[sflag:s9] =	ssyncset.done $0x0  }
0xc5: {  	[sflag:s9] =	ssyncadd.s32 $0xFFFFD000  }
0xc6: {  	s22 =	sshrl.u32 s21, $0x3  }
0xc7: {  	s23 =	sadd.s32 s24, s22  }
0xc8: {  	[tilespmem:s2], [sflag:$0x9] =	stream.linear.gather [hbm4b:s23+s2], $0x60, $0x38;
	[tilespmem:$0x1FD80] =	vst v63  }
0xc9: {  	_ =	swait.ge [sflag:s12], $0x60  }
0xca: {  	[sflag:s12] =	ssyncset.done $0x0  }
0xcb: {  	s22 =	sadd.s32 s25, s22;
	[sflag:s12] =	ssyncadd.s32 $0xFFFFFFA0  }
0xcc: {  	[tilespmem:s13], [sflag:$0x9] =	stream.linear.gather [hbm4b:s22+s2], $0x60, $0x38;
	[tilespmem:$0x1FD80] =	vst v63  }
0xcd: {  	_ =	swait.ge [sflag:s12], $0x60  }
0xce: {  	[sflag:s12] =	ssyncset.done $0x0  }
0xcf: {  	[sflag:s12] =	ssyncadd.s32 $0xFFFFFFA0  }
0xd0: {  	[tilespmem:s11], [sflag:$0x1] =	stream.indirect.gather [hbm4b:s4+s14], $0x80, s2, s14, $0xb8;
	[tilespmem:$0x1FD80] =	vst v63  }
0xd1: {  	_ =	swait.ge [sflag:s10], $0x3000  }
0xd2: {  	[sflag:s10] =	ssyncset.done $0x0  }
0xd3: {  	s23 =	sadd.s32 s6, s26;
	[sflag:s10] =	ssyncadd.s32 $0xFFFFD000  }
0xd4: {  	[tilespmem:s15], [sflag:$0x9] =	stream.linear.gather [hbm4b:s23+s2], $0x60, $0x38;
	[tilespmem:$0x1FD80] =	vst v63  }
0xd5: {  	_ =	swait.ge [sflag:s12], $0x60  }
0xd6: {  	[sflag:s12] =	ssyncset.done $0x0;
	s23 =	rddreg [dreg:$0x15]  }
0xd7: {  	[sflag:s12] =	ssyncadd.s32 $0xFFFFFFA0;
	s22 =	sadd.s32 s6, s23  }
0xd8: {  	[tilespmem:s16], [sflag:$0x9] =	stream.linear.gather [hbm4b:s22+s2], $0x60, $0x38;
	[tilespmem:$0x1FD80] =	vst v63  }
0xd9: {  	_ =	swait.ge [sflag:s12], $0x60  }
0xda: {  	[sflag:s12] =	ssyncset.done $0x0  }
0xdb: {  	[sflag:s12] =	ssyncadd.s32 $0xFFFFFFA0  }
0xdc: {  	[tilespmem:s17], [sflag:$0x2] =	stream.indirect.gather [hbm4b:s4+s14], $0x80, s15, s14, $0xb8;
	[tilespmem:$0x1FD80] =	vst v63  }
0xdd: {  	_ =	swait.ge [sflag:s7], $0x3000  }
0xde: {  	[sflag:s7] =	ssyncset.done $0x0;
	s23 =	rddreg [dreg:$0x12]  }
0xdf: {  	[sflag:s7] =	ssyncadd.s32 $0xFFFFD000;
	s22 =	sadd.s32 s6, s23  }
0xe0: {  	[tilespmem:s18], [sflag:$0x9] =	stream.linear.gather [hbm4b:s22+s2], $0x60, $0x38;
	[tilespmem:$0x1FD80] =	vst v63  }
0xe1: {  	_ =	swait.ge [sflag:s12], $0x60  }
0xe2: {  	[sflag:s12] =	ssyncset.done $0x0;
	s23 =	rddreg [dreg:$0x11]  }
0xe3: {  	[sflag:s12] =	ssyncadd.s32 $0xFFFFFFA0;
	s22 =	sadd.s32 s6, s23  }
0xe4: {  	[tilespmem:s19], [sflag:$0x9] =	stream.linear.gather [hbm4b:s22+s2], $0x60, $0x38;
	[tilespmem:$0x1FD80] =	vst v63  }
0xe5: {  	_ =	swait.ge [sflag:s12], $0x60  }
0xe6: {  	[sflag:s12] =	ssyncset.done $0x0  }
0xe7: {  	[sflag:s12] =	ssyncadd.s32 $0xFFFFFFA0  }
0xe8: {  	[tilespmem:s20], [sflag:$0x3] =	stream.indirect.gather [hbm4b:s4+s14], $0x80, s18, s14, $0xb8;
	[tilespmem:$0x1FD80] =	vst v63  }
0xe9: {  	_ =	swait.ge [sflag:s5], $0x3000  }
0xea: {  	[sflag:s5] =	ssyncset.done $0x0;
	s23 =	rddreg [dreg:$0x14]  }
0xeb: {  	[sflag:s5] =	ssyncadd.s32 $0xFFFFD000;
	s22 =	sadd.s32 s6, s23  }
0xec: {  	[tilespmem:s28], [sflag:$0x9] =	stream.linear.gather [hbm4b:s22+s2], $0x60, $0x38;
	[tilespmem:$0x1FD80] =	vst v63  }
0xed: {  	_ =	swait.ge [sflag:s12], $0x60  }
0xee: {  	[sflag:s12] =	ssyncset.done $0x0;
	s23 =	rddreg [dreg:$0x13]  }
0xef: {  	[sflag:s12] =	ssyncadd.s32 $0xFFFFFFA0;
	s22 =	sadd.s32 s6, s23  }
0xf0: {  	[tilespmem:s29], [sflag:$0x9] =	stream.linear.gather [hbm4b:s22+s2], $0x60, $0x38;
	[tilespmem:$0x1FD80] =	vst v63  }
.Ltmp4:
0xf1: {  	_ = 	snop;
	(pc) =	sbr.rel .LBB2_4-.Ltmp4, $4  }
0xf2: {  	_ =	swait.ge [sflag:s12], $0x60  }
0xf3: {  	[sflag:s12] =	ssyncset.done $0x0  }
0xf4: {  	s21 =	sadd.s32 $0x180, s21;
	s6 =	sadd.s32 $0x30, s6;
	[sflag:s12] =	ssyncadd.s32 $0xFFFFFFA0  }
0xf5: {  	[tilespmem:s30], [sflag:$0x4] =	stream.indirect.gather [hbm4b:s4+s14], $0x80, s28, s14, $0xb8;
	[tilespmem:$0x1FD80] =	vst v63  }
.LBB2_7:
0xf6: {  	_ =	sfence.sel $0x180000  }
0xf7: {  	[bflag:$0x0] =	sbarrier.arrive $0xFFFF  }
0xf8: {  	_ =	strace $0x9000004D  }
0xf9: {  	s0 =	stileid.u32;
	[bflag:$0x2] =	sbarrier.arrive $0xFFFF  }
0xfa: {  	p0 =	sne.s32 s0, $0x0;
	s0 =	rddreg [dreg:$0x2]  }
0xfb: {  	s0 =	sadd.s32 @!p0 $0x100000, s0  }
0xfc: {  	[sflag:s0] =	ssyncadd.tile.s32 @!p0 $0x1;
	_ =	shalt  }
.Lfunc_end2:
_tile_overlayer_lowered:
.L_overlay_start_2:
0xfd: {  	(tag) =	ssettag $0x2  }
0xfe: {  	s0 =	rddreg [dreg:$0x0];
	s2 =	stileid.u32  }
0xff: {  	s1 =	rddreg [dreg:$0x1];
	p0 =	sne.s32 s2, $0x0  }
0x100: {  	s3 =	rddreg [dreg:$0x2];
	[bflag:$0x3] =	sbarrier.arrive $0xFFFF;
	s2 =	simm.s32 @!p0 $0x1C09  }
0x101: {  	[timem:s3], [sflag:s2] =	dma.local @!p0 [hbm:s0], s1  }
0x102: {  	s0 =	simm.s32 @!p0 $0x9  }
0x103: {  	_ =	swait.ge @!p0 [sflag:s0], s1  }
0x104: {  	s1 =	ssub.s32 @!p0 $0x0, s1;
	[sflag:s0] =	ssyncset.done @!p0 $0x0  }
0x105: {  	[sflag:s0] =	ssyncadd.s32 @!p0 s1  }
0x106: {  	[bflag:$0x3] =	sbarrier.arrive $0xFFFF  }
0x107: {  	_ =	shalt  }

// kernel: kernel.19.cloned.1.call-start
scs
__scs_entry_jumppad:
0x0: {  	(pc) =	sbr.rel $0x88, $3  }
0x1: {  	(tag) =	ssettag $0x0;
	lr =	simm.s32 $0x1  }
0x2: {  	[smem:$0x3F8D] =	sst lr;
	_ =	strace $0xD0000000  }
0x3: {  	_ = 	snop  }
0x4: {  	_ = 	snop  }
0x5: {  	_ = 	snop  }
0x6: {  	_ = 	snop  }
0x7: {  	_ = 	snop  }
__scs_overlays_trampoline_lowered:
0x8: {  	[smem:$0x3F9C] =	sst s0  }
0x9: {  	[smem:$0x3F9D] =	sst s1  }
0xa: {  	[smem:$0x3F9E] =	sst s2  }
0xb: {  	[smem:$0x3F9F] =	sst s3  }
0xc: {  	[smem:$0x3FA0] =	sst s4  }
0xd: {  	[smem:$0x3FA1] =	sst s5  }
0xe: {  	[smem:$0x3FA2] =	sst s6  }
0xf: {  	[smem:$0x3FA3] =	sst s7  }
0x10: {  	[smem:$0x3FA4] =	sst s8  }
0x11: {  	[smem:$0x3FA5] =	sst s9;
	s0 =	simm.s32 @!p0 $0x0  }
0x12: {  	s1 =	sld [smem:$0x3F8B];
	s0 =	simm.s32 @p0 $0x1  }
0x13: {  	[smem:$0x3FA6] =	sst s0;
	s0 =	simm.s32 @!p1 $0x0  }
0x14: {  	s2 =	sld [smem:$0x3F8A];
	s0 =	simm.s32 @p1 $0x1  }
0x15: {  	[smem:$0x3FA7] =	sst s0;
	s0 =	simm.s32 @!p2 $0x0  }
0x16: {  	s3 =	sld [smem:$0x3FDB];
	s0 =	simm.s32 @p2 $0x1  }
0x17: {  	s4 =	simm.s32 $0x1BF5;
	[smem:$0x3FA9] =	sst s0  }
0x18: {  	s0 =	sld [smem:$0x3F8C];
	_ =	swait.ge [sflag:s4], $0x0  }
0x19: {  	s7 =	sld [smem:$0x3F8D]  }
0x1a: {  	s8 =	sadd.s32 $0xFFFFE003, lr  }
0x1b: {  	s9 =	sadd.s32 $0xFFFFFEF7, lr;
	s5 =	simm.s32 $0xFFFFFFFF;
	p2 =	slt.u32 s8, $0xFFFFF086  }
0x1c: {  	p1 =	slt.u32 s9, $0xF7A;
	s5 =	simm.s32 @!p2 $0x0  }
0x1d: {  	s5 =	simm.s32 @p1 $0x1;
	p0 =	seq.s32 s7, s2  }
0x1e: {  	s7 =	smul.u32 @!p0 $0xF7A, s2;
	p2 =	seq.s32 @!p0 s5, $0x0  }
0x1f: {  	s9 =	smul.u32 $0xF7A, s1;
	s8 =	simm.s32 @!p0 $0x1BF5;
	p2 =	por !p2, p0  }
0x20: {  	[sflag:s8] =	ssyncset.s32 @!p0 $0xFFFFF086;
	s6 =	sadd.s32 @!p0 s3, s7;
	s7 =	simm.s32 @!p0 $0x108  }
0x21: {  	s3 =	sadd.s32 s3, s9;
	s6 =	sadd.s32 @!p0 $0x88, s6;
	s7 =	simm.s32 @p2 $0x1082  }
0x22: {  	[simem:s7], [sflag:s8] =	dma.local @!p0 [hbm:s6], $0xF7A  }
0x23: {  	s9 =	sor.u32 $0xD0000000, s2;
	s6 =	simm.s32 $0x108;
	_ =	swait.ge @!p0 [sflag:s8], $0x0  }
0x24: {  	s3 =	sadd.s32 $0x88, s3;
	s6 =	simm.s32 @!p1 $0x1082;
	[sflag:s4] =	ssyncset.s32 $0xFFFFF086  }
0x25: {  	[simem:s6], [sflag:s4] =	dma.local [hbm:s3], $0xF7A  }
0x26: {  	[smem:$0x3F8D] =	sst s1;
	(tag) =	ssettag s2;
	_ =	strace s9  }
0x27: {  	s1 =	sld [smem:$0x3F9D]  }
0x28: {  	s2 =	sld [smem:$0x3F9E]  }
0x29: {  	s4 =	sld [smem:$0x3FA0]  }
0x2a: {  	p0 =	seq.s32 s5, $0x0;
	s5 =	sld [smem:$0x3FA1]  }
0x2b: {  	s6 =	sld [smem:$0x3FA2]  }
0x2c: {  	s7 =	sld [smem:$0x3FA3]  }
0x2d: {  	s3 =	simm.s32 $0x108;
	s8 =	sld [smem:$0x3FA4]  }
0x2e: {  	s3 =	simm.s32 @!p0 $0x1082;
	s9 =	sld [smem:$0x3FA5]  }
0x2f: {  	lr =	sadd.s32 s0, s3;
	s0 =	sld [smem:$0x3F9C]  }
0x30: {  	s3 =	sld [smem:$0x3F9F]  }
0x31: {  	[smem:$0x3FA8] =	sst s10  }
0x32: {  	s10 =	sld [smem:$0x3FA6];
	_ =	sdelay $0x3  }
0x33: {  	p0 =	seq.s32 s10, $0x1;
	s10 =	sld [smem:$0x3FA8];
	_ =	sdelay $0x3  }
0x34: {  	[smem:$0x3FA8] =	sst s10  }
0x35: {  	s10 =	sld [smem:$0x3FA7];
	_ =	sdelay $0x3  }
0x36: {  	p1 =	seq.s32 s10, $0x1;
	s10 =	sld [smem:$0x3FA8];
	_ =	sdelay $0x3  }
0x37: {  	[smem:$0x3FA8] =	sst s10  }
0x38: {  	s10 =	sld [smem:$0x3FA9]  }
0x39: {  	_ = 	snop;
	(pc) =	sbr.ind lr, $3  }
0x3a: {  	_ = 	snop  }
0x3b: {  	_ = 	snop  }
0x3c: {  	p2 =	seq.s32 s10, $0x1;
	s10 =	sld [smem:$0x3FA8]  }
0x3d: {  	_ =	shalt  }
0x3e: {  	_ =	shalt  }
0x3f: {  	_ =	shalt  }
0x40: {  	_ =	shalt  }
0x41: {  	_ =	shalt  }
0x42: {  	_ =	shalt  }
0x43: {  	_ =	shalt  }
0x44: {  	_ =	shalt  }
0x45: {  	_ =	shalt  }
0x46: {  	_ =	shalt  }
0x47: {  	_ =	shalt  }
0x48: {  	_ =	shalt  }
0x49: {  	_ =	shalt  }
0x4a: {  	_ =	shalt  }
0x4b: {  	_ =	shalt  }
0x4c: {  	_ =	shalt  }
0x4d: {  	_ =	shalt  }
0x4e: {  	_ =	shalt  }
0x4f: {  	_ =	shalt  }
0x50: {  	_ =	shalt  }
0x51: {  	_ =	shalt  }
0x52: {  	_ =	shalt  }
0x53: {  	_ =	shalt  }
0x54: {  	_ =	shalt  }
0x55: {  	_ =	shalt  }
0x56: {  	_ =	shalt  }
0x57: {  	_ =	shalt  }
0x58: {  	_ =	shalt  }
0x59: {  	_ =	shalt  }
0x5a: {  	_ =	shalt  }
0x5b: {  	_ =	shalt  }
0x5c: {  	_ =	shalt  }
0x5d: {  	_ =	shalt  }
0x5e: {  	_ =	shalt  }
0x5f: {  	_ =	shalt  }
0x60: {  	_ =	shalt  }
0x61: {  	_ =	shalt  }
0x62: {  	_ =	shalt  }
0x63: {  	_ =	shalt  }
0x64: {  	_ =	shalt  }
0x65: {  	_ =	shalt  }
0x66: {  	_ =	shalt  }
0x67: {  	_ =	shalt  }
0x68: {  	_ =	shalt  }
0x69: {  	_ =	shalt  }
0x6a: {  	_ =	shalt  }
0x6b: {  	_ =	shalt  }
0x6c: {  	_ =	shalt  }
0x6d: {  	_ =	shalt  }
0x6e: {  	_ =	shalt  }
0x6f: {  	_ =	shalt  }
0x70: {  	_ =	shalt  }
0x71: {  	_ =	shalt  }
0x72: {  	_ =	shalt  }
0x73: {  	_ =	shalt  }
0x74: {  	_ =	shalt  }
0x75: {  	_ =	shalt  }
0x76: {  	_ =	shalt  }
0x77: {  	_ =	shalt  }
0x78: {  	_ =	shalt  }
0x79: {  	_ =	shalt  }
0x7a: {  	_ =	shalt  }
0x7b: {  	_ =	shalt  }
0x7c: {  	_ =	shalt  }
0x7d: {  	_ =	shalt  }
0x7e: {  	_ =	shalt  }
0x7f: {  	_ =	shalt  }
0x80: {  	_ =	shalt  }
0x81: {  	_ =	shalt  }
0x82: {  	_ =	shalt  }
0x83: {  	_ =	shalt  }
0x84: {  	_ =	shalt  }
0x85: {  	_ =	shalt  }
0x86: {  	_ =	shalt  }
0x87: {  	_ =	shalt  }
.Lfunc_end0:
.L_simem_size_0:
called_computation.3_lowered:
.L_overlay_start_0:
0x88: {  	s2 =	sld [smem:$0x3FD9]  }
0x89: {  	s3 =	sld [smem:$0x3FFE];
	_ =	sdelay $0x1  }
0x8a: {  	s1 =	srdreg.scid  }
0x8b: {  	s0 =	sand.u32 $0x1, s1  }
0x8c: {  	s16 =	sshll.u32 s0, $0xA;
	s2 =	sadd.s32 s3, s2  }
0x8d: {  	s2 =	sadd.s32 s2, s16  }
0x8e: {  	[smem:$0x3FB4] =	sst s2  }
0x8f: {  	_ = 	snop  }
0x90: {  	(tm) =	ssettm $0x1  }
0x91: {  	s17 =	sld [smem:$0x3FFB];
	_ =	sdelay $0x3  }
0x92: {  	_ =	strace s17  }
0x93: {  	s2 =	sld [smem:$0x3FFC];
	_ =	sdelay $0x3  }
0x94: {  	_ =	strace s2  }
0x95: {  	s2 =	sld [smem:$0x3FFD];
	_ =	sdelay $0x3  }
0x96: {  	_ =	strace s2  }
0x97: {  	_ =	strace $0x8FFFFFFF  }
0x98: {  	s18 =	sld [smem:$0x3FDB];
	_ =	sdelay $0x1  }
0x99: {  	s19 =	simm.s32 $_scs_section_size  }
0x9a: {  	s4 =	simm.s32 $_size__tile_overlayer_lowered;
	s5 =	simm.s32 $_tile_overlayer_lowered  }
0x9b: {  	s22 =	simm.s32 $0x1BFF;
	s21 =	sshll.u32 s5, $0x1;
	s2 =	sadd.s32 s19, s18  }
0x9c: {  	s6 =	simm.s32 $0x0;
	s20 =	sshll.u32 s4, $0x1;
	s4 =	sadd.s32 s21, s2  }
0x9d: {  	[timem:s6], [sflag:s22] =	dma.local [hbm:s4], s20  }
0x9e: {  	_ =	swait.ge [sflag:s22], s20  }
0x9f: {  	s3 =	ssub.s32 $0x0, s20;
	[sflag:s22] =	ssyncset.done $0x0  }
0xa0: {  	[sflag:s22] =	ssyncadd.s32 s3;
	_ =	sdelay $0x1  }
0xa1: {  	s23 =	simm.s32 $0x1B8B  }
0xa2: {  	_ =	swait.ge [sflag:s23], $0x1  }
0xa3: {  	[sflag:s23] =	ssyncset.done $0x0  }
0xa4: {  	s25 =	simm.s32 $0x1B8E;
	s24 =	sld [smem:$0x3FFE];
	[sflag:s23] =	ssyncadd.s32 $0xFFFFFFFF  }
0xa5: {  	s26 =	simm.s32 $execute0_lowered;
	[smem:$0x3FD2] =	sst s25  }
0xa6: {  	s4 =	sshll.u32 s26, $0x1;
	_ =	strace $0x8000004F;
	[dreg:$0x1] =	wrdreg $0xFFFFFFFF  }
0xa7: {  	s28 =	simm.s32 $_size_execute0_lowered;
	s2 =	sadd.s32 s2, s4;
	[dreg:$0x0] =	wrdreg $0x0  }
0xa8: {  	s4 =	sshll.u32 s28, $0x1;
	[dreg:$0x2] =	wrdreg s2  }
0xa9: {  	[dreg:$0x3] =	wrdreg s4  }
0xaa: {  	[dreg:$0x4] =	wrdreg $0xC0  }
0xab: {  	_ =	task [dreg:s6], $0x5FFFF  }
0xac: {  	[dreg:$0x1] =	wrdreg $0xFFFFFFFF  }
0xad: {  	[dreg:$0x0] =	wrdreg $0x60  }
0xae: {  	[dreg:$0x2] =	wrdreg s24  }
0xaf: {  	[dreg:$0x3] =	wrdreg $0xC5000  }
0xb0: {  	[dreg:$0x4] =	wrdreg $0x9  }
0xb1: {  	_ =	task.clear_ibuf [dreg:s6], $0x5FFFF;
	_ =	strace $0x9000004F  }
0xb2: {  	s29 =	simm.s32 $0x9;
	_ =	strace $0x80000051  }
0xb3: {  	_ =	swait.ge [sflag:s29], $0x1  }
0xb4: {  	[sflag:s29] =	ssyncadd.s32 $0xFFFFFFFF  }
0xb5: {  	_ =	strace $0x90000051  }
0xb6: {  	_ =	sfence  }
0xb7: {  	s30 =	sld [smem:$0x0];
	_ =	sdelay $0x2  }
0xb8: {  	s31 =	sshll.u32 s1, $0xD;
	s1 =	sshrl.u32 s1, $0x2  }
0xb9: {  	s3 =	sand.u32 $0x4000, s31;
	s1 =	sadd.s32 s1, s30  }
0xba: {  	s0 =	sor.u32 s3, s0;
	s1 =	sshll.u32 s1, $0x11  }
0xbb: {  	s0 =	sor.u32 s1, s0  }
0xbc: {  	s0 =	sadd.s32 $0x8F2B, s0  }
0xbd: {  	[sflag:s0] =	ssyncadd.remote.s32 $0x1  }
0xbe: {  	_ =	sfence.sel $0xFFFF  }
0xbf: {  	[dreg:$0x0] =	wrdreg $0xFFFFFFFF;
	(pc) =	sbr.abs _section_cstart, $3  }
0xc0: {  	[dreg:$0x1] =	wrdreg $0xFFFFFFFF  }
0xc1: {  	_ =	task.clear_ibuf [dreg:s6], $0x2FFFF;
	_ =	strace $0x9FFFFFFF  }
0xc2: {  	(tm) =	ssettm $0x7FFFFFFF  }
0xc3: {  	_ =	shalt  }
tec
execute0_lowered:
.L_overlay_start_1:
0x0: {  	(tag) =	ssettag $0x1  }
0x1: {  	s0 =	rddreg [dreg:$0x0]  }
0x2: {  	s1 =	rddreg [dreg:$0x1]  }
0x3: {  	s2 =	simm.s32 $0x0;
	s3 =	srdreg.scid;
	s11 =	stileid.u32  }
0x4: {  	s28 =	simm.s32 $0x180;
	s29 =	simm.s32 $0x380;
	s30 =	simm.s32 $0x9500  }
0x5: {  	s31 =	simm.s32 $0x1;
	[smem:$0x7FF] =	sst s2;
	s3 =	sand.u32 $0x1, s3  }
0x6: {  	s4 =	sadd.s32 $0x17C00, s0;
	s12 =	sadd.s32 $0xDE00, s0;
	s6 =	smul.u32 $0x4E000, s11  }
0x7: {  	s13 =	sadd.s32 $0x4000, s0;
	s0 =	sadd.s32 $0x3EE00, s0;
	s17 =	smul.u32 $0x13800, s11  }
0x8: {  	s19 =	smul.u32 $0x2710, s11;
	p0 =	sne.s32 s11, $0xF;
	p1 =	seq.s32 s11, $0xF  }
0x9: {  	_ =	strace $0x80000050;
	s5 =	sshll.u32 s3, $0x4;
	s9 =	smul.u32 $0x138800, s3  }
0xa: {  	s7 =	ssub.s32 $0x2, s3;
	s3 =	smul.u32 $0x27100, s3;
	s5 =	sor.u32 s11, s5  }
0xb: {  	s8 =	sshrl.u32 s7, $0x1;
	s6 =	sshrl.u32 s6, $0x2;
	s11 =	simm.s32 $0x500  }
0xc: {  	s5 =	smul.u32 $0x2710, s5;
	s7 =	ssub.s32 s7, s8;
	s14 =	sadd.s32 s6, s1  }
0xd: {  	s21 =	sadd.s32 s17, s9;
	s22 =	sshrl.u32 s9, $0x3;
	s3 =	sadd.s32 s19, s3  }
0xe: {  	s23 =	sadd.s32 $0x240, s3;
	s17 =	sadd.s32 $0x3000, s14;
	[dreg:$0x3] =	wrdreg s14  }
0xf: {  	s9 =	sadd.s32 $0x1E0, s3;
	s19 =	sadd.s32 $0x9000, s14;
	[dreg:$0x18] =	wrdreg s17  }
0x10: {  	s5 =	sshrl.u32 s5, $0x3;
	[dreg:$0x1a] =	wrdreg s19;
	s17 =	simm.s32 $0x3500  }
0x11: {  	s19 =	simm.s32 $0x300;
	s24 =	sadd.s32 s12, s5;
	s25 =	sadd.s32 s13, s5  }
0x12: {  	s26 =	sadd.s32 $0xC, s5;
	s15 =	sadd.s32 $0x18, s5;
	[dreg:$0x4] =	wrdreg s24  }
0x13: {  	s18 =	sadd.s32 $0x24, s5;
	[dreg:$0x5] =	wrdreg s25;
	s10 =	sadd.s32 s12, s26  }
0x14: {  	s5 =	sadd.s32 $0x4E0, s5;
	s6 =	sadd.s32 s13, s26;
	[dreg:$0x6] =	wrdreg s10  }
0x15: {  	s16 =	sadd.s32 s12, s15;
	s8 =	sadd.s32 s13, s15;
	[dreg:$0x7] =	wrdreg s6  }
0x16: {  	s20 =	sadd.s32 s12, s5;
	s5 =	sadd.s32 s13, s5;
	[dreg:$0x8] =	wrdreg s16  }
0x17: {  	s25 =	sshrl.u32 s23, $0x3;
	s26 =	smax.u32 s7, $0x1;
	[dreg:$0x9] =	wrdreg s8  }
0x18: {  	s7 =	sadd.s32 $0x2A0, s3;
	s15 =	sshrl.u32 s9, $0x3;
	[dreg:$0xc] =	wrdreg s20  }
0x19: {  	s23 =	sadd.s32 $0x138000, s1;
	s9 =	simm.s32 $0x5;
	[dreg:$0xd] =	wrdreg s5  }
0x1a: {  	s10 =	sadd.s32 s12, s18;
	s8 =	sadd.s32 s13, s18;
	[dreg:$0x10] =	wrdreg s26  }
0x1b: {  	s5 =	sshrl.u32 s21, $0x3;
	s6 =	sadd.s32 s0, s22;
	[dreg:$0x1e] =	wrdreg s23  }
0x1c: {  	s26 =	sadd.s32 s15, s12;
	s16 =	sadd.s32 $0x180, s3;
	[dreg:$0xa] =	wrdreg s10  }
0x1d: {  	s18 =	sadd.s32 $0x6000, s14;
	s20 =	sadd.s32 $0xC000, s14;
	[dreg:$0xb] =	wrdreg s8  }
0x1e: {  	s21 =	sadd.s32 $0xF000, s14;
	s22 =	sadd.s32 $0x12000, s14;
	[dreg:$0x16] =	wrdreg s16  }
0x1f: {  	s14 =	simm.s32 $0x60;
	s3 =	simm.s32 $0x3;
	[dreg:$0x19] =	wrdreg s18  }
0x20: {  	s0 =	sadd.s32 s0, s5;
	s24 =	sadd.s32 $0x24900, s6;
	[dreg:$0x1b] =	wrdreg s20  }
0x21: {  	s6 =	sadd.s32 s25, s13;
	s8 =	sshrl.u32 s7, $0x3;
	[dreg:$0x1c] =	wrdreg s21  }
0x22: {  	s5 =	sadd.s32 s15, s13;
	[dreg:$0x1d] =	wrdreg s22;
	s15 =	simm.s32 $0x80  }
0x23: {  	s16 =	simm.s32 $0x280;
	s18 =	simm.s32 $0x100;
	[dreg:$0xe] =	wrdreg s0  }
0x24: {  	s20 =	simm.s32 $0x6500;
	s7 =	simm.s32 $0x7;
	[dreg:$0xf] =	wrdreg s24  }
0x25: {  	s22 =	simm.s32 $0x0;
	[dreg:$0x11] =	wrdreg s6;
	s0 =	sadd.s32 s25, s12  }
0x26: {  	s10 =	sadd.s32 s8, s13;
	s25 =	smov.u32 s13;
	[dreg:$0x15] =	wrdreg s5  }
.Ltmp0:
0x27: {  	s24 =	smov.u32 s12;
	[dreg:$0x12] =	wrdreg s0;
	(pc) =	sbr.rel .LBB2_1-.Ltmp0, $4  }
0x28: {  	s13 =	simm.s32 $0x200;
	[dreg:$0x13] =	wrdreg s10;
	s0 =	sadd.s32 s8, s12  }
0x29: {  	s5 =	simm.s32 $0x8;
	[dreg:$0x14] =	wrdreg s0;
	s0 =	sadd.s32 $0x124800, s1  }
0x2a: {  	s12 =	simm.s32 $0x9;
	s8 =	simm.s32 $0x4;
	s0 =	sshrl.u32 @p1 s0, $0x3  }
0x2b: {  	v0 =	vimm.f32 $0.0e+00;
	s10 =	simm.s32 $0x6;
	[dreg:$0x17] =	wrdreg s0;
	s0 =	simm.s32 $0x2  }
.LBB2_6:
0x2c: {  	_ =	swait.ge [sflag:s10], $0x3000  }
0x2d: {  	[sflag:s10] =	ssyncset.done $0x0  }
0x2e: {  	[sflag:s10] =	ssyncadd.s32 $0xFFFFD000  }
0x2f: {  	_ =	swait.ge [sflag:s7], $0x3000  }
0x30: {  	[sflag:s7] =	ssyncset.done $0x0  }
0x31: {  	[sflag:s7] =	ssyncadd.s32 $0xFFFFD000  }
0x32: {  	_ =	swait.ge [sflag:s5], $0x3000  }
0x33: {  	[sflag:s5] =	ssyncset.done $0x0  }
0x34: {  	s21 =	simm.s32 $0x400;
	s6 =	rddreg [dreg:$0xc];
	[sflag:s5] =	ssyncadd.s32 $0xFFFFD000  }
0x35: {  	[tilespmem:s21], [sflag:$0x9] =	stream.linear.gather [hbm4b:s6+s2], $0x10, $0x38;
	[tilespmem:$0x1FD80] =	vst v63  }
0x36: {  	_ =	swait.ge [sflag:s12], $0x10  }
0x37: {  	[sflag:s12] =	ssyncset.done $0x0  }
0x38: {  	s22 =	simm.s32 $0x480;
	s23 =	rddreg [dreg:$0xd];
	[sflag:s12] =	ssyncadd.s32 $0xFFFFFFF0  }
0x39: {  	[tilespmem:s22], [sflag:$0x9] =	stream.linear.gather [hbm4b:s23+s2], $0x10, $0x38;
	[tilespmem:$0x1FD80] =	vst v63  }
0x3a: {  	_ =	swait.ge [sflag:s12], $0x10  }
0x3b: {  	[sflag:s12] =	ssyncset.done $0x0  }
0x3c: {  	s23 =	simm.s32 $0x10;
	[sflag:s12] =	ssyncadd.s32 $0xFFFFFFF0  }
0x3d: {  	[tilespmem:s11], [sflag:$0x1] =	stream.indirect.gather [hbm4b:s4+s23], $0x80, s21, s23, $0xb8;
	[tilespmem:$0x1FD80] =	vst v63  }
0x3e: {  	_ =	swait.ge [sflag:s31], $0x800  }
0x3f: {  	[sflag:s31] =	ssyncset.done $0x0  }
0x40: {  	[sflag:s31] =	ssyncadd.s32 $0xFFFFF800  }
0x41: {  	[spmem:s1] =	stream.indirect.scatter.add.f32 [tilespmem:s11], [sflag:$0x9], $0x80, s22, s23, $0xb8;
	[tilespmem:$0x1FD80] =	vst v63  }
0x42: {  	_ =	swait.ge [sflag:s12], $0x800  }
0x43: {  	[sflag:s12] =	ssyncset.done $0x0  }
0x44: {  	[sflag:s12] =	ssyncadd.s32 $0xFFFFF800  }
0x45: {  	[bflag:$0x0] =	sbarrier.arrive $0xFFFF  }
0x46: {  	s21 =	rddreg [dreg:$0xf]  }
0x47: {  	s6 =	simm.s32 @p1 $0x1FC9;
	s22 =	rddreg [dreg:$0x17]  }
0x48: {  	[hbm:s21], [sflag:s6] =	dma.local @p1 [spmem:s22], $0x2800  }
0x49: {  	s6 =	simm.s32 @p1 $0x9  }
0x4a: {  	s21 =	stileid.u32;
	_ =	swait.ge @p1 [sflag:s6], $0x2800  }
0x4b: {  	s21 =	sshll.u32 @!p1 s21, $0x6;
	[sflag:s6] =	ssyncset.done @p1 $0x0  }
0x4c: {  	[sflag:s6] =	ssyncadd.s32 @p1 $0xFFFFD800;
	s6 =	sor.u32 @!p1 $0x1C09, s21;
	s21 =	rddreg [dreg:$0x3]  }
0x4d: {  	s22 =	rddreg [dreg:$0xe];
	s21 =	sshrl.u32 @!p1 s21, $0x3  }
0x4e: {  	[hbm:s22], [sflag:s6] =	dma.local @!p1 [spmem:s21], $0x2700  }
0x4f: {  	s6 =	simm.s32 @!p1 $0x9  }
0x50: {  	_ =	swait.ge @!p1 [sflag:s6], $0x2700  }
0x51: {  	s21 =	rddreg [dreg:$0x1f]  }
0x52: {  	s23 =	rddreg [dreg:$0x10];
	s22 =	sadd.s32 $0x1, s21  }
0x53: {  	p2 =	sne.s32 s22, s23  }
.Ltmp1:
0x54: {  	_ = 	snop;
	(pc) =	sbr.rel @!p2 .LBB2_7-.Ltmp1, $3  }
0x55: {  	_ =	sdelay $0x1  }
0x56: {  	[sflag:s6] =	ssyncset.done @!p1 $0x0  }
0x57: {  	[sflag:s6] =	ssyncadd.s32 @!p1 $0xFFFFD900  }
.LBB2_1:
0x58: {  	[dreg:$0x1f] =	wrdreg s22;
	s6 =	simm.s32 $0x0;
	s21 =	simm.s32 $0x200  }
.LBB2_2:
0x59: {  	p2 =	sne.s32 s21, $0xBE00;
	[tilespmem:s6+$0x570] =	vst v0  }
0x5a: {  	[tilespmem:s6+$0x500] =	vst v0  }
0x5b: {  	[tilespmem:s6+$0x510] =	vst v0  }
.Ltmp2:
0x5c: {  	[tilespmem:s6+$0x520] =	vst v0;
	(pc) =	sbr.rel @p2 .LBB2_2-.Ltmp2, $4  }
0x5d: {  	[tilespmem:s6+$0x530] =	vst v0  }
0x5e: {  	[tilespmem:s6+$0x540] =	vst v0  }
0x5f: {  	[tilespmem:s6+$0x550] =	vst v0  }
0x60: {  	[tilespmem:s6+$0x560] =	vst v0;
	s6 =	sshra.s32 s21, $0x2;
	s21 =	sadd.s32 $0x200, s21  }
0x61: {  	[tilespmem:s6+$0x570] =	vst v0  }
0x62: {  	[tilespmem:s6+$0x500] =	vst v0  }
0x63: {  	[tilespmem:s6+$0x510] =	vst v0  }
0x64: {  	[tilespmem:s6+$0x520] =	vst v0  }
0x65: {  	[tilespmem:s6+$0x530] =	vst v0  }
0x66: {  	[tilespmem:s6+$0x540] =	vst v0  }
0x67: {  	[tilespmem:s6+$0x550] =	vst v0  }
0x68: {  	[tilespmem:s6+$0x560] =	vst v0;
	s21 =	rddreg [dreg:$0x3]  }
0x69: {  	[spmem:s21] =	stream.linear.scatter [tilespmem:s11], [sflag:$0x9], $0x3000, $0x38;
	[tilespmem:$0x1FD80] =	vst v63  }
0x6a: {  	_ =	swait.ge [sflag:s12], $0x3000  }
0x6b: {  	[sflag:s12] =	ssyncset.done $0x0  }
0x6c: {  	s22 =	rddreg [dreg:$0x18];
	[sflag:s12] =	ssyncadd.s32 $0xFFFFD000  }
0x6d: {  	[spmem:s22] =	stream.linear.scatter [tilespmem:s11], [sflag:$0x9], $0x3000, $0x38;
	[tilespmem:$0x1FD80] =	vst v63  }
0x6e: {  	_ =	swait.ge [sflag:s12], $0x3000  }
0x6f: {  	[sflag:s12] =	ssyncset.done $0x0  }
0x70: {  	s23 =	rddreg [dreg:$0x19];
	[sflag:s12] =	ssyncadd.s32 $0xFFFFD000  }
0x71: {  	[spmem:s23] =	stream.linear.scatter [tilespmem:s11], [sflag:$0x9], $0x3000, $0x38;
	[tilespmem:$0x1FD80] =	vst v63  }
0x72: {  	_ =	swait.ge [sflag:s12], $0x3000  }
0x73: {  	[sflag:s12] =	ssyncset.done $0x0  }
0x74: {  	s21 =	rddreg [dreg:$0x1a];
	[sflag:s12] =	ssyncadd.s32 $0xFFFFD000  }
0x75: {  	[spmem:s21] =	stream.linear.scatter [tilespmem:s11], [sflag:$0x9], $0x3000, $0x38;
	[tilespmem:$0x1FD80] =	vst v63  }
0x76: {  	_ =	swait.ge [sflag:s12], $0x3000  }
0x77: {  	[sflag:s12] =	ssyncset.done $0x0  }
0x78: {  	s22 =	rddreg [dreg:$0x1b];
	[sflag:s12] =	ssyncadd.s32 $0xFFFFD000  }
0x79: {  	[spmem:s22] =	stream.linear.scatter [tilespmem:s11], [sflag:$0x9], $0x3000, $0x38;
	[tilespmem:$0x1FD80] =	vst v63  }
0x7a: {  	_ =	swait.ge [sflag:s12], $0x3000  }
0x7b: {  	[sflag:s12] =	ssyncset.done $0x0  }
0x7c: {  	s23 =	rddreg [dreg:$0x1c];
	[sflag:s12] =	ssyncadd.s32 $0xFFFFD000  }
0x7d: {  	[spmem:s23] =	stream.linear.scatter [tilespmem:s11], [sflag:$0x9], $0x3000, $0x38;
	[tilespmem:$0x1FD80] =	vst v63  }
0x7e: {  	_ =	swait.ge [sflag:s12], $0x3000  }
0x7f: {  	[sflag:s12] =	ssyncset.done $0x0  }
0x80: {  	s21 =	rddreg [dreg:$0x1d];
	[sflag:s12] =	ssyncadd.s32 $0xFFFFD000  }
0x81: {  	[spmem:s21] =	stream.linear.scatter [tilespmem:s11], [sflag:$0x9], $0x1800, $0x38;
	[tilespmem:$0x1FD80] =	vst v63  }
0x82: {  	_ =	swait.ge [sflag:s12], $0x1800  }
0x83: {  	[sflag:s12] =	ssyncset.done $0x0  }
0x84: {  	s6 =	simm.s32 @!p0 $0x500;
	s21 =	rddreg [dreg:$0x1e];
	[sflag:s12] =	ssyncadd.s32 $0xFFFFE800  }
0x85: {  	[spmem:s21] =	stream.linear.scatter @!p0 [tilespmem:s6], [sflag:$0x9], $0x800, $0x38;
	[tilespmem:$0x1FD80] =	vst v63  }
0x86: {  	s6 =	simm.s32 @!p0 $0x9  }
0x87: {  	_ =	swait.ge @!p0 [sflag:s6], $0x800  }
0x88: {  	[sflag:s6] =	ssyncset.done @!p0 $0x0  }
0x89: {  	[sflag:s6] =	ssyncadd.s32 @!p0 $0xFFFFF800  }
0x8a: {  	[bflag:$0x0] =	sbarrier.arrive $0xFFFF  }
0x8b: {  	s6 =	simm.s32 $0x0;
	s22 =	rddreg [dreg:$0x4]  }
0x8c: {  	[tilespmem:s6], [sflag:$0x9] =	stream.linear.gather [hbm4b:s22+s6], $0x60, $0x38;
	[tilespmem:$0x1FD80] =	vst v63  }
0x8d: {  	_ =	swait.ge [sflag:s12], $0x60  }
0x8e: {  	[sflag:s12] =	ssyncset.done $0x0  }
0x8f: {  	s23 =	rddreg [dreg:$0x5];
	[sflag:s12] =	ssyncadd.s32 $0xFFFFFFA0  }
0x90: {  	[tilespmem:s13], [sflag:$0x9] =	stream.linear.gather [hbm4b:s23+s6], $0x60, $0x38;
	[tilespmem:$0x1FD80] =	vst v63  }
0x91: {  	_ =	swait.ge [sflag:s12], $0x60  }
0x92: {  	[sflag:s12] =	ssyncset.done $0x0  }
0x93: {  	[sflag:s12] =	ssyncadd.s32 $0xFFFFFFA0  }
0x94: {  	[tilespmem:s11], [sflag:$0x1] =	stream.indirect.gather [hbm4b:s4+s14], $0x80, s6, s14, $0xb8;
	[tilespmem:$0x1FD80] =	vst v63  }
0x95: {  	s22 =	rddreg [dreg:$0x6]  }
0x96: {  	[tilespmem:s15], [sflag:$0x9] =	stream.linear.gather [hbm4b:s22+s6], $0x60, $0x38;
	[tilespmem:$0x1FD80] =	vst v63  }
0x97: {  	_ =	swait.ge [sflag:s12], $0x60  }
0x98: {  	[sflag:s12] =	ssyncset.done $0x0  }
0x99: {  	s23 =	rddreg [dreg:$0x7];
	[sflag:s12] =	ssyncadd.s32 $0xFFFFFFA0  }
0x9a: {  	[tilespmem:s16], [sflag:$0x9] =	stream.linear.gather [hbm4b:s23+s6], $0x60, $0x38;
	[tilespmem:$0x1FD80] =	vst v63  }
0x9b: {  	_ =	swait.ge [sflag:s12], $0x60  }
0x9c: {  	[sflag:s12] =	ssyncset.done $0x0  }
0x9d: {  	[sflag:s12] =	ssyncadd.s32 $0xFFFFFFA0  }
0x9e: {  	[tilespmem:s17], [sflag:$0x2] =	stream.indirect.gather [hbm4b:s4+s14], $0x80, s15, s14, $0xb8;
	[tilespmem:$0x1FD80] =	vst v63  }
0x9f: {  	s22 =	rddreg [dreg:$0x8]  }
0xa0: {  	[tilespmem:s18], [sflag:$0x9] =	stream.linear.gather [hbm4b:s22+s6], $0x60, $0x38;
	[tilespmem:$0x1FD80] =	vst v63  }
0xa1: {  	_ =	swait.ge [sflag:s12], $0x60  }
0xa2: {  	[sflag:s12] =	ssyncset.done $0x0  }
0xa3: {  	s23 =	rddreg [dreg:$0x9];
	[sflag:s12] =	ssyncadd.s32 $0xFFFFFFA0  }
0xa4: {  	[tilespmem:s19], [sflag:$0x9] =	stream.linear.gather [hbm4b:s23+s6], $0x60, $0x38;
	[tilespmem:$0x1FD80] =	vst v63  }
0xa5: {  	_ =	swait.ge [sflag:s12], $0x60  }
0xa6: {  	[sflag:s12] =	ssyncset.done $0x0  }
0xa7: {  	[sflag:s12] =	ssyncadd.s32 $0xFFFFFFA0  }
0xa8: {  	[tilespmem:s20], [sflag:$0x3] =	stream.indirect.gather [hbm4b:s4+s14], $0x80, s18, s14, $0xb8;
	[tilespmem:$0x1FD80] =	vst v63  }
0xa9: {  	s22 =	rddreg [dreg:$0xa]  }
0xaa: {  	[tilespmem:s28], [sflag:$0x9] =	stream.linear.gather [hbm4b:s22+s6], $0x60, $0x38;
	[tilespmem:$0x1FD80] =	vst v63  }
0xab: {  	_ =	swait.ge [sflag:s12], $0x60  }
0xac: {  	[sflag:s12] =	ssyncset.done $0x0  }
0xad: {  	s23 =	rddreg [dreg:$0xb];
	[sflag:s12] =	ssyncadd.s32 $0xFFFFFFA0  }
0xae: {  	[tilespmem:s29], [sflag:$0x9] =	stream.linear.gather [hbm4b:s23+s6], $0x60, $0x38;
	[tilespmem:$0x1FD80] =	vst v63  }
0xaf: {  	_ =	swait.ge [sflag:s12], $0x60  }
0xb0: {  	[sflag:s12] =	ssyncset.done $0x0  }
0xb1: {  	s21 =	rddreg [dreg:$0x16];
	[sflag:s12] =	ssyncadd.s32 $0xFFFFFFA0  }
0xb2: {  	[tilespmem:s30], [sflag:$0x4] =	stream.indirect.gather [hbm4b:s4+s14], $0x80, s28, s14, $0xb8;
	[tilespmem:$0x1FD80] =	vst v63  }
.LBB2_4:
0xb3: {  	_ =	swait.ge [sflag:s31], $0x3000  }
0xb4: {  	[sflag:s31] =	ssyncset.done $0x0  }
0xb5: {  	[sflag:s31] =	ssyncadd.s32 $0xFFFFD000  }
0xb6: {  	[spmem:s1] =	stream.indirect.scatter.add.f32 [tilespmem:s11], [sflag:$0x5], $0x80, s13, s14, $0xb8;
	[tilespmem:$0x1FD80] =	vst v63  }
0xb7: {  	_ =	swait.ge [sflag:s0], $0x3000  }
0xb8: {  	[sflag:s0] =	ssyncset.done $0x0  }
0xb9: {  	[sflag:s0] =	ssyncadd.s32 $0xFFFFD000  }
0xba: {  	[spmem:s1] =	stream.indirect.scatter.add.f32 [tilespmem:s17], [sflag:$0x6], $0x80, s16, s14, $0xb8;
	[tilespmem:$0x1FD80] =	vst v63  }
0xbb: {  	_ =	swait.ge [sflag:s3], $0x3000  }
0xbc: {  	[sflag:s3] =	ssyncset.done $0x0  }
0xbd: {  	[sflag:s3] =	ssyncadd.s32 $0xFFFFD000  }
0xbe: {  	[spmem:s1] =	stream.indirect.scatter.add.f32 [tilespmem:s20], [sflag:$0x7], $0x80, s19, s14, $0xb8;
	[tilespmem:$0x1FD80] =	vst v63  }
0xbf: {  	_ =	swait.ge [sflag:s8], $0x3000  }
0xc0: {  	p2 =	seq.s32 s6, $0x4B0;
	[sflag:s8] =	ssyncset.done $0x0  }
.Ltmp3:
0xc1: {  	[sflag:s8] =	ssyncadd.s32 $0xFFFFD000;
	(pc) =	sbr.rel @p2 .LBB2_6-.Ltmp3, $4  }
0xc2: {  	[spmem:s1] =	stream.indirect.scatter.add.f32 [tilespmem:s30], [sflag:$0x8], $0x80, s29, s14, $0xb8;
	[tilespmem:$0x1FD80] =	vst v63  }
0xc3: {  	_ =	swait.ge [sflag:s9], $0x3000  }
0xc4: {  	[sflag:s9] =	ssyncset.done $0x0  }
0xc5: {  	[sflag:s9] =	ssyncadd.s32 $0xFFFFD000  }
0xc6: {  	s22 =	sshrl.u32 s21, $0x3  }
0xc7: {  	s23 =	sadd.s32 s24, s22  }
0xc8: {  	[tilespmem:s2], [sflag:$0x9] =	stream.linear.gather [hbm4b:s23+s2], $0x60, $0x38;
	[tilespmem:$0x1FD80] =	vst v63  }
0xc9: {  	_ =	swait.ge [sflag:s12], $0x60  }
0xca: {  	[sflag:s12] =	ssyncset.done $0x0  }
0xcb: {  	s22 =	sadd.s32 s25, s22;
	[sflag:s12] =	ssyncadd.s32 $0xFFFFFFA0  }
0xcc: {  	[tilespmem:s13], [sflag:$0x9] =	stream.linear.gather [hbm4b:s22+s2], $0x60, $0x38;
	[tilespmem:$0x1FD80] =	vst v63  }
0xcd: {  	_ =	swait.ge [sflag:s12], $0x60  }
0xce: {  	[sflag:s12] =	ssyncset.done $0x0  }
0xcf: {  	[sflag:s12] =	ssyncadd.s32 $0xFFFFFFA0  }
0xd0: {  	[tilespmem:s11], [sflag:$0x1] =	stream.indirect.gather [hbm4b:s4+s14], $0x80, s2, s14, $0xb8;
	[tilespmem:$0x1FD80] =	vst v63  }
0xd1: {  	_ =	swait.ge [sflag:s10], $0x3000  }
0xd2: {  	[sflag:s10] =	ssyncset.done $0x0  }
0xd3: {  	s23 =	sadd.s32 s6, s26;
	[sflag:s10] =	ssyncadd.s32 $0xFFFFD000  }
0xd4: {  	[tilespmem:s15], [sflag:$0x9] =	stream.linear.gather [hbm4b:s23+s2], $0x60, $0x38;
	[tilespmem:$0x1FD80] =	vst v63  }
0xd5: {  	_ =	swait.ge [sflag:s12], $0x60  }
0xd6: {  	[sflag:s12] =	ssyncset.done $0x0;
	s23 =	rddreg [dreg:$0x15]  }
0xd7: {  	[sflag:s12] =	ssyncadd.s32 $0xFFFFFFA0;
	s22 =	sadd.s32 s6, s23  }
0xd8: {  	[tilespmem:s16], [sflag:$0x9] =	stream.linear.gather [hbm4b:s22+s2], $0x60, $0x38;
	[tilespmem:$0x1FD80] =	vst v63  }
0xd9: {  	_ =	swait.ge [sflag:s12], $0x60  }
0xda: {  	[sflag:s12] =	ssyncset.done $0x0  }
0xdb: {  	[sflag:s12] =	ssyncadd.s32 $0xFFFFFFA0  }
0xdc: {  	[tilespmem:s17], [sflag:$0x2] =	stream.indirect.gather [hbm4b:s4+s14], $0x80, s15, s14, $0xb8;
	[tilespmem:$0x1FD80] =	vst v63  }
0xdd: {  	_ =	swait.ge [sflag:s7], $0x3000  }
0xde: {  	[sflag:s7] =	ssyncset.done $0x0;
	s23 =	rddreg [dreg:$0x12]  }
0xdf: {  	[sflag:s7] =	ssyncadd.s32 $0xFFFFD000;
	s22 =	sadd.s32 s6, s23  }
0xe0: {  	[tilespmem:s18], [sflag:$0x9] =	stream.linear.gather [hbm4b:s22+s2], $0x60, $0x38;
	[tilespmem:$0x1FD80] =	vst v63  }
0xe1: {  	_ =	swait.ge [sflag:s12], $0x60  }
0xe2: {  	[sflag:s12] =	ssyncset.done $0x0;
	s23 =	rddreg [dreg:$0x11]  }
0xe3: {  	[sflag:s12] =	ssyncadd.s32 $0xFFFFFFA0;
	s22 =	sadd.s32 s6, s23  }
0xe4: {  	[tilespmem:s19], [sflag:$0x9] =	stream.linear.gather [hbm4b:s22+s2], $0x60, $0x38;
	[tilespmem:$0x1FD80] =	vst v63  }
0xe5: {  	_ =	swait.ge [sflag:s12], $0x60  }
0xe6: {  	[sflag:s12] =	ssyncset.done $0x0  }
0xe7: {  	[sflag:s12] =	ssyncadd.s32 $0xFFFFFFA0  }
0xe8: {  	[tilespmem:s20], [sflag:$0x3] =	stream.indirect.gather [hbm4b:s4+s14], $0x80, s18, s14, $0xb8;
	[tilespmem:$0x1FD80] =	vst v63  }
0xe9: {  	_ =	swait.ge [sflag:s5], $0x3000  }
0xea: {  	[sflag:s5] =	ssyncset.done $0x0;
	s23 =	rddreg [dreg:$0x14]  }
0xeb: {  	[sflag:s5] =	ssyncadd.s32 $0xFFFFD000;
	s22 =	sadd.s32 s6, s23  }
0xec: {  	[tilespmem:s28], [sflag:$0x9] =	stream.linear.gather [hbm4b:s22+s2], $0x60, $0x38;
	[tilespmem:$0x1FD80] =	vst v63  }
0xed: {  	_ =	swait.ge [sflag:s12], $0x60  }
0xee: {  	[sflag:s12] =	ssyncset.done $0x0;
	s23 =	rddreg [dreg:$0x13]  }
0xef: {  	[sflag:s12] =	ssyncadd.s32 $0xFFFFFFA0;
	s22 =	sadd.s32 s6, s23  }
0xf0: {  	[tilespmem:s29], [sflag:$0x9] =	stream.linear.gather [hbm4b:s22+s2], $0x60, $0x38;
	[tilespmem:$0x1FD80] =	vst v63  }
.Ltmp4:
0xf1: {  	_ = 	snop;
	(pc) =	sbr.rel .LBB2_4-.Ltmp4, $4  }
0xf2: {  	_ =	swait.ge [sflag:s12], $0x60  }
0xf3: {  	[sflag:s12] =	ssyncset.done $0x0  }
0xf4: {  	s21 =	sadd.s32 $0x180, s21;
	s6 =	sadd.s32 $0x30, s6;
	[sflag:s12] =	ssyncadd.s32 $0xFFFFFFA0  }
0xf5: {  	[tilespmem:s30], [sflag:$0x4] =	stream.indirect.gather [hbm4b:s4+s14], $0x80, s28, s14, $0xb8;
	[tilespmem:$0x1FD80] =	vst v63  }
.LBB2_7:
0xf6: {  	_ =	sfence.sel $0x180000  }
0xf7: {  	[bflag:$0x0] =	sbarrier.arrive $0xFFFF  }
0xf8: {  	_ =	strace $0x90000050  }
0xf9: {  	s0 =	stileid.u32;
	[bflag:$0x2] =	sbarrier.arrive $0xFFFF  }
0xfa: {  	p0 =	sne.s32 s0, $0x0;
	s0 =	rddreg [dreg:$0x2]  }
0xfb: {  	s0 =	sadd.s32 @!p0 $0x100000, s0  }
0xfc: {  	[sflag:s0] =	ssyncadd.tile.s32 @!p0 $0x1;
	_ =	shalt  }
.Lfunc_end2:
_tile_overlayer_lowered:
.L_overlay_start_2:
0xfd: {  	(tag) =	ssettag $0x2  }
0xfe: {  	s0 =	rddreg [dreg:$0x0];
	s2 =	stileid.u32  }
0xff: {  	s1 =	rddreg [dreg:$0x1];
	p0 =	sne.s32 s2, $0x0  }
0x100: {  	s3 =	rddreg [dreg:$0x2];
	[bflag:$0x3] =	sbarrier.arrive $0xFFFF;
	s2 =	simm.s32 @!p0 $0x1C09  }
0x101: {  	[timem:s3], [sflag:s2] =	dma.local @!p0 [hbm:s0], s1  }
0x102: {  	s0 =	simm.s32 @!p0 $0x9  }
0x103: {  	_ =	swait.ge @!p0 [sflag:s0], s1  }
0x104: {  	s1 =	ssub.s32 @!p0 $0x0, s1;
	[sflag:s0] =	ssyncset.done @!p0 $0x0  }
0x105: {  	[sflag:s0] =	ssyncadd.s32 @!p0 s1  }
0x106: {  	[bflag:$0x3] =	sbarrier.arrive $0xFFFF  }
0x107: {  	_ =	shalt  }

</sc_bundles>
